<compile_context>
chip_gen: v7x
topology: tpu7x:2x2x1
jax: 0.10.2.dev20260603
libtpu: 0.0.44.dev20260713+nightly
codegen_flags: <defaults>
</compile_context>

<pallas_src>
import functools

import jax
import jax.numpy as jnp
from jax import lax
from jax.experimental import pallas as pl
from jax.experimental.pallas import tpu as pltpu
from jax.experimental.pallas import tpu_sc as plsc

N = 50000
NLEV = 4
DIMS = (16, 32, 64, 128)
DTOT = 240
NC, NS = 2, 16
NW = NC * NS
NA = 16
NB1, NB2 = 11, 5

ABLK = 64
NBLK_A = -(-N // ABLK)
LAST_A = N - ABLK
SLOTS_A = 2 * (-(-NBLK_A // (2 * NA)))

BBLK = 128
NBLK_B = -(-N // BBLK)
LAST_B = N - BBLK
SLOTS_B1 = 2 * (-(-NBLK_B // (2 * NB1)))
SLOTS_B2 = 2 * (-(-NBLK_B // (2 * NB2)))


def _body(clvt, w0t, w1t, w2t, w3, outt,
          ia0, ia1, ib0, ib1, w3ra, w3rb, oa0, oa1, ob0, ob1,
          st0, st1, st2, isem0, isem1, gsem0, gsem1, wsem0, wsem1):
    wid = lax.axis_index("c") * NS + lax.axis_index("s")
    iota = lax.iota(jnp.int32, 16)

    def dec(ref, n):
        for j in range(n // 16):
            ref[pl.ds(j * 16, 16)] = ref[pl.ds(j * 16, 16)] - 1


    def a_path():
        aid = wid

        def base_a(t):
            return lax.min(
                lax.min(lax.min(t, SLOTS_A - 1) * NA + aid, NBLK_A - 1)
                * ABLK, LAST_A)

        def transpose(wref, oref):
            def cg_body(cg, carry):
                cvec = iota + cg * 16
                for f in range(128):
                    fvec = jnp.full((16,), f, jnp.int32)
                    v = plsc.load_gather(wref, [cvec, fvec])
                    oref[f, pl.ds(cg * 16, 16)] = v
                return carry

            lax.fori_loop(0, ABLK // 16, cg_body, 0)

        def blk_body(t, carry):
            base = base_a(t)
            pltpu.sync_copy(clvt.at[pl.ds(3 * N + base, ABLK)], ia0)
            dec(ia0, ABLK)
            pltpu.async_copy(w3.at[ia0], w3ra, gsem0).wait()
            transpose(w3ra, oa0)
            pltpu.sync_copy(
                oa0, outt.at[pl.ds(112, 128), pl.ds(base, ABLK)])
            return carry

        lax.fori_loop(0, SLOTS_A, blk_body, 0)


    def b_path(bid, n_g, slots, levels, out_off, out_rows, w2_half):
        pltpu.sync_copy(w0t, st0)
        pltpu.sync_copy(w1t, st1)
        pltpu.sync_copy(w2t.at[pl.ds(w2_half * 64000, 64000)], st2)
        nlv = len(levels)
        ia = [(ib0.at[pl.ds(l * BBLK, BBLK)]) for l in range(nlv)]

        def base_b(t):
            return lax.min(
                lax.min(lax.min(t, slots - 1) * n_g + bid, NBLK_B - 1)
                * BBLK, LAST_B)

        def compute(irefs, oref):
            def cg_body(cg, carry):
                row = 0
                for (l, stage, nf, nv), iref in zip(levels, irefs):
                    ivec = iref[pl.ds(cg * 16, 16)]
                    for f in range(nf):
                        v = plsc.load_gather(stage, [ivec + (f * nv)])
                        oref[row + f, pl.ds(cg * 16, 16)] = v
                    row += nf
                return carry

            lax.fori_loop(0, BBLK // 16, cg_body, 0)

        def blk_body(t, carry):
            base = base_b(t)
            for (l, _, _, _), iref in zip(levels, ia):
                pltpu.async_copy(
                    clvt.at[pl.ds(l * N + base, BBLK)], iref, isem0)
            for (l, _, _, _), iref in zip(levels, ia):
                pltpu.make_async_copy(
                    clvt.at[pl.ds(l * N + base, BBLK)], iref, isem0).wait()
            for iref in ia:
                dec(iref, BBLK)
            compute(ia, ob0)
            pltpu.sync_copy(
                ob0.at[pl.ds(0, out_rows), :],
                outt.at[pl.ds(out_off, out_rows), pl.ds(base, BBLK)])
            return carry

        lax.fori_loop(0, slots, blk_body, 0)

    pl.when(wid < NA)(a_path)
    pl.when((wid >= NA) & (wid < NA + NB1))(
        lambda: b_path(wid - NA, NB1, SLOTS_B1,
                       ((0, st0, 16, 20), (1, st1, 32, 200),
                        (2, st2, 32, 2000)),
                       0, 80, 0))
    pl.when(wid >= NA + NB1)(
        lambda: b_path(wid - NA - NB1, NB2, SLOTS_B2,
                       ((2, st2, 32, 2000),),
                       80, 32, 1))


@jax.jit
def kernel(code_levels, W0, W1, W2, W3):
    mesh = plsc.VectorSubcoreMesh(core_axis_name="c", subcore_axis_name="s")
    f = pl.kernel(
        _body,
        out_type=jax.ShapeDtypeStruct((DTOT, N), jnp.float32),
        mesh=mesh,
        scratch_types=[
            pltpu.VMEM((ABLK,), jnp.int32),
            pltpu.VMEM((ABLK,), jnp.int32),
            pltpu.VMEM((3 * BBLK,), jnp.int32),
            pltpu.VMEM((3 * BBLK,), jnp.int32),
            pltpu.VMEM((ABLK, DIMS[3]), jnp.float32),
            pltpu.VMEM((ABLK, DIMS[3]), jnp.float32),
            pltpu.VMEM((128, ABLK), jnp.float32),
            pltpu.VMEM((128, ABLK), jnp.float32),
            pltpu.VMEM((80, BBLK), jnp.float32),
            pltpu.VMEM((80, BBLK), jnp.float32),
            pltpu.VMEM((DIMS[0] * 20,), jnp.float32),
            pltpu.VMEM((DIMS[1] * 200,), jnp.float32),
            pltpu.VMEM((32 * 2000,), jnp.float32),
            pltpu.SemaphoreType.DMA,
            pltpu.SemaphoreType.DMA,
            pltpu.SemaphoreType.DMA,
            pltpu.SemaphoreType.DMA,
            pltpu.SemaphoreType.DMA,
            pltpu.SemaphoreType.DMA,
        ],
        compiler_params=pltpu.CompilerParams(
            use_tc_tiling_on_sc=False, needs_layout_passes=False),
    )
    outt = f(code_levels.T.reshape(-1), W0.T.reshape(-1), W1.T.reshape(-1),
             W2.T.reshape(-1), W3)
    return outt.T

# --- scband reference (transcript-rebuilt; emitter-appended) ---
"""Pipeline reference for scband-hierarchical-embedding-47278999994498 (READ-ONLY COPY).

The authoritative reference and input builder live on the scoring server;
editing this copy changes nothing except your own understanding.
"""

import jax, jax.numpy as jnp
import numpy as np

NUM_CODES = 50000
CODE_NUM_IN_LEVELS = [20, 200, 2000, 50000]
CODE_DIMS = [16, 32, 64, 128]


def setup_inputs(seed: int = 0) -> dict:
    key = jax.random.key(seed)
    nl = len(CODE_NUM_IN_LEVELS)
    keys = jax.random.split(key, 2 * nl)
    # code_levels: (num_codes, num_levels), 1-indexed ancestors per level
    cols = []
    for l, v in enumerate(CODE_NUM_IN_LEVELS):
        cols.append(jax.random.randint(keys[l], (NUM_CODES,), 1, v + 1, dtype=jnp.int32))
    code_levels = jnp.stack(cols, axis=1)
    # learned per-level embedding tables
    inp = {"code_levels": code_levels}
    for l, (v, d) in enumerate(zip(CODE_NUM_IN_LEVELS, CODE_DIMS)):
        inp["W%d" % l] = jax.random.normal(keys[nl + l], (v, d), dtype=jnp.float32) * 0.02
    return inp


def reference(code_levels, W0, W1, W2, W3):
    tables = [W0, W1, W2, W3]
    # forward: per-level embedding lookup (indices are 1-indexed, hence -1), then concat
    embs = [jnp.take(tables[l], code_levels[:, l] - 1, axis=0) for l in range(len(tables))]
    return jnp.concatenate(embs, axis=1)

if __name__ == "__main__":
    import jax
    _d = setup_inputs()
    print(jax.jit(kernel)(*tuple(_d.values())))

</pallas_src>

<mosaic_0001>
#map = affine_map<(d0, d1) -> (0)>
#map1 = affine_map<(d0, d1) -> (0, 0)>
module attributes {stable_mosaic.version = 14 : i64} {
  func.func @_body(%arg0: i32, %arg1: i32, %arg2: memref<200000xi32, #tpu.memory_space<hbm>>, %arg3: memref<320xf32, #tpu.memory_space<hbm>>, %arg4: memref<6400xf32, #tpu.memory_space<hbm>>, %arg5: memref<128000xf32, #tpu.memory_space<hbm>>, %arg6: memref<50000x128xf32, #tpu.memory_space<hbm>>, %arg7: memref<240x50000xf32, #tpu.memory_space<hbm>>, %arg8: memref<64xi32, #tpu.memory_space<vmem>>, %arg9: memref<64xi32, #tpu.memory_space<vmem>>, %arg10: memref<384xi32, #tpu.memory_space<vmem>>, %arg11: memref<384xi32, #tpu.memory_space<vmem>>, %arg12: memref<64x128xf32, #tpu.memory_space<vmem>>, %arg13: memref<64x128xf32, #tpu.memory_space<vmem>>, %arg14: memref<128x64xf32, #tpu.memory_space<vmem>>, %arg15: memref<128x64xf32, #tpu.memory_space<vmem>>, %arg16: memref<80x128xf32, #tpu.memory_space<vmem>>, %arg17: memref<80x128xf32, #tpu.memory_space<vmem>>, %arg18: memref<320xf32, #tpu.memory_space<vmem>>, %arg19: memref<6400xf32, #tpu.memory_space<vmem>>, %arg20: memref<64000xf32, #tpu.memory_space<vmem>>, %arg21: memref<!tpu.dma_semaphore, #tpu.memory_space<semaphore_mem>>, %arg22: memref<!tpu.dma_semaphore, #tpu.memory_space<semaphore_mem>>, %arg23: memref<!tpu.dma_semaphore, #tpu.memory_space<semaphore_mem>>, %arg24: memref<!tpu.dma_semaphore, #tpu.memory_space<semaphore_mem>>, %arg25: memref<!tpu.dma_semaphore, #tpu.memory_space<semaphore_mem>>, %arg26: memref<!tpu.dma_semaphore, #tpu.memory_space<semaphore_mem>>) attributes {dimension_semantics = [#tpu.dimension_semantics<core_parallel>, #tpu.dimension_semantics<subcore_parallel>], iteration_bounds = array<i64: 2, 16>, scalar_prefetch = 0 : i64, scratch_operands = 19 : i64, tpu.core_type = #tpu.core_type<sc_vector_subcore>, window_params = [{transform_indices = #map}, {transform_indices = #map}, {transform_indices = #map}, {transform_indices = #map}, {transform_indices = #map1}, {transform_indices = #map1}]} {
    %mul3A = arith.constant 16 : i32
    %mul3A_0 = arith.muli %arg0, %mul3A : i32
    %add3A = arith.addi %mul3A_0, %arg1 : i32
    %iota3A = tpu.iota {dimensions = array<i32: 0>} : vector<16xi32>
    %lt3A = arith.constant 16 : i32
    %lt3A_1 = arith.cmpi slt, %add3A, %lt3A : i32
    %convert_element_type3A = arith.extui %lt3A_1 : i1 to i32
    %cond3A = arith.constant 0 : i32
    %cond3A_2 = arith.cmpi ne, %convert_element_type3A, %cond3A : i32
    scf.if %cond3A_2 {
      %scan3A = arith.constant 0 : i32
      %scan3A_14 = arith.constant 0 : i32
      %scan3A_15 = arith.constant 50 : i32
      %scan3A_16 = arith.addi %scan3A_14, %scan3A_15 : i32
      %scan3A_17 = arith.constant 1 : i32
      scf.for %scan3A_19 = %scan3A_14 to %scan3A_16 step %scan3A_17  : i32 {
        %min3A = arith.constant 49 : i32
        %min3A_20 = arith.minsi %scan3A_19, %min3A : i32
        %mul3A_21 = arith.constant 16 : i32
        %mul3A_22 = arith.muli %min3A_20, %mul3A_21 : i32
        %add3A_23 = arith.addi %mul3A_22, %add3A : i32
        %min3A_24 = arith.constant 781 : i32
        %min3A_25 = arith.minsi %add3A_23, %min3A_24 : i32
        %mul3A_26 = arith.constant 64 : i32
        %mul3A_27 = arith.muli %min3A_25, %mul3A_26 : i32
        %min3A_28 = arith.constant 49936 : i32
        %min3A_29 = arith.minsi %mul3A_27, %min3A_28 : i32
        %add3A_30 = arith.constant 150000 : i32
        %add3A_31 = arith.addi %add3A_30, %min3A_29 : i32
        "tpu.region"() ({
          %run_scoped3A = tpu.sem_alloc : memref<!tpu.dma_semaphore, #tpu.memory_space<semaphore_mem>>
          %dma_start3A_67 = tpu.memref_slice %arg2[%add3A_31] : memref<200000xi32, #tpu.memory_space<hbm>> -> memref<64xi32, #tpu.memory_space<hbm>>
          %dma_start3A_68 = tpu.memref_slice %arg2[%add3A_31] : memref<200000xi32, #tpu.memory_space<hbm>> -> memref<64xi32, #tpu.memory_space<hbm>>
          tpu.enqueue_dma source(%dma_start3A_68 : memref<64xi32, #tpu.memory_space<hbm>>) target(%arg8 : memref<64xi32, #tpu.memory_space<vmem>>) target_semaphore(%run_scoped3A : memref<!tpu.dma_semaphore, #tpu.memory_space<semaphore_mem>>)
          %dma_wait3A_69 = tpu.memref_slice %arg2[%add3A_31] : memref<200000xi32, #tpu.memory_space<hbm>> -> memref<64xi32, #tpu.memory_space<hbm>>
          %dma_wait3A_70 = tpu.memref_slice %arg2[%add3A_31] : memref<200000xi32, #tpu.memory_space<hbm>> -> memref<64xi32, #tpu.memory_space<hbm>>
          tpu.wait_dma2 semaphore(%run_scoped3A : memref<!tpu.dma_semaphore, #tpu.memory_space<semaphore_mem>>) src(%dma_wait3A_70 : memref<64xi32, #tpu.memory_space<hbm>>) dst(%arg8 : memref<64xi32, #tpu.memory_space<vmem>>)
          tpu.yield
        }) : () -> ()
        %get3A = arith.constant 0 : index
        %get3A_32 = tpu.vector_load %arg8[%get3A] {strides = array<i32>} : memref<64xi32, #tpu.memory_space<vmem>>, vector<16xi32>,
        %sub3A = arith.constant 1 : i32
        %sub3A_33 = vector.broadcast %sub3A : i32 to vector<16xi32>
        %sub3A_34 = arith.subi %get3A_32, %sub3A_33 : vector<16xi32>
        %swap3A = arith.constant 0 : index
        %swap3A_35 = tpu.vector_load %arg8[%swap3A] {strides = array<i32>} : memref<64xi32, #tpu.memory_space<vmem>>, vector<16xi32>,
        tpu.vector_store %arg8[%swap3A], %sub3A_34 {strides = array<i32>} : memref<64xi32, #tpu.memory_space<vmem>>, vector<16xi32>,
        %get3A_36 = arith.constant 16 : index
        %get3A_37 = tpu.vector_load %arg8[%get3A_36] {strides = array<i32>} : memref<64xi32, #tpu.memory_space<vmem>>, vector<16xi32>,
        %sub3A_38 = arith.constant 1 : i32
        %sub3A_39 = vector.broadcast %sub3A_38 : i32 to vector<16xi32>
        %sub3A_40 = arith.subi %get3A_37, %sub3A_39 : vector<16xi32>
        %swap3A_41 = arith.constant 16 : index
        %swap3A_42 = tpu.vector_load %arg8[%swap3A_41] {strides = array<i32>} : memref<64xi32, #tpu.memory_space<vmem>>, vector<16xi32>,
        tpu.vector_store %arg8[%swap3A_41], %sub3A_40 {strides = array<i32>} : memref<64xi32, #tpu.memory_space<vmem>>, vector<16xi32>,
        %get3A_43 = arith.constant 32 : index
        %get3A_44 = tpu.vector_load %arg8[%get3A_43] {strides = array<i32>} : memref<64xi32, #tpu.memory_space<vmem>>, vector<16xi32>,
        %sub3A_45 = arith.constant 1 : i32
        %sub3A_46 = vector.broadcast %sub3A_45 : i32 to vector<16xi32>
        %sub3A_47 = arith.subi %get3A_44, %sub3A_46 : vector<16xi32>
        %swap3A_48 = arith.constant 32 : index
        %swap3A_49 = tpu.vector_load %arg8[%swap3A_48] {strides = array<i32>} : memref<64xi32, #tpu.memory_space<vmem>>, vector<16xi32>,
        tpu.vector_store %arg8[%swap3A_48], %sub3A_47 {strides = array<i32>} : memref<64xi32, #tpu.memory_space<vmem>>, vector<16xi32>,
        %get3A_50 = arith.constant 48 : index
        %get3A_51 = tpu.vector_load %arg8[%get3A_50] {strides = array<i32>} : memref<64xi32, #tpu.memory_space<vmem>>, vector<16xi32>,
        %sub3A_52 = arith.constant 1 : i32
        %sub3A_53 = vector.broadcast %sub3A_52 : i32 to vector<16xi32>
        %sub3A_54 = arith.subi %get3A_51, %sub3A_53 : vector<16xi32>
        %swap3A_55 = arith.constant 48 : index
        %swap3A_56 = tpu.vector_load %arg8[%swap3A_55] {strides = array<i32>} : memref<64xi32, #tpu.memory_space<vmem>>, vector<16xi32>,
        tpu.vector_store %arg8[%swap3A_55], %sub3A_54 {strides = array<i32>} : memref<64xi32, #tpu.memory_space<vmem>>, vector<16xi32>,
        %dma_start3A = arith.constant 0 : i32
        %dma_start3A_57 = arith.constant 0 : i32
        %dma_start3A_58 = tpu.memref_slice %arg6[%dma_start3A, %dma_start3A_57] : memref<50000x128xf32, #tpu.memory_space<hbm>> -> memref<50000x128xf32, #tpu.memory_space<hbm>>
        tpu.enqueue_indirect_dma source(%dma_start3A_58 : memref<50000x128xf32, #tpu.memory_space<hbm>>) target(%arg12 : memref<64x128xf32, #tpu.memory_space<vmem>>) offsets(%arg8 : memref<64xi32, #tpu.memory_space<vmem>>) semaphore(%arg23 : memref<!tpu.dma_semaphore, #tpu.memory_space<semaphore_mem>>)
        %dma_wait3A = arith.constant 0 : i32
        %dma_wait3A_59 = arith.constant 0 : i32
        %dma_wait3A_60 = tpu.memref_slice %arg6[%dma_wait3A, %dma_wait3A_59] : memref<50000x128xf32, #tpu.memory_space<hbm>> -> memref<50000x128xf32, #tpu.memory_space<hbm>>
        tpu.wait_indirect_dma semaphore(%arg23 : memref<!tpu.dma_semaphore, #tpu.memory_space<semaphore_mem>>) src(%dma_wait3A_60 : memref<50000x128xf32, #tpu.memory_space<hbm>>) dst(%arg12 : memref<64x128xf32, #tpu.memory_space<vmem>>)
        %scan3A_61 = arith.constant 0 : i32
        %scan3A_62 = arith.constant 0 : i32
        %scan3A_63 = arith.constant 4 : i32
        %scan3A_64 = arith.addi %scan3A_62, %scan3A_63 : i32
        %scan3A_65 = arith.constant 1 : i32
        scf.for %scan3A_67 = %scan3A_62 to %scan3A_64 step %scan3A_65  : i32 {
          %mul3A_68 = arith.constant 16 : i32
          %mul3A_69 = arith.muli %scan3A_67, %mul3A_68 : i32
          %add3A_70 = vector.broadcast %mul3A_69 : i32 to vector<16xi32>
          %add3A_71 = arith.addi %iota3A, %add3A_70 : vector<16xi32>
          %broadcast_in_dim3A = arith.constant 0 : i32
          %broadcast_in_dim3A_72 = vector.broadcast %broadcast_in_dim3A : i32 to vector<16xi32>
          %gather3A = tpu.vector_load_idx %arg12[%add3A_71, %broadcast_in_dim3A_72] : memref<64x128xf32, #tpu.memory_space<vmem>>[vector<16xi32>, vector<16xi32>], vector<16xf32>,
          %mul3A_73 = arith.constant 16 : i32
          %mul3A_74 = arith.muli %scan3A_67, %mul3A_73 : i32
          %swap3A_75 = arith.constant 0 : i32
          %swap3A_76 = arith.index_cast %swap3A_75 : i32 to index
          %swap3A_77 = arith.index_cast %mul3A_74 : i32 to index
          %swap3A_78 = tpu.vector_load %arg14[%swap3A_76, %swap3A_77] {strides = array<i32>} : memref<128x64xf32, #tpu.memory_space<vmem>>, vector<16xf32>,
          tpu.vector_store %arg14[%swap3A_76, %swap3A_77], %gather3A {strides = array<i32>} : memref<128x64xf32, #tpu.memory_space<vmem>>, vector<16xf32>,
          %broadcast_in_dim3A_79 = arith.constant 1 : i32
          %broadcast_in_dim3A_80 = vector.broadcast %broadcast_in_dim3A_79 : i32 to vector<16xi32>
          %gather3A_81 = tpu.vector_load_idx %arg12[%add3A_71, %broadcast_in_dim3A_80] : memref<64x128xf32, #tpu.memory_space<vmem>>[vector<16xi32>, vector<16xi32>], vector<16xf32>,
          %mul3A_82 = arith.constant 16 : i32
          %mul3A_83 = arith.muli %scan3A_67, %mul3A_82 : i32
          %swap3A_84 = arith.constant 1 : i32
          %swap3A_85 = arith.index_cast %swap3A_84 : i32 to index
          %swap3A_86 = arith.index_cast %mul3A_83 : i32 to index
          %swap3A_87 = tpu.vector_load %arg14[%swap3A_85, %swap3A_86] {strides = array<i32>} : memref<128x64xf32, #tpu.memory_space<vmem>>, vector<16xf32>,
          tpu.vector_store %arg14[%swap3A_85, %swap3A_86], %gather3A_81 {strides = array<i32>} : memref<128x64xf32, #tpu.memory_space<vmem>>, vector<16xf32>,
          %broadcast_in_dim3A_88 = arith.constant 2 : i32
          %broadcast_in_dim3A_89 = vector.broadcast %broadcast_in_dim3A_88 : i32 to vector<16xi32>
          %gather3A_90 = tpu.vector_load_idx %arg12[%add3A_71, %broadcast_in_dim3A_89] : memref<64x128xf32, #tpu.memory_space<vmem>>[vector<16xi32>, vector<16xi32>], vector<16xf32>,
          %mul3A_91 = arith.constant 16 : i32
          %mul3A_92 = arith.muli %scan3A_67, %mul3A_91 : i32
          %swap3A_93 = arith.constant 2 : i32
          %swap3A_94 = arith.index_cast %swap3A_93 : i32 to index
          %swap3A_95 = arith.index_cast %mul3A_92 : i32 to index
          %swap3A_96 = tpu.vector_load %arg14[%swap3A_94, %swap3A_95] {strides = array<i32>} : memref<128x64xf32, #tpu.memory_space<vmem>>, vector<16xf32>,
          tpu.vector_store %arg14[%swap3A_94, %swap3A_95], %gather3A_90 {strides = array<i32>} : memref<128x64xf32, #tpu.memory_space<vmem>>, vector<16xf32>,
          %broadcast_in_dim3A_97 = arith.constant 3 : i32
          %broadcast_in_dim3A_98 = vector.broadcast %broadcast_in_dim3A_97 : i32 to vector<16xi32>
          %gather3A_99 = tpu.vector_load_idx %arg12[%add3A_71, %broadcast_in_dim3A_98] : memref<64x128xf32, #tpu.memory_space<vmem>>[vector<16xi32>, vector<16xi32>], vector<16xf32>,
          %mul3A_100 = arith.constant 16 : i32
          %mul3A_101 = arith.muli %scan3A_67, %mul3A_100 : i32
          %swap3A_102 = arith.constant 3 : i32
          %swap3A_103 = arith.index_cast %swap3A_102 : i32 to index
          %swap3A_104 = arith.index_cast %mul3A_101 : i32 to index
          %swap3A_105 = tpu.vector_load %arg14[%swap3A_103, %swap3A_104] {strides = array<i32>} : memref<128x64xf32, #tpu.memory_space<vmem>>, vector<16xf32>,
          tpu.vector_store %arg14[%swap3A_103, %swap3A_104], %gather3A_99 {strides = array<i32>} : memref<128x64xf32, #tpu.memory_space<vmem>>, vector<16xf32>,
          %broadcast_in_dim3A_106 = arith.constant 4 : i32
          %broadcast_in_dim3A_107 = vector.broadcast %broadcast_in_dim3A_106 : i32 to vector<16xi32>
          %gather3A_108 = tpu.vector_load_idx %arg12[%add3A_71, %broadcast_in_dim3A_107] : memref<64x128xf32, #tpu.memory_space<vmem>>[vector<16xi32>, vector<16xi32>], vector<16xf32>,
          %mul3A_109 = arith.constant 16 : i32
          %mul3A_110 = arith.muli %scan3A_67, %mul3A_109 : i32
          %swap3A_111 = arith.constant 4 : i32
          %swap3A_112 = arith.index_cast %swap3A_111 : i32 to index
          %swap3A_113 = arith.index_cast %mul3A_110 : i32 to index
          %swap3A_114 = tpu.vector_load %arg14[%swap3A_112, %swap3A_113] {strides = array<i32>} : memref<128x64xf32, #tpu.memory_space<vmem>>, vector<16xf32>,
          tpu.vector_store %arg14[%swap3A_112, %swap3A_113], %gather3A_108 {strides = array<i32>} : memref<128x64xf32, #tpu.memory_space<vmem>>, vector<16xf32>,
          %broadcast_in_dim3A_115 = arith.constant 5 : i32
          %broadcast_in_dim3A_116 = vector.broadcast %broadcast_in_dim3A_115 : i32 to vector<16xi32>
          %gather3A_117 = tpu.vector_load_idx %arg12[%add3A_71, %broadcast_in_dim3A_116] : memref<64x128xf32, #tpu.memory_space<vmem>>[vector<16xi32>, vector<16xi32>], vector<16xf32>,
          %mul3A_118 = arith.constant 16 : i32
          %mul3A_119 = arith.muli %scan3A_67, %mul3A_118 : i32
          %swap3A_120 = arith.constant 5 : i32
          %swap3A_121 = arith.index_cast %swap3A_120 : i32 to index
          %swap3A_122 = arith.index_cast %mul3A_119 : i32 to index
          %swap3A_123 = tpu.vector_load %arg14[%swap3A_121, %swap3A_122] {strides = array<i32>} : memref<128x64xf32, #tpu.memory_space<vmem>>, vector<16xf32>,
          tpu.vector_store %arg14[%swap3A_121, %swap3A_122], %gather3A_117 {strides = array<i32>} : memref<128x64xf32, #tpu.memory_space<vmem>>, vector<16xf32>,
          %broadcast_in_dim3A_124 = arith.constant 6 : i32
          %broadcast_in_dim3A_125 = vector.broadcast %broadcast_in_dim3A_124 : i32 to vector<16xi32>
          %gather3A_126 = tpu.vector_load_idx %arg12[%add3A_71, %broadcast_in_dim3A_125] : memref<64x128xf32, #tpu.memory_space<vmem>>[vector<16xi32>, vector<16xi32>], vector<16xf32>,
          %mul3A_127 = arith.constant 16 : i32
          %mul3A_128 = arith.muli %scan3A_67, %mul3A_127 : i32
          %swap3A_129 = arith.constant 6 : i32
          %swap3A_130 = arith.index_cast %swap3A_129 : i32 to index
          %swap3A_131 = arith.index_cast %mul3A_128 : i32 to index
          %swap3A_132 = tpu.vector_load %arg14[%swap3A_130, %swap3A_131] {strides = array<i32>} : memref<128x64xf32, #tpu.memory_space<vmem>>, vector<16xf32>,
          tpu.vector_store %arg14[%swap3A_130, %swap3A_131], %gather3A_126 {strides = array<i32>} : memref<128x64xf32, #tpu.memory_space<vmem>>, vector<16xf32>,
          %broadcast_in_dim3A_133 = arith.constant 7 : i32
          %broadcast_in_dim3A_134 = vector.broadcast %broadcast_in_dim3A_133 : i32 to vector<16xi32>
          %gather3A_135 = tpu.vector_load_idx %arg12[%add3A_71, %broadcast_in_dim3A_134] : memref<64x128xf32, #tpu.memory_space<vmem>>[vector<16xi32>, vector<16xi32>], vector<16xf32>,
          %mul3A_136 = arith.constant 16 : i32
          %mul3A_137 = arith.muli %scan3A_67, %mul3A_136 : i32
          %swap3A_138 = arith.constant 7 : i32
          %swap3A_139 = arith.index_cast %swap3A_138 : i32 to index
          %swap3A_140 = arith.index_cast %mul3A_137 : i32 to index
          %swap3A_141 = tpu.vector_load %arg14[%swap3A_139, %swap3A_140] {strides = array<i32>} : memref<128x64xf32, #tpu.memory_space<vmem>>, vector<16xf32>,
          tpu.vector_store %arg14[%swap3A_139, %swap3A_140], %gather3A_135 {strides = array<i32>} : memref<128x64xf32, #tpu.memory_space<vmem>>, vector<16xf32>,
          %broadcast_in_dim3A_142 = arith.constant 8 : i32
          %broadcast_in_dim3A_143 = vector.broadcast %broadcast_in_dim3A_142 : i32 to vector<16xi32>
          %gather3A_144 = tpu.vector_load_idx %arg12[%add3A_71, %broadcast_in_dim3A_143] : memref<64x128xf32, #tpu.memory_space<vmem>>[vector<16xi32>, vector<16xi32>], vector<16xf32>,
          %mul3A_145 = arith.constant 16 : i32
          %mul3A_146 = arith.muli %scan3A_67, %mul3A_145 : i32
          %swap3A_147 = arith.constant 8 : i32
          %swap3A_148 = arith.index_cast %swap3A_147 : i32 to index
          %swap3A_149 = arith.index_cast %mul3A_146 : i32 to index
          %swap3A_150 = tpu.vector_load %arg14[%swap3A_148, %swap3A_149] {strides = array<i32>} : memref<128x64xf32, #tpu.memory_space<vmem>>, vector<16xf32>,
          tpu.vector_store %arg14[%swap3A_148, %swap3A_149], %gather3A_144 {strides = array<i32>} : memref<128x64xf32, #tpu.memory_space<vmem>>, vector<16xf32>,
          %broadcast_in_dim3A_151 = arith.constant 9 : i32
          %broadcast_in_dim3A_152 = vector.broadcast %broadcast_in_dim3A_151 : i32 to vector<16xi32>
          %gather3A_153 = tpu.vector_load_idx %arg12[%add3A_71, %broadcast_in_dim3A_152] : memref<64x128xf32, #tpu.memory_space<vmem>>[vector<16xi32>, vector<16xi32>], vector<16xf32>,
          %mul3A_154 = arith.constant 16 : i32
          %mul3A_155 = arith.muli %scan3A_67, %mul3A_154 : i32
          %swap3A_156 = arith.constant 9 : i32
          %swap3A_157 = arith.index_cast %swap3A_156 : i32 to index
          %swap3A_158 = arith.index_cast %mul3A_155 : i32 to index
          %swap3A_159 = tpu.vector_load %arg14[%swap3A_157, %swap3A_158] {strides = array<i32>} : memref<128x64xf32, #tpu.memory_space<vmem>>, vector<16xf32>,
          tpu.vector_store %arg14[%swap3A_157, %swap3A_158], %gather3A_153 {strides = array<i32>} : memref<128x64xf32, #tpu.memory_space<vmem>>, vector<16xf32>,
          %broadcast_in_dim3A_160 = arith.constant 10 : i32
          %broadcast_in_dim3A_161 = vector.broadcast %broadcast_in_dim3A_160 : i32 to vector<16xi32>
          %gather3A_162 = tpu.vector_load_idx %arg12[%add3A_71, %broadcast_in_dim3A_161] : memref<64x128xf32, #tpu.memory_space<vmem>>[vector<16xi32>, vector<16xi32>], vector<16xf32>,
          %mul3A_163 = arith.constant 16 : i32
          %mul3A_164 = arith.muli %scan3A_67, %mul3A_163 : i32
          %swap3A_165 = arith.constant 10 : i32
          %swap3A_166 = arith.index_cast %swap3A_165 : i32 to index
          %swap3A_167 = arith.index_cast %mul3A_164 : i32 to index
          %swap3A_168 = tpu.vector_load %arg14[%swap3A_166, %swap3A_167] {strides = array<i32>} : memref<128x64xf32, #tpu.memory_space<vmem>>, vector<16xf32>,
          tpu.vector_store %arg14[%swap3A_166, %swap3A_167], %gather3A_162 {strides = array<i32>} : memref<128x64xf32, #tpu.memory_space<vmem>>, vector<16xf32>,
          %broadcast_in_dim3A_169 = arith.constant 11 : i32
          %broadcast_in_dim3A_170 = vector.broadcast %broadcast_in_dim3A_169 : i32 to vector<16xi32>
          %gather3A_171 = tpu.vector_load_idx %arg12[%add3A_71, %broadcast_in_dim3A_170] : memref<64x128xf32, #tpu.memory_space<vmem>>[vector<16xi32>, vector<16xi32>], vector<16xf32>,
          %mul3A_172 = arith.constant 16 : i32
          %mul3A_173 = arith.muli %scan3A_67, %mul3A_172 : i32
          %swap3A_174 = arith.constant 11 : i32
          %swap3A_175 = arith.index_cast %swap3A_174 : i32 to index
          %swap3A_176 = arith.index_cast %mul3A_173 : i32 to index
          %swap3A_177 = tpu.vector_load %arg14[%swap3A_175, %swap3A_176] {strides = array<i32>} : memref<128x64xf32, #tpu.memory_space<vmem>>, vector<16xf32>,
          tpu.vector_store %arg14[%swap3A_175, %swap3A_176], %gather3A_171 {strides = array<i32>} : memref<128x64xf32, #tpu.memory_space<vmem>>, vector<16xf32>,
          %broadcast_in_dim3A_178 = arith.constant 12 : i32
          %broadcast_in_dim3A_179 = vector.broadcast %broadcast_in_dim3A_178 : i32 to vector<16xi32>
          %gather3A_180 = tpu.vector_load_idx %arg12[%add3A_71, %broadcast_in_dim3A_179] : memref<64x128xf32, #tpu.memory_space<vmem>>[vector<16xi32>, vector<16xi32>], vector<16xf32>,
          %mul3A_181 = arith.constant 16 : i32
          %mul3A_182 = arith.muli %scan3A_67, %mul3A_181 : i32
          %swap3A_183 = arith.constant 12 : i32
          %swap3A_184 = arith.index_cast %swap3A_183 : i32 to index
          %swap3A_185 = arith.index_cast %mul3A_182 : i32 to index
          %swap3A_186 = tpu.vector_load %arg14[%swap3A_184, %swap3A_185] {strides = array<i32>} : memref<128x64xf32, #tpu.memory_space<vmem>>, vector<16xf32>,
          tpu.vector_store %arg14[%swap3A_184, %swap3A_185], %gather3A_180 {strides = array<i32>} : memref<128x64xf32, #tpu.memory_space<vmem>>, vector<16xf32>,
          %broadcast_in_dim3A_187 = arith.constant 13 : i32
          %broadcast_in_dim3A_188 = vector.broadcast %broadcast_in_dim3A_187 : i32 to vector<16xi32>
          %gather3A_189 = tpu.vector_load_idx %arg12[%add3A_71, %broadcast_in_dim3A_188] : memref<64x128xf32, #tpu.memory_space<vmem>>[vector<16xi32>, vector<16xi32>], vector<16xf32>,
          %mul3A_190 = arith.constant 16 : i32
          %mul3A_191 = arith.muli %scan3A_67, %mul3A_190 : i32
          %swap3A_192 = arith.constant 13 : i32
          %swap3A_193 = arith.index_cast %swap3A_192 : i32 to index
          %swap3A_194 = arith.index_cast %mul3A_191 : i32 to index
          %swap3A_195 = tpu.vector_load %arg14[%swap3A_193, %swap3A_194] {strides = array<i32>} : memref<128x64xf32, #tpu.memory_space<vmem>>, vector<16xf32>,
          tpu.vector_store %arg14[%swap3A_193, %swap3A_194], %gather3A_189 {strides = array<i32>} : memref<128x64xf32, #tpu.memory_space<vmem>>, vector<16xf32>,
          %broadcast_in_dim3A_196 = arith.constant 14 : i32
          %broadcast_in_dim3A_197 = vector.broadcast %broadcast_in_dim3A_196 : i32 to vector<16xi32>
          %gather3A_198 = tpu.vector_load_idx %arg12[%add3A_71, %broadcast_in_dim3A_197] : memref<64x128xf32, #tpu.memory_space<vmem>>[vector<16xi32>, vector<16xi32>], vector<16xf32>,
          %mul3A_199 = arith.constant 16 : i32
          %mul3A_200 = arith.muli %scan3A_67, %mul3A_199 : i32
          %swap3A_201 = arith.constant 14 : i32
          %swap3A_202 = arith.index_cast %swap3A_201 : i32 to index
          %swap3A_203 = arith.index_cast %mul3A_200 : i32 to index
          %swap3A_204 = tpu.vector_load %arg14[%swap3A_202, %swap3A_203] {strides = array<i32>} : memref<128x64xf32, #tpu.memory_space<vmem>>, vector<16xf32>,
          tpu.vector_store %arg14[%swap3A_202, %swap3A_203], %gather3A_198 {strides = array<i32>} : memref<128x64xf32, #tpu.memory_space<vmem>>, vector<16xf32>,
          %broadcast_in_dim3A_205 = arith.constant 15 : i32
          %broadcast_in_dim3A_206 = vector.broadcast %broadcast_in_dim3A_205 : i32 to vector<16xi32>
          %gather3A_207 = tpu.vector_load_idx %arg12[%add3A_71, %broadcast_in_dim3A_206] : memref<64x128xf32, #tpu.memory_space<vmem>>[vector<16xi32>, vector<16xi32>], vector<16xf32>,
          %mul3A_208 = arith.constant 16 : i32
          %mul3A_209 = arith.muli %scan3A_67, %mul3A_208 : i32
          %swap3A_210 = arith.constant 15 : i32
          %swap3A_211 = arith.index_cast %swap3A_210 : i32 to index
          %swap3A_212 = arith.index_cast %mul3A_209 : i32 to index
          %swap3A_213 = tpu.vector_load %arg14[%swap3A_211, %swap3A_212] {strides = array<i32>} : memref<128x64xf32, #tpu.memory_space<vmem>>, vector<16xf32>,
          tpu.vector_store %arg14[%swap3A_211, %swap3A_212], %gather3A_207 {strides = array<i32>} : memref<128x64xf32, #tpu.memory_space<vmem>>, vector<16xf32>,
          %broadcast_in_dim3A_214 = arith.constant 16 : i32
          %broadcast_in_dim3A_215 = vector.broadcast %broadcast_in_dim3A_214 : i32 to vector<16xi32>
          %gather3A_216 = tpu.vector_load_idx %arg12[%add3A_71, %broadcast_in_dim3A_215] : memref<64x128xf32, #tpu.memory_space<vmem>>[vector<16xi32>, vector<16xi32>], vector<16xf32>,
          %mul3A_217 = arith.constant 16 : i32
          %mul3A_218 = arith.muli %scan3A_67, %mul3A_217 : i32
          %swap3A_219 = arith.constant 16 : i32
          %swap3A_220 = arith.index_cast %swap3A_219 : i32 to index
          %swap3A_221 = arith.index_cast %mul3A_218 : i32 to index
          %swap3A_222 = tpu.vector_load %arg14[%swap3A_220, %swap3A_221] {strides = array<i32>} : memref<128x64xf32, #tpu.memory_space<vmem>>, vector<16xf32>,
          tpu.vector_store %arg14[%swap3A_220, %swap3A_221], %gather3A_216 {strides = array<i32>} : memref<128x64xf32, #tpu.memory_space<vmem>>, vector<16xf32>,
          %broadcast_in_dim3A_223 = arith.constant 17 : i32
          %broadcast_in_dim3A_224 = vector.broadcast %broadcast_in_dim3A_223 : i32 to vector<16xi32>
          %gather3A_225 = tpu.vector_load_idx %arg12[%add3A_71, %broadcast_in_dim3A_224] : memref<64x128xf32, #tpu.memory_space<vmem>>[vector<16xi32>, vector<16xi32>], vector<16xf32>,
          %mul3A_226 = arith.constant 16 : i32
          %mul3A_227 = arith.muli %scan3A_67, %mul3A_226 : i32
          %swap3A_228 = arith.constant 17 : i32
          %swap3A_229 = arith.index_cast %swap3A_228 : i32 to index
          %swap3A_230 = arith.index_cast %mul3A_227 : i32 to index
          %swap3A_231 = tpu.vector_load %arg14[%swap3A_229, %swap3A_230] {strides = array<i32>} : memref<128x64xf32, #tpu.memory_space<vmem>>, vector<16xf32>,
          tpu.vector_store %arg14[%swap3A_229, %swap3A_230], %gather3A_225 {strides = array<i32>} : memref<128x64xf32, #tpu.memory_space<vmem>>, vector<16xf32>,
          %broadcast_in_dim3A_232 = arith.constant 18 : i32
          %broadcast_in_dim3A_233 = vector.broadcast %broadcast_in_dim3A_232 : i32 to vector<16xi32>
          %gather3A_234 = tpu.vector_load_idx %arg12[%add3A_71, %broadcast_in_dim3A_233] : memref<64x128xf32, #tpu.memory_space<vmem>>[vector<16xi32>, vector<16xi32>], vector<16xf32>,
          %mul3A_235 = arith.constant 16 : i32
          %mul3A_236 = arith.muli %scan3A_67, %mul3A_235 : i32
          %swap3A_237 = arith.constant 18 : i32
          %swap3A_238 = arith.index_cast %swap3A_237 : i32 to index
          %swap3A_239 = arith.index_cast %mul3A_236 : i32 to index
          %swap3A_240 = tpu.vector_load %arg14[%swap3A_238, %swap3A_239] {strides = array<i32>} : memref<128x64xf32, #tpu.memory_space<vmem>>, vector<16xf32>,
          tpu.vector_store %arg14[%swap3A_238, %swap3A_239], %gather3A_234 {strides = array<i32>} : memref<128x64xf32, #tpu.memory_space<vmem>>, vector<16xf32>,
          %broadcast_in_dim3A_241 = arith.constant 19 : i32
          %broadcast_in_dim3A_242 = vector.broadcast %broadcast_in_dim3A_241 : i32 to vector<16xi32>
          %gather3A_243 = tpu.vector_load_idx %arg12[%add3A_71, %broadcast_in_dim3A_242] : memref<64x128xf32, #tpu.memory_space<vmem>>[vector<16xi32>, vector<16xi32>], vector<16xf32>,
          %mul3A_244 = arith.constant 16 : i32
          %mul3A_245 = arith.muli %scan3A_67, %mul3A_244 : i32
          %swap3A_246 = arith.constant 19 : i32
          %swap3A_247 = arith.index_cast %swap3A_246 : i32 to index
          %swap3A_248 = arith.index_cast %mul3A_245 : i32 to index
          %swap3A_249 = tpu.vector_load %arg14[%swap3A_247, %swap3A_248] {strides = array<i32>} : memref<128x64xf32, #tpu.memory_space<vmem>>, vector<16xf32>,
          tpu.vector_store %arg14[%swap3A_247, %swap3A_248], %gather3A_243 {strides = array<i32>} : memref<128x64xf32, #tpu.memory_space<vmem>>, vector<16xf32>,
          %broadcast_in_dim3A_250 = arith.constant 20 : i32
          %broadcast_in_dim3A_251 = vector.broadcast %broadcast_in_dim3A_250 : i32 to vector<16xi32>
          %gather3A_252 = tpu.vector_load_idx %arg12[%add3A_71, %broadcast_in_dim3A_251] : memref<64x128xf32, #tpu.memory_space<vmem>>[vector<16xi32>, vector<16xi32>], vector<16xf32>,
          %mul3A_253 = arith.constant 16 : i32
          %mul3A_254 = arith.muli %scan3A_67, %mul3A_253 : i32
          %swap3A_255 = arith.constant 20 : i32
          %swap3A_256 = arith.index_cast %swap3A_255 : i32 to index
          %swap3A_257 = arith.index_cast %mul3A_254 : i32 to index
          %swap3A_258 = tpu.vector_load %arg14[%swap3A_256, %swap3A_257] {strides = array<i32>} : memref<128x64xf32, #tpu.memory_space<vmem>>, vector<16xf32>,
          tpu.vector_store %arg14[%swap3A_256, %swap3A_257], %gather3A_252 {strides = array<i32>} : memref<128x64xf32, #tpu.memory_space<vmem>>, vector<16xf32>,
          %broadcast_in_dim3A_259 = arith.constant 21 : i32
          %broadcast_in_dim3A_260 = vector.broadcast %broadcast_in_dim3A_259 : i32 to vector<16xi32>
          %gather3A_261 = tpu.vector_load_idx %arg12[%add3A_71, %broadcast_in_dim3A_260] : memref<64x128xf32, #tpu.memory_space<vmem>>[vector<16xi32>, vector<16xi32>], vector<16xf32>,
          %mul3A_262 = arith.constant 16 : i32
          %mul3A_263 = arith.muli %scan3A_67, %mul3A_262 : i32
          %swap3A_264 = arith.constant 21 : i32
          %swap3A_265 = arith.index_cast %swap3A_264 : i32 to index
          %swap3A_266 = arith.index_cast %mul3A_263 : i32 to index
          %swap3A_267 = tpu.vector_load %arg14[%swap3A_265, %swap3A_266] {strides = array<i32>} : memref<128x64xf32, #tpu.memory_space<vmem>>, vector<16xf32>,
          tpu.vector_store %arg14[%swap3A_265, %swap3A_266], %gather3A_261 {strides = array<i32>} : memref<128x64xf32, #tpu.memory_space<vmem>>, vector<16xf32>,
          %broadcast_in_dim3A_268 = arith.constant 22 : i32
          %broadcast_in_dim3A_269 = vector.broadcast %broadcast_in_dim3A_268 : i32 to vector<16xi32>
          %gather3A_270 = tpu.vector_load_idx %arg12[%add3A_71, %broadcast_in_dim3A_269] : memref<64x128xf32, #tpu.memory_space<vmem>>[vector<16xi32>, vector<16xi32>], vector<16xf32>,
          %mul3A_271 = arith.constant 16 : i32
          %mul3A_272 = arith.muli %scan3A_67, %mul3A_271 : i32
          %swap3A_273 = arith.constant 22 : i32
          %swap3A_274 = arith.index_cast %swap3A_273 : i32 to index
          %swap3A_275 = arith.index_cast %mul3A_272 : i32 to index
          %swap3A_276 = tpu.vector_load %arg14[%swap3A_274, %swap3A_275] {strides = array<i32>} : memref<128x64xf32, #tpu.memory_space<vmem>>, vector<16xf32>,
          tpu.vector_store %arg14[%swap3A_274, %swap3A_275], %gather3A_270 {strides = array<i32>} : memref<128x64xf32, #tpu.memory_space<vmem>>, vector<16xf32>,
          %broadcast_in_dim3A_277 = arith.constant 23 : i32
          %broadcast_in_dim3A_278 = vector.broadcast %broadcast_in_dim3A_277 : i32 to vector<16xi32>
          %gather3A_279 = tpu.vector_load_idx %arg12[%add3A_71, %broadcast_in_dim3A_278] : memref<64x128xf32, #tpu.memory_space<vmem>>[vector<16xi32>, vector<16xi32>], vector<16xf32>,
          %mul3A_280 = arith.constant 16 : i32
          %mul3A_281 = arith.muli %scan3A_67, %mul3A_280 : i32
          %swap3A_282 = arith.constant 23 : i32
          %swap3A_283 = arith.index_cast %swap3A_282 : i32 to index
          %swap3A_284 = arith.index_cast %mul3A_281 : i32 to index
          %swap3A_285 = tpu.vector_load %arg14[%swap3A_283, %swap3A_284] {strides = array<i32>} : memref<128x64xf32, #tpu.memory_space<vmem>>, vector<16xf32>,
          tpu.vector_store %arg14[%swap3A_283, %swap3A_284], %gather3A_279 {strides = array<i32>} : memref<128x64xf32, #tpu.memory_space<vmem>>, vector<16xf32>,
          %broadcast_in_dim3A_286 = arith.constant 24 : i32
          %broadcast_in_dim3A_287 = vector.broadcast %broadcast_in_dim3A_286 : i32 to vector<16xi32>
          %gather3A_288 = tpu.vector_load_idx %arg12[%add3A_71, %broadcast_in_dim3A_287] : memref<64x128xf32, #tpu.memory_space<vmem>>[vector<16xi32>, vector<16xi32>], vector<16xf32>,
          %mul3A_289 = arith.constant 16 : i32
          %mul3A_290 = arith.muli %scan3A_67, %mul3A_289 : i32
          %swap3A_291 = arith.constant 24 : i32
          %swap3A_292 = arith.index_cast %swap3A_291 : i32 to index
          %swap3A_293 = arith.index_cast %mul3A_290 : i32 to index
          %swap3A_294 = tpu.vector_load %arg14[%swap3A_292, %swap3A_293] {strides = array<i32>} : memref<128x64xf32, #tpu.memory_space<vmem>>, vector<16xf32>,
          tpu.vector_store %arg14[%swap3A_292, %swap3A_293], %gather3A_288 {strides = array<i32>} : memref<128x64xf32, #tpu.memory_space<vmem>>, vector<16xf32>,
          %broadcast_in_dim3A_295 = arith.constant 25 : i32
          %broadcast_in_dim3A_296 = vector.broadcast %broadcast_in_dim3A_295 : i32 to vector<16xi32>
          %gather3A_297 = tpu.vector_load_idx %arg12[%add3A_71, %broadcast_in_dim3A_296] : memref<64x128xf32, #tpu.memory_space<vmem>>[vector<16xi32>, vector<16xi32>], vector<16xf32>,
          %mul3A_298 = arith.constant 16 : i32
          %mul3A_299 = arith.muli %scan3A_67, %mul3A_298 : i32
          %swap3A_300 = arith.constant 25 : i32
          %swap3A_301 = arith.index_cast %swap3A_300 : i32 to index
          %swap3A_302 = arith.index_cast %mul3A_299 : i32 to index
          %swap3A_303 = tpu.vector_load %arg14[%swap3A_301, %swap3A_302] {strides = array<i32>} : memref<128x64xf32, #tpu.memory_space<vmem>>, vector<16xf32>,
          tpu.vector_store %arg14[%swap3A_301, %swap3A_302], %gather3A_297 {strides = array<i32>} : memref<128x64xf32, #tpu.memory_space<vmem>>, vector<16xf32>,
          %broadcast_in_dim3A_304 = arith.constant 26 : i32
          %broadcast_in_dim3A_305 = vector.broadcast %broadcast_in_dim3A_304 : i32 to vector<16xi32>
          %gather3A_306 = tpu.vector_load_idx %arg12[%add3A_71, %broadcast_in_dim3A_305] : memref<64x128xf32, #tpu.memory_space<vmem>>[vector<16xi32>, vector<16xi32>], vector<16xf32>,
          %mul3A_307 = arith.constant 16 : i32
          %mul3A_308 = arith.muli %scan3A_67, %mul3A_307 : i32
          %swap3A_309 = arith.constant 26 : i32
          %swap3A_310 = arith.index_cast %swap3A_309 : i32 to index
          %swap3A_311 = arith.index_cast %mul3A_308 : i32 to index
          %swap3A_312 = tpu.vector_load %arg14[%swap3A_310, %swap3A_311] {strides = array<i32>} : memref<128x64xf32, #tpu.memory_space<vmem>>, vector<16xf32>,
          tpu.vector_store %arg14[%swap3A_310, %swap3A_311], %gather3A_306 {strides = array<i32>} : memref<128x64xf32, #tpu.memory_space<vmem>>, vector<16xf32>,
          %broadcast_in_dim3A_313 = arith.constant 27 : i32
          %broadcast_in_dim3A_314 = vector.broadcast %broadcast_in_dim3A_313 : i32 to vector<16xi32>
          %gather3A_315 = tpu.vector_load_idx %arg12[%add3A_71, %broadcast_in_dim3A_314] : memref<64x128xf32, #tpu.memory_space<vmem>>[vector<16xi32>, vector<16xi32>], vector<16xf32>,
          %mul3A_316 = arith.constant 16 : i32
          %mul3A_317 = arith.muli %scan3A_67, %mul3A_316 : i32
          %swap3A_318 = arith.constant 27 : i32
          %swap3A_319 = arith.index_cast %swap3A_318 : i32 to index
          %swap3A_320 = arith.index_cast %mul3A_317 : i32 to index
          %swap3A_321 = tpu.vector_load %arg14[%swap3A_319, %swap3A_320] {strides = array<i32>} : memref<128x64xf32, #tpu.memory_space<vmem>>, vector<16xf32>,
          tpu.vector_store %arg14[%swap3A_319, %swap3A_320], %gather3A_315 {strides = array<i32>} : memref<128x64xf32, #tpu.memory_space<vmem>>, vector<16xf32>,
          %broadcast_in_dim3A_322 = arith.constant 28 : i32
          %broadcast_in_dim3A_323 = vector.broadcast %broadcast_in_dim3A_322 : i32 to vector<16xi32>
          %gather3A_324 = tpu.vector_load_idx %arg12[%add3A_71, %broadcast_in_dim3A_323] : memref<64x128xf32, #tpu.memory_space<vmem>>[vector<16xi32>, vector<16xi32>], vector<16xf32>,
          %mul3A_325 = arith.constant 16 : i32
          %mul3A_326 = arith.muli %scan3A_67, %mul3A_325 : i32
          %swap3A_327 = arith.constant 28 : i32
          %swap3A_328 = arith.index_cast %swap3A_327 : i32 to index
          %swap3A_329 = arith.index_cast %mul3A_326 : i32 to index
          %swap3A_330 = tpu.vector_load %arg14[%swap3A_328, %swap3A_329] {strides = array<i32>} : memref<128x64xf32, #tpu.memory_space<vmem>>, vector<16xf32>,
          tpu.vector_store %arg14[%swap3A_328, %swap3A_329], %gather3A_324 {strides = array<i32>} : memref<128x64xf32, #tpu.memory_space<vmem>>, vector<16xf32>,
          %broadcast_in_dim3A_331 = arith.constant 29 : i32
          %broadcast_in_dim3A_332 = vector.broadcast %broadcast_in_dim3A_331 : i32 to vector<16xi32>
          %gather3A_333 = tpu.vector_load_idx %arg12[%add3A_71, %broadcast_in_dim3A_332] : memref<64x128xf32, #tpu.memory_space<vmem>>[vector<16xi32>, vector<16xi32>], vector<16xf32>,
          %mul3A_334 = arith.constant 16 : i32
          %mul3A_335 = arith.muli %scan3A_67, %mul3A_334 : i32
          %swap3A_336 = arith.constant 29 : i32
          %swap3A_337 = arith.index_cast %swap3A_336 : i32 to index
          %swap3A_338 = arith.index_cast %mul3A_335 : i32 to index
          %swap3A_339 = tpu.vector_load %arg14[%swap3A_337, %swap3A_338] {strides = array<i32>} : memref<128x64xf32, #tpu.memory_space<vmem>>, vector<16xf32>,
          tpu.vector_store %arg14[%swap3A_337, %swap3A_338], %gather3A_333 {strides = array<i32>} : memref<128x64xf32, #tpu.memory_space<vmem>>, vector<16xf32>,
          %broadcast_in_dim3A_340 = arith.constant 30 : i32
          %broadcast_in_dim3A_341 = vector.broadcast %broadcast_in_dim3A_340 : i32 to vector<16xi32>
          %gather3A_342 = tpu.vector_load_idx %arg12[%add3A_71, %broadcast_in_dim3A_341] : memref<64x128xf32, #tpu.memory_space<vmem>>[vector<16xi32>, vector<16xi32>], vector<16xf32>,
          %mul3A_343 = arith.constant 16 : i32
          %mul3A_344 = arith.muli %scan3A_67, %mul3A_343 : i32
          %swap3A_345 = arith.constant 30 : i32
          %swap3A_346 = arith.index_cast %swap3A_345 : i32 to index
          %swap3A_347 = arith.index_cast %mul3A_344 : i32 to index
          %swap3A_348 = tpu.vector_load %arg14[%swap3A_346, %swap3A_347] {strides = array<i32>} : memref<128x64xf32, #tpu.memory_space<vmem>>, vector<16xf32>,
          tpu.vector_store %arg14[%swap3A_346, %swap3A_347], %gather3A_342 {strides = array<i32>} : memref<128x64xf32, #tpu.memory_space<vmem>>, vector<16xf32>,
          %broadcast_in_dim3A_349 = arith.constant 31 : i32
          %broadcast_in_dim3A_350 = vector.broadcast %broadcast_in_dim3A_349 : i32 to vector<16xi32>
          %gather3A_351 = tpu.vector_load_idx %arg12[%add3A_71, %broadcast_in_dim3A_350] : memref<64x128xf32, #tpu.memory_space<vmem>>[vector<16xi32>, vector<16xi32>], vector<16xf32>,
          %mul3A_352 = arith.constant 16 : i32
          %mul3A_353 = arith.muli %scan3A_67, %mul3A_352 : i32
          %swap3A_354 = arith.constant 31 : i32
          %swap3A_355 = arith.index_cast %swap3A_354 : i32 to index
          %swap3A_356 = arith.index_cast %mul3A_353 : i32 to index
          %swap3A_357 = tpu.vector_load %arg14[%swap3A_355, %swap3A_356] {strides = array<i32>} : memref<128x64xf32, #tpu.memory_space<vmem>>, vector<16xf32>,
          tpu.vector_store %arg14[%swap3A_355, %swap3A_356], %gather3A_351 {strides = array<i32>} : memref<128x64xf32, #tpu.memory_space<vmem>>, vector<16xf32>,
          %broadcast_in_dim3A_358 = arith.constant 32 : i32
          %broadcast_in_dim3A_359 = vector.broadcast %broadcast_in_dim3A_358 : i32 to vector<16xi32>
          %gather3A_360 = tpu.vector_load_idx %arg12[%add3A_71, %broadcast_in_dim3A_359] : memref<64x128xf32, #tpu.memory_space<vmem>>[vector<16xi32>, vector<16xi32>], vector<16xf32>,
          %mul3A_361 = arith.constant 16 : i32
          %mul3A_362 = arith.muli %scan3A_67, %mul3A_361 : i32
          %swap3A_363 = arith.constant 32 : i32
          %swap3A_364 = arith.index_cast %swap3A_363 : i32 to index
          %swap3A_365 = arith.index_cast %mul3A_362 : i32 to index
          %swap3A_366 = tpu.vector_load %arg14[%swap3A_364, %swap3A_365] {strides = array<i32>} : memref<128x64xf32, #tpu.memory_space<vmem>>, vector<16xf32>,
          tpu.vector_store %arg14[%swap3A_364, %swap3A_365], %gather3A_360 {strides = array<i32>} : memref<128x64xf32, #tpu.memory_space<vmem>>, vector<16xf32>,
          %broadcast_in_dim3A_367 = arith.constant 33 : i32
          %broadcast_in_dim3A_368 = vector.broadcast %broadcast_in_dim3A_367 : i32 to vector<16xi32>
          %gather3A_369 = tpu.vector_load_idx %arg12[%add3A_71, %broadcast_in_dim3A_368] : memref<64x128xf32, #tpu.memory_space<vmem>>[vector<16xi32>, vector<16xi32>], vector<16xf32>,
          %mul3A_370 = arith.constant 16 : i32
          %mul3A_371 = arith.muli %scan3A_67, %mul3A_370 : i32
          %swap3A_372 = arith.constant 33 : i32
          %swap3A_373 = arith.index_cast %swap3A_372 : i32 to index
          %swap3A_374 = arith.index_cast %mul3A_371 : i32 to index
          %swap3A_375 = tpu.vector_load %arg14[%swap3A_373, %swap3A_374] {strides = array<i32>} : memref<128x64xf32, #tpu.memory_space<vmem>>, vector<16xf32>,
          tpu.vector_store %arg14[%swap3A_373, %swap3A_374], %gather3A_369 {strides = array<i32>} : memref<128x64xf32, #tpu.memory_space<vmem>>, vector<16xf32>,
          %broadcast_in_dim3A_376 = arith.constant 34 : i32
          %broadcast_in_dim3A_377 = vector.broadcast %broadcast_in_dim3A_376 : i32 to vector<16xi32>
          %gather3A_378 = tpu.vector_load_idx %arg12[%add3A_71, %broadcast_in_dim3A_377] : memref<64x128xf32, #tpu.memory_space<vmem>>[vector<16xi32>, vector<16xi32>], vector<16xf32>,
          %mul3A_379 = arith.constant 16 : i32
          %mul3A_380 = arith.muli %scan3A_67, %mul3A_379 : i32
          %swap3A_381 = arith.constant 34 : i32
          %swap3A_382 = arith.index_cast %swap3A_381 : i32 to index
          %swap3A_383 = arith.index_cast %mul3A_380 : i32 to index
          %swap3A_384 = tpu.vector_load %arg14[%swap3A_382, %swap3A_383] {strides = array<i32>} : memref<128x64xf32, #tpu.memory_space<vmem>>, vector<16xf32>,
          tpu.vector_store %arg14[%swap3A_382, %swap3A_383], %gather3A_378 {strides = array<i32>} : memref<128x64xf32, #tpu.memory_space<vmem>>, vector<16xf32>,
          %broadcast_in_dim3A_385 = arith.constant 35 : i32
          %broadcast_in_dim3A_386 = vector.broadcast %broadcast_in_dim3A_385 : i32 to vector<16xi32>
          %gather3A_387 = tpu.vector_load_idx %arg12[%add3A_71, %broadcast_in_dim3A_386] : memref<64x128xf32, #tpu.memory_space<vmem>>[vector<16xi32>, vector<16xi32>], vector<16xf32>,
          %mul3A_388 = arith.constant 16 : i32
          %mul3A_389 = arith.muli %scan3A_67, %mul3A_388 : i32
          %swap3A_390 = arith.constant 35 : i32
          %swap3A_391 = arith.index_cast %swap3A_390 : i32 to index
          %swap3A_392 = arith.index_cast %mul3A_389 : i32 to index
          %swap3A_393 = tpu.vector_load %arg14[%swap3A_391, %swap3A_392] {strides = array<i32>} : memref<128x64xf32, #tpu.memory_space<vmem>>, vector<16xf32>,
          tpu.vector_store %arg14[%swap3A_391, %swap3A_392], %gather3A_387 {strides = array<i32>} : memref<128x64xf32, #tpu.memory_space<vmem>>, vector<16xf32>,
          %broadcast_in_dim3A_394 = arith.constant 36 : i32
          %broadcast_in_dim3A_395 = vector.broadcast %broadcast_in_dim3A_394 : i32 to vector<16xi32>
          %gather3A_396 = tpu.vector_load_idx %arg12[%add3A_71, %broadcast_in_dim3A_395] : memref<64x128xf32, #tpu.memory_space<vmem>>[vector<16xi32>, vector<16xi32>], vector<16xf32>,
          %mul3A_397 = arith.constant 16 : i32
          %mul3A_398 = arith.muli %scan3A_67, %mul3A_397 : i32
          %swap3A_399 = arith.constant 36 : i32
          %swap3A_400 = arith.index_cast %swap3A_399 : i32 to index
          %swap3A_401 = arith.index_cast %mul3A_398 : i32 to index
          %swap3A_402 = tpu.vector_load %arg14[%swap3A_400, %swap3A_401] {strides = array<i32>} : memref<128x64xf32, #tpu.memory_space<vmem>>, vector<16xf32>,
          tpu.vector_store %arg14[%swap3A_400, %swap3A_401], %gather3A_396 {strides = array<i32>} : memref<128x64xf32, #tpu.memory_space<vmem>>, vector<16xf32>,
          %broadcast_in_dim3A_403 = arith.constant 37 : i32
          %broadcast_in_dim3A_404 = vector.broadcast %broadcast_in_dim3A_403 : i32 to vector<16xi32>
          %gather3A_405 = tpu.vector_load_idx %arg12[%add3A_71, %broadcast_in_dim3A_404] : memref<64x128xf32, #tpu.memory_space<vmem>>[vector<16xi32>, vector<16xi32>], vector<16xf32>,
          %mul3A_406 = arith.constant 16 : i32
          %mul3A_407 = arith.muli %scan3A_67, %mul3A_406 : i32
          %swap3A_408 = arith.constant 37 : i32
          %swap3A_409 = arith.index_cast %swap3A_408 : i32 to index
          %swap3A_410 = arith.index_cast %mul3A_407 : i32 to index
          %swap3A_411 = tpu.vector_load %arg14[%swap3A_409, %swap3A_410] {strides = array<i32>} : memref<128x64xf32, #tpu.memory_space<vmem>>, vector<16xf32>,
          tpu.vector_store %arg14[%swap3A_409, %swap3A_410], %gather3A_405 {strides = array<i32>} : memref<128x64xf32, #tpu.memory_space<vmem>>, vector<16xf32>,
          %broadcast_in_dim3A_412 = arith.constant 38 : i32
          %broadcast_in_dim3A_413 = vector.broadcast %broadcast_in_dim3A_412 : i32 to vector<16xi32>
          %gather3A_414 = tpu.vector_load_idx %arg12[%add3A_71, %broadcast_in_dim3A_413] : memref<64x128xf32, #tpu.memory_space<vmem>>[vector<16xi32>, vector<16xi32>], vector<16xf32>,
          %mul3A_415 = arith.constant 16 : i32
          %mul3A_416 = arith.muli %scan3A_67, %mul3A_415 : i32
          %swap3A_417 = arith.constant 38 : i32
          %swap3A_418 = arith.index_cast %swap3A_417 : i32 to index
          %swap3A_419 = arith.index_cast %mul3A_416 : i32 to index
          %swap3A_420 = tpu.vector_load %arg14[%swap3A_418, %swap3A_419] {strides = array<i32>} : memref<128x64xf32, #tpu.memory_space<vmem>>, vector<16xf32>,
          tpu.vector_store %arg14[%swap3A_418, %swap3A_419], %gather3A_414 {strides = array<i32>} : memref<128x64xf32, #tpu.memory_space<vmem>>, vector<16xf32>,
          %broadcast_in_dim3A_421 = arith.constant 39 : i32
          %broadcast_in_dim3A_422 = vector.broadcast %broadcast_in_dim3A_421 : i32 to vector<16xi32>
          %gather3A_423 = tpu.vector_load_idx %arg12[%add3A_71, %broadcast_in_dim3A_422] : memref<64x128xf32, #tpu.memory_space<vmem>>[vector<16xi32>, vector<16xi32>], vector<16xf32>,
          %mul3A_424 = arith.constant 16 : i32
          %mul3A_425 = arith.muli %scan3A_67, %mul3A_424 : i32
          %swap3A_426 = arith.constant 39 : i32
          %swap3A_427 = arith.index_cast %swap3A_426 : i32 to index
          %swap3A_428 = arith.index_cast %mul3A_425 : i32 to index
          %swap3A_429 = tpu.vector_load %arg14[%swap3A_427, %swap3A_428] {strides = array<i32>} : memref<128x64xf32, #tpu.memory_space<vmem>>, vector<16xf32>,
          tpu.vector_store %arg14[%swap3A_427, %swap3A_428], %gather3A_423 {strides = array<i32>} : memref<128x64xf32, #tpu.memory_space<vmem>>, vector<16xf32>,
          %broadcast_in_dim3A_430 = arith.constant 40 : i32
          %broadcast_in_dim3A_431 = vector.broadcast %broadcast_in_dim3A_430 : i32 to vector<16xi32>
          %gather3A_432 = tpu.vector_load_idx %arg12[%add3A_71, %broadcast_in_dim3A_431] : memref<64x128xf32, #tpu.memory_space<vmem>>[vector<16xi32>, vector<16xi32>], vector<16xf32>,
          %mul3A_433 = arith.constant 16 : i32
          %mul3A_434 = arith.muli %scan3A_67, %mul3A_433 : i32
          %swap3A_435 = arith.constant 40 : i32
          %swap3A_436 = arith.index_cast %swap3A_435 : i32 to index
          %swap3A_437 = arith.index_cast %mul3A_434 : i32 to index
          %swap3A_438 = tpu.vector_load %arg14[%swap3A_436, %swap3A_437] {strides = array<i32>} : memref<128x64xf32, #tpu.memory_space<vmem>>, vector<16xf32>,
          tpu.vector_store %arg14[%swap3A_436, %swap3A_437], %gather3A_432 {strides = array<i32>} : memref<128x64xf32, #tpu.memory_space<vmem>>, vector<16xf32>,
          %broadcast_in_dim3A_439 = arith.constant 41 : i32
          %broadcast_in_dim3A_440 = vector.broadcast %broadcast_in_dim3A_439 : i32 to vector<16xi32>
          %gather3A_441 = tpu.vector_load_idx %arg12[%add3A_71, %broadcast_in_dim3A_440] : memref<64x128xf32, #tpu.memory_space<vmem>>[vector<16xi32>, vector<16xi32>], vector<16xf32>,
          %mul3A_442 = arith.constant 16 : i32
          %mul3A_443 = arith.muli %scan3A_67, %mul3A_442 : i32
          %swap3A_444 = arith.constant 41 : i32
          %swap3A_445 = arith.index_cast %swap3A_444 : i32 to index
          %swap3A_446 = arith.index_cast %mul3A_443 : i32 to index
          %swap3A_447 = tpu.vector_load %arg14[%swap3A_445, %swap3A_446] {strides = array<i32>} : memref<128x64xf32, #tpu.memory_space<vmem>>, vector<16xf32>,
          tpu.vector_store %arg14[%swap3A_445, %swap3A_446], %gather3A_441 {strides = array<i32>} : memref<128x64xf32, #tpu.memory_space<vmem>>, vector<16xf32>,
          %broadcast_in_dim3A_448 = arith.constant 42 : i32
          %broadcast_in_dim3A_449 = vector.broadcast %broadcast_in_dim3A_448 : i32 to vector<16xi32>
          %gather3A_450 = tpu.vector_load_idx %arg12[%add3A_71, %broadcast_in_dim3A_449] : memref<64x128xf32, #tpu.memory_space<vmem>>[vector<16xi32>, vector<16xi32>], vector<16xf32>,
          %mul3A_451 = arith.constant 16 : i32
          %mul3A_452 = arith.muli %scan3A_67, %mul3A_451 : i32
          %swap3A_453 = arith.constant 42 : i32
          %swap3A_454 = arith.index_cast %swap3A_453 : i32 to index
          %swap3A_455 = arith.index_cast %mul3A_452 : i32 to index
          %swap3A_456 = tpu.vector_load %arg14[%swap3A_454, %swap3A_455] {strides = array<i32>} : memref<128x64xf32, #tpu.memory_space<vmem>>, vector<16xf32>,
          tpu.vector_store %arg14[%swap3A_454, %swap3A_455], %gather3A_450 {strides = array<i32>} : memref<128x64xf32, #tpu.memory_space<vmem>>, vector<16xf32>,
          %broadcast_in_dim3A_457 = arith.constant 43 : i32
          %broadcast_in_dim3A_458 = vector.broadcast %broadcast_in_dim3A_457 : i32 to vector<16xi32>
          %gather3A_459 = tpu.vector_load_idx %arg12[%add3A_71, %broadcast_in_dim3A_458] : memref<64x128xf32, #tpu.memory_space<vmem>>[vector<16xi32>, vector<16xi32>], vector<16xf32>,
          %mul3A_460 = arith.constant 16 : i32
          %mul3A_461 = arith.muli %scan3A_67, %mul3A_460 : i32
          %swap3A_462 = arith.constant 43 : i32
          %swap3A_463 = arith.index_cast %swap3A_462 : i32 to index
          %swap3A_464 = arith.index_cast %mul3A_461 : i32 to index
          %swap3A_465 = tpu.vector_load %arg14[%swap3A_463, %swap3A_464] {strides = array<i32>} : memref<128x64xf32, #tpu.memory_space<vmem>>, vector<16xf32>,
          tpu.vector_store %arg14[%swap3A_463, %swap3A_464], %gather3A_459 {strides = array<i32>} : memref<128x64xf32, #tpu.memory_space<vmem>>, vector<16xf32>,
          %broadcast_in_dim3A_466 = arith.constant 44 : i32
          %broadcast_in_dim3A_467 = vector.broadcast %broadcast_in_dim3A_466 : i32 to vector<16xi32>
          %gather3A_468 = tpu.vector_load_idx %arg12[%add3A_71, %broadcast_in_dim3A_467] : memref<64x128xf32, #tpu.memory_space<vmem>>[vector<16xi32>, vector<16xi32>], vector<16xf32>,
          %mul3A_469 = arith.constant 16 : i32
          %mul3A_470 = arith.muli %scan3A_67, %mul3A_469 : i32
          %swap3A_471 = arith.constant 44 : i32
          %swap3A_472 = arith.index_cast %swap3A_471 : i32 to index
          %swap3A_473 = arith.index_cast %mul3A_470 : i32 to index
          %swap3A_474 = tpu.vector_load %arg14[%swap3A_472, %swap3A_473] {strides = array<i32>} : memref<128x64xf32, #tpu.memory_space<vmem>>, vector<16xf32>,
          tpu.vector_store %arg14[%swap3A_472, %swap3A_473], %gather3A_468 {strides = array<i32>} : memref<128x64xf32, #tpu.memory_space<vmem>>, vector<16xf32>,
          %broadcast_in_dim3A_475 = arith.constant 45 : i32
          %broadcast_in_dim3A_476 = vector.broadcast %broadcast_in_dim3A_475 : i32 to vector<16xi32>
          %gather3A_477 = tpu.vector_load_idx %arg12[%add3A_71, %broadcast_in_dim3A_476] : memref<64x128xf32, #tpu.memory_space<vmem>>[vector<16xi32>, vector<16xi32>], vector<16xf32>,
          %mul3A_478 = arith.constant 16 : i32
          %mul3A_479 = arith.muli %scan3A_67, %mul3A_478 : i32
          %swap3A_480 = arith.constant 45 : i32
          %swap3A_481 = arith.index_cast %swap3A_480 : i32 to index
          %swap3A_482 = arith.index_cast %mul3A_479 : i32 to index
          %swap3A_483 = tpu.vector_load %arg14[%swap3A_481, %swap3A_482] {strides = array<i32>} : memref<128x64xf32, #tpu.memory_space<vmem>>, vector<16xf32>,
          tpu.vector_store %arg14[%swap3A_481, %swap3A_482], %gather3A_477 {strides = array<i32>} : memref<128x64xf32, #tpu.memory_space<vmem>>, vector<16xf32>,
          %broadcast_in_dim3A_484 = arith.constant 46 : i32
          %broadcast_in_dim3A_485 = vector.broadcast %broadcast_in_dim3A_484 : i32 to vector<16xi32>
          %gather3A_486 = tpu.vector_load_idx %arg12[%add3A_71, %broadcast_in_dim3A_485] : memref<64x128xf32, #tpu.memory_space<vmem>>[vector<16xi32>, vector<16xi32>], vector<16xf32>,
          %mul3A_487 = arith.constant 16 : i32
          %mul3A_488 = arith.muli %scan3A_67, %mul3A_487 : i32
          %swap3A_489 = arith.constant 46 : i32
          %swap3A_490 = arith.index_cast %swap3A_489 : i32 to index
          %swap3A_491 = arith.index_cast %mul3A_488 : i32 to index
          %swap3A_492 = tpu.vector_load %arg14[%swap3A_490, %swap3A_491] {strides = array<i32>} : memref<128x64xf32, #tpu.memory_space<vmem>>, vector<16xf32>,
          tpu.vector_store %arg14[%swap3A_490, %swap3A_491], %gather3A_486 {strides = array<i32>} : memref<128x64xf32, #tpu.memory_space<vmem>>, vector<16xf32>,
          %broadcast_in_dim3A_493 = arith.constant 47 : i32
          %broadcast_in_dim3A_494 = vector.broadcast %broadcast_in_dim3A_493 : i32 to vector<16xi32>
          %gather3A_495 = tpu.vector_load_idx %arg12[%add3A_71, %broadcast_in_dim3A_494] : memref<64x128xf32, #tpu.memory_space<vmem>>[vector<16xi32>, vector<16xi32>], vector<16xf32>,
          %mul3A_496 = arith.constant 16 : i32
          %mul3A_497 = arith.muli %scan3A_67, %mul3A_496 : i32
          %swap3A_498 = arith.constant 47 : i32
          %swap3A_499 = arith.index_cast %swap3A_498 : i32 to index
          %swap3A_500 = arith.index_cast %mul3A_497 : i32 to index
          %swap3A_501 = tpu.vector_load %arg14[%swap3A_499, %swap3A_500] {strides = array<i32>} : memref<128x64xf32, #tpu.memory_space<vmem>>, vector<16xf32>,
          tpu.vector_store %arg14[%swap3A_499, %swap3A_500], %gather3A_495 {strides = array<i32>} : memref<128x64xf32, #tpu.memory_space<vmem>>, vector<16xf32>,
          %broadcast_in_dim3A_502 = arith.constant 48 : i32
          %broadcast_in_dim3A_503 = vector.broadcast %broadcast_in_dim3A_502 : i32 to vector<16xi32>
          %gather3A_504 = tpu.vector_load_idx %arg12[%add3A_71, %broadcast_in_dim3A_503] : memref<64x128xf32, #tpu.memory_space<vmem>>[vector<16xi32>, vector<16xi32>], vector<16xf32>,
          %mul3A_505 = arith.constant 16 : i32
          %mul3A_506 = arith.muli %scan3A_67, %mul3A_505 : i32
          %swap3A_507 = arith.constant 48 : i32
          %swap3A_508 = arith.index_cast %swap3A_507 : i32 to index
          %swap3A_509 = arith.index_cast %mul3A_506 : i32 to index
          %swap3A_510 = tpu.vector_load %arg14[%swap3A_508, %swap3A_509] {strides = array<i32>} : memref<128x64xf32, #tpu.memory_space<vmem>>, vector<16xf32>,
          tpu.vector_store %arg14[%swap3A_508, %swap3A_509], %gather3A_504 {strides = array<i32>} : memref<128x64xf32, #tpu.memory_space<vmem>>, vector<16xf32>,
          %broadcast_in_dim3A_511 = arith.constant 49 : i32
          %broadcast_in_dim3A_512 = vector.broadcast %broadcast_in_dim3A_511 : i32 to vector<16xi32>
          %gather3A_513 = tpu.vector_load_idx %arg12[%add3A_71, %broadcast_in_dim3A_512] : memref<64x128xf32, #tpu.memory_space<vmem>>[vector<16xi32>, vector<16xi32>], vector<16xf32>,
          %mul3A_514 = arith.constant 16 : i32
          %mul3A_515 = arith.muli %scan3A_67, %mul3A_514 : i32
          %swap3A_516 = arith.constant 49 : i32
          %swap3A_517 = arith.index_cast %swap3A_516 : i32 to index
          %swap3A_518 = arith.index_cast %mul3A_515 : i32 to index
          %swap3A_519 = tpu.vector_load %arg14[%swap3A_517, %swap3A_518] {strides = array<i32>} : memref<128x64xf32, #tpu.memory_space<vmem>>, vector<16xf32>,
          tpu.vector_store %arg14[%swap3A_517, %swap3A_518], %gather3A_513 {strides = array<i32>} : memref<128x64xf32, #tpu.memory_space<vmem>>, vector<16xf32>,
          %broadcast_in_dim3A_520 = arith.constant 50 : i32
          %broadcast_in_dim3A_521 = vector.broadcast %broadcast_in_dim3A_520 : i32 to vector<16xi32>
          %gather3A_522 = tpu.vector_load_idx %arg12[%add3A_71, %broadcast_in_dim3A_521] : memref<64x128xf32, #tpu.memory_space<vmem>>[vector<16xi32>, vector<16xi32>], vector<16xf32>,
          %mul3A_523 = arith.constant 16 : i32
          %mul3A_524 = arith.muli %scan3A_67, %mul3A_523 : i32
          %swap3A_525 = arith.constant 50 : i32
          %swap3A_526 = arith.index_cast %swap3A_525 : i32 to index
          %swap3A_527 = arith.index_cast %mul3A_524 : i32 to index
          %swap3A_528 = tpu.vector_load %arg14[%swap3A_526, %swap3A_527] {strides = array<i32>} : memref<128x64xf32, #tpu.memory_space<vmem>>, vector<16xf32>,
          tpu.vector_store %arg14[%swap3A_526, %swap3A_527], %gather3A_522 {strides = array<i32>} : memref<128x64xf32, #tpu.memory_space<vmem>>, vector<16xf32>,
          %broadcast_in_dim3A_529 = arith.constant 51 : i32
          %broadcast_in_dim3A_530 = vector.broadcast %broadcast_in_dim3A_529 : i32 to vector<16xi32>
          %gather3A_531 = tpu.vector_load_idx %arg12[%add3A_71, %broadcast_in_dim3A_530] : memref<64x128xf32, #tpu.memory_space<vmem>>[vector<16xi32>, vector<16xi32>], vector<16xf32>,
          %mul3A_532 = arith.constant 16 : i32
          %mul3A_533 = arith.muli %scan3A_67, %mul3A_532 : i32
          %swap3A_534 = arith.constant 51 : i32
          %swap3A_535 = arith.index_cast %swap3A_534 : i32 to index
          %swap3A_536 = arith.index_cast %mul3A_533 : i32 to index
          %swap3A_537 = tpu.vector_load %arg14[%swap3A_535, %swap3A_536] {strides = array<i32>} : memref<128x64xf32, #tpu.memory_space<vmem>>, vector<16xf32>,
          tpu.vector_store %arg14[%swap3A_535, %swap3A_536], %gather3A_531 {strides = array<i32>} : memref<128x64xf32, #tpu.memory_space<vmem>>, vector<16xf32>,
          %broadcast_in_dim3A_538 = arith.constant 52 : i32
          %broadcast_in_dim3A_539 = vector.broadcast %broadcast_in_dim3A_538 : i32 to vector<16xi32>
          %gather3A_540 = tpu.vector_load_idx %arg12[%add3A_71, %broadcast_in_dim3A_539] : memref<64x128xf32, #tpu.memory_space<vmem>>[vector<16xi32>, vector<16xi32>], vector<16xf32>,
          %mul3A_541 = arith.constant 16 : i32
          %mul3A_542 = arith.muli %scan3A_67, %mul3A_541 : i32
          %swap3A_543 = arith.constant 52 : i32
          %swap3A_544 = arith.index_cast %swap3A_543 : i32 to index
          %swap3A_545 = arith.index_cast %mul3A_542 : i32 to index
          %swap3A_546 = tpu.vector_load %arg14[%swap3A_544, %swap3A_545] {strides = array<i32>} : memref<128x64xf32, #tpu.memory_space<vmem>>, vector<16xf32>,
          tpu.vector_store %arg14[%swap3A_544, %swap3A_545], %gather3A_540 {strides = array<i32>} : memref<128x64xf32, #tpu.memory_space<vmem>>, vector<16xf32>,
          %broadcast_in_dim3A_547 = arith.constant 53 : i32
          %broadcast_in_dim3A_548 = vector.broadcast %broadcast_in_dim3A_547 : i32 to vector<16xi32>
          %gather3A_549 = tpu.vector_load_idx %arg12[%add3A_71, %broadcast_in_dim3A_548] : memref<64x128xf32, #tpu.memory_space<vmem>>[vector<16xi32>, vector<16xi32>], vector<16xf32>,
          %mul3A_550 = arith.constant 16 : i32
          %mul3A_551 = arith.muli %scan3A_67, %mul3A_550 : i32
          %swap3A_552 = arith.constant 53 : i32
          %swap3A_553 = arith.index_cast %swap3A_552 : i32 to index
          %swap3A_554 = arith.index_cast %mul3A_551 : i32 to index
          %swap3A_555 = tpu.vector_load %arg14[%swap3A_553, %swap3A_554] {strides = array<i32>} : memref<128x64xf32, #tpu.memory_space<vmem>>, vector<16xf32>,
          tpu.vector_store %arg14[%swap3A_553, %swap3A_554], %gather3A_549 {strides = array<i32>} : memref<128x64xf32, #tpu.memory_space<vmem>>, vector<16xf32>,
          %broadcast_in_dim3A_556 = arith.constant 54 : i32
          %broadcast_in_dim3A_557 = vector.broadcast %broadcast_in_dim3A_556 : i32 to vector<16xi32>
          %gather3A_558 = tpu.vector_load_idx %arg12[%add3A_71, %broadcast_in_dim3A_557] : memref<64x128xf32, #tpu.memory_space<vmem>>[vector<16xi32>, vector<16xi32>], vector<16xf32>,
          %mul3A_559 = arith.constant 16 : i32
          %mul3A_560 = arith.muli %scan3A_67, %mul3A_559 : i32
          %swap3A_561 = arith.constant 54 : i32
          %swap3A_562 = arith.index_cast %swap3A_561 : i32 to index
          %swap3A_563 = arith.index_cast %mul3A_560 : i32 to index
          %swap3A_564 = tpu.vector_load %arg14[%swap3A_562, %swap3A_563] {strides = array<i32>} : memref<128x64xf32, #tpu.memory_space<vmem>>, vector<16xf32>,
          tpu.vector_store %arg14[%swap3A_562, %swap3A_563], %gather3A_558 {strides = array<i32>} : memref<128x64xf32, #tpu.memory_space<vmem>>, vector<16xf32>,
          %broadcast_in_dim3A_565 = arith.constant 55 : i32
          %broadcast_in_dim3A_566 = vector.broadcast %broadcast_in_dim3A_565 : i32 to vector<16xi32>
          %gather3A_567 = tpu.vector_load_idx %arg12[%add3A_71, %broadcast_in_dim3A_566] : memref<64x128xf32, #tpu.memory_space<vmem>>[vector<16xi32>, vector<16xi32>], vector<16xf32>,
          %mul3A_568 = arith.constant 16 : i32
          %mul3A_569 = arith.muli %scan3A_67, %mul3A_568 : i32
          %swap3A_570 = arith.constant 55 : i32
          %swap3A_571 = arith.index_cast %swap3A_570 : i32 to index
          %swap3A_572 = arith.index_cast %mul3A_569 : i32 to index
          %swap3A_573 = tpu.vector_load %arg14[%swap3A_571, %swap3A_572] {strides = array<i32>} : memref<128x64xf32, #tpu.memory_space<vmem>>, vector<16xf32>,
          tpu.vector_store %arg14[%swap3A_571, %swap3A_572], %gather3A_567 {strides = array<i32>} : memref<128x64xf32, #tpu.memory_space<vmem>>, vector<16xf32>,
          %broadcast_in_dim3A_574 = arith.constant 56 : i32
          %broadcast_in_dim3A_575 = vector.broadcast %broadcast_in_dim3A_574 : i32 to vector<16xi32>
          %gather3A_576 = tpu.vector_load_idx %arg12[%add3A_71, %broadcast_in_dim3A_575] : memref<64x128xf32, #tpu.memory_space<vmem>>[vector<16xi32>, vector<16xi32>], vector<16xf32>,
          %mul3A_577 = arith.constant 16 : i32
          %mul3A_578 = arith.muli %scan3A_67, %mul3A_577 : i32
          %swap3A_579 = arith.constant 56 : i32
          %swap3A_580 = arith.index_cast %swap3A_579 : i32 to index
          %swap3A_581 = arith.index_cast %mul3A_578 : i32 to index
          %swap3A_582 = tpu.vector_load %arg14[%swap3A_580, %swap3A_581] {strides = array<i32>} : memref<128x64xf32, #tpu.memory_space<vmem>>, vector<16xf32>,
          tpu.vector_store %arg14[%swap3A_580, %swap3A_581], %gather3A_576 {strides = array<i32>} : memref<128x64xf32, #tpu.memory_space<vmem>>, vector<16xf32>,
          %broadcast_in_dim3A_583 = arith.constant 57 : i32
          %broadcast_in_dim3A_584 = vector.broadcast %broadcast_in_dim3A_583 : i32 to vector<16xi32>
          %gather3A_585 = tpu.vector_load_idx %arg12[%add3A_71, %broadcast_in_dim3A_584] : memref<64x128xf32, #tpu.memory_space<vmem>>[vector<16xi32>, vector<16xi32>], vector<16xf32>,
          %mul3A_586 = arith.constant 16 : i32
          %mul3A_587 = arith.muli %scan3A_67, %mul3A_586 : i32
          %swap3A_588 = arith.constant 57 : i32
          %swap3A_589 = arith.index_cast %swap3A_588 : i32 to index
          %swap3A_590 = arith.index_cast %mul3A_587 : i32 to index
          %swap3A_591 = tpu.vector_load %arg14[%swap3A_589, %swap3A_590] {strides = array<i32>} : memref<128x64xf32, #tpu.memory_space<vmem>>, vector<16xf32>,
          tpu.vector_store %arg14[%swap3A_589, %swap3A_590], %gather3A_585 {strides = array<i32>} : memref<128x64xf32, #tpu.memory_space<vmem>>, vector<16xf32>,
          %broadcast_in_dim3A_592 = arith.constant 58 : i32
          %broadcast_in_dim3A_593 = vector.broadcast %broadcast_in_dim3A_592 : i32 to vector<16xi32>
          %gather3A_594 = tpu.vector_load_idx %arg12[%add3A_71, %broadcast_in_dim3A_593] : memref<64x128xf32, #tpu.memory_space<vmem>>[vector<16xi32>, vector<16xi32>], vector<16xf32>,
          %mul3A_595 = arith.constant 16 : i32
          %mul3A_596 = arith.muli %scan3A_67, %mul3A_595 : i32
          %swap3A_597 = arith.constant 58 : i32
          %swap3A_598 = arith.index_cast %swap3A_597 : i32 to index
          %swap3A_599 = arith.index_cast %mul3A_596 : i32 to index
          %swap3A_600 = tpu.vector_load %arg14[%swap3A_598, %swap3A_599] {strides = array<i32>} : memref<128x64xf32, #tpu.memory_space<vmem>>, vector<16xf32>,
          tpu.vector_store %arg14[%swap3A_598, %swap3A_599], %gather3A_594 {strides = array<i32>} : memref<128x64xf32, #tpu.memory_space<vmem>>, vector<16xf32>,
          %broadcast_in_dim3A_601 = arith.constant 59 : i32
          %broadcast_in_dim3A_602 = vector.broadcast %broadcast_in_dim3A_601 : i32 to vector<16xi32>
          %gather3A_603 = tpu.vector_load_idx %arg12[%add3A_71, %broadcast_in_dim3A_602] : memref<64x128xf32, #tpu.memory_space<vmem>>[vector<16xi32>, vector<16xi32>], vector<16xf32>,
          %mul3A_604 = arith.constant 16 : i32
          %mul3A_605 = arith.muli %scan3A_67, %mul3A_604 : i32
          %swap3A_606 = arith.constant 59 : i32
          %swap3A_607 = arith.index_cast %swap3A_606 : i32 to index
          %swap3A_608 = arith.index_cast %mul3A_605 : i32 to index
          %swap3A_609 = tpu.vector_load %arg14[%swap3A_607, %swap3A_608] {strides = array<i32>} : memref<128x64xf32, #tpu.memory_space<vmem>>, vector<16xf32>,
          tpu.vector_store %arg14[%swap3A_607, %swap3A_608], %gather3A_603 {strides = array<i32>} : memref<128x64xf32, #tpu.memory_space<vmem>>, vector<16xf32>,
          %broadcast_in_dim3A_610 = arith.constant 60 : i32
          %broadcast_in_dim3A_611 = vector.broadcast %broadcast_in_dim3A_610 : i32 to vector<16xi32>
          %gather3A_612 = tpu.vector_load_idx %arg12[%add3A_71, %broadcast_in_dim3A_611] : memref<64x128xf32, #tpu.memory_space<vmem>>[vector<16xi32>, vector<16xi32>], vector<16xf32>,
          %mul3A_613 = arith.constant 16 : i32
          %mul3A_614 = arith.muli %scan3A_67, %mul3A_613 : i32
          %swap3A_615 = arith.constant 60 : i32
          %swap3A_616 = arith.index_cast %swap3A_615 : i32 to index
          %swap3A_617 = arith.index_cast %mul3A_614 : i32 to index
          %swap3A_618 = tpu.vector_load %arg14[%swap3A_616, %swap3A_617] {strides = array<i32>} : memref<128x64xf32, #tpu.memory_space<vmem>>, vector<16xf32>,
          tpu.vector_store %arg14[%swap3A_616, %swap3A_617], %gather3A_612 {strides = array<i32>} : memref<128x64xf32, #tpu.memory_space<vmem>>, vector<16xf32>,
          %broadcast_in_dim3A_619 = arith.constant 61 : i32
          %broadcast_in_dim3A_620 = vector.broadcast %broadcast_in_dim3A_619 : i32 to vector<16xi32>
          %gather3A_621 = tpu.vector_load_idx %arg12[%add3A_71, %broadcast_in_dim3A_620] : memref<64x128xf32, #tpu.memory_space<vmem>>[vector<16xi32>, vector<16xi32>], vector<16xf32>,
          %mul3A_622 = arith.constant 16 : i32
          %mul3A_623 = arith.muli %scan3A_67, %mul3A_622 : i32
          %swap3A_624 = arith.constant 61 : i32
          %swap3A_625 = arith.index_cast %swap3A_624 : i32 to index
          %swap3A_626 = arith.index_cast %mul3A_623 : i32 to index
          %swap3A_627 = tpu.vector_load %arg14[%swap3A_625, %swap3A_626] {strides = array<i32>} : memref<128x64xf32, #tpu.memory_space<vmem>>, vector<16xf32>,
          tpu.vector_store %arg14[%swap3A_625, %swap3A_626], %gather3A_621 {strides = array<i32>} : memref<128x64xf32, #tpu.memory_space<vmem>>, vector<16xf32>,
          %broadcast_in_dim3A_628 = arith.constant 62 : i32
          %broadcast_in_dim3A_629 = vector.broadcast %broadcast_in_dim3A_628 : i32 to vector<16xi32>
          %gather3A_630 = tpu.vector_load_idx %arg12[%add3A_71, %broadcast_in_dim3A_629] : memref<64x128xf32, #tpu.memory_space<vmem>>[vector<16xi32>, vector<16xi32>], vector<16xf32>,
          %mul3A_631 = arith.constant 16 : i32
          %mul3A_632 = arith.muli %scan3A_67, %mul3A_631 : i32
          %swap3A_633 = arith.constant 62 : i32
          %swap3A_634 = arith.index_cast %swap3A_633 : i32 to index
          %swap3A_635 = arith.index_cast %mul3A_632 : i32 to index
          %swap3A_636 = tpu.vector_load %arg14[%swap3A_634, %swap3A_635] {strides = array<i32>} : memref<128x64xf32, #tpu.memory_space<vmem>>, vector<16xf32>,
          tpu.vector_store %arg14[%swap3A_634, %swap3A_635], %gather3A_630 {strides = array<i32>} : memref<128x64xf32, #tpu.memory_space<vmem>>, vector<16xf32>,
          %broadcast_in_dim3A_637 = arith.constant 63 : i32
          %broadcast_in_dim3A_638 = vector.broadcast %broadcast_in_dim3A_637 : i32 to vector<16xi32>
          %gather3A_639 = tpu.vector_load_idx %arg12[%add3A_71, %broadcast_in_dim3A_638] : memref<64x128xf32, #tpu.memory_space<vmem>>[vector<16xi32>, vector<16xi32>], vector<16xf32>,
          %mul3A_640 = arith.constant 16 : i32
          %mul3A_641 = arith.muli %scan3A_67, %mul3A_640 : i32
          %swap3A_642 = arith.constant 63 : i32
          %swap3A_643 = arith.index_cast %swap3A_642 : i32 to index
          %swap3A_644 = arith.index_cast %mul3A_641 : i32 to index
          %swap3A_645 = tpu.vector_load %arg14[%swap3A_643, %swap3A_644] {strides = array<i32>} : memref<128x64xf32, #tpu.memory_space<vmem>>, vector<16xf32>,
          tpu.vector_store %arg14[%swap3A_643, %swap3A_644], %gather3A_639 {strides = array<i32>} : memref<128x64xf32, #tpu.memory_space<vmem>>, vector<16xf32>,
          %broadcast_in_dim3A_646 = arith.constant 64 : i32
          %broadcast_in_dim3A_647 = vector.broadcast %broadcast_in_dim3A_646 : i32 to vector<16xi32>
          %gather3A_648 = tpu.vector_load_idx %arg12[%add3A_71, %broadcast_in_dim3A_647] : memref<64x128xf32, #tpu.memory_space<vmem>>[vector<16xi32>, vector<16xi32>], vector<16xf32>,
          %mul3A_649 = arith.constant 16 : i32
          %mul3A_650 = arith.muli %scan3A_67, %mul3A_649 : i32
          %swap3A_651 = arith.constant 64 : i32
          %swap3A_652 = arith.index_cast %swap3A_651 : i32 to index
          %swap3A_653 = arith.index_cast %mul3A_650 : i32 to index
          %swap3A_654 = tpu.vector_load %arg14[%swap3A_652, %swap3A_653] {strides = array<i32>} : memref<128x64xf32, #tpu.memory_space<vmem>>, vector<16xf32>,
          tpu.vector_store %arg14[%swap3A_652, %swap3A_653], %gather3A_648 {strides = array<i32>} : memref<128x64xf32, #tpu.memory_space<vmem>>, vector<16xf32>,
          %broadcast_in_dim3A_655 = arith.constant 65 : i32
          %broadcast_in_dim3A_656 = vector.broadcast %broadcast_in_dim3A_655 : i32 to vector<16xi32>
          %gather3A_657 = tpu.vector_load_idx %arg12[%add3A_71, %broadcast_in_dim3A_656] : memref<64x128xf32, #tpu.memory_space<vmem>>[vector<16xi32>, vector<16xi32>], vector<16xf32>,
          %mul3A_658 = arith.constant 16 : i32
          %mul3A_659 = arith.muli %scan3A_67, %mul3A_658 : i32
          %swap3A_660 = arith.constant 65 : i32
          %swap3A_661 = arith.index_cast %swap3A_660 : i32 to index
          %swap3A_662 = arith.index_cast %mul3A_659 : i32 to index
          %swap3A_663 = tpu.vector_load %arg14[%swap3A_661, %swap3A_662] {strides = array<i32>} : memref<128x64xf32, #tpu.memory_space<vmem>>, vector<16xf32>,
          tpu.vector_store %arg14[%swap3A_661, %swap3A_662], %gather3A_657 {strides = array<i32>} : memref<128x64xf32, #tpu.memory_space<vmem>>, vector<16xf32>,
          %broadcast_in_dim3A_664 = arith.constant 66 : i32
          %broadcast_in_dim3A_665 = vector.broadcast %broadcast_in_dim3A_664 : i32 to vector<16xi32>
          %gather3A_666 = tpu.vector_load_idx %arg12[%add3A_71, %broadcast_in_dim3A_665] : memref<64x128xf32, #tpu.memory_space<vmem>>[vector<16xi32>, vector<16xi32>], vector<16xf32>,
          %mul3A_667 = arith.constant 16 : i32
          %mul3A_668 = arith.muli %scan3A_67, %mul3A_667 : i32
          %swap3A_669 = arith.constant 66 : i32
          %swap3A_670 = arith.index_cast %swap3A_669 : i32 to index
          %swap3A_671 = arith.index_cast %mul3A_668 : i32 to index
          %swap3A_672 = tpu.vector_load %arg14[%swap3A_670, %swap3A_671] {strides = array<i32>} : memref<128x64xf32, #tpu.memory_space<vmem>>, vector<16xf32>,
          tpu.vector_store %arg14[%swap3A_670, %swap3A_671], %gather3A_666 {strides = array<i32>} : memref<128x64xf32, #tpu.memory_space<vmem>>, vector<16xf32>,
          %broadcast_in_dim3A_673 = arith.constant 67 : i32
          %broadcast_in_dim3A_674 = vector.broadcast %broadcast_in_dim3A_673 : i32 to vector<16xi32>
          %gather3A_675 = tpu.vector_load_idx %arg12[%add3A_71, %broadcast_in_dim3A_674] : memref<64x128xf32, #tpu.memory_space<vmem>>[vector<16xi32>, vector<16xi32>], vector<16xf32>,
          %mul3A_676 = arith.constant 16 : i32
          %mul3A_677 = arith.muli %scan3A_67, %mul3A_676 : i32
          %swap3A_678 = arith.constant 67 : i32
          %swap3A_679 = arith.index_cast %swap3A_678 : i32 to index
          %swap3A_680 = arith.index_cast %mul3A_677 : i32 to index
          %swap3A_681 = tpu.vector_load %arg14[%swap3A_679, %swap3A_680] {strides = array<i32>} : memref<128x64xf32, #tpu.memory_space<vmem>>, vector<16xf32>,
          tpu.vector_store %arg14[%swap3A_679, %swap3A_680], %gather3A_675 {strides = array<i32>} : memref<128x64xf32, #tpu.memory_space<vmem>>, vector<16xf32>,
          %broadcast_in_dim3A_682 = arith.constant 68 : i32
          %broadcast_in_dim3A_683 = vector.broadcast %broadcast_in_dim3A_682 : i32 to vector<16xi32>
          %gather3A_684 = tpu.vector_load_idx %arg12[%add3A_71, %broadcast_in_dim3A_683] : memref<64x128xf32, #tpu.memory_space<vmem>>[vector<16xi32>, vector<16xi32>], vector<16xf32>,
          %mul3A_685 = arith.constant 16 : i32
          %mul3A_686 = arith.muli %scan3A_67, %mul3A_685 : i32
          %swap3A_687 = arith.constant 68 : i32
          %swap3A_688 = arith.index_cast %swap3A_687 : i32 to index
          %swap3A_689 = arith.index_cast %mul3A_686 : i32 to index
          %swap3A_690 = tpu.vector_load %arg14[%swap3A_688, %swap3A_689] {strides = array<i32>} : memref<128x64xf32, #tpu.memory_space<vmem>>, vector<16xf32>,
          tpu.vector_store %arg14[%swap3A_688, %swap3A_689], %gather3A_684 {strides = array<i32>} : memref<128x64xf32, #tpu.memory_space<vmem>>, vector<16xf32>,
          %broadcast_in_dim3A_691 = arith.constant 69 : i32
          %broadcast_in_dim3A_692 = vector.broadcast %broadcast_in_dim3A_691 : i32 to vector<16xi32>
          %gather3A_693 = tpu.vector_load_idx %arg12[%add3A_71, %broadcast_in_dim3A_692] : memref<64x128xf32, #tpu.memory_space<vmem>>[vector<16xi32>, vector<16xi32>], vector<16xf32>,
          %mul3A_694 = arith.constant 16 : i32
          %mul3A_695 = arith.muli %scan3A_67, %mul3A_694 : i32
          %swap3A_696 = arith.constant 69 : i32
          %swap3A_697 = arith.index_cast %swap3A_696 : i32 to index
          %swap3A_698 = arith.index_cast %mul3A_695 : i32 to index
          %swap3A_699 = tpu.vector_load %arg14[%swap3A_697, %swap3A_698] {strides = array<i32>} : memref<128x64xf32, #tpu.memory_space<vmem>>, vector<16xf32>,
          tpu.vector_store %arg14[%swap3A_697, %swap3A_698], %gather3A_693 {strides = array<i32>} : memref<128x64xf32, #tpu.memory_space<vmem>>, vector<16xf32>,
          %broadcast_in_dim3A_700 = arith.constant 70 : i32
          %broadcast_in_dim3A_701 = vector.broadcast %broadcast_in_dim3A_700 : i32 to vector<16xi32>
          %gather3A_702 = tpu.vector_load_idx %arg12[%add3A_71, %broadcast_in_dim3A_701] : memref<64x128xf32, #tpu.memory_space<vmem>>[vector<16xi32>, vector<16xi32>], vector<16xf32>,
          %mul3A_703 = arith.constant 16 : i32
          %mul3A_704 = arith.muli %scan3A_67, %mul3A_703 : i32
          %swap3A_705 = arith.constant 70 : i32
          %swap3A_706 = arith.index_cast %swap3A_705 : i32 to index
          %swap3A_707 = arith.index_cast %mul3A_704 : i32 to index
          %swap3A_708 = tpu.vector_load %arg14[%swap3A_706, %swap3A_707] {strides = array<i32>} : memref<128x64xf32, #tpu.memory_space<vmem>>, vector<16xf32>,
          tpu.vector_store %arg14[%swap3A_706, %swap3A_707], %gather3A_702 {strides = array<i32>} : memref<128x64xf32, #tpu.memory_space<vmem>>, vector<16xf32>,
          %broadcast_in_dim3A_709 = arith.constant 71 : i32
          %broadcast_in_dim3A_710 = vector.broadcast %broadcast_in_dim3A_709 : i32 to vector<16xi32>
          %gather3A_711 = tpu.vector_load_idx %arg12[%add3A_71, %broadcast_in_dim3A_710] : memref<64x128xf32, #tpu.memory_space<vmem>>[vector<16xi32>, vector<16xi32>], vector<16xf32>,
          %mul3A_712 = arith.constant 16 : i32
          %mul3A_713 = arith.muli %scan3A_67, %mul3A_712 : i32
          %swap3A_714 = arith.constant 71 : i32
          %swap3A_715 = arith.index_cast %swap3A_714 : i32 to index
          %swap3A_716 = arith.index_cast %mul3A_713 : i32 to index
          %swap3A_717 = tpu.vector_load %arg14[%swap3A_715, %swap3A_716] {strides = array<i32>} : memref<128x64xf32, #tpu.memory_space<vmem>>, vector<16xf32>,
          tpu.vector_store %arg14[%swap3A_715, %swap3A_716], %gather3A_711 {strides = array<i32>} : memref<128x64xf32, #tpu.memory_space<vmem>>, vector<16xf32>,
          %broadcast_in_dim3A_718 = arith.constant 72 : i32
          %broadcast_in_dim3A_719 = vector.broadcast %broadcast_in_dim3A_718 : i32 to vector<16xi32>
          %gather3A_720 = tpu.vector_load_idx %arg12[%add3A_71, %broadcast_in_dim3A_719] : memref<64x128xf32, #tpu.memory_space<vmem>>[vector<16xi32>, vector<16xi32>], vector<16xf32>,
          %mul3A_721 = arith.constant 16 : i32
          %mul3A_722 = arith.muli %scan3A_67, %mul3A_721 : i32
          %swap3A_723 = arith.constant 72 : i32
          %swap3A_724 = arith.index_cast %swap3A_723 : i32 to index
          %swap3A_725 = arith.index_cast %mul3A_722 : i32 to index
          %swap3A_726 = tpu.vector_load %arg14[%swap3A_724, %swap3A_725] {strides = array<i32>} : memref<128x64xf32, #tpu.memory_space<vmem>>, vector<16xf32>,
          tpu.vector_store %arg14[%swap3A_724, %swap3A_725], %gather3A_720 {strides = array<i32>} : memref<128x64xf32, #tpu.memory_space<vmem>>, vector<16xf32>,
          %broadcast_in_dim3A_727 = arith.constant 73 : i32
          %broadcast_in_dim3A_728 = vector.broadcast %broadcast_in_dim3A_727 : i32 to vector<16xi32>
          %gather3A_729 = tpu.vector_load_idx %arg12[%add3A_71, %broadcast_in_dim3A_728] : memref<64x128xf32, #tpu.memory_space<vmem>>[vector<16xi32>, vector<16xi32>], vector<16xf32>,
          %mul3A_730 = arith.constant 16 : i32
          %mul3A_731 = arith.muli %scan3A_67, %mul3A_730 : i32
          %swap3A_732 = arith.constant 73 : i32
          %swap3A_733 = arith.index_cast %swap3A_732 : i32 to index
          %swap3A_734 = arith.index_cast %mul3A_731 : i32 to index
          %swap3A_735 = tpu.vector_load %arg14[%swap3A_733, %swap3A_734] {strides = array<i32>} : memref<128x64xf32, #tpu.memory_space<vmem>>, vector<16xf32>,
          tpu.vector_store %arg14[%swap3A_733, %swap3A_734], %gather3A_729 {strides = array<i32>} : memref<128x64xf32, #tpu.memory_space<vmem>>, vector<16xf32>,
          %broadcast_in_dim3A_736 = arith.constant 74 : i32
          %broadcast_in_dim3A_737 = vector.broadcast %broadcast_in_dim3A_736 : i32 to vector<16xi32>
          %gather3A_738 = tpu.vector_load_idx %arg12[%add3A_71, %broadcast_in_dim3A_737] : memref<64x128xf32, #tpu.memory_space<vmem>>[vector<16xi32>, vector<16xi32>], vector<16xf32>,
          %mul3A_739 = arith.constant 16 : i32
          %mul3A_740 = arith.muli %scan3A_67, %mul3A_739 : i32
          %swap3A_741 = arith.constant 74 : i32
          %swap3A_742 = arith.index_cast %swap3A_741 : i32 to index
          %swap3A_743 = arith.index_cast %mul3A_740 : i32 to index
          %swap3A_744 = tpu.vector_load %arg14[%swap3A_742, %swap3A_743] {strides = array<i32>} : memref<128x64xf32, #tpu.memory_space<vmem>>, vector<16xf32>,
          tpu.vector_store %arg14[%swap3A_742, %swap3A_743], %gather3A_738 {strides = array<i32>} : memref<128x64xf32, #tpu.memory_space<vmem>>, vector<16xf32>,
          %broadcast_in_dim3A_745 = arith.constant 75 : i32
          %broadcast_in_dim3A_746 = vector.broadcast %broadcast_in_dim3A_745 : i32 to vector<16xi32>
          %gather3A_747 = tpu.vector_load_idx %arg12[%add3A_71, %broadcast_in_dim3A_746] : memref<64x128xf32, #tpu.memory_space<vmem>>[vector<16xi32>, vector<16xi32>], vector<16xf32>,
          %mul3A_748 = arith.constant 16 : i32
          %mul3A_749 = arith.muli %scan3A_67, %mul3A_748 : i32
          %swap3A_750 = arith.constant 75 : i32
          %swap3A_751 = arith.index_cast %swap3A_750 : i32 to index
          %swap3A_752 = arith.index_cast %mul3A_749 : i32 to index
          %swap3A_753 = tpu.vector_load %arg14[%swap3A_751, %swap3A_752] {strides = array<i32>} : memref<128x64xf32, #tpu.memory_space<vmem>>, vector<16xf32>,
          tpu.vector_store %arg14[%swap3A_751, %swap3A_752], %gather3A_747 {strides = array<i32>} : memref<128x64xf32, #tpu.memory_space<vmem>>, vector<16xf32>,
          %broadcast_in_dim3A_754 = arith.constant 76 : i32
          %broadcast_in_dim3A_755 = vector.broadcast %broadcast_in_dim3A_754 : i32 to vector<16xi32>
          %gather3A_756 = tpu.vector_load_idx %arg12[%add3A_71, %broadcast_in_dim3A_755] : memref<64x128xf32, #tpu.memory_space<vmem>>[vector<16xi32>, vector<16xi32>], vector<16xf32>,
          %mul3A_757 = arith.constant 16 : i32
          %mul3A_758 = arith.muli %scan3A_67, %mul3A_757 : i32
          %swap3A_759 = arith.constant 76 : i32
          %swap3A_760 = arith.index_cast %swap3A_759 : i32 to index
          %swap3A_761 = arith.index_cast %mul3A_758 : i32 to index
          %swap3A_762 = tpu.vector_load %arg14[%swap3A_760, %swap3A_761] {strides = array<i32>} : memref<128x64xf32, #tpu.memory_space<vmem>>, vector<16xf32>,
          tpu.vector_store %arg14[%swap3A_760, %swap3A_761], %gather3A_756 {strides = array<i32>} : memref<128x64xf32, #tpu.memory_space<vmem>>, vector<16xf32>,
          %broadcast_in_dim3A_763 = arith.constant 77 : i32
          %broadcast_in_dim3A_764 = vector.broadcast %broadcast_in_dim3A_763 : i32 to vector<16xi32>
          %gather3A_765 = tpu.vector_load_idx %arg12[%add3A_71, %broadcast_in_dim3A_764] : memref<64x128xf32, #tpu.memory_space<vmem>>[vector<16xi32>, vector<16xi32>], vector<16xf32>,
          %mul3A_766 = arith.constant 16 : i32
          %mul3A_767 = arith.muli %scan3A_67, %mul3A_766 : i32
          %swap3A_768 = arith.constant 77 : i32
          %swap3A_769 = arith.index_cast %swap3A_768 : i32 to index
          %swap3A_770 = arith.index_cast %mul3A_767 : i32 to index
          %swap3A_771 = tpu.vector_load %arg14[%swap3A_769, %swap3A_770] {strides = array<i32>} : memref<128x64xf32, #tpu.memory_space<vmem>>, vector<16xf32>,
          tpu.vector_store %arg14[%swap3A_769, %swap3A_770], %gather3A_765 {strides = array<i32>} : memref<128x64xf32, #tpu.memory_space<vmem>>, vector<16xf32>,
          %broadcast_in_dim3A_772 = arith.constant 78 : i32
          %broadcast_in_dim3A_773 = vector.broadcast %broadcast_in_dim3A_772 : i32 to vector<16xi32>
          %gather3A_774 = tpu.vector_load_idx %arg12[%add3A_71, %broadcast_in_dim3A_773] : memref<64x128xf32, #tpu.memory_space<vmem>>[vector<16xi32>, vector<16xi32>], vector<16xf32>,
          %mul3A_775 = arith.constant 16 : i32
          %mul3A_776 = arith.muli %scan3A_67, %mul3A_775 : i32
          %swap3A_777 = arith.constant 78 : i32
          %swap3A_778 = arith.index_cast %swap3A_777 : i32 to index
          %swap3A_779 = arith.index_cast %mul3A_776 : i32 to index
          %swap3A_780 = tpu.vector_load %arg14[%swap3A_778, %swap3A_779] {strides = array<i32>} : memref<128x64xf32, #tpu.memory_space<vmem>>, vector<16xf32>,
          tpu.vector_store %arg14[%swap3A_778, %swap3A_779], %gather3A_774 {strides = array<i32>} : memref<128x64xf32, #tpu.memory_space<vmem>>, vector<16xf32>,
          %broadcast_in_dim3A_781 = arith.constant 79 : i32
          %broadcast_in_dim3A_782 = vector.broadcast %broadcast_in_dim3A_781 : i32 to vector<16xi32>
          %gather3A_783 = tpu.vector_load_idx %arg12[%add3A_71, %broadcast_in_dim3A_782] : memref<64x128xf32, #tpu.memory_space<vmem>>[vector<16xi32>, vector<16xi32>], vector<16xf32>,
          %mul3A_784 = arith.constant 16 : i32
          %mul3A_785 = arith.muli %scan3A_67, %mul3A_784 : i32
          %swap3A_786 = arith.constant 79 : i32
          %swap3A_787 = arith.index_cast %swap3A_786 : i32 to index
          %swap3A_788 = arith.index_cast %mul3A_785 : i32 to index
          %swap3A_789 = tpu.vector_load %arg14[%swap3A_787, %swap3A_788] {strides = array<i32>} : memref<128x64xf32, #tpu.memory_space<vmem>>, vector<16xf32>,
          tpu.vector_store %arg14[%swap3A_787, %swap3A_788], %gather3A_783 {strides = array<i32>} : memref<128x64xf32, #tpu.memory_space<vmem>>, vector<16xf32>,
          %broadcast_in_dim3A_790 = arith.constant 80 : i32
          %broadcast_in_dim3A_791 = vector.broadcast %broadcast_in_dim3A_790 : i32 to vector<16xi32>
          %gather3A_792 = tpu.vector_load_idx %arg12[%add3A_71, %broadcast_in_dim3A_791] : memref<64x128xf32, #tpu.memory_space<vmem>>[vector<16xi32>, vector<16xi32>], vector<16xf32>,
          %mul3A_793 = arith.constant 16 : i32
          %mul3A_794 = arith.muli %scan3A_67, %mul3A_793 : i32
          %swap3A_795 = arith.constant 80 : i32
          %swap3A_796 = arith.index_cast %swap3A_795 : i32 to index
          %swap3A_797 = arith.index_cast %mul3A_794 : i32 to index
          %swap3A_798 = tpu.vector_load %arg14[%swap3A_796, %swap3A_797] {strides = array<i32>} : memref<128x64xf32, #tpu.memory_space<vmem>>, vector<16xf32>,
          tpu.vector_store %arg14[%swap3A_796, %swap3A_797], %gather3A_792 {strides = array<i32>} : memref<128x64xf32, #tpu.memory_space<vmem>>, vector<16xf32>,
          %broadcast_in_dim3A_799 = arith.constant 81 : i32
          %broadcast_in_dim3A_800 = vector.broadcast %broadcast_in_dim3A_799 : i32 to vector<16xi32>
          %gather3A_801 = tpu.vector_load_idx %arg12[%add3A_71, %broadcast_in_dim3A_800] : memref<64x128xf32, #tpu.memory_space<vmem>>[vector<16xi32>, vector<16xi32>], vector<16xf32>,
          %mul3A_802 = arith.constant 16 : i32
          %mul3A_803 = arith.muli %scan3A_67, %mul3A_802 : i32
          %swap3A_804 = arith.constant 81 : i32
          %swap3A_805 = arith.index_cast %swap3A_804 : i32 to index
          %swap3A_806 = arith.index_cast %mul3A_803 : i32 to index
          %swap3A_807 = tpu.vector_load %arg14[%swap3A_805, %swap3A_806] {strides = array<i32>} : memref<128x64xf32, #tpu.memory_space<vmem>>, vector<16xf32>,
          tpu.vector_store %arg14[%swap3A_805, %swap3A_806], %gather3A_801 {strides = array<i32>} : memref<128x64xf32, #tpu.memory_space<vmem>>, vector<16xf32>,
          %broadcast_in_dim3A_808 = arith.constant 82 : i32
          %broadcast_in_dim3A_809 = vector.broadcast %broadcast_in_dim3A_808 : i32 to vector<16xi32>
          %gather3A_810 = tpu.vector_load_idx %arg12[%add3A_71, %broadcast_in_dim3A_809] : memref<64x128xf32, #tpu.memory_space<vmem>>[vector<16xi32>, vector<16xi32>], vector<16xf32>,
          %mul3A_811 = arith.constant 16 : i32
          %mul3A_812 = arith.muli %scan3A_67, %mul3A_811 : i32
          %swap3A_813 = arith.constant 82 : i32
          %swap3A_814 = arith.index_cast %swap3A_813 : i32 to index
          %swap3A_815 = arith.index_cast %mul3A_812 : i32 to index
          %swap3A_816 = tpu.vector_load %arg14[%swap3A_814, %swap3A_815] {strides = array<i32>} : memref<128x64xf32, #tpu.memory_space<vmem>>, vector<16xf32>,
          tpu.vector_store %arg14[%swap3A_814, %swap3A_815], %gather3A_810 {strides = array<i32>} : memref<128x64xf32, #tpu.memory_space<vmem>>, vector<16xf32>,
          %broadcast_in_dim3A_817 = arith.constant 83 : i32
          %broadcast_in_dim3A_818 = vector.broadcast %broadcast_in_dim3A_817 : i32 to vector<16xi32>
          %gather3A_819 = tpu.vector_load_idx %arg12[%add3A_71, %broadcast_in_dim3A_818] : memref<64x128xf32, #tpu.memory_space<vmem>>[vector<16xi32>, vector<16xi32>], vector<16xf32>,
          %mul3A_820 = arith.constant 16 : i32
          %mul3A_821 = arith.muli %scan3A_67, %mul3A_820 : i32
          %swap3A_822 = arith.constant 83 : i32
          %swap3A_823 = arith.index_cast %swap3A_822 : i32 to index
          %swap3A_824 = arith.index_cast %mul3A_821 : i32 to index
          %swap3A_825 = tpu.vector_load %arg14[%swap3A_823, %swap3A_824] {strides = array<i32>} : memref<128x64xf32, #tpu.memory_space<vmem>>, vector<16xf32>,
          tpu.vector_store %arg14[%swap3A_823, %swap3A_824], %gather3A_819 {strides = array<i32>} : memref<128x64xf32, #tpu.memory_space<vmem>>, vector<16xf32>,
          %broadcast_in_dim3A_826 = arith.constant 84 : i32
          %broadcast_in_dim3A_827 = vector.broadcast %broadcast_in_dim3A_826 : i32 to vector<16xi32>
          %gather3A_828 = tpu.vector_load_idx %arg12[%add3A_71, %broadcast_in_dim3A_827] : memref<64x128xf32, #tpu.memory_space<vmem>>[vector<16xi32>, vector<16xi32>], vector<16xf32>,
          %mul3A_829 = arith.constant 16 : i32
          %mul3A_830 = arith.muli %scan3A_67, %mul3A_829 : i32
          %swap3A_831 = arith.constant 84 : i32
          %swap3A_832 = arith.index_cast %swap3A_831 : i32 to index
          %swap3A_833 = arith.index_cast %mul3A_830 : i32 to index
          %swap3A_834 = tpu.vector_load %arg14[%swap3A_832, %swap3A_833] {strides = array<i32>} : memref<128x64xf32, #tpu.memory_space<vmem>>, vector<16xf32>,
          tpu.vector_store %arg14[%swap3A_832, %swap3A_833], %gather3A_828 {strides = array<i32>} : memref<128x64xf32, #tpu.memory_space<vmem>>, vector<16xf32>,
          %broadcast_in_dim3A_835 = arith.constant 85 : i32
          %broadcast_in_dim3A_836 = vector.broadcast %broadcast_in_dim3A_835 : i32 to vector<16xi32>
          %gather3A_837 = tpu.vector_load_idx %arg12[%add3A_71, %broadcast_in_dim3A_836] : memref<64x128xf32, #tpu.memory_space<vmem>>[vector<16xi32>, vector<16xi32>], vector<16xf32>,
          %mul3A_838 = arith.constant 16 : i32
          %mul3A_839 = arith.muli %scan3A_67, %mul3A_838 : i32
          %swap3A_840 = arith.constant 85 : i32
          %swap3A_841 = arith.index_cast %swap3A_840 : i32 to index
          %swap3A_842 = arith.index_cast %mul3A_839 : i32 to index
          %swap3A_843 = tpu.vector_load %arg14[%swap3A_841, %swap3A_842] {strides = array<i32>} : memref<128x64xf32, #tpu.memory_space<vmem>>, vector<16xf32>,
          tpu.vector_store %arg14[%swap3A_841, %swap3A_842], %gather3A_837 {strides = array<i32>} : memref<128x64xf32, #tpu.memory_space<vmem>>, vector<16xf32>,
          %broadcast_in_dim3A_844 = arith.constant 86 : i32
          %broadcast_in_dim3A_845 = vector.broadcast %broadcast_in_dim3A_844 : i32 to vector<16xi32>
          %gather3A_846 = tpu.vector_load_idx %arg12[%add3A_71, %broadcast_in_dim3A_845] : memref<64x128xf32, #tpu.memory_space<vmem>>[vector<16xi32>, vector<16xi32>], vector<16xf32>,
          %mul3A_847 = arith.constant 16 : i32
          %mul3A_848 = arith.muli %scan3A_67, %mul3A_847 : i32
          %swap3A_849 = arith.constant 86 : i32
          %swap3A_850 = arith.index_cast %swap3A_849 : i32 to index
          %swap3A_851 = arith.index_cast %mul3A_848 : i32 to index
          %swap3A_852 = tpu.vector_load %arg14[%swap3A_850, %swap3A_851] {strides = array<i32>} : memref<128x64xf32, #tpu.memory_space<vmem>>, vector<16xf32>,
          tpu.vector_store %arg14[%swap3A_850, %swap3A_851], %gather3A_846 {strides = array<i32>} : memref<128x64xf32, #tpu.memory_space<vmem>>, vector<16xf32>,
          %broadcast_in_dim3A_853 = arith.constant 87 : i32
          %broadcast_in_dim3A_854 = vector.broadcast %broadcast_in_dim3A_853 : i32 to vector<16xi32>
          %gather3A_855 = tpu.vector_load_idx %arg12[%add3A_71, %broadcast_in_dim3A_854] : memref<64x128xf32, #tpu.memory_space<vmem>>[vector<16xi32>, vector<16xi32>], vector<16xf32>,
          %mul3A_856 = arith.constant 16 : i32
          %mul3A_857 = arith.muli %scan3A_67, %mul3A_856 : i32
          %swap3A_858 = arith.constant 87 : i32
          %swap3A_859 = arith.index_cast %swap3A_858 : i32 to index
          %swap3A_860 = arith.index_cast %mul3A_857 : i32 to index
          %swap3A_861 = tpu.vector_load %arg14[%swap3A_859, %swap3A_860] {strides = array<i32>} : memref<128x64xf32, #tpu.memory_space<vmem>>, vector<16xf32>,
          tpu.vector_store %arg14[%swap3A_859, %swap3A_860], %gather3A_855 {strides = array<i32>} : memref<128x64xf32, #tpu.memory_space<vmem>>, vector<16xf32>,
          %broadcast_in_dim3A_862 = arith.constant 88 : i32
          %broadcast_in_dim3A_863 = vector.broadcast %broadcast_in_dim3A_862 : i32 to vector<16xi32>
          %gather3A_864 = tpu.vector_load_idx %arg12[%add3A_71, %broadcast_in_dim3A_863] : memref<64x128xf32, #tpu.memory_space<vmem>>[vector<16xi32>, vector<16xi32>], vector<16xf32>,
          %mul3A_865 = arith.constant 16 : i32
          %mul3A_866 = arith.muli %scan3A_67, %mul3A_865 : i32
          %swap3A_867 = arith.constant 88 : i32
          %swap3A_868 = arith.index_cast %swap3A_867 : i32 to index
          %swap3A_869 = arith.index_cast %mul3A_866 : i32 to index
          %swap3A_870 = tpu.vector_load %arg14[%swap3A_868, %swap3A_869] {strides = array<i32>} : memref<128x64xf32, #tpu.memory_space<vmem>>, vector<16xf32>,
          tpu.vector_store %arg14[%swap3A_868, %swap3A_869], %gather3A_864 {strides = array<i32>} : memref<128x64xf32, #tpu.memory_space<vmem>>, vector<16xf32>,
          %broadcast_in_dim3A_871 = arith.constant 89 : i32
          %broadcast_in_dim3A_872 = vector.broadcast %broadcast_in_dim3A_871 : i32 to vector<16xi32>
          %gather3A_873 = tpu.vector_load_idx %arg12[%add3A_71, %broadcast_in_dim3A_872] : memref<64x128xf32, #tpu.memory_space<vmem>>[vector<16xi32>, vector<16xi32>], vector<16xf32>,
          %mul3A_874 = arith.constant 16 : i32
          %mul3A_875 = arith.muli %scan3A_67, %mul3A_874 : i32
          %swap3A_876 = arith.constant 89 : i32
          %swap3A_877 = arith.index_cast %swap3A_876 : i32 to index
          %swap3A_878 = arith.index_cast %mul3A_875 : i32 to index
          %swap3A_879 = tpu.vector_load %arg14[%swap3A_877, %swap3A_878] {strides = array<i32>} : memref<128x64xf32, #tpu.memory_space<vmem>>, vector<16xf32>,
          tpu.vector_store %arg14[%swap3A_877, %swap3A_878], %gather3A_873 {strides = array<i32>} : memref<128x64xf32, #tpu.memory_space<vmem>>, vector<16xf32>,
          %broadcast_in_dim3A_880 = arith.constant 90 : i32
          %broadcast_in_dim3A_881 = vector.broadcast %broadcast_in_dim3A_880 : i32 to vector<16xi32>
          %gather3A_882 = tpu.vector_load_idx %arg12[%add3A_71, %broadcast_in_dim3A_881] : memref<64x128xf32, #tpu.memory_space<vmem>>[vector<16xi32>, vector<16xi32>], vector<16xf32>,
          %mul3A_883 = arith.constant 16 : i32
          %mul3A_884 = arith.muli %scan3A_67, %mul3A_883 : i32
          %swap3A_885 = arith.constant 90 : i32
          %swap3A_886 = arith.index_cast %swap3A_885 : i32 to index
          %swap3A_887 = arith.index_cast %mul3A_884 : i32 to index
          %swap3A_888 = tpu.vector_load %arg14[%swap3A_886, %swap3A_887] {strides = array<i32>} : memref<128x64xf32, #tpu.memory_space<vmem>>, vector<16xf32>,
          tpu.vector_store %arg14[%swap3A_886, %swap3A_887], %gather3A_882 {strides = array<i32>} : memref<128x64xf32, #tpu.memory_space<vmem>>, vector<16xf32>,
          %broadcast_in_dim3A_889 = arith.constant 91 : i32
          %broadcast_in_dim3A_890 = vector.broadcast %broadcast_in_dim3A_889 : i32 to vector<16xi32>
          %gather3A_891 = tpu.vector_load_idx %arg12[%add3A_71, %broadcast_in_dim3A_890] : memref<64x128xf32, #tpu.memory_space<vmem>>[vector<16xi32>, vector<16xi32>], vector<16xf32>,
          %mul3A_892 = arith.constant 16 : i32
          %mul3A_893 = arith.muli %scan3A_67, %mul3A_892 : i32
          %swap3A_894 = arith.constant 91 : i32
          %swap3A_895 = arith.index_cast %swap3A_894 : i32 to index
          %swap3A_896 = arith.index_cast %mul3A_893 : i32 to index
          %swap3A_897 = tpu.vector_load %arg14[%swap3A_895, %swap3A_896] {strides = array<i32>} : memref<128x64xf32, #tpu.memory_space<vmem>>, vector<16xf32>,
          tpu.vector_store %arg14[%swap3A_895, %swap3A_896], %gather3A_891 {strides = array<i32>} : memref<128x64xf32, #tpu.memory_space<vmem>>, vector<16xf32>,
          %broadcast_in_dim3A_898 = arith.constant 92 : i32
          %broadcast_in_dim3A_899 = vector.broadcast %broadcast_in_dim3A_898 : i32 to vector<16xi32>
          %gather3A_900 = tpu.vector_load_idx %arg12[%add3A_71, %broadcast_in_dim3A_899] : memref<64x128xf32, #tpu.memory_space<vmem>>[vector<16xi32>, vector<16xi32>], vector<16xf32>,
          %mul3A_901 = arith.constant 16 : i32
          %mul3A_902 = arith.muli %scan3A_67, %mul3A_901 : i32
          %swap3A_903 = arith.constant 92 : i32
          %swap3A_904 = arith.index_cast %swap3A_903 : i32 to index
          %swap3A_905 = arith.index_cast %mul3A_902 : i32 to index
          %swap3A_906 = tpu.vector_load %arg14[%swap3A_904, %swap3A_905] {strides = array<i32>} : memref<128x64xf32, #tpu.memory_space<vmem>>, vector<16xf32>,
          tpu.vector_store %arg14[%swap3A_904, %swap3A_905], %gather3A_900 {strides = array<i32>} : memref<128x64xf32, #tpu.memory_space<vmem>>, vector<16xf32>,
          %broadcast_in_dim3A_907 = arith.constant 93 : i32
          %broadcast_in_dim3A_908 = vector.broadcast %broadcast_in_dim3A_907 : i32 to vector<16xi32>
          %gather3A_909 = tpu.vector_load_idx %arg12[%add3A_71, %broadcast_in_dim3A_908] : memref<64x128xf32, #tpu.memory_space<vmem>>[vector<16xi32>, vector<16xi32>], vector<16xf32>,
          %mul3A_910 = arith.constant 16 : i32
          %mul3A_911 = arith.muli %scan3A_67, %mul3A_910 : i32
          %swap3A_912 = arith.constant 93 : i32
          %swap3A_913 = arith.index_cast %swap3A_912 : i32 to index
          %swap3A_914 = arith.index_cast %mul3A_911 : i32 to index
          %swap3A_915 = tpu.vector_load %arg14[%swap3A_913, %swap3A_914] {strides = array<i32>} : memref<128x64xf32, #tpu.memory_space<vmem>>, vector<16xf32>,
          tpu.vector_store %arg14[%swap3A_913, %swap3A_914], %gather3A_909 {strides = array<i32>} : memref<128x64xf32, #tpu.memory_space<vmem>>, vector<16xf32>,
          %broadcast_in_dim3A_916 = arith.constant 94 : i32
          %broadcast_in_dim3A_917 = vector.broadcast %broadcast_in_dim3A_916 : i32 to vector<16xi32>
          %gather3A_918 = tpu.vector_load_idx %arg12[%add3A_71, %broadcast_in_dim3A_917] : memref<64x128xf32, #tpu.memory_space<vmem>>[vector<16xi32>, vector<16xi32>], vector<16xf32>,
          %mul3A_919 = arith.constant 16 : i32
          %mul3A_920 = arith.muli %scan3A_67, %mul3A_919 : i32
          %swap3A_921 = arith.constant 94 : i32
          %swap3A_922 = arith.index_cast %swap3A_921 : i32 to index
          %swap3A_923 = arith.index_cast %mul3A_920 : i32 to index
          %swap3A_924 = tpu.vector_load %arg14[%swap3A_922, %swap3A_923] {strides = array<i32>} : memref<128x64xf32, #tpu.memory_space<vmem>>, vector<16xf32>,
          tpu.vector_store %arg14[%swap3A_922, %swap3A_923], %gather3A_918 {strides = array<i32>} : memref<128x64xf32, #tpu.memory_space<vmem>>, vector<16xf32>,
          %broadcast_in_dim3A_925 = arith.constant 95 : i32
          %broadcast_in_dim3A_926 = vector.broadcast %broadcast_in_dim3A_925 : i32 to vector<16xi32>
          %gather3A_927 = tpu.vector_load_idx %arg12[%add3A_71, %broadcast_in_dim3A_926] : memref<64x128xf32, #tpu.memory_space<vmem>>[vector<16xi32>, vector<16xi32>], vector<16xf32>,
          %mul3A_928 = arith.constant 16 : i32
          %mul3A_929 = arith.muli %scan3A_67, %mul3A_928 : i32
          %swap3A_930 = arith.constant 95 : i32
          %swap3A_931 = arith.index_cast %swap3A_930 : i32 to index
          %swap3A_932 = arith.index_cast %mul3A_929 : i32 to index
          %swap3A_933 = tpu.vector_load %arg14[%swap3A_931, %swap3A_932] {strides = array<i32>} : memref<128x64xf32, #tpu.memory_space<vmem>>, vector<16xf32>,
          tpu.vector_store %arg14[%swap3A_931, %swap3A_932], %gather3A_927 {strides = array<i32>} : memref<128x64xf32, #tpu.memory_space<vmem>>, vector<16xf32>,
          %broadcast_in_dim3A_934 = arith.constant 96 : i32
          %broadcast_in_dim3A_935 = vector.broadcast %broadcast_in_dim3A_934 : i32 to vector<16xi32>
          %gather3A_936 = tpu.vector_load_idx %arg12[%add3A_71, %broadcast_in_dim3A_935] : memref<64x128xf32, #tpu.memory_space<vmem>>[vector<16xi32>, vector<16xi32>], vector<16xf32>,
          %mul3A_937 = arith.constant 16 : i32
          %mul3A_938 = arith.muli %scan3A_67, %mul3A_937 : i32
          %swap3A_939 = arith.constant 96 : i32
          %swap3A_940 = arith.index_cast %swap3A_939 : i32 to index
          %swap3A_941 = arith.index_cast %mul3A_938 : i32 to index
          %swap3A_942 = tpu.vector_load %arg14[%swap3A_940, %swap3A_941] {strides = array<i32>} : memref<128x64xf32, #tpu.memory_space<vmem>>, vector<16xf32>,
          tpu.vector_store %arg14[%swap3A_940, %swap3A_941], %gather3A_936 {strides = array<i32>} : memref<128x64xf32, #tpu.memory_space<vmem>>, vector<16xf32>,
          %broadcast_in_dim3A_943 = arith.constant 97 : i32
          %broadcast_in_dim3A_944 = vector.broadcast %broadcast_in_dim3A_943 : i32 to vector<16xi32>
          %gather3A_945 = tpu.vector_load_idx %arg12[%add3A_71, %broadcast_in_dim3A_944] : memref<64x128xf32, #tpu.memory_space<vmem>>[vector<16xi32>, vector<16xi32>], vector<16xf32>,
          %mul3A_946 = arith.constant 16 : i32
          %mul3A_947 = arith.muli %scan3A_67, %mul3A_946 : i32
          %swap3A_948 = arith.constant 97 : i32
          %swap3A_949 = arith.index_cast %swap3A_948 : i32 to index
          %swap3A_950 = arith.index_cast %mul3A_947 : i32 to index
          %swap3A_951 = tpu.vector_load %arg14[%swap3A_949, %swap3A_950] {strides = array<i32>} : memref<128x64xf32, #tpu.memory_space<vmem>>, vector<16xf32>,
          tpu.vector_store %arg14[%swap3A_949, %swap3A_950], %gather3A_945 {strides = array<i32>} : memref<128x64xf32, #tpu.memory_space<vmem>>, vector<16xf32>,
          %broadcast_in_dim3A_952 = arith.constant 98 : i32
          %broadcast_in_dim3A_953 = vector.broadcast %broadcast_in_dim3A_952 : i32 to vector<16xi32>
          %gather3A_954 = tpu.vector_load_idx %arg12[%add3A_71, %broadcast_in_dim3A_953] : memref<64x128xf32, #tpu.memory_space<vmem>>[vector<16xi32>, vector<16xi32>], vector<16xf32>,
          %mul3A_955 = arith.constant 16 : i32
          %mul3A_956 = arith.muli %scan3A_67, %mul3A_955 : i32
          %swap3A_957 = arith.constant 98 : i32
          %swap3A_958 = arith.index_cast %swap3A_957 : i32 to index
          %swap3A_959 = arith.index_cast %mul3A_956 : i32 to index
          %swap3A_960 = tpu.vector_load %arg14[%swap3A_958, %swap3A_959] {strides = array<i32>} : memref<128x64xf32, #tpu.memory_space<vmem>>, vector<16xf32>,
          tpu.vector_store %arg14[%swap3A_958, %swap3A_959], %gather3A_954 {strides = array<i32>} : memref<128x64xf32, #tpu.memory_space<vmem>>, vector<16xf32>,
          %broadcast_in_dim3A_961 = arith.constant 99 : i32
          %broadcast_in_dim3A_962 = vector.broadcast %broadcast_in_dim3A_961 : i32 to vector<16xi32>
          %gather3A_963 = tpu.vector_load_idx %arg12[%add3A_71, %broadcast_in_dim3A_962] : memref<64x128xf32, #tpu.memory_space<vmem>>[vector<16xi32>, vector<16xi32>], vector<16xf32>,
          %mul3A_964 = arith.constant 16 : i32
          %mul3A_965 = arith.muli %scan3A_67, %mul3A_964 : i32
          %swap3A_966 = arith.constant 99 : i32
          %swap3A_967 = arith.index_cast %swap3A_966 : i32 to index
          %swap3A_968 = arith.index_cast %mul3A_965 : i32 to index
          %swap3A_969 = tpu.vector_load %arg14[%swap3A_967, %swap3A_968] {strides = array<i32>} : memref<128x64xf32, #tpu.memory_space<vmem>>, vector<16xf32>,
          tpu.vector_store %arg14[%swap3A_967, %swap3A_968], %gather3A_963 {strides = array<i32>} : memref<128x64xf32, #tpu.memory_space<vmem>>, vector<16xf32>,
          %broadcast_in_dim3A_970 = arith.constant 100 : i32
          %broadcast_in_dim3A_971 = vector.broadcast %broadcast_in_dim3A_970 : i32 to vector<16xi32>
          %gather3A_972 = tpu.vector_load_idx %arg12[%add3A_71, %broadcast_in_dim3A_971] : memref<64x128xf32, #tpu.memory_space<vmem>>[vector<16xi32>, vector<16xi32>], vector<16xf32>,
          %mul3A_973 = arith.constant 16 : i32
          %mul3A_974 = arith.muli %scan3A_67, %mul3A_973 : i32
          %swap3A_975 = arith.constant 100 : i32
          %swap3A_976 = arith.index_cast %swap3A_975 : i32 to index
          %swap3A_977 = arith.index_cast %mul3A_974 : i32 to index
          %swap3A_978 = tpu.vector_load %arg14[%swap3A_976, %swap3A_977] {strides = array<i32>} : memref<128x64xf32, #tpu.memory_space<vmem>>, vector<16xf32>,
          tpu.vector_store %arg14[%swap3A_976, %swap3A_977], %gather3A_972 {strides = array<i32>} : memref<128x64xf32, #tpu.memory_space<vmem>>, vector<16xf32>,
          %broadcast_in_dim3A_979 = arith.constant 101 : i32
          %broadcast_in_dim3A_980 = vector.broadcast %broadcast_in_dim3A_979 : i32 to vector<16xi32>
          %gather3A_981 = tpu.vector_load_idx %arg12[%add3A_71, %broadcast_in_dim3A_980] : memref<64x128xf32, #tpu.memory_space<vmem>>[vector<16xi32>, vector<16xi32>], vector<16xf32>,
          %mul3A_982 = arith.constant 16 : i32
          %mul3A_983 = arith.muli %scan3A_67, %mul3A_982 : i32
          %swap3A_984 = arith.constant 101 : i32
          %swap3A_985 = arith.index_cast %swap3A_984 : i32 to index
          %swap3A_986 = arith.index_cast %mul3A_983 : i32 to index
          %swap3A_987 = tpu.vector_load %arg14[%swap3A_985, %swap3A_986] {strides = array<i32>} : memref<128x64xf32, #tpu.memory_space<vmem>>, vector<16xf32>,
          tpu.vector_store %arg14[%swap3A_985, %swap3A_986], %gather3A_981 {strides = array<i32>} : memref<128x64xf32, #tpu.memory_space<vmem>>, vector<16xf32>,
          %broadcast_in_dim3A_988 = arith.constant 102 : i32
          %broadcast_in_dim3A_989 = vector.broadcast %broadcast_in_dim3A_988 : i32 to vector<16xi32>
          %gather3A_990 = tpu.vector_load_idx %arg12[%add3A_71, %broadcast_in_dim3A_989] : memref<64x128xf32, #tpu.memory_space<vmem>>[vector<16xi32>, vector<16xi32>], vector<16xf32>,
          %mul3A_991 = arith.constant 16 : i32
          %mul3A_992 = arith.muli %scan3A_67, %mul3A_991 : i32
          %swap3A_993 = arith.constant 102 : i32
          %swap3A_994 = arith.index_cast %swap3A_993 : i32 to index
          %swap3A_995 = arith.index_cast %mul3A_992 : i32 to index
          %swap3A_996 = tpu.vector_load %arg14[%swap3A_994, %swap3A_995] {strides = array<i32>} : memref<128x64xf32, #tpu.memory_space<vmem>>, vector<16xf32>,
          tpu.vector_store %arg14[%swap3A_994, %swap3A_995], %gather3A_990 {strides = array<i32>} : memref<128x64xf32, #tpu.memory_space<vmem>>, vector<16xf32>,
          %broadcast_in_dim3A_997 = arith.constant 103 : i32
          %broadcast_in_dim3A_998 = vector.broadcast %broadcast_in_dim3A_997 : i32 to vector<16xi32>
          %gather3A_999 = tpu.vector_load_idx %arg12[%add3A_71, %broadcast_in_dim3A_998] : memref<64x128xf32, #tpu.memory_space<vmem>>[vector<16xi32>, vector<16xi32>], vector<16xf32>,
          %mul3A_1000 = arith.constant 16 : i32
          %mul3A_1001 = arith.muli %scan3A_67, %mul3A_1000 : i32
          %swap3A_1002 = arith.constant 103 : i32
          %swap3A_1003 = arith.index_cast %swap3A_1002 : i32 to index
          %swap3A_1004 = arith.index_cast %mul3A_1001 : i32 to index
          %swap3A_1005 = tpu.vector_load %arg14[%swap3A_1003, %swap3A_1004] {strides = array<i32>} : memref<128x64xf32, #tpu.memory_space<vmem>>, vector<16xf32>,
          tpu.vector_store %arg14[%swap3A_1003, %swap3A_1004], %gather3A_999 {strides = array<i32>} : memref<128x64xf32, #tpu.memory_space<vmem>>, vector<16xf32>,
          %broadcast_in_dim3A_1006 = arith.constant 104 : i32
          %broadcast_in_dim3A_1007 = vector.broadcast %broadcast_in_dim3A_1006 : i32 to vector<16xi32>
          %gather3A_1008 = tpu.vector_load_idx %arg12[%add3A_71, %broadcast_in_dim3A_1007] : memref<64x128xf32, #tpu.memory_space<vmem>>[vector<16xi32>, vector<16xi32>], vector<16xf32>,
          %mul3A_1009 = arith.constant 16 : i32
          %mul3A_1010 = arith.muli %scan3A_67, %mul3A_1009 : i32
          %swap3A_1011 = arith.constant 104 : i32
          %swap3A_1012 = arith.index_cast %swap3A_1011 : i32 to index
          %swap3A_1013 = arith.index_cast %mul3A_1010 : i32 to index
          %swap3A_1014 = tpu.vector_load %arg14[%swap3A_1012, %swap3A_1013] {strides = array<i32>} : memref<128x64xf32, #tpu.memory_space<vmem>>, vector<16xf32>,
          tpu.vector_store %arg14[%swap3A_1012, %swap3A_1013], %gather3A_1008 {strides = array<i32>} : memref<128x64xf32, #tpu.memory_space<vmem>>, vector<16xf32>,
          %broadcast_in_dim3A_1015 = arith.constant 105 : i32
          %broadcast_in_dim3A_1016 = vector.broadcast %broadcast_in_dim3A_1015 : i32 to vector<16xi32>
          %gather3A_1017 = tpu.vector_load_idx %arg12[%add3A_71, %broadcast_in_dim3A_1016] : memref<64x128xf32, #tpu.memory_space<vmem>>[vector<16xi32>, vector<16xi32>], vector<16xf32>,
          %mul3A_1018 = arith.constant 16 : i32
          %mul3A_1019 = arith.muli %scan3A_67, %mul3A_1018 : i32
          %swap3A_1020 = arith.constant 105 : i32
          %swap3A_1021 = arith.index_cast %swap3A_1020 : i32 to index
          %swap3A_1022 = arith.index_cast %mul3A_1019 : i32 to index
          %swap3A_1023 = tpu.vector_load %arg14[%swap3A_1021, %swap3A_1022] {strides = array<i32>} : memref<128x64xf32, #tpu.memory_space<vmem>>, vector<16xf32>,
          tpu.vector_store %arg14[%swap3A_1021, %swap3A_1022], %gather3A_1017 {strides = array<i32>} : memref<128x64xf32, #tpu.memory_space<vmem>>, vector<16xf32>,
          %broadcast_in_dim3A_1024 = arith.constant 106 : i32
          %broadcast_in_dim3A_1025 = vector.broadcast %broadcast_in_dim3A_1024 : i32 to vector<16xi32>
          %gather3A_1026 = tpu.vector_load_idx %arg12[%add3A_71, %broadcast_in_dim3A_1025] : memref<64x128xf32, #tpu.memory_space<vmem>>[vector<16xi32>, vector<16xi32>], vector<16xf32>,
          %mul3A_1027 = arith.constant 16 : i32
          %mul3A_1028 = arith.muli %scan3A_67, %mul3A_1027 : i32
          %swap3A_1029 = arith.constant 106 : i32
          %swap3A_1030 = arith.index_cast %swap3A_1029 : i32 to index
          %swap3A_1031 = arith.index_cast %mul3A_1028 : i32 to index
          %swap3A_1032 = tpu.vector_load %arg14[%swap3A_1030, %swap3A_1031] {strides = array<i32>} : memref<128x64xf32, #tpu.memory_space<vmem>>, vector<16xf32>,
          tpu.vector_store %arg14[%swap3A_1030, %swap3A_1031], %gather3A_1026 {strides = array<i32>} : memref<128x64xf32, #tpu.memory_space<vmem>>, vector<16xf32>,
          %broadcast_in_dim3A_1033 = arith.constant 107 : i32
          %broadcast_in_dim3A_1034 = vector.broadcast %broadcast_in_dim3A_1033 : i32 to vector<16xi32>
          %gather3A_1035 = tpu.vector_load_idx %arg12[%add3A_71, %broadcast_in_dim3A_1034] : memref<64x128xf32, #tpu.memory_space<vmem>>[vector<16xi32>, vector<16xi32>], vector<16xf32>,
          %mul3A_1036 = arith.constant 16 : i32
          %mul3A_1037 = arith.muli %scan3A_67, %mul3A_1036 : i32
          %swap3A_1038 = arith.constant 107 : i32
          %swap3A_1039 = arith.index_cast %swap3A_1038 : i32 to index
          %swap3A_1040 = arith.index_cast %mul3A_1037 : i32 to index
          %swap3A_1041 = tpu.vector_load %arg14[%swap3A_1039, %swap3A_1040] {strides = array<i32>} : memref<128x64xf32, #tpu.memory_space<vmem>>, vector<16xf32>,
          tpu.vector_store %arg14[%swap3A_1039, %swap3A_1040], %gather3A_1035 {strides = array<i32>} : memref<128x64xf32, #tpu.memory_space<vmem>>, vector<16xf32>,
          %broadcast_in_dim3A_1042 = arith.constant 108 : i32
          %broadcast_in_dim3A_1043 = vector.broadcast %broadcast_in_dim3A_1042 : i32 to vector<16xi32>
          %gather3A_1044 = tpu.vector_load_idx %arg12[%add3A_71, %broadcast_in_dim3A_1043] : memref<64x128xf32, #tpu.memory_space<vmem>>[vector<16xi32>, vector<16xi32>], vector<16xf32>,
          %mul3A_1045 = arith.constant 16 : i32
          %mul3A_1046 = arith.muli %scan3A_67, %mul3A_1045 : i32
          %swap3A_1047 = arith.constant 108 : i32
          %swap3A_1048 = arith.index_cast %swap3A_1047 : i32 to index
          %swap3A_1049 = arith.index_cast %mul3A_1046 : i32 to index
          %swap3A_1050 = tpu.vector_load %arg14[%swap3A_1048, %swap3A_1049] {strides = array<i32>} : memref<128x64xf32, #tpu.memory_space<vmem>>, vector<16xf32>,
          tpu.vector_store %arg14[%swap3A_1048, %swap3A_1049], %gather3A_1044 {strides = array<i32>} : memref<128x64xf32, #tpu.memory_space<vmem>>, vector<16xf32>,
          %broadcast_in_dim3A_1051 = arith.constant 109 : i32
          %broadcast_in_dim3A_1052 = vector.broadcast %broadcast_in_dim3A_1051 : i32 to vector<16xi32>
          %gather3A_1053 = tpu.vector_load_idx %arg12[%add3A_71, %broadcast_in_dim3A_1052] : memref<64x128xf32, #tpu.memory_space<vmem>>[vector<16xi32>, vector<16xi32>], vector<16xf32>,
          %mul3A_1054 = arith.constant 16 : i32
          %mul3A_1055 = arith.muli %scan3A_67, %mul3A_1054 : i32
          %swap3A_1056 = arith.constant 109 : i32
          %swap3A_1057 = arith.index_cast %swap3A_1056 : i32 to index
          %swap3A_1058 = arith.index_cast %mul3A_1055 : i32 to index
          %swap3A_1059 = tpu.vector_load %arg14[%swap3A_1057, %swap3A_1058] {strides = array<i32>} : memref<128x64xf32, #tpu.memory_space<vmem>>, vector<16xf32>,
          tpu.vector_store %arg14[%swap3A_1057, %swap3A_1058], %gather3A_1053 {strides = array<i32>} : memref<128x64xf32, #tpu.memory_space<vmem>>, vector<16xf32>,
          %broadcast_in_dim3A_1060 = arith.constant 110 : i32
          %broadcast_in_dim3A_1061 = vector.broadcast %broadcast_in_dim3A_1060 : i32 to vector<16xi32>
          %gather3A_1062 = tpu.vector_load_idx %arg12[%add3A_71, %broadcast_in_dim3A_1061] : memref<64x128xf32, #tpu.memory_space<vmem>>[vector<16xi32>, vector<16xi32>], vector<16xf32>,
          %mul3A_1063 = arith.constant 16 : i32
          %mul3A_1064 = arith.muli %scan3A_67, %mul3A_1063 : i32
          %swap3A_1065 = arith.constant 110 : i32
          %swap3A_1066 = arith.index_cast %swap3A_1065 : i32 to index
          %swap3A_1067 = arith.index_cast %mul3A_1064 : i32 to index
          %swap3A_1068 = tpu.vector_load %arg14[%swap3A_1066, %swap3A_1067] {strides = array<i32>} : memref<128x64xf32, #tpu.memory_space<vmem>>, vector<16xf32>,
          tpu.vector_store %arg14[%swap3A_1066, %swap3A_1067], %gather3A_1062 {strides = array<i32>} : memref<128x64xf32, #tpu.memory_space<vmem>>, vector<16xf32>,
          %broadcast_in_dim3A_1069 = arith.constant 111 : i32
          %broadcast_in_dim3A_1070 = vector.broadcast %broadcast_in_dim3A_1069 : i32 to vector<16xi32>
          %gather3A_1071 = tpu.vector_load_idx %arg12[%add3A_71, %broadcast_in_dim3A_1070] : memref<64x128xf32, #tpu.memory_space<vmem>>[vector<16xi32>, vector<16xi32>], vector<16xf32>,
          %mul3A_1072 = arith.constant 16 : i32
          %mul3A_1073 = arith.muli %scan3A_67, %mul3A_1072 : i32
          %swap3A_1074 = arith.constant 111 : i32
          %swap3A_1075 = arith.index_cast %swap3A_1074 : i32 to index
          %swap3A_1076 = arith.index_cast %mul3A_1073 : i32 to index
          %swap3A_1077 = tpu.vector_load %arg14[%swap3A_1075, %swap3A_1076] {strides = array<i32>} : memref<128x64xf32, #tpu.memory_space<vmem>>, vector<16xf32>,
          tpu.vector_store %arg14[%swap3A_1075, %swap3A_1076], %gather3A_1071 {strides = array<i32>} : memref<128x64xf32, #tpu.memory_space<vmem>>, vector<16xf32>,
          %broadcast_in_dim3A_1078 = arith.constant 112 : i32
          %broadcast_in_dim3A_1079 = vector.broadcast %broadcast_in_dim3A_1078 : i32 to vector<16xi32>
          %gather3A_1080 = tpu.vector_load_idx %arg12[%add3A_71, %broadcast_in_dim3A_1079] : memref<64x128xf32, #tpu.memory_space<vmem>>[vector<16xi32>, vector<16xi32>], vector<16xf32>,
          %mul3A_1081 = arith.constant 16 : i32
          %mul3A_1082 = arith.muli %scan3A_67, %mul3A_1081 : i32
          %swap3A_1083 = arith.constant 112 : i32
          %swap3A_1084 = arith.index_cast %swap3A_1083 : i32 to index
          %swap3A_1085 = arith.index_cast %mul3A_1082 : i32 to index
          %swap3A_1086 = tpu.vector_load %arg14[%swap3A_1084, %swap3A_1085] {strides = array<i32>} : memref<128x64xf32, #tpu.memory_space<vmem>>, vector<16xf32>,
          tpu.vector_store %arg14[%swap3A_1084, %swap3A_1085], %gather3A_1080 {strides = array<i32>} : memref<128x64xf32, #tpu.memory_space<vmem>>, vector<16xf32>,
          %broadcast_in_dim3A_1087 = arith.constant 113 : i32
          %broadcast_in_dim3A_1088 = vector.broadcast %broadcast_in_dim3A_1087 : i32 to vector<16xi32>
          %gather3A_1089 = tpu.vector_load_idx %arg12[%add3A_71, %broadcast_in_dim3A_1088] : memref<64x128xf32, #tpu.memory_space<vmem>>[vector<16xi32>, vector<16xi32>], vector<16xf32>,
          %mul3A_1090 = arith.constant 16 : i32
          %mul3A_1091 = arith.muli %scan3A_67, %mul3A_1090 : i32
          %swap3A_1092 = arith.constant 113 : i32
          %swap3A_1093 = arith.index_cast %swap3A_1092 : i32 to index
          %swap3A_1094 = arith.index_cast %mul3A_1091 : i32 to index
          %swap3A_1095 = tpu.vector_load %arg14[%swap3A_1093, %swap3A_1094] {strides = array<i32>} : memref<128x64xf32, #tpu.memory_space<vmem>>, vector<16xf32>,
          tpu.vector_store %arg14[%swap3A_1093, %swap3A_1094], %gather3A_1089 {strides = array<i32>} : memref<128x64xf32, #tpu.memory_space<vmem>>, vector<16xf32>,
          %broadcast_in_dim3A_1096 = arith.constant 114 : i32
          %broadcast_in_dim3A_1097 = vector.broadcast %broadcast_in_dim3A_1096 : i32 to vector<16xi32>
          %gather3A_1098 = tpu.vector_load_idx %arg12[%add3A_71, %broadcast_in_dim3A_1097] : memref<64x128xf32, #tpu.memory_space<vmem>>[vector<16xi32>, vector<16xi32>], vector<16xf32>,
          %mul3A_1099 = arith.constant 16 : i32
          %mul3A_1100 = arith.muli %scan3A_67, %mul3A_1099 : i32
          %swap3A_1101 = arith.constant 114 : i32
          %swap3A_1102 = arith.index_cast %swap3A_1101 : i32 to index
          %swap3A_1103 = arith.index_cast %mul3A_1100 : i32 to index
          %swap3A_1104 = tpu.vector_load %arg14[%swap3A_1102, %swap3A_1103] {strides = array<i32>} : memref<128x64xf32, #tpu.memory_space<vmem>>, vector<16xf32>,
          tpu.vector_store %arg14[%swap3A_1102, %swap3A_1103], %gather3A_1098 {strides = array<i32>} : memref<128x64xf32, #tpu.memory_space<vmem>>, vector<16xf32>,
          %broadcast_in_dim3A_1105 = arith.constant 115 : i32
          %broadcast_in_dim3A_1106 = vector.broadcast %broadcast_in_dim3A_1105 : i32 to vector<16xi32>
          %gather3A_1107 = tpu.vector_load_idx %arg12[%add3A_71, %broadcast_in_dim3A_1106] : memref<64x128xf32, #tpu.memory_space<vmem>>[vector<16xi32>, vector<16xi32>], vector<16xf32>,
          %mul3A_1108 = arith.constant 16 : i32
          %mul3A_1109 = arith.muli %scan3A_67, %mul3A_1108 : i32
          %swap3A_1110 = arith.constant 115 : i32
          %swap3A_1111 = arith.index_cast %swap3A_1110 : i32 to index
          %swap3A_1112 = arith.index_cast %mul3A_1109 : i32 to index
          %swap3A_1113 = tpu.vector_load %arg14[%swap3A_1111, %swap3A_1112] {strides = array<i32>} : memref<128x64xf32, #tpu.memory_space<vmem>>, vector<16xf32>,
          tpu.vector_store %arg14[%swap3A_1111, %swap3A_1112], %gather3A_1107 {strides = array<i32>} : memref<128x64xf32, #tpu.memory_space<vmem>>, vector<16xf32>,
          %broadcast_in_dim3A_1114 = arith.constant 116 : i32
          %broadcast_in_dim3A_1115 = vector.broadcast %broadcast_in_dim3A_1114 : i32 to vector<16xi32>
          %gather3A_1116 = tpu.vector_load_idx %arg12[%add3A_71, %broadcast_in_dim3A_1115] : memref<64x128xf32, #tpu.memory_space<vmem>>[vector<16xi32>, vector<16xi32>], vector<16xf32>,
          %mul3A_1117 = arith.constant 16 : i32
          %mul3A_1118 = arith.muli %scan3A_67, %mul3A_1117 : i32
          %swap3A_1119 = arith.constant 116 : i32
          %swap3A_1120 = arith.index_cast %swap3A_1119 : i32 to index
          %swap3A_1121 = arith.index_cast %mul3A_1118 : i32 to index
          %swap3A_1122 = tpu.vector_load %arg14[%swap3A_1120, %swap3A_1121] {strides = array<i32>} : memref<128x64xf32, #tpu.memory_space<vmem>>, vector<16xf32>,
          tpu.vector_store %arg14[%swap3A_1120, %swap3A_1121], %gather3A_1116 {strides = array<i32>} : memref<128x64xf32, #tpu.memory_space<vmem>>, vector<16xf32>,
          %broadcast_in_dim3A_1123 = arith.constant 117 : i32
          %broadcast_in_dim3A_1124 = vector.broadcast %broadcast_in_dim3A_1123 : i32 to vector<16xi32>
          %gather3A_1125 = tpu.vector_load_idx %arg12[%add3A_71, %broadcast_in_dim3A_1124] : memref<64x128xf32, #tpu.memory_space<vmem>>[vector<16xi32>, vector<16xi32>], vector<16xf32>,
          %mul3A_1126 = arith.constant 16 : i32
          %mul3A_1127 = arith.muli %scan3A_67, %mul3A_1126 : i32
          %swap3A_1128 = arith.constant 117 : i32
          %swap3A_1129 = arith.index_cast %swap3A_1128 : i32 to index
          %swap3A_1130 = arith.index_cast %mul3A_1127 : i32 to index
          %swap3A_1131 = tpu.vector_load %arg14[%swap3A_1129, %swap3A_1130] {strides = array<i32>} : memref<128x64xf32, #tpu.memory_space<vmem>>, vector<16xf32>,
          tpu.vector_store %arg14[%swap3A_1129, %swap3A_1130], %gather3A_1125 {strides = array<i32>} : memref<128x64xf32, #tpu.memory_space<vmem>>, vector<16xf32>,
          %broadcast_in_dim3A_1132 = arith.constant 118 : i32
          %broadcast_in_dim3A_1133 = vector.broadcast %broadcast_in_dim3A_1132 : i32 to vector<16xi32>
          %gather3A_1134 = tpu.vector_load_idx %arg12[%add3A_71, %broadcast_in_dim3A_1133] : memref<64x128xf32, #tpu.memory_space<vmem>>[vector<16xi32>, vector<16xi32>], vector<16xf32>,
          %mul3A_1135 = arith.constant 16 : i32
          %mul3A_1136 = arith.muli %scan3A_67, %mul3A_1135 : i32
          %swap3A_1137 = arith.constant 118 : i32
          %swap3A_1138 = arith.index_cast %swap3A_1137 : i32 to index
          %swap3A_1139 = arith.index_cast %mul3A_1136 : i32 to index
          %swap3A_1140 = tpu.vector_load %arg14[%swap3A_1138, %swap3A_1139] {strides = array<i32>} : memref<128x64xf32, #tpu.memory_space<vmem>>, vector<16xf32>,
          tpu.vector_store %arg14[%swap3A_1138, %swap3A_1139], %gather3A_1134 {strides = array<i32>} : memref<128x64xf32, #tpu.memory_space<vmem>>, vector<16xf32>,
          %broadcast_in_dim3A_1141 = arith.constant 119 : i32
          %broadcast_in_dim3A_1142 = vector.broadcast %broadcast_in_dim3A_1141 : i32 to vector<16xi32>
          %gather3A_1143 = tpu.vector_load_idx %arg12[%add3A_71, %broadcast_in_dim3A_1142] : memref<64x128xf32, #tpu.memory_space<vmem>>[vector<16xi32>, vector<16xi32>], vector<16xf32>,
          %mul3A_1144 = arith.constant 16 : i32
          %mul3A_1145 = arith.muli %scan3A_67, %mul3A_1144 : i32
          %swap3A_1146 = arith.constant 119 : i32
          %swap3A_1147 = arith.index_cast %swap3A_1146 : i32 to index
          %swap3A_1148 = arith.index_cast %mul3A_1145 : i32 to index
          %swap3A_1149 = tpu.vector_load %arg14[%swap3A_1147, %swap3A_1148] {strides = array<i32>} : memref<128x64xf32, #tpu.memory_space<vmem>>, vector<16xf32>,
          tpu.vector_store %arg14[%swap3A_1147, %swap3A_1148], %gather3A_1143 {strides = array<i32>} : memref<128x64xf32, #tpu.memory_space<vmem>>, vector<16xf32>,
          %broadcast_in_dim3A_1150 = arith.constant 120 : i32
          %broadcast_in_dim3A_1151 = vector.broadcast %broadcast_in_dim3A_1150 : i32 to vector<16xi32>
          %gather3A_1152 = tpu.vector_load_idx %arg12[%add3A_71, %broadcast_in_dim3A_1151] : memref<64x128xf32, #tpu.memory_space<vmem>>[vector<16xi32>, vector<16xi32>], vector<16xf32>,
          %mul3A_1153 = arith.constant 16 : i32
          %mul3A_1154 = arith.muli %scan3A_67, %mul3A_1153 : i32
          %swap3A_1155 = arith.constant 120 : i32
          %swap3A_1156 = arith.index_cast %swap3A_1155 : i32 to index
          %swap3A_1157 = arith.index_cast %mul3A_1154 : i32 to index
          %swap3A_1158 = tpu.vector_load %arg14[%swap3A_1156, %swap3A_1157] {strides = array<i32>} : memref<128x64xf32, #tpu.memory_space<vmem>>, vector<16xf32>,
          tpu.vector_store %arg14[%swap3A_1156, %swap3A_1157], %gather3A_1152 {strides = array<i32>} : memref<128x64xf32, #tpu.memory_space<vmem>>, vector<16xf32>,
          %broadcast_in_dim3A_1159 = arith.constant 121 : i32
          %broadcast_in_dim3A_1160 = vector.broadcast %broadcast_in_dim3A_1159 : i32 to vector<16xi32>
          %gather3A_1161 = tpu.vector_load_idx %arg12[%add3A_71, %broadcast_in_dim3A_1160] : memref<64x128xf32, #tpu.memory_space<vmem>>[vector<16xi32>, vector<16xi32>], vector<16xf32>,
          %mul3A_1162 = arith.constant 16 : i32
          %mul3A_1163 = arith.muli %scan3A_67, %mul3A_1162 : i32
          %swap3A_1164 = arith.constant 121 : i32
          %swap3A_1165 = arith.index_cast %swap3A_1164 : i32 to index
          %swap3A_1166 = arith.index_cast %mul3A_1163 : i32 to index
          %swap3A_1167 = tpu.vector_load %arg14[%swap3A_1165, %swap3A_1166] {strides = array<i32>} : memref<128x64xf32, #tpu.memory_space<vmem>>, vector<16xf32>,
          tpu.vector_store %arg14[%swap3A_1165, %swap3A_1166], %gather3A_1161 {strides = array<i32>} : memref<128x64xf32, #tpu.memory_space<vmem>>, vector<16xf32>,
          %broadcast_in_dim3A_1168 = arith.constant 122 : i32
          %broadcast_in_dim3A_1169 = vector.broadcast %broadcast_in_dim3A_1168 : i32 to vector<16xi32>
          %gather3A_1170 = tpu.vector_load_idx %arg12[%add3A_71, %broadcast_in_dim3A_1169] : memref<64x128xf32, #tpu.memory_space<vmem>>[vector<16xi32>, vector<16xi32>], vector<16xf32>,
          %mul3A_1171 = arith.constant 16 : i32
          %mul3A_1172 = arith.muli %scan3A_67, %mul3A_1171 : i32
          %swap3A_1173 = arith.constant 122 : i32
          %swap3A_1174 = arith.index_cast %swap3A_1173 : i32 to index
          %swap3A_1175 = arith.index_cast %mul3A_1172 : i32 to index
          %swap3A_1176 = tpu.vector_load %arg14[%swap3A_1174, %swap3A_1175] {strides = array<i32>} : memref<128x64xf32, #tpu.memory_space<vmem>>, vector<16xf32>,
          tpu.vector_store %arg14[%swap3A_1174, %swap3A_1175], %gather3A_1170 {strides = array<i32>} : memref<128x64xf32, #tpu.memory_space<vmem>>, vector<16xf32>,
          %broadcast_in_dim3A_1177 = arith.constant 123 : i32
          %broadcast_in_dim3A_1178 = vector.broadcast %broadcast_in_dim3A_1177 : i32 to vector<16xi32>
          %gather3A_1179 = tpu.vector_load_idx %arg12[%add3A_71, %broadcast_in_dim3A_1178] : memref<64x128xf32, #tpu.memory_space<vmem>>[vector<16xi32>, vector<16xi32>], vector<16xf32>,
          %mul3A_1180 = arith.constant 16 : i32
          %mul3A_1181 = arith.muli %scan3A_67, %mul3A_1180 : i32
          %swap3A_1182 = arith.constant 123 : i32
          %swap3A_1183 = arith.index_cast %swap3A_1182 : i32 to index
          %swap3A_1184 = arith.index_cast %mul3A_1181 : i32 to index
          %swap3A_1185 = tpu.vector_load %arg14[%swap3A_1183, %swap3A_1184] {strides = array<i32>} : memref<128x64xf32, #tpu.memory_space<vmem>>, vector<16xf32>,
          tpu.vector_store %arg14[%swap3A_1183, %swap3A_1184], %gather3A_1179 {strides = array<i32>} : memref<128x64xf32, #tpu.memory_space<vmem>>, vector<16xf32>,
          %broadcast_in_dim3A_1186 = arith.constant 124 : i32
          %broadcast_in_dim3A_1187 = vector.broadcast %broadcast_in_dim3A_1186 : i32 to vector<16xi32>
          %gather3A_1188 = tpu.vector_load_idx %arg12[%add3A_71, %broadcast_in_dim3A_1187] : memref<64x128xf32, #tpu.memory_space<vmem>>[vector<16xi32>, vector<16xi32>], vector<16xf32>,
          %mul3A_1189 = arith.constant 16 : i32
          %mul3A_1190 = arith.muli %scan3A_67, %mul3A_1189 : i32
          %swap3A_1191 = arith.constant 124 : i32
          %swap3A_1192 = arith.index_cast %swap3A_1191 : i32 to index
          %swap3A_1193 = arith.index_cast %mul3A_1190 : i32 to index
          %swap3A_1194 = tpu.vector_load %arg14[%swap3A_1192, %swap3A_1193] {strides = array<i32>} : memref<128x64xf32, #tpu.memory_space<vmem>>, vector<16xf32>,
          tpu.vector_store %arg14[%swap3A_1192, %swap3A_1193], %gather3A_1188 {strides = array<i32>} : memref<128x64xf32, #tpu.memory_space<vmem>>, vector<16xf32>,
          %broadcast_in_dim3A_1195 = arith.constant 125 : i32
          %broadcast_in_dim3A_1196 = vector.broadcast %broadcast_in_dim3A_1195 : i32 to vector<16xi32>
          %gather3A_1197 = tpu.vector_load_idx %arg12[%add3A_71, %broadcast_in_dim3A_1196] : memref<64x128xf32, #tpu.memory_space<vmem>>[vector<16xi32>, vector<16xi32>], vector<16xf32>,
          %mul3A_1198 = arith.constant 16 : i32
          %mul3A_1199 = arith.muli %scan3A_67, %mul3A_1198 : i32
          %swap3A_1200 = arith.constant 125 : i32
          %swap3A_1201 = arith.index_cast %swap3A_1200 : i32 to index
          %swap3A_1202 = arith.index_cast %mul3A_1199 : i32 to index
          %swap3A_1203 = tpu.vector_load %arg14[%swap3A_1201, %swap3A_1202] {strides = array<i32>} : memref<128x64xf32, #tpu.memory_space<vmem>>, vector<16xf32>,
          tpu.vector_store %arg14[%swap3A_1201, %swap3A_1202], %gather3A_1197 {strides = array<i32>} : memref<128x64xf32, #tpu.memory_space<vmem>>, vector<16xf32>,
          %broadcast_in_dim3A_1204 = arith.constant 126 : i32
          %broadcast_in_dim3A_1205 = vector.broadcast %broadcast_in_dim3A_1204 : i32 to vector<16xi32>
          %gather3A_1206 = tpu.vector_load_idx %arg12[%add3A_71, %broadcast_in_dim3A_1205] : memref<64x128xf32, #tpu.memory_space<vmem>>[vector<16xi32>, vector<16xi32>], vector<16xf32>,
          %mul3A_1207 = arith.constant 16 : i32
          %mul3A_1208 = arith.muli %scan3A_67, %mul3A_1207 : i32
          %swap3A_1209 = arith.constant 126 : i32
          %swap3A_1210 = arith.index_cast %swap3A_1209 : i32 to index
          %swap3A_1211 = arith.index_cast %mul3A_1208 : i32 to index
          %swap3A_1212 = tpu.vector_load %arg14[%swap3A_1210, %swap3A_1211] {strides = array<i32>} : memref<128x64xf32, #tpu.memory_space<vmem>>, vector<16xf32>,
          tpu.vector_store %arg14[%swap3A_1210, %swap3A_1211], %gather3A_1206 {strides = array<i32>} : memref<128x64xf32, #tpu.memory_space<vmem>>, vector<16xf32>,
          %broadcast_in_dim3A_1213 = arith.constant 127 : i32
          %broadcast_in_dim3A_1214 = vector.broadcast %broadcast_in_dim3A_1213 : i32 to vector<16xi32>
          %gather3A_1215 = tpu.vector_load_idx %arg12[%add3A_71, %broadcast_in_dim3A_1214] : memref<64x128xf32, #tpu.memory_space<vmem>>[vector<16xi32>, vector<16xi32>], vector<16xf32>,
          %mul3A_1216 = arith.constant 16 : i32
          %mul3A_1217 = arith.muli %scan3A_67, %mul3A_1216 : i32
          %swap3A_1218 = arith.constant 127 : i32
          %swap3A_1219 = arith.index_cast %swap3A_1218 : i32 to index
          %swap3A_1220 = arith.index_cast %mul3A_1217 : i32 to index
          %swap3A_1221 = tpu.vector_load %arg14[%swap3A_1219, %swap3A_1220] {strides = array<i32>} : memref<128x64xf32, #tpu.memory_space<vmem>>, vector<16xf32>,
          tpu.vector_store %arg14[%swap3A_1219, %swap3A_1220], %gather3A_1215 {strides = array<i32>} : memref<128x64xf32, #tpu.memory_space<vmem>>, vector<16xf32>,
        }
        %scan3A_66 = arith.constant 4 : i32
        "tpu.region"() ({
          %run_scoped3A = tpu.sem_alloc : memref<!tpu.dma_semaphore, #tpu.memory_space<semaphore_mem>>
          %dma_start3A_67 = arith.constant 112 : i32
          %dma_start3A_68 = tpu.memref_slice %arg7[%dma_start3A_67, %min3A_29] : memref<240x50000xf32, #tpu.memory_space<hbm>> -> memref<128x64xf32, #tpu.memory_space<hbm>>
          %dma_start3A_69 = arith.constant 112 : i32
          %dma_start3A_70 = tpu.memref_slice %arg7[%dma_start3A_69, %min3A_29] : memref<240x50000xf32, #tpu.memory_space<hbm>> -> memref<128x64xf32, #tpu.memory_space<hbm>>
          tpu.enqueue_dma source(%arg14 : memref<128x64xf32, #tpu.memory_space<vmem>>) target(%dma_start3A_70 : memref<128x64xf32, #tpu.memory_space<hbm>>) target_semaphore(%run_scoped3A : memref<!tpu.dma_semaphore, #tpu.memory_space<semaphore_mem>>)
          %dma_wait3A_71 = arith.constant 112 : i32
          %dma_wait3A_72 = tpu.memref_slice %arg7[%dma_wait3A_71, %min3A_29] : memref<240x50000xf32, #tpu.memory_space<hbm>> -> memref<128x64xf32, #tpu.memory_space<hbm>>
          %dma_wait3A_73 = arith.constant 112 : i32
          %dma_wait3A_74 = tpu.memref_slice %arg7[%dma_wait3A_73, %min3A_29] : memref<240x50000xf32, #tpu.memory_space<hbm>> -> memref<128x64xf32, #tpu.memory_space<hbm>>
          tpu.wait_dma2 semaphore(%run_scoped3A : memref<!tpu.dma_semaphore, #tpu.memory_space<semaphore_mem>>) src(%arg14 : memref<128x64xf32, #tpu.memory_space<vmem>>) dst(%dma_wait3A_74 : memref<128x64xf32, #tpu.memory_space<hbm>>)
          tpu.yield
        }) : () -> ()
      }
      %scan3A_18 = arith.constant 50 : i32
    } else {
    }
    %ge3A = arith.constant 16 : i32
    %ge3A_3 = arith.cmpi sge, %add3A, %ge3A : i32
    %lt3A_4 = arith.constant 27 : i32
    %lt3A_5 = arith.cmpi slt, %add3A, %lt3A_4 : i32
    %and3A = arith.andi %ge3A_3, %lt3A_5 : i1
    %convert_element_type3A_6 = arith.extui %and3A : i1 to i32
    %cond3A_7 = arith.constant 0 : i32
    %cond3A_8 = arith.cmpi ne, %convert_element_type3A_6, %cond3A_7 : i32
    scf.if %cond3A_8 {
      %sub3A = arith.constant 16 : i32
      %sub3A_14 = arith.subi %add3A, %sub3A : i32
      "tpu.region"() ({
        %run_scoped3A = tpu.sem_alloc : memref<!tpu.dma_semaphore, #tpu.memory_space<semaphore_mem>>
        tpu.enqueue_dma source(%arg3 : memref<320xf32, #tpu.memory_space<hbm>>) target(%arg18 : memref<320xf32, #tpu.memory_space<vmem>>) target_semaphore(%run_scoped3A : memref<!tpu.dma_semaphore, #tpu.memory_space<semaphore_mem>>)
        tpu.wait_dma2 semaphore(%run_scoped3A : memref<!tpu.dma_semaphore, #tpu.memory_space<semaphore_mem>>) src(%arg3 : memref<320xf32, #tpu.memory_space<hbm>>) dst(%arg18 : memref<320xf32, #tpu.memory_space<vmem>>)
        tpu.yield
      }) : () -> ()
      "tpu.region"() ({
        %run_scoped3A = tpu.sem_alloc : memref<!tpu.dma_semaphore, #tpu.memory_space<semaphore_mem>>
        tpu.enqueue_dma source(%arg4 : memref<6400xf32, #tpu.memory_space<hbm>>) target(%arg19 : memref<6400xf32, #tpu.memory_space<vmem>>) target_semaphore(%run_scoped3A : memref<!tpu.dma_semaphore, #tpu.memory_space<semaphore_mem>>)
        tpu.wait_dma2 semaphore(%run_scoped3A : memref<!tpu.dma_semaphore, #tpu.memory_space<semaphore_mem>>) src(%arg4 : memref<6400xf32, #tpu.memory_space<hbm>>) dst(%arg19 : memref<6400xf32, #tpu.memory_space<vmem>>)
        tpu.yield
      }) : () -> ()
      "tpu.region"() ({
        %run_scoped3A = tpu.sem_alloc : memref<!tpu.dma_semaphore, #tpu.memory_space<semaphore_mem>>
        %dma_start3A = arith.constant 0 : i32
        %dma_start3A_20 = tpu.memref_slice %arg5[%dma_start3A] : memref<128000xf32, #tpu.memory_space<hbm>> -> memref<64000xf32, #tpu.memory_space<hbm>>
        %dma_start3A_21 = arith.constant 0 : i32
        %dma_start3A_22 = tpu.memref_slice %arg5[%dma_start3A_21] : memref<128000xf32, #tpu.memory_space<hbm>> -> memref<64000xf32, #tpu.memory_space<hbm>>
        tpu.enqueue_dma source(%dma_start3A_22 : memref<64000xf32, #tpu.memory_space<hbm>>) target(%arg20 : memref<64000xf32, #tpu.memory_space<vmem>>) target_semaphore(%run_scoped3A : memref<!tpu.dma_semaphore, #tpu.memory_space<semaphore_mem>>)
        %dma_wait3A = arith.constant 0 : i32
        %dma_wait3A_23 = tpu.memref_slice %arg5[%dma_wait3A] : memref<128000xf32, #tpu.memory_space<hbm>> -> memref<64000xf32, #tpu.memory_space<hbm>>
        %dma_wait3A_24 = arith.constant 0 : i32
        %dma_wait3A_25 = tpu.memref_slice %arg5[%dma_wait3A_24] : memref<128000xf32, #tpu.memory_space<hbm>> -> memref<64000xf32, #tpu.memory_space<hbm>>
        tpu.wait_dma2 semaphore(%run_scoped3A : memref<!tpu.dma_semaphore, #tpu.memory_space<semaphore_mem>>) src(%dma_wait3A_25 : memref<64000xf32, #tpu.memory_space<hbm>>) dst(%arg20 : memref<64000xf32, #tpu.memory_space<vmem>>)
        tpu.yield
      }) : () -> ()
      %scan3A = arith.constant 0 : i32
      %scan3A_15 = arith.constant 0 : i32
      %scan3A_16 = arith.constant 36 : i32
      %scan3A_17 = arith.addi %scan3A_15, %scan3A_16 : i32
      %scan3A_18 = arith.constant 1 : i32
      scf.for %scan3A_20 = %scan3A_15 to %scan3A_17 step %scan3A_18  : i32 {
        %min3A = arith.constant 35 : i32
        %min3A_21 = arith.minsi %scan3A_20, %min3A : i32
        %mul3A_22 = arith.constant 11 : i32
        %mul3A_23 = arith.muli %min3A_21, %mul3A_22 : i32
        %add3A_24 = arith.addi %mul3A_23, %sub3A_14 : i32
        %min3A_25 = arith.constant 390 : i32
        %min3A_26 = arith.minsi %add3A_24, %min3A_25 : i32
        %mul3A_27 = arith.constant 128 : i32
        %mul3A_28 = arith.muli %min3A_26, %mul3A_27 : i32
        %min3A_29 = arith.constant 49872 : i32
        %min3A_30 = arith.minsi %mul3A_28, %min3A_29 : i32
        %add3A_31 = arith.constant 0 : i32
        %add3A_32 = arith.addi %add3A_31, %min3A_30 : i32
        %dma_start3A = arith.constant 0 : i32
        %dma_start3A_33 = tpu.memref_slice %arg10[%dma_start3A] : memref<384xi32, #tpu.memory_space<vmem>> -> memref<128xi32, #tpu.memory_space<vmem>>
        %dma_start3A_34 = tpu.memref_slice %arg2[%add3A_32] : memref<200000xi32, #tpu.memory_space<hbm>> -> memref<128xi32, #tpu.memory_space<hbm>>
        %dma_start3A_35 = arith.constant 0 : i32
        %dma_start3A_36 = tpu.memref_slice %arg10[%dma_start3A_35] : memref<384xi32, #tpu.memory_space<vmem>> -> memref<128xi32, #tpu.memory_space<vmem>>
        %dma_start3A_37 = tpu.memref_slice %arg2[%add3A_32] : memref<200000xi32, #tpu.memory_space<hbm>> -> memref<128xi32, #tpu.memory_space<hbm>>
        tpu.enqueue_dma source(%dma_start3A_37 : memref<128xi32, #tpu.memory_space<hbm>>) target(%dma_start3A_36 : memref<128xi32, #tpu.memory_space<vmem>>) target_semaphore(%arg21 : memref<!tpu.dma_semaphore, #tpu.memory_space<semaphore_mem>>)
        %add3A_38 = arith.constant 50000 : i32
        %add3A_39 = arith.addi %add3A_38, %min3A_30 : i32
        %dma_start3A_40 = arith.constant 128 : i32
        %dma_start3A_41 = tpu.memref_slice %arg10[%dma_start3A_40] : memref<384xi32, #tpu.memory_space<vmem>> -> memref<128xi32, #tpu.memory_space<vmem>>
        %dma_start3A_42 = tpu.memref_slice %arg2[%add3A_39] : memref<200000xi32, #tpu.memory_space<hbm>> -> memref<128xi32, #tpu.memory_space<hbm>>
        %dma_start3A_43 = arith.constant 128 : i32
        %dma_start3A_44 = tpu.memref_slice %arg10[%dma_start3A_43] : memref<384xi32, #tpu.memory_space<vmem>> -> memref<128xi32, #tpu.memory_space<vmem>>
        %dma_start3A_45 = tpu.memref_slice %arg2[%add3A_39] : memref<200000xi32, #tpu.memory_space<hbm>> -> memref<128xi32, #tpu.memory_space<hbm>>
        tpu.enqueue_dma source(%dma_start3A_45 : memref<128xi32, #tpu.memory_space<hbm>>) target(%dma_start3A_44 : memref<128xi32, #tpu.memory_space<vmem>>) target_semaphore(%arg21 : memref<!tpu.dma_semaphore, #tpu.memory_space<semaphore_mem>>)
        %add3A_46 = arith.constant 100000 : i32
        %add3A_47 = arith.addi %add3A_46, %min3A_30 : i32
        %dma_start3A_48 = arith.constant 256 : i32
        %dma_start3A_49 = tpu.memref_slice %arg10[%dma_start3A_48] : memref<384xi32, #tpu.memory_space<vmem>> -> memref<128xi32, #tpu.memory_space<vmem>>
        %dma_start3A_50 = tpu.memref_slice %arg2[%add3A_47] : memref<200000xi32, #tpu.memory_space<hbm>> -> memref<128xi32, #tpu.memory_space<hbm>>
        %dma_start3A_51 = arith.constant 256 : i32
        %dma_start3A_52 = tpu.memref_slice %arg10[%dma_start3A_51] : memref<384xi32, #tpu.memory_space<vmem>> -> memref<128xi32, #tpu.memory_space<vmem>>
        %dma_start3A_53 = tpu.memref_slice %arg2[%add3A_47] : memref<200000xi32, #tpu.memory_space<hbm>> -> memref<128xi32, #tpu.memory_space<hbm>>
        tpu.enqueue_dma source(%dma_start3A_53 : memref<128xi32, #tpu.memory_space<hbm>>) target(%dma_start3A_52 : memref<128xi32, #tpu.memory_space<vmem>>) target_semaphore(%arg21 : memref<!tpu.dma_semaphore, #tpu.memory_space<semaphore_mem>>)
        %add3A_54 = arith.constant 0 : i32
        %add3A_55 = arith.addi %add3A_54, %min3A_30 : i32
        %dma_wait3A = arith.constant 0 : i32
        %dma_wait3A_56 = tpu.memref_slice %arg10[%dma_wait3A] : memref<384xi32, #tpu.memory_space<vmem>> -> memref<128xi32, #tpu.memory_space<vmem>>
        %dma_wait3A_57 = tpu.memref_slice %arg2[%add3A_55] : memref<200000xi32, #tpu.memory_space<hbm>> -> memref<128xi32, #tpu.memory_space<hbm>>
        %dma_wait3A_58 = arith.constant 0 : i32
        %dma_wait3A_59 = tpu.memref_slice %arg10[%dma_wait3A_58] : memref<384xi32, #tpu.memory_space<vmem>> -> memref<128xi32, #tpu.memory_space<vmem>>
        %dma_wait3A_60 = tpu.memref_slice %arg2[%add3A_55] : memref<200000xi32, #tpu.memory_space<hbm>> -> memref<128xi32, #tpu.memory_space<hbm>>
        tpu.wait_dma2 semaphore(%arg21 : memref<!tpu.dma_semaphore, #tpu.memory_space<semaphore_mem>>) src(%dma_wait3A_60 : memref<128xi32, #tpu.memory_space<hbm>>) dst(%dma_wait3A_59 : memref<128xi32, #tpu.memory_space<vmem>>)
        %add3A_61 = arith.constant 50000 : i32
        %add3A_62 = arith.addi %add3A_61, %min3A_30 : i32
        %dma_wait3A_63 = arith.constant 128 : i32
        %dma_wait3A_64 = tpu.memref_slice %arg10[%dma_wait3A_63] : memref<384xi32, #tpu.memory_space<vmem>> -> memref<128xi32, #tpu.memory_space<vmem>>
        %dma_wait3A_65 = tpu.memref_slice %arg2[%add3A_62] : memref<200000xi32, #tpu.memory_space<hbm>> -> memref<128xi32, #tpu.memory_space<hbm>>
        %dma_wait3A_66 = arith.constant 128 : i32
        %dma_wait3A_67 = tpu.memref_slice %arg10[%dma_wait3A_66] : memref<384xi32, #tpu.memory_space<vmem>> -> memref<128xi32, #tpu.memory_space<vmem>>
        %dma_wait3A_68 = tpu.memref_slice %arg2[%add3A_62] : memref<200000xi32, #tpu.memory_space<hbm>> -> memref<128xi32, #tpu.memory_space<hbm>>
        tpu.wait_dma2 semaphore(%arg21 : memref<!tpu.dma_semaphore, #tpu.memory_space<semaphore_mem>>) src(%dma_wait3A_68 : memref<128xi32, #tpu.memory_space<hbm>>) dst(%dma_wait3A_67 : memref<128xi32, #tpu.memory_space<vmem>>)
        %add3A_69 = arith.constant 100000 : i32
        %add3A_70 = arith.addi %add3A_69, %min3A_30 : i32
        %dma_wait3A_71 = arith.constant 256 : i32
        %dma_wait3A_72 = tpu.memref_slice %arg10[%dma_wait3A_71] : memref<384xi32, #tpu.memory_space<vmem>> -> memref<128xi32, #tpu.memory_space<vmem>>
        %dma_wait3A_73 = tpu.memref_slice %arg2[%add3A_70] : memref<200000xi32, #tpu.memory_space<hbm>> -> memref<128xi32, #tpu.memory_space<hbm>>
        %dma_wait3A_74 = arith.constant 256 : i32
        %dma_wait3A_75 = tpu.memref_slice %arg10[%dma_wait3A_74] : memref<384xi32, #tpu.memory_space<vmem>> -> memref<128xi32, #tpu.memory_space<vmem>>
        %dma_wait3A_76 = tpu.memref_slice %arg2[%add3A_70] : memref<200000xi32, #tpu.memory_space<hbm>> -> memref<128xi32, #tpu.memory_space<hbm>>
        tpu.wait_dma2 semaphore(%arg21 : memref<!tpu.dma_semaphore, #tpu.memory_space<semaphore_mem>>) src(%dma_wait3A_76 : memref<128xi32, #tpu.memory_space<hbm>>) dst(%dma_wait3A_75 : memref<128xi32, #tpu.memory_space<vmem>>)
        %get3A = arith.constant 0 : i32
        %get3A_77 = tpu.memref_slice %arg10[%get3A] : memref<384xi32, #tpu.memory_space<vmem>> -> memref<128xi32, #tpu.memory_space<vmem>>
        %get3A_78 = arith.constant 0 : index
        %get3A_79 = tpu.vector_load %get3A_77[%get3A_78] {strides = array<i32>} : memref<128xi32, #tpu.memory_space<vmem>>, vector<16xi32>,
        %sub3A_80 = arith.constant 1 : i32
        %sub3A_81 = vector.broadcast %sub3A_80 : i32 to vector<16xi32>
        %sub3A_82 = arith.subi %get3A_79, %sub3A_81 : vector<16xi32>
        %swap3A = arith.constant 0 : i32
        %swap3A_83 = tpu.memref_slice %arg10[%swap3A] : memref<384xi32, #tpu.memory_space<vmem>> -> memref<128xi32, #tpu.memory_space<vmem>>
        %swap3A_84 = arith.constant 0 : index
        %swap3A_85 = tpu.vector_load %swap3A_83[%swap3A_84] {strides = array<i32>} : memref<128xi32, #tpu.memory_space<vmem>>, vector<16xi32>,
        tpu.vector_store %swap3A_83[%swap3A_84], %sub3A_82 {strides = array<i32>} : memref<128xi32, #tpu.memory_space<vmem>>, vector<16xi32>,
        %get3A_86 = arith.constant 0 : i32
        %get3A_87 = tpu.memref_slice %arg10[%get3A_86] : memref<384xi32, #tpu.memory_space<vmem>> -> memref<128xi32, #tpu.memory_space<vmem>>
        %get3A_88 = arith.constant 16 : index
        %get3A_89 = tpu.vector_load %get3A_87[%get3A_88] {strides = array<i32>} : memref<128xi32, #tpu.memory_space<vmem>>, vector<16xi32>,
        %sub3A_90 = arith.constant 1 : i32
        %sub3A_91 = vector.broadcast %sub3A_90 : i32 to vector<16xi32>
        %sub3A_92 = arith.subi %get3A_89, %sub3A_91 : vector<16xi32>
        %swap3A_93 = arith.constant 0 : i32
        %swap3A_94 = tpu.memref_slice %arg10[%swap3A_93] : memref<384xi32, #tpu.memory_space<vmem>> -> memref<128xi32, #tpu.memory_space<vmem>>
        %swap3A_95 = arith.constant 16 : index
        %swap3A_96 = tpu.vector_load %swap3A_94[%swap3A_95] {strides = array<i32>} : memref<128xi32, #tpu.memory_space<vmem>>, vector<16xi32>,
        tpu.vector_store %swap3A_94[%swap3A_95], %sub3A_92 {strides = array<i32>} : memref<128xi32, #tpu.memory_space<vmem>>, vector<16xi32>,
        %get3A_97 = arith.constant 0 : i32
        %get3A_98 = tpu.memref_slice %arg10[%get3A_97] : memref<384xi32, #tpu.memory_space<vmem>> -> memref<128xi32, #tpu.memory_space<vmem>>
        %get3A_99 = arith.constant 32 : index
        %get3A_100 = tpu.vector_load %get3A_98[%get3A_99] {strides = array<i32>} : memref<128xi32, #tpu.memory_space<vmem>>, vector<16xi32>,
        %sub3A_101 = arith.constant 1 : i32
        %sub3A_102 = vector.broadcast %sub3A_101 : i32 to vector<16xi32>
        %sub3A_103 = arith.subi %get3A_100, %sub3A_102 : vector<16xi32>
        %swap3A_104 = arith.constant 0 : i32
        %swap3A_105 = tpu.memref_slice %arg10[%swap3A_104] : memref<384xi32, #tpu.memory_space<vmem>> -> memref<128xi32, #tpu.memory_space<vmem>>
        %swap3A_106 = arith.constant 32 : index
        %swap3A_107 = tpu.vector_load %swap3A_105[%swap3A_106] {strides = array<i32>} : memref<128xi32, #tpu.memory_space<vmem>>, vector<16xi32>,
        tpu.vector_store %swap3A_105[%swap3A_106], %sub3A_103 {strides = array<i32>} : memref<128xi32, #tpu.memory_space<vmem>>, vector<16xi32>,
        %get3A_108 = arith.constant 0 : i32
        %get3A_109 = tpu.memref_slice %arg10[%get3A_108] : memref<384xi32, #tpu.memory_space<vmem>> -> memref<128xi32, #tpu.memory_space<vmem>>
        %get3A_110 = arith.constant 48 : index
        %get3A_111 = tpu.vector_load %get3A_109[%get3A_110] {strides = array<i32>} : memref<128xi32, #tpu.memory_space<vmem>>, vector<16xi32>,
        %sub3A_112 = arith.constant 1 : i32
        %sub3A_113 = vector.broadcast %sub3A_112 : i32 to vector<16xi32>
        %sub3A_114 = arith.subi %get3A_111, %sub3A_113 : vector<16xi32>
        %swap3A_115 = arith.constant 0 : i32
        %swap3A_116 = tpu.memref_slice %arg10[%swap3A_115] : memref<384xi32, #tpu.memory_space<vmem>> -> memref<128xi32, #tpu.memory_space<vmem>>
        %swap3A_117 = arith.constant 48 : index
        %swap3A_118 = tpu.vector_load %swap3A_116[%swap3A_117] {strides = array<i32>} : memref<128xi32, #tpu.memory_space<vmem>>, vector<16xi32>,
        tpu.vector_store %swap3A_116[%swap3A_117], %sub3A_114 {strides = array<i32>} : memref<128xi32, #tpu.memory_space<vmem>>, vector<16xi32>,
        %get3A_119 = arith.constant 0 : i32
        %get3A_120 = tpu.memref_slice %arg10[%get3A_119] : memref<384xi32, #tpu.memory_space<vmem>> -> memref<128xi32, #tpu.memory_space<vmem>>
        %get3A_121 = arith.constant 64 : index
        %get3A_122 = tpu.vector_load %get3A_120[%get3A_121] {strides = array<i32>} : memref<128xi32, #tpu.memory_space<vmem>>, vector<16xi32>,
        %sub3A_123 = arith.constant 1 : i32
        %sub3A_124 = vector.broadcast %sub3A_123 : i32 to vector<16xi32>
        %sub3A_125 = arith.subi %get3A_122, %sub3A_124 : vector<16xi32>
        %swap3A_126 = arith.constant 0 : i32
        %swap3A_127 = tpu.memref_slice %arg10[%swap3A_126] : memref<384xi32, #tpu.memory_space<vmem>> -> memref<128xi32, #tpu.memory_space<vmem>>
        %swap3A_128 = arith.constant 64 : index
        %swap3A_129 = tpu.vector_load %swap3A_127[%swap3A_128] {strides = array<i32>} : memref<128xi32, #tpu.memory_space<vmem>>, vector<16xi32>,
        tpu.vector_store %swap3A_127[%swap3A_128], %sub3A_125 {strides = array<i32>} : memref<128xi32, #tpu.memory_space<vmem>>, vector<16xi32>,
        %get3A_130 = arith.constant 0 : i32
        %get3A_131 = tpu.memref_slice %arg10[%get3A_130] : memref<384xi32, #tpu.memory_space<vmem>> -> memref<128xi32, #tpu.memory_space<vmem>>
        %get3A_132 = arith.constant 80 : index
        %get3A_133 = tpu.vector_load %get3A_131[%get3A_132] {strides = array<i32>} : memref<128xi32, #tpu.memory_space<vmem>>, vector<16xi32>,
        %sub3A_134 = arith.constant 1 : i32
        %sub3A_135 = vector.broadcast %sub3A_134 : i32 to vector<16xi32>
        %sub3A_136 = arith.subi %get3A_133, %sub3A_135 : vector<16xi32>
        %swap3A_137 = arith.constant 0 : i32
        %swap3A_138 = tpu.memref_slice %arg10[%swap3A_137] : memref<384xi32, #tpu.memory_space<vmem>> -> memref<128xi32, #tpu.memory_space<vmem>>
        %swap3A_139 = arith.constant 80 : index
        %swap3A_140 = tpu.vector_load %swap3A_138[%swap3A_139] {strides = array<i32>} : memref<128xi32, #tpu.memory_space<vmem>>, vector<16xi32>,
        tpu.vector_store %swap3A_138[%swap3A_139], %sub3A_136 {strides = array<i32>} : memref<128xi32, #tpu.memory_space<vmem>>, vector<16xi32>,
        %get3A_141 = arith.constant 0 : i32
        %get3A_142 = tpu.memref_slice %arg10[%get3A_141] : memref<384xi32, #tpu.memory_space<vmem>> -> memref<128xi32, #tpu.memory_space<vmem>>
        %get3A_143 = arith.constant 96 : index
        %get3A_144 = tpu.vector_load %get3A_142[%get3A_143] {strides = array<i32>} : memref<128xi32, #tpu.memory_space<vmem>>, vector<16xi32>,
        %sub3A_145 = arith.constant 1 : i32
        %sub3A_146 = vector.broadcast %sub3A_145 : i32 to vector<16xi32>
        %sub3A_147 = arith.subi %get3A_144, %sub3A_146 : vector<16xi32>
        %swap3A_148 = arith.constant 0 : i32
        %swap3A_149 = tpu.memref_slice %arg10[%swap3A_148] : memref<384xi32, #tpu.memory_space<vmem>> -> memref<128xi32, #tpu.memory_space<vmem>>
        %swap3A_150 = arith.constant 96 : index
        %swap3A_151 = tpu.vector_load %swap3A_149[%swap3A_150] {strides = array<i32>} : memref<128xi32, #tpu.memory_space<vmem>>, vector<16xi32>,
        tpu.vector_store %swap3A_149[%swap3A_150], %sub3A_147 {strides = array<i32>} : memref<128xi32, #tpu.memory_space<vmem>>, vector<16xi32>,
        %get3A_152 = arith.constant 0 : i32
        %get3A_153 = tpu.memref_slice %arg10[%get3A_152] : memref<384xi32, #tpu.memory_space<vmem>> -> memref<128xi32, #tpu.memory_space<vmem>>
        %get3A_154 = arith.constant 112 : index
        %get3A_155 = tpu.vector_load %get3A_153[%get3A_154] {strides = array<i32>} : memref<128xi32, #tpu.memory_space<vmem>>, vector<16xi32>,
        %sub3A_156 = arith.constant 1 : i32
        %sub3A_157 = vector.broadcast %sub3A_156 : i32 to vector<16xi32>
        %sub3A_158 = arith.subi %get3A_155, %sub3A_157 : vector<16xi32>
        %swap3A_159 = arith.constant 0 : i32
        %swap3A_160 = tpu.memref_slice %arg10[%swap3A_159] : memref<384xi32, #tpu.memory_space<vmem>> -> memref<128xi32, #tpu.memory_space<vmem>>
        %swap3A_161 = arith.constant 112 : index
        %swap3A_162 = tpu.vector_load %swap3A_160[%swap3A_161] {strides = array<i32>} : memref<128xi32, #tpu.memory_space<vmem>>, vector<16xi32>,
        tpu.vector_store %swap3A_160[%swap3A_161], %sub3A_158 {strides = array<i32>} : memref<128xi32, #tpu.memory_space<vmem>>, vector<16xi32>,
        %get3A_163 = arith.constant 128 : i32
        %get3A_164 = tpu.memref_slice %arg10[%get3A_163] : memref<384xi32, #tpu.memory_space<vmem>> -> memref<128xi32, #tpu.memory_space<vmem>>
        %get3A_165 = arith.constant 0 : index
        %get3A_166 = tpu.vector_load %get3A_164[%get3A_165] {strides = array<i32>} : memref<128xi32, #tpu.memory_space<vmem>>, vector<16xi32>,
        %sub3A_167 = arith.constant 1 : i32
        %sub3A_168 = vector.broadcast %sub3A_167 : i32 to vector<16xi32>
        %sub3A_169 = arith.subi %get3A_166, %sub3A_168 : vector<16xi32>
        %swap3A_170 = arith.constant 128 : i32
        %swap3A_171 = tpu.memref_slice %arg10[%swap3A_170] : memref<384xi32, #tpu.memory_space<vmem>> -> memref<128xi32, #tpu.memory_space<vmem>>
        %swap3A_172 = arith.constant 0 : index
        %swap3A_173 = tpu.vector_load %swap3A_171[%swap3A_172] {strides = array<i32>} : memref<128xi32, #tpu.memory_space<vmem>>, vector<16xi32>,
        tpu.vector_store %swap3A_171[%swap3A_172], %sub3A_169 {strides = array<i32>} : memref<128xi32, #tpu.memory_space<vmem>>, vector<16xi32>,
        %get3A_174 = arith.constant 128 : i32
        %get3A_175 = tpu.memref_slice %arg10[%get3A_174] : memref<384xi32, #tpu.memory_space<vmem>> -> memref<128xi32, #tpu.memory_space<vmem>>
        %get3A_176 = arith.constant 16 : index
        %get3A_177 = tpu.vector_load %get3A_175[%get3A_176] {strides = array<i32>} : memref<128xi32, #tpu.memory_space<vmem>>, vector<16xi32>,
        %sub3A_178 = arith.constant 1 : i32
        %sub3A_179 = vector.broadcast %sub3A_178 : i32 to vector<16xi32>
        %sub3A_180 = arith.subi %get3A_177, %sub3A_179 : vector<16xi32>
        %swap3A_181 = arith.constant 128 : i32
        %swap3A_182 = tpu.memref_slice %arg10[%swap3A_181] : memref<384xi32, #tpu.memory_space<vmem>> -> memref<128xi32, #tpu.memory_space<vmem>>
        %swap3A_183 = arith.constant 16 : index
        %swap3A_184 = tpu.vector_load %swap3A_182[%swap3A_183] {strides = array<i32>} : memref<128xi32, #tpu.memory_space<vmem>>, vector<16xi32>,
        tpu.vector_store %swap3A_182[%swap3A_183], %sub3A_180 {strides = array<i32>} : memref<128xi32, #tpu.memory_space<vmem>>, vector<16xi32>,
        %get3A_185 = arith.constant 128 : i32
        %get3A_186 = tpu.memref_slice %arg10[%get3A_185] : memref<384xi32, #tpu.memory_space<vmem>> -> memref<128xi32, #tpu.memory_space<vmem>>
        %get3A_187 = arith.constant 32 : index
        %get3A_188 = tpu.vector_load %get3A_186[%get3A_187] {strides = array<i32>} : memref<128xi32, #tpu.memory_space<vmem>>, vector<16xi32>,
        %sub3A_189 = arith.constant 1 : i32
        %sub3A_190 = vector.broadcast %sub3A_189 : i32 to vector<16xi32>
        %sub3A_191 = arith.subi %get3A_188, %sub3A_190 : vector<16xi32>
        %swap3A_192 = arith.constant 128 : i32
        %swap3A_193 = tpu.memref_slice %arg10[%swap3A_192] : memref<384xi32, #tpu.memory_space<vmem>> -> memref<128xi32, #tpu.memory_space<vmem>>
        %swap3A_194 = arith.constant 32 : index
        %swap3A_195 = tpu.vector_load %swap3A_193[%swap3A_194] {strides = array<i32>} : memref<128xi32, #tpu.memory_space<vmem>>, vector<16xi32>,
        tpu.vector_store %swap3A_193[%swap3A_194], %sub3A_191 {strides = array<i32>} : memref<128xi32, #tpu.memory_space<vmem>>, vector<16xi32>,
        %get3A_196 = arith.constant 128 : i32
        %get3A_197 = tpu.memref_slice %arg10[%get3A_196] : memref<384xi32, #tpu.memory_space<vmem>> -> memref<128xi32, #tpu.memory_space<vmem>>
        %get3A_198 = arith.constant 48 : index
        %get3A_199 = tpu.vector_load %get3A_197[%get3A_198] {strides = array<i32>} : memref<128xi32, #tpu.memory_space<vmem>>, vector<16xi32>,
        %sub3A_200 = arith.constant 1 : i32
        %sub3A_201 = vector.broadcast %sub3A_200 : i32 to vector<16xi32>
        %sub3A_202 = arith.subi %get3A_199, %sub3A_201 : vector<16xi32>
        %swap3A_203 = arith.constant 128 : i32
        %swap3A_204 = tpu.memref_slice %arg10[%swap3A_203] : memref<384xi32, #tpu.memory_space<vmem>> -> memref<128xi32, #tpu.memory_space<vmem>>
        %swap3A_205 = arith.constant 48 : index
        %swap3A_206 = tpu.vector_load %swap3A_204[%swap3A_205] {strides = array<i32>} : memref<128xi32, #tpu.memory_space<vmem>>, vector<16xi32>,
        tpu.vector_store %swap3A_204[%swap3A_205], %sub3A_202 {strides = array<i32>} : memref<128xi32, #tpu.memory_space<vmem>>, vector<16xi32>,
        %get3A_207 = arith.constant 128 : i32
        %get3A_208 = tpu.memref_slice %arg10[%get3A_207] : memref<384xi32, #tpu.memory_space<vmem>> -> memref<128xi32, #tpu.memory_space<vmem>>
        %get3A_209 = arith.constant 64 : index
        %get3A_210 = tpu.vector_load %get3A_208[%get3A_209] {strides = array<i32>} : memref<128xi32, #tpu.memory_space<vmem>>, vector<16xi32>,
        %sub3A_211 = arith.constant 1 : i32
        %sub3A_212 = vector.broadcast %sub3A_211 : i32 to vector<16xi32>
        %sub3A_213 = arith.subi %get3A_210, %sub3A_212 : vector<16xi32>
        %swap3A_214 = arith.constant 128 : i32
        %swap3A_215 = tpu.memref_slice %arg10[%swap3A_214] : memref<384xi32, #tpu.memory_space<vmem>> -> memref<128xi32, #tpu.memory_space<vmem>>
        %swap3A_216 = arith.constant 64 : index
        %swap3A_217 = tpu.vector_load %swap3A_215[%swap3A_216] {strides = array<i32>} : memref<128xi32, #tpu.memory_space<vmem>>, vector<16xi32>,
        tpu.vector_store %swap3A_215[%swap3A_216], %sub3A_213 {strides = array<i32>} : memref<128xi32, #tpu.memory_space<vmem>>, vector<16xi32>,
        %get3A_218 = arith.constant 128 : i32
        %get3A_219 = tpu.memref_slice %arg10[%get3A_218] : memref<384xi32, #tpu.memory_space<vmem>> -> memref<128xi32, #tpu.memory_space<vmem>>
        %get3A_220 = arith.constant 80 : index
        %get3A_221 = tpu.vector_load %get3A_219[%get3A_220] {strides = array<i32>} : memref<128xi32, #tpu.memory_space<vmem>>, vector<16xi32>,
        %sub3A_222 = arith.constant 1 : i32
        %sub3A_223 = vector.broadcast %sub3A_222 : i32 to vector<16xi32>
        %sub3A_224 = arith.subi %get3A_221, %sub3A_223 : vector<16xi32>
        %swap3A_225 = arith.constant 128 : i32
        %swap3A_226 = tpu.memref_slice %arg10[%swap3A_225] : memref<384xi32, #tpu.memory_space<vmem>> -> memref<128xi32, #tpu.memory_space<vmem>>
        %swap3A_227 = arith.constant 80 : index
        %swap3A_228 = tpu.vector_load %swap3A_226[%swap3A_227] {strides = array<i32>} : memref<128xi32, #tpu.memory_space<vmem>>, vector<16xi32>,
        tpu.vector_store %swap3A_226[%swap3A_227], %sub3A_224 {strides = array<i32>} : memref<128xi32, #tpu.memory_space<vmem>>, vector<16xi32>,
        %get3A_229 = arith.constant 128 : i32
        %get3A_230 = tpu.memref_slice %arg10[%get3A_229] : memref<384xi32, #tpu.memory_space<vmem>> -> memref<128xi32, #tpu.memory_space<vmem>>
        %get3A_231 = arith.constant 96 : index
        %get3A_232 = tpu.vector_load %get3A_230[%get3A_231] {strides = array<i32>} : memref<128xi32, #tpu.memory_space<vmem>>, vector<16xi32>,
        %sub3A_233 = arith.constant 1 : i32
        %sub3A_234 = vector.broadcast %sub3A_233 : i32 to vector<16xi32>
        %sub3A_235 = arith.subi %get3A_232, %sub3A_234 : vector<16xi32>
        %swap3A_236 = arith.constant 128 : i32
        %swap3A_237 = tpu.memref_slice %arg10[%swap3A_236] : memref<384xi32, #tpu.memory_space<vmem>> -> memref<128xi32, #tpu.memory_space<vmem>>
        %swap3A_238 = arith.constant 96 : index
        %swap3A_239 = tpu.vector_load %swap3A_237[%swap3A_238] {strides = array<i32>} : memref<128xi32, #tpu.memory_space<vmem>>, vector<16xi32>,
        tpu.vector_store %swap3A_237[%swap3A_238], %sub3A_235 {strides = array<i32>} : memref<128xi32, #tpu.memory_space<vmem>>, vector<16xi32>,
        %get3A_240 = arith.constant 128 : i32
        %get3A_241 = tpu.memref_slice %arg10[%get3A_240] : memref<384xi32, #tpu.memory_space<vmem>> -> memref<128xi32, #tpu.memory_space<vmem>>
        %get3A_242 = arith.constant 112 : index
        %get3A_243 = tpu.vector_load %get3A_241[%get3A_242] {strides = array<i32>} : memref<128xi32, #tpu.memory_space<vmem>>, vector<16xi32>,
        %sub3A_244 = arith.constant 1 : i32
        %sub3A_245 = vector.broadcast %sub3A_244 : i32 to vector<16xi32>
        %sub3A_246 = arith.subi %get3A_243, %sub3A_245 : vector<16xi32>
        %swap3A_247 = arith.constant 128 : i32
        %swap3A_248 = tpu.memref_slice %arg10[%swap3A_247] : memref<384xi32, #tpu.memory_space<vmem>> -> memref<128xi32, #tpu.memory_space<vmem>>
        %swap3A_249 = arith.constant 112 : index
        %swap3A_250 = tpu.vector_load %swap3A_248[%swap3A_249] {strides = array<i32>} : memref<128xi32, #tpu.memory_space<vmem>>, vector<16xi32>,
        tpu.vector_store %swap3A_248[%swap3A_249], %sub3A_246 {strides = array<i32>} : memref<128xi32, #tpu.memory_space<vmem>>, vector<16xi32>,
        %get3A_251 = arith.constant 256 : i32
        %get3A_252 = tpu.memref_slice %arg10[%get3A_251] : memref<384xi32, #tpu.memory_space<vmem>> -> memref<128xi32, #tpu.memory_space<vmem>>
        %get3A_253 = arith.constant 0 : index
        %get3A_254 = tpu.vector_load %get3A_252[%get3A_253] {strides = array<i32>} : memref<128xi32, #tpu.memory_space<vmem>>, vector<16xi32>,
        %sub3A_255 = arith.constant 1 : i32
        %sub3A_256 = vector.broadcast %sub3A_255 : i32 to vector<16xi32>
        %sub3A_257 = arith.subi %get3A_254, %sub3A_256 : vector<16xi32>
        %swap3A_258 = arith.constant 256 : i32
        %swap3A_259 = tpu.memref_slice %arg10[%swap3A_258] : memref<384xi32, #tpu.memory_space<vmem>> -> memref<128xi32, #tpu.memory_space<vmem>>
        %swap3A_260 = arith.constant 0 : index
        %swap3A_261 = tpu.vector_load %swap3A_259[%swap3A_260] {strides = array<i32>} : memref<128xi32, #tpu.memory_space<vmem>>, vector<16xi32>,
        tpu.vector_store %swap3A_259[%swap3A_260], %sub3A_257 {strides = array<i32>} : memref<128xi32, #tpu.memory_space<vmem>>, vector<16xi32>,
        %get3A_262 = arith.constant 256 : i32
        %get3A_263 = tpu.memref_slice %arg10[%get3A_262] : memref<384xi32, #tpu.memory_space<vmem>> -> memref<128xi32, #tpu.memory_space<vmem>>
        %get3A_264 = arith.constant 16 : index
        %get3A_265 = tpu.vector_load %get3A_263[%get3A_264] {strides = array<i32>} : memref<128xi32, #tpu.memory_space<vmem>>, vector<16xi32>,
        %sub3A_266 = arith.constant 1 : i32
        %sub3A_267 = vector.broadcast %sub3A_266 : i32 to vector<16xi32>
        %sub3A_268 = arith.subi %get3A_265, %sub3A_267 : vector<16xi32>
        %swap3A_269 = arith.constant 256 : i32
        %swap3A_270 = tpu.memref_slice %arg10[%swap3A_269] : memref<384xi32, #tpu.memory_space<vmem>> -> memref<128xi32, #tpu.memory_space<vmem>>
        %swap3A_271 = arith.constant 16 : index
        %swap3A_272 = tpu.vector_load %swap3A_270[%swap3A_271] {strides = array<i32>} : memref<128xi32, #tpu.memory_space<vmem>>, vector<16xi32>,
        tpu.vector_store %swap3A_270[%swap3A_271], %sub3A_268 {strides = array<i32>} : memref<128xi32, #tpu.memory_space<vmem>>, vector<16xi32>,
        %get3A_273 = arith.constant 256 : i32
        %get3A_274 = tpu.memref_slice %arg10[%get3A_273] : memref<384xi32, #tpu.memory_space<vmem>> -> memref<128xi32, #tpu.memory_space<vmem>>
        %get3A_275 = arith.constant 32 : index
        %get3A_276 = tpu.vector_load %get3A_274[%get3A_275] {strides = array<i32>} : memref<128xi32, #tpu.memory_space<vmem>>, vector<16xi32>,
        %sub3A_277 = arith.constant 1 : i32
        %sub3A_278 = vector.broadcast %sub3A_277 : i32 to vector<16xi32>
        %sub3A_279 = arith.subi %get3A_276, %sub3A_278 : vector<16xi32>
        %swap3A_280 = arith.constant 256 : i32
        %swap3A_281 = tpu.memref_slice %arg10[%swap3A_280] : memref<384xi32, #tpu.memory_space<vmem>> -> memref<128xi32, #tpu.memory_space<vmem>>
        %swap3A_282 = arith.constant 32 : index
        %swap3A_283 = tpu.vector_load %swap3A_281[%swap3A_282] {strides = array<i32>} : memref<128xi32, #tpu.memory_space<vmem>>, vector<16xi32>,
        tpu.vector_store %swap3A_281[%swap3A_282], %sub3A_279 {strides = array<i32>} : memref<128xi32, #tpu.memory_space<vmem>>, vector<16xi32>,
        %get3A_284 = arith.constant 256 : i32
        %get3A_285 = tpu.memref_slice %arg10[%get3A_284] : memref<384xi32, #tpu.memory_space<vmem>> -> memref<128xi32, #tpu.memory_space<vmem>>
        %get3A_286 = arith.constant 48 : index
        %get3A_287 = tpu.vector_load %get3A_285[%get3A_286] {strides = array<i32>} : memref<128xi32, #tpu.memory_space<vmem>>, vector<16xi32>,
        %sub3A_288 = arith.constant 1 : i32
        %sub3A_289 = vector.broadcast %sub3A_288 : i32 to vector<16xi32>
        %sub3A_290 = arith.subi %get3A_287, %sub3A_289 : vector<16xi32>
        %swap3A_291 = arith.constant 256 : i32
        %swap3A_292 = tpu.memref_slice %arg10[%swap3A_291] : memref<384xi32, #tpu.memory_space<vmem>> -> memref<128xi32, #tpu.memory_space<vmem>>
        %swap3A_293 = arith.constant 48 : index
        %swap3A_294 = tpu.vector_load %swap3A_292[%swap3A_293] {strides = array<i32>} : memref<128xi32, #tpu.memory_space<vmem>>, vector<16xi32>,
        tpu.vector_store %swap3A_292[%swap3A_293], %sub3A_290 {strides = array<i32>} : memref<128xi32, #tpu.memory_space<vmem>>, vector<16xi32>,
        %get3A_295 = arith.constant 256 : i32
        %get3A_296 = tpu.memref_slice %arg10[%get3A_295] : memref<384xi32, #tpu.memory_space<vmem>> -> memref<128xi32, #tpu.memory_space<vmem>>
        %get3A_297 = arith.constant 64 : index
        %get3A_298 = tpu.vector_load %get3A_296[%get3A_297] {strides = array<i32>} : memref<128xi32, #tpu.memory_space<vmem>>, vector<16xi32>,
        %sub3A_299 = arith.constant 1 : i32
        %sub3A_300 = vector.broadcast %sub3A_299 : i32 to vector<16xi32>
        %sub3A_301 = arith.subi %get3A_298, %sub3A_300 : vector<16xi32>
        %swap3A_302 = arith.constant 256 : i32
        %swap3A_303 = tpu.memref_slice %arg10[%swap3A_302] : memref<384xi32, #tpu.memory_space<vmem>> -> memref<128xi32, #tpu.memory_space<vmem>>
        %swap3A_304 = arith.constant 64 : index
        %swap3A_305 = tpu.vector_load %swap3A_303[%swap3A_304] {strides = array<i32>} : memref<128xi32, #tpu.memory_space<vmem>>, vector<16xi32>,
        tpu.vector_store %swap3A_303[%swap3A_304], %sub3A_301 {strides = array<i32>} : memref<128xi32, #tpu.memory_space<vmem>>, vector<16xi32>,
        %get3A_306 = arith.constant 256 : i32
        %get3A_307 = tpu.memref_slice %arg10[%get3A_306] : memref<384xi32, #tpu.memory_space<vmem>> -> memref<128xi32, #tpu.memory_space<vmem>>
        %get3A_308 = arith.constant 80 : index
        %get3A_309 = tpu.vector_load %get3A_307[%get3A_308] {strides = array<i32>} : memref<128xi32, #tpu.memory_space<vmem>>, vector<16xi32>,
        %sub3A_310 = arith.constant 1 : i32
        %sub3A_311 = vector.broadcast %sub3A_310 : i32 to vector<16xi32>
        %sub3A_312 = arith.subi %get3A_309, %sub3A_311 : vector<16xi32>
        %swap3A_313 = arith.constant 256 : i32
        %swap3A_314 = tpu.memref_slice %arg10[%swap3A_313] : memref<384xi32, #tpu.memory_space<vmem>> -> memref<128xi32, #tpu.memory_space<vmem>>
        %swap3A_315 = arith.constant 80 : index
        %swap3A_316 = tpu.vector_load %swap3A_314[%swap3A_315] {strides = array<i32>} : memref<128xi32, #tpu.memory_space<vmem>>, vector<16xi32>,
        tpu.vector_store %swap3A_314[%swap3A_315], %sub3A_312 {strides = array<i32>} : memref<128xi32, #tpu.memory_space<vmem>>, vector<16xi32>,
        %get3A_317 = arith.constant 256 : i32
        %get3A_318 = tpu.memref_slice %arg10[%get3A_317] : memref<384xi32, #tpu.memory_space<vmem>> -> memref<128xi32, #tpu.memory_space<vmem>>
        %get3A_319 = arith.constant 96 : index
        %get3A_320 = tpu.vector_load %get3A_318[%get3A_319] {strides = array<i32>} : memref<128xi32, #tpu.memory_space<vmem>>, vector<16xi32>,
        %sub3A_321 = arith.constant 1 : i32
        %sub3A_322 = vector.broadcast %sub3A_321 : i32 to vector<16xi32>
        %sub3A_323 = arith.subi %get3A_320, %sub3A_322 : vector<16xi32>
        %swap3A_324 = arith.constant 256 : i32
        %swap3A_325 = tpu.memref_slice %arg10[%swap3A_324] : memref<384xi32, #tpu.memory_space<vmem>> -> memref<128xi32, #tpu.memory_space<vmem>>
        %swap3A_326 = arith.constant 96 : index
        %swap3A_327 = tpu.vector_load %swap3A_325[%swap3A_326] {strides = array<i32>} : memref<128xi32, #tpu.memory_space<vmem>>, vector<16xi32>,
        tpu.vector_store %swap3A_325[%swap3A_326], %sub3A_323 {strides = array<i32>} : memref<128xi32, #tpu.memory_space<vmem>>, vector<16xi32>,
        %get3A_328 = arith.constant 256 : i32
        %get3A_329 = tpu.memref_slice %arg10[%get3A_328] : memref<384xi32, #tpu.memory_space<vmem>> -> memref<128xi32, #tpu.memory_space<vmem>>
        %get3A_330 = arith.constant 112 : index
        %get3A_331 = tpu.vector_load %get3A_329[%get3A_330] {strides = array<i32>} : memref<128xi32, #tpu.memory_space<vmem>>, vector<16xi32>,
        %sub3A_332 = arith.constant 1 : i32
        %sub3A_333 = vector.broadcast %sub3A_332 : i32 to vector<16xi32>
        %sub3A_334 = arith.subi %get3A_331, %sub3A_333 : vector<16xi32>
        %swap3A_335 = arith.constant 256 : i32
        %swap3A_336 = tpu.memref_slice %arg10[%swap3A_335] : memref<384xi32, #tpu.memory_space<vmem>> -> memref<128xi32, #tpu.memory_space<vmem>>
        %swap3A_337 = arith.constant 112 : index
        %swap3A_338 = tpu.vector_load %swap3A_336[%swap3A_337] {strides = array<i32>} : memref<128xi32, #tpu.memory_space<vmem>>, vector<16xi32>,
        tpu.vector_store %swap3A_336[%swap3A_337], %sub3A_334 {strides = array<i32>} : memref<128xi32, #tpu.memory_space<vmem>>, vector<16xi32>,
        %scan3A_339 = arith.constant 0 : i32
        %scan3A_340 = arith.constant 0 : i32
        %scan3A_341 = arith.constant 8 : i32
        %scan3A_342 = arith.addi %scan3A_340, %scan3A_341 : i32
        %scan3A_343 = arith.constant 1 : i32
        scf.for %scan3A_345 = %scan3A_340 to %scan3A_342 step %scan3A_343  : i32 {
          %mul3A_346 = arith.constant 16 : i32
          %mul3A_347 = arith.muli %scan3A_345, %mul3A_346 : i32
          %get3A_348 = arith.constant 0 : i32
          %get3A_349 = tpu.memref_slice %arg10[%get3A_348] : memref<384xi32, #tpu.memory_space<vmem>> -> memref<128xi32, #tpu.memory_space<vmem>>
          %get3A_350 = arith.index_cast %mul3A_347 : i32 to index
          %get3A_351 = tpu.vector_load %get3A_349[%get3A_350] {strides = array<i32>} : memref<128xi32, #tpu.memory_space<vmem>>, vector<16xi32>,
          %add3A_352 = arith.constant 0 : i32
          %add3A_353 = vector.broadcast %add3A_352 : i32 to vector<16xi32>
          %add3A_354 = arith.addi %get3A_351, %add3A_353 : vector<16xi32>
          %gather3A = tpu.vector_load_idx %arg18[%add3A_354] : memref<320xf32, #tpu.memory_space<vmem>>[vector<16xi32>], vector<16xf32>,
          %mul3A_355 = arith.constant 16 : i32
          %mul3A_356 = arith.muli %scan3A_345, %mul3A_355 : i32
          %swap3A_357 = arith.constant 0 : i32
          %swap3A_358 = arith.index_cast %swap3A_357 : i32 to index
          %swap3A_359 = arith.index_cast %mul3A_356 : i32 to index
          %swap3A_360 = tpu.vector_load %arg16[%swap3A_358, %swap3A_359] {strides = array<i32>} : memref<80x128xf32, #tpu.memory_space<vmem>>, vector<16xf32>,
          tpu.vector_store %arg16[%swap3A_358, %swap3A_359], %gather3A {strides = array<i32>} : memref<80x128xf32, #tpu.memory_space<vmem>>, vector<16xf32>,
          %add3A_361 = arith.constant 20 : i32
          %add3A_362 = vector.broadcast %add3A_361 : i32 to vector<16xi32>
          %add3A_363 = arith.addi %get3A_351, %add3A_362 : vector<16xi32>
          %gather3A_364 = tpu.vector_load_idx %arg18[%add3A_363] : memref<320xf32, #tpu.memory_space<vmem>>[vector<16xi32>], vector<16xf32>,
          %mul3A_365 = arith.constant 16 : i32
          %mul3A_366 = arith.muli %scan3A_345, %mul3A_365 : i32
          %swap3A_367 = arith.constant 1 : i32
          %swap3A_368 = arith.index_cast %swap3A_367 : i32 to index
          %swap3A_369 = arith.index_cast %mul3A_366 : i32 to index
          %swap3A_370 = tpu.vector_load %arg16[%swap3A_368, %swap3A_369] {strides = array<i32>} : memref<80x128xf32, #tpu.memory_space<vmem>>, vector<16xf32>,
          tpu.vector_store %arg16[%swap3A_368, %swap3A_369], %gather3A_364 {strides = array<i32>} : memref<80x128xf32, #tpu.memory_space<vmem>>, vector<16xf32>,
          %add3A_371 = arith.constant 40 : i32
          %add3A_372 = vector.broadcast %add3A_371 : i32 to vector<16xi32>
          %add3A_373 = arith.addi %get3A_351, %add3A_372 : vector<16xi32>
          %gather3A_374 = tpu.vector_load_idx %arg18[%add3A_373] : memref<320xf32, #tpu.memory_space<vmem>>[vector<16xi32>], vector<16xf32>,
          %mul3A_375 = arith.constant 16 : i32
          %mul3A_376 = arith.muli %scan3A_345, %mul3A_375 : i32
          %swap3A_377 = arith.constant 2 : i32
          %swap3A_378 = arith.index_cast %swap3A_377 : i32 to index
          %swap3A_379 = arith.index_cast %mul3A_376 : i32 to index
          %swap3A_380 = tpu.vector_load %arg16[%swap3A_378, %swap3A_379] {strides = array<i32>} : memref<80x128xf32, #tpu.memory_space<vmem>>, vector<16xf32>,
          tpu.vector_store %arg16[%swap3A_378, %swap3A_379], %gather3A_374 {strides = array<i32>} : memref<80x128xf32, #tpu.memory_space<vmem>>, vector<16xf32>,
          %add3A_381 = arith.constant 60 : i32
          %add3A_382 = vector.broadcast %add3A_381 : i32 to vector<16xi32>
          %add3A_383 = arith.addi %get3A_351, %add3A_382 : vector<16xi32>
          %gather3A_384 = tpu.vector_load_idx %arg18[%add3A_383] : memref<320xf32, #tpu.memory_space<vmem>>[vector<16xi32>], vector<16xf32>,
          %mul3A_385 = arith.constant 16 : i32
          %mul3A_386 = arith.muli %scan3A_345, %mul3A_385 : i32
          %swap3A_387 = arith.constant 3 : i32
          %swap3A_388 = arith.index_cast %swap3A_387 : i32 to index
          %swap3A_389 = arith.index_cast %mul3A_386 : i32 to index
          %swap3A_390 = tpu.vector_load %arg16[%swap3A_388, %swap3A_389] {strides = array<i32>} : memref<80x128xf32, #tpu.memory_space<vmem>>, vector<16xf32>,
          tpu.vector_store %arg16[%swap3A_388, %swap3A_389], %gather3A_384 {strides = array<i32>} : memref<80x128xf32, #tpu.memory_space<vmem>>, vector<16xf32>,
          %add3A_391 = arith.constant 80 : i32
          %add3A_392 = vector.broadcast %add3A_391 : i32 to vector<16xi32>
          %add3A_393 = arith.addi %get3A_351, %add3A_392 : vector<16xi32>
          %gather3A_394 = tpu.vector_load_idx %arg18[%add3A_393] : memref<320xf32, #tpu.memory_space<vmem>>[vector<16xi32>], vector<16xf32>,
          %mul3A_395 = arith.constant 16 : i32
          %mul3A_396 = arith.muli %scan3A_345, %mul3A_395 : i32
          %swap3A_397 = arith.constant 4 : i32
          %swap3A_398 = arith.index_cast %swap3A_397 : i32 to index
          %swap3A_399 = arith.index_cast %mul3A_396 : i32 to index
          %swap3A_400 = tpu.vector_load %arg16[%swap3A_398, %swap3A_399] {strides = array<i32>} : memref<80x128xf32, #tpu.memory_space<vmem>>, vector<16xf32>,
          tpu.vector_store %arg16[%swap3A_398, %swap3A_399], %gather3A_394 {strides = array<i32>} : memref<80x128xf32, #tpu.memory_space<vmem>>, vector<16xf32>,
          %add3A_401 = arith.constant 100 : i32
          %add3A_402 = vector.broadcast %add3A_401 : i32 to vector<16xi32>
          %add3A_403 = arith.addi %get3A_351, %add3A_402 : vector<16xi32>
          %gather3A_404 = tpu.vector_load_idx %arg18[%add3A_403] : memref<320xf32, #tpu.memory_space<vmem>>[vector<16xi32>], vector<16xf32>,
          %mul3A_405 = arith.constant 16 : i32
          %mul3A_406 = arith.muli %scan3A_345, %mul3A_405 : i32
          %swap3A_407 = arith.constant 5 : i32
          %swap3A_408 = arith.index_cast %swap3A_407 : i32 to index
          %swap3A_409 = arith.index_cast %mul3A_406 : i32 to index
          %swap3A_410 = tpu.vector_load %arg16[%swap3A_408, %swap3A_409] {strides = array<i32>} : memref<80x128xf32, #tpu.memory_space<vmem>>, vector<16xf32>,
          tpu.vector_store %arg16[%swap3A_408, %swap3A_409], %gather3A_404 {strides = array<i32>} : memref<80x128xf32, #tpu.memory_space<vmem>>, vector<16xf32>,
          %add3A_411 = arith.constant 120 : i32
          %add3A_412 = vector.broadcast %add3A_411 : i32 to vector<16xi32>
          %add3A_413 = arith.addi %get3A_351, %add3A_412 : vector<16xi32>
          %gather3A_414 = tpu.vector_load_idx %arg18[%add3A_413] : memref<320xf32, #tpu.memory_space<vmem>>[vector<16xi32>], vector<16xf32>,
          %mul3A_415 = arith.constant 16 : i32
          %mul3A_416 = arith.muli %scan3A_345, %mul3A_415 : i32
          %swap3A_417 = arith.constant 6 : i32
          %swap3A_418 = arith.index_cast %swap3A_417 : i32 to index
          %swap3A_419 = arith.index_cast %mul3A_416 : i32 to index
          %swap3A_420 = tpu.vector_load %arg16[%swap3A_418, %swap3A_419] {strides = array<i32>} : memref<80x128xf32, #tpu.memory_space<vmem>>, vector<16xf32>,
          tpu.vector_store %arg16[%swap3A_418, %swap3A_419], %gather3A_414 {strides = array<i32>} : memref<80x128xf32, #tpu.memory_space<vmem>>, vector<16xf32>,
          %add3A_421 = arith.constant 140 : i32
          %add3A_422 = vector.broadcast %add3A_421 : i32 to vector<16xi32>
          %add3A_423 = arith.addi %get3A_351, %add3A_422 : vector<16xi32>
          %gather3A_424 = tpu.vector_load_idx %arg18[%add3A_423] : memref<320xf32, #tpu.memory_space<vmem>>[vector<16xi32>], vector<16xf32>,
          %mul3A_425 = arith.constant 16 : i32
          %mul3A_426 = arith.muli %scan3A_345, %mul3A_425 : i32
          %swap3A_427 = arith.constant 7 : i32
          %swap3A_428 = arith.index_cast %swap3A_427 : i32 to index
          %swap3A_429 = arith.index_cast %mul3A_426 : i32 to index
          %swap3A_430 = tpu.vector_load %arg16[%swap3A_428, %swap3A_429] {strides = array<i32>} : memref<80x128xf32, #tpu.memory_space<vmem>>, vector<16xf32>,
          tpu.vector_store %arg16[%swap3A_428, %swap3A_429], %gather3A_424 {strides = array<i32>} : memref<80x128xf32, #tpu.memory_space<vmem>>, vector<16xf32>,
          %add3A_431 = arith.constant 160 : i32
          %add3A_432 = vector.broadcast %add3A_431 : i32 to vector<16xi32>
          %add3A_433 = arith.addi %get3A_351, %add3A_432 : vector<16xi32>
          %gather3A_434 = tpu.vector_load_idx %arg18[%add3A_433] : memref<320xf32, #tpu.memory_space<vmem>>[vector<16xi32>], vector<16xf32>,
          %mul3A_435 = arith.constant 16 : i32
          %mul3A_436 = arith.muli %scan3A_345, %mul3A_435 : i32
          %swap3A_437 = arith.constant 8 : i32
          %swap3A_438 = arith.index_cast %swap3A_437 : i32 to index
          %swap3A_439 = arith.index_cast %mul3A_436 : i32 to index
          %swap3A_440 = tpu.vector_load %arg16[%swap3A_438, %swap3A_439] {strides = array<i32>} : memref<80x128xf32, #tpu.memory_space<vmem>>, vector<16xf32>,
          tpu.vector_store %arg16[%swap3A_438, %swap3A_439], %gather3A_434 {strides = array<i32>} : memref<80x128xf32, #tpu.memory_space<vmem>>, vector<16xf32>,
          %add3A_441 = arith.constant 180 : i32
          %add3A_442 = vector.broadcast %add3A_441 : i32 to vector<16xi32>
          %add3A_443 = arith.addi %get3A_351, %add3A_442 : vector<16xi32>
          %gather3A_444 = tpu.vector_load_idx %arg18[%add3A_443] : memref<320xf32, #tpu.memory_space<vmem>>[vector<16xi32>], vector<16xf32>,
          %mul3A_445 = arith.constant 16 : i32
          %mul3A_446 = arith.muli %scan3A_345, %mul3A_445 : i32
          %swap3A_447 = arith.constant 9 : i32
          %swap3A_448 = arith.index_cast %swap3A_447 : i32 to index
          %swap3A_449 = arith.index_cast %mul3A_446 : i32 to index
          %swap3A_450 = tpu.vector_load %arg16[%swap3A_448, %swap3A_449] {strides = array<i32>} : memref<80x128xf32, #tpu.memory_space<vmem>>, vector<16xf32>,
          tpu.vector_store %arg16[%swap3A_448, %swap3A_449], %gather3A_444 {strides = array<i32>} : memref<80x128xf32, #tpu.memory_space<vmem>>, vector<16xf32>,
          %add3A_451 = arith.constant 200 : i32
          %add3A_452 = vector.broadcast %add3A_451 : i32 to vector<16xi32>
          %add3A_453 = arith.addi %get3A_351, %add3A_452 : vector<16xi32>
          %gather3A_454 = tpu.vector_load_idx %arg18[%add3A_453] : memref<320xf32, #tpu.memory_space<vmem>>[vector<16xi32>], vector<16xf32>,
          %mul3A_455 = arith.constant 16 : i32
          %mul3A_456 = arith.muli %scan3A_345, %mul3A_455 : i32
          %swap3A_457 = arith.constant 10 : i32
          %swap3A_458 = arith.index_cast %swap3A_457 : i32 to index
          %swap3A_459 = arith.index_cast %mul3A_456 : i32 to index
          %swap3A_460 = tpu.vector_load %arg16[%swap3A_458, %swap3A_459] {strides = array<i32>} : memref<80x128xf32, #tpu.memory_space<vmem>>, vector<16xf32>,
          tpu.vector_store %arg16[%swap3A_458, %swap3A_459], %gather3A_454 {strides = array<i32>} : memref<80x128xf32, #tpu.memory_space<vmem>>, vector<16xf32>,
          %add3A_461 = arith.constant 220 : i32
          %add3A_462 = vector.broadcast %add3A_461 : i32 to vector<16xi32>
          %add3A_463 = arith.addi %get3A_351, %add3A_462 : vector<16xi32>
          %gather3A_464 = tpu.vector_load_idx %arg18[%add3A_463] : memref<320xf32, #tpu.memory_space<vmem>>[vector<16xi32>], vector<16xf32>,
          %mul3A_465 = arith.constant 16 : i32
          %mul3A_466 = arith.muli %scan3A_345, %mul3A_465 : i32
          %swap3A_467 = arith.constant 11 : i32
          %swap3A_468 = arith.index_cast %swap3A_467 : i32 to index
          %swap3A_469 = arith.index_cast %mul3A_466 : i32 to index
          %swap3A_470 = tpu.vector_load %arg16[%swap3A_468, %swap3A_469] {strides = array<i32>} : memref<80x128xf32, #tpu.memory_space<vmem>>, vector<16xf32>,
          tpu.vector_store %arg16[%swap3A_468, %swap3A_469], %gather3A_464 {strides = array<i32>} : memref<80x128xf32, #tpu.memory_space<vmem>>, vector<16xf32>,
          %add3A_471 = arith.constant 240 : i32
          %add3A_472 = vector.broadcast %add3A_471 : i32 to vector<16xi32>
          %add3A_473 = arith.addi %get3A_351, %add3A_472 : vector<16xi32>
          %gather3A_474 = tpu.vector_load_idx %arg18[%add3A_473] : memref<320xf32, #tpu.memory_space<vmem>>[vector<16xi32>], vector<16xf32>,
          %mul3A_475 = arith.constant 16 : i32
          %mul3A_476 = arith.muli %scan3A_345, %mul3A_475 : i32
          %swap3A_477 = arith.constant 12 : i32
          %swap3A_478 = arith.index_cast %swap3A_477 : i32 to index
          %swap3A_479 = arith.index_cast %mul3A_476 : i32 to index
          %swap3A_480 = tpu.vector_load %arg16[%swap3A_478, %swap3A_479] {strides = array<i32>} : memref<80x128xf32, #tpu.memory_space<vmem>>, vector<16xf32>,
          tpu.vector_store %arg16[%swap3A_478, %swap3A_479], %gather3A_474 {strides = array<i32>} : memref<80x128xf32, #tpu.memory_space<vmem>>, vector<16xf32>,
          %add3A_481 = arith.constant 260 : i32
          %add3A_482 = vector.broadcast %add3A_481 : i32 to vector<16xi32>
          %add3A_483 = arith.addi %get3A_351, %add3A_482 : vector<16xi32>
          %gather3A_484 = tpu.vector_load_idx %arg18[%add3A_483] : memref<320xf32, #tpu.memory_space<vmem>>[vector<16xi32>], vector<16xf32>,
          %mul3A_485 = arith.constant 16 : i32
          %mul3A_486 = arith.muli %scan3A_345, %mul3A_485 : i32
          %swap3A_487 = arith.constant 13 : i32
          %swap3A_488 = arith.index_cast %swap3A_487 : i32 to index
          %swap3A_489 = arith.index_cast %mul3A_486 : i32 to index
          %swap3A_490 = tpu.vector_load %arg16[%swap3A_488, %swap3A_489] {strides = array<i32>} : memref<80x128xf32, #tpu.memory_space<vmem>>, vector<16xf32>,
          tpu.vector_store %arg16[%swap3A_488, %swap3A_489], %gather3A_484 {strides = array<i32>} : memref<80x128xf32, #tpu.memory_space<vmem>>, vector<16xf32>,
          %add3A_491 = arith.constant 280 : i32
          %add3A_492 = vector.broadcast %add3A_491 : i32 to vector<16xi32>
          %add3A_493 = arith.addi %get3A_351, %add3A_492 : vector<16xi32>
          %gather3A_494 = tpu.vector_load_idx %arg18[%add3A_493] : memref<320xf32, #tpu.memory_space<vmem>>[vector<16xi32>], vector<16xf32>,
          %mul3A_495 = arith.constant 16 : i32
          %mul3A_496 = arith.muli %scan3A_345, %mul3A_495 : i32
          %swap3A_497 = arith.constant 14 : i32
          %swap3A_498 = arith.index_cast %swap3A_497 : i32 to index
          %swap3A_499 = arith.index_cast %mul3A_496 : i32 to index
          %swap3A_500 = tpu.vector_load %arg16[%swap3A_498, %swap3A_499] {strides = array<i32>} : memref<80x128xf32, #tpu.memory_space<vmem>>, vector<16xf32>,
          tpu.vector_store %arg16[%swap3A_498, %swap3A_499], %gather3A_494 {strides = array<i32>} : memref<80x128xf32, #tpu.memory_space<vmem>>, vector<16xf32>,
          %add3A_501 = arith.constant 300 : i32
          %add3A_502 = vector.broadcast %add3A_501 : i32 to vector<16xi32>
          %add3A_503 = arith.addi %get3A_351, %add3A_502 : vector<16xi32>
          %gather3A_504 = tpu.vector_load_idx %arg18[%add3A_503] : memref<320xf32, #tpu.memory_space<vmem>>[vector<16xi32>], vector<16xf32>,
          %mul3A_505 = arith.constant 16 : i32
          %mul3A_506 = arith.muli %scan3A_345, %mul3A_505 : i32
          %swap3A_507 = arith.constant 15 : i32
          %swap3A_508 = arith.index_cast %swap3A_507 : i32 to index
          %swap3A_509 = arith.index_cast %mul3A_506 : i32 to index
          %swap3A_510 = tpu.vector_load %arg16[%swap3A_508, %swap3A_509] {strides = array<i32>} : memref<80x128xf32, #tpu.memory_space<vmem>>, vector<16xf32>,
          tpu.vector_store %arg16[%swap3A_508, %swap3A_509], %gather3A_504 {strides = array<i32>} : memref<80x128xf32, #tpu.memory_space<vmem>>, vector<16xf32>,
          %mul3A_511 = arith.constant 16 : i32
          %mul3A_512 = arith.muli %scan3A_345, %mul3A_511 : i32
          %get3A_513 = arith.constant 128 : i32
          %get3A_514 = tpu.memref_slice %arg10[%get3A_513] : memref<384xi32, #tpu.memory_space<vmem>> -> memref<128xi32, #tpu.memory_space<vmem>>
          %get3A_515 = arith.index_cast %mul3A_512 : i32 to index
          %get3A_516 = tpu.vector_load %get3A_514[%get3A_515] {strides = array<i32>} : memref<128xi32, #tpu.memory_space<vmem>>, vector<16xi32>,
          %add3A_517 = arith.constant 0 : i32
          %add3A_518 = vector.broadcast %add3A_517 : i32 to vector<16xi32>
          %add3A_519 = arith.addi %get3A_516, %add3A_518 : vector<16xi32>
          %gather3A_520 = tpu.vector_load_idx %arg19[%add3A_519] : memref<6400xf32, #tpu.memory_space<vmem>>[vector<16xi32>], vector<16xf32>,
          %mul3A_521 = arith.constant 16 : i32
          %mul3A_522 = arith.muli %scan3A_345, %mul3A_521 : i32
          %swap3A_523 = arith.constant 16 : i32
          %swap3A_524 = arith.index_cast %swap3A_523 : i32 to index
          %swap3A_525 = arith.index_cast %mul3A_522 : i32 to index
          %swap3A_526 = tpu.vector_load %arg16[%swap3A_524, %swap3A_525] {strides = array<i32>} : memref<80x128xf32, #tpu.memory_space<vmem>>, vector<16xf32>,
          tpu.vector_store %arg16[%swap3A_524, %swap3A_525], %gather3A_520 {strides = array<i32>} : memref<80x128xf32, #tpu.memory_space<vmem>>, vector<16xf32>,
          %add3A_527 = arith.constant 200 : i32
          %add3A_528 = vector.broadcast %add3A_527 : i32 to vector<16xi32>
          %add3A_529 = arith.addi %get3A_516, %add3A_528 : vector<16xi32>
          %gather3A_530 = tpu.vector_load_idx %arg19[%add3A_529] : memref<6400xf32, #tpu.memory_space<vmem>>[vector<16xi32>], vector<16xf32>,
          %mul3A_531 = arith.constant 16 : i32
          %mul3A_532 = arith.muli %scan3A_345, %mul3A_531 : i32
          %swap3A_533 = arith.constant 17 : i32
          %swap3A_534 = arith.index_cast %swap3A_533 : i32 to index
          %swap3A_535 = arith.index_cast %mul3A_532 : i32 to index
          %swap3A_536 = tpu.vector_load %arg16[%swap3A_534, %swap3A_535] {strides = array<i32>} : memref<80x128xf32, #tpu.memory_space<vmem>>, vector<16xf32>,
          tpu.vector_store %arg16[%swap3A_534, %swap3A_535], %gather3A_530 {strides = array<i32>} : memref<80x128xf32, #tpu.memory_space<vmem>>, vector<16xf32>,
          %add3A_537 = arith.constant 400 : i32
          %add3A_538 = vector.broadcast %add3A_537 : i32 to vector<16xi32>
          %add3A_539 = arith.addi %get3A_516, %add3A_538 : vector<16xi32>
          %gather3A_540 = tpu.vector_load_idx %arg19[%add3A_539] : memref<6400xf32, #tpu.memory_space<vmem>>[vector<16xi32>], vector<16xf32>,
          %mul3A_541 = arith.constant 16 : i32
          %mul3A_542 = arith.muli %scan3A_345, %mul3A_541 : i32
          %swap3A_543 = arith.constant 18 : i32
          %swap3A_544 = arith.index_cast %swap3A_543 : i32 to index
          %swap3A_545 = arith.index_cast %mul3A_542 : i32 to index
          %swap3A_546 = tpu.vector_load %arg16[%swap3A_544, %swap3A_545] {strides = array<i32>} : memref<80x128xf32, #tpu.memory_space<vmem>>, vector<16xf32>,
          tpu.vector_store %arg16[%swap3A_544, %swap3A_545], %gather3A_540 {strides = array<i32>} : memref<80x128xf32, #tpu.memory_space<vmem>>, vector<16xf32>,
          %add3A_547 = arith.constant 600 : i32
          %add3A_548 = vector.broadcast %add3A_547 : i32 to vector<16xi32>
          %add3A_549 = arith.addi %get3A_516, %add3A_548 : vector<16xi32>
          %gather3A_550 = tpu.vector_load_idx %arg19[%add3A_549] : memref<6400xf32, #tpu.memory_space<vmem>>[vector<16xi32>], vector<16xf32>,
          %mul3A_551 = arith.constant 16 : i32
          %mul3A_552 = arith.muli %scan3A_345, %mul3A_551 : i32
          %swap3A_553 = arith.constant 19 : i32
          %swap3A_554 = arith.index_cast %swap3A_553 : i32 to index
          %swap3A_555 = arith.index_cast %mul3A_552 : i32 to index
          %swap3A_556 = tpu.vector_load %arg16[%swap3A_554, %swap3A_555] {strides = array<i32>} : memref<80x128xf32, #tpu.memory_space<vmem>>, vector<16xf32>,
          tpu.vector_store %arg16[%swap3A_554, %swap3A_555], %gather3A_550 {strides = array<i32>} : memref<80x128xf32, #tpu.memory_space<vmem>>, vector<16xf32>,
          %add3A_557 = arith.constant 800 : i32
          %add3A_558 = vector.broadcast %add3A_557 : i32 to vector<16xi32>
          %add3A_559 = arith.addi %get3A_516, %add3A_558 : vector<16xi32>
          %gather3A_560 = tpu.vector_load_idx %arg19[%add3A_559] : memref<6400xf32, #tpu.memory_space<vmem>>[vector<16xi32>], vector<16xf32>,
          %mul3A_561 = arith.constant 16 : i32
          %mul3A_562 = arith.muli %scan3A_345, %mul3A_561 : i32
          %swap3A_563 = arith.constant 20 : i32
          %swap3A_564 = arith.index_cast %swap3A_563 : i32 to index
          %swap3A_565 = arith.index_cast %mul3A_562 : i32 to index
          %swap3A_566 = tpu.vector_load %arg16[%swap3A_564, %swap3A_565] {strides = array<i32>} : memref<80x128xf32, #tpu.memory_space<vmem>>, vector<16xf32>,
          tpu.vector_store %arg16[%swap3A_564, %swap3A_565], %gather3A_560 {strides = array<i32>} : memref<80x128xf32, #tpu.memory_space<vmem>>, vector<16xf32>,
          %add3A_567 = arith.constant 1000 : i32
          %add3A_568 = vector.broadcast %add3A_567 : i32 to vector<16xi32>
          %add3A_569 = arith.addi %get3A_516, %add3A_568 : vector<16xi32>
          %gather3A_570 = tpu.vector_load_idx %arg19[%add3A_569] : memref<6400xf32, #tpu.memory_space<vmem>>[vector<16xi32>], vector<16xf32>,
          %mul3A_571 = arith.constant 16 : i32
          %mul3A_572 = arith.muli %scan3A_345, %mul3A_571 : i32
          %swap3A_573 = arith.constant 21 : i32
          %swap3A_574 = arith.index_cast %swap3A_573 : i32 to index
          %swap3A_575 = arith.index_cast %mul3A_572 : i32 to index
          %swap3A_576 = tpu.vector_load %arg16[%swap3A_574, %swap3A_575] {strides = array<i32>} : memref<80x128xf32, #tpu.memory_space<vmem>>, vector<16xf32>,
          tpu.vector_store %arg16[%swap3A_574, %swap3A_575], %gather3A_570 {strides = array<i32>} : memref<80x128xf32, #tpu.memory_space<vmem>>, vector<16xf32>,
          %add3A_577 = arith.constant 1200 : i32
          %add3A_578 = vector.broadcast %add3A_577 : i32 to vector<16xi32>
          %add3A_579 = arith.addi %get3A_516, %add3A_578 : vector<16xi32>
          %gather3A_580 = tpu.vector_load_idx %arg19[%add3A_579] : memref<6400xf32, #tpu.memory_space<vmem>>[vector<16xi32>], vector<16xf32>,
          %mul3A_581 = arith.constant 16 : i32
          %mul3A_582 = arith.muli %scan3A_345, %mul3A_581 : i32
          %swap3A_583 = arith.constant 22 : i32
          %swap3A_584 = arith.index_cast %swap3A_583 : i32 to index
          %swap3A_585 = arith.index_cast %mul3A_582 : i32 to index
          %swap3A_586 = tpu.vector_load %arg16[%swap3A_584, %swap3A_585] {strides = array<i32>} : memref<80x128xf32, #tpu.memory_space<vmem>>, vector<16xf32>,
          tpu.vector_store %arg16[%swap3A_584, %swap3A_585], %gather3A_580 {strides = array<i32>} : memref<80x128xf32, #tpu.memory_space<vmem>>, vector<16xf32>,
          %add3A_587 = arith.constant 1400 : i32
          %add3A_588 = vector.broadcast %add3A_587 : i32 to vector<16xi32>
          %add3A_589 = arith.addi %get3A_516, %add3A_588 : vector<16xi32>
          %gather3A_590 = tpu.vector_load_idx %arg19[%add3A_589] : memref<6400xf32, #tpu.memory_space<vmem>>[vector<16xi32>], vector<16xf32>,
          %mul3A_591 = arith.constant 16 : i32
          %mul3A_592 = arith.muli %scan3A_345, %mul3A_591 : i32
          %swap3A_593 = arith.constant 23 : i32
          %swap3A_594 = arith.index_cast %swap3A_593 : i32 to index
          %swap3A_595 = arith.index_cast %mul3A_592 : i32 to index
          %swap3A_596 = tpu.vector_load %arg16[%swap3A_594, %swap3A_595] {strides = array<i32>} : memref<80x128xf32, #tpu.memory_space<vmem>>, vector<16xf32>,
          tpu.vector_store %arg16[%swap3A_594, %swap3A_595], %gather3A_590 {strides = array<i32>} : memref<80x128xf32, #tpu.memory_space<vmem>>, vector<16xf32>,
          %add3A_597 = arith.constant 1600 : i32
          %add3A_598 = vector.broadcast %add3A_597 : i32 to vector<16xi32>
          %add3A_599 = arith.addi %get3A_516, %add3A_598 : vector<16xi32>
          %gather3A_600 = tpu.vector_load_idx %arg19[%add3A_599] : memref<6400xf32, #tpu.memory_space<vmem>>[vector<16xi32>], vector<16xf32>,
          %mul3A_601 = arith.constant 16 : i32
          %mul3A_602 = arith.muli %scan3A_345, %mul3A_601 : i32
          %swap3A_603 = arith.constant 24 : i32
          %swap3A_604 = arith.index_cast %swap3A_603 : i32 to index
          %swap3A_605 = arith.index_cast %mul3A_602 : i32 to index
          %swap3A_606 = tpu.vector_load %arg16[%swap3A_604, %swap3A_605] {strides = array<i32>} : memref<80x128xf32, #tpu.memory_space<vmem>>, vector<16xf32>,
          tpu.vector_store %arg16[%swap3A_604, %swap3A_605], %gather3A_600 {strides = array<i32>} : memref<80x128xf32, #tpu.memory_space<vmem>>, vector<16xf32>,
          %add3A_607 = arith.constant 1800 : i32
          %add3A_608 = vector.broadcast %add3A_607 : i32 to vector<16xi32>
          %add3A_609 = arith.addi %get3A_516, %add3A_608 : vector<16xi32>
          %gather3A_610 = tpu.vector_load_idx %arg19[%add3A_609] : memref<6400xf32, #tpu.memory_space<vmem>>[vector<16xi32>], vector<16xf32>,
          %mul3A_611 = arith.constant 16 : i32
          %mul3A_612 = arith.muli %scan3A_345, %mul3A_611 : i32
          %swap3A_613 = arith.constant 25 : i32
          %swap3A_614 = arith.index_cast %swap3A_613 : i32 to index
          %swap3A_615 = arith.index_cast %mul3A_612 : i32 to index
          %swap3A_616 = tpu.vector_load %arg16[%swap3A_614, %swap3A_615] {strides = array<i32>} : memref<80x128xf32, #tpu.memory_space<vmem>>, vector<16xf32>,
          tpu.vector_store %arg16[%swap3A_614, %swap3A_615], %gather3A_610 {strides = array<i32>} : memref<80x128xf32, #tpu.memory_space<vmem>>, vector<16xf32>,
          %add3A_617 = arith.constant 2000 : i32
          %add3A_618 = vector.broadcast %add3A_617 : i32 to vector<16xi32>
          %add3A_619 = arith.addi %get3A_516, %add3A_618 : vector<16xi32>
          %gather3A_620 = tpu.vector_load_idx %arg19[%add3A_619] : memref<6400xf32, #tpu.memory_space<vmem>>[vector<16xi32>], vector<16xf32>,
          %mul3A_621 = arith.constant 16 : i32
          %mul3A_622 = arith.muli %scan3A_345, %mul3A_621 : i32
          %swap3A_623 = arith.constant 26 : i32
          %swap3A_624 = arith.index_cast %swap3A_623 : i32 to index
          %swap3A_625 = arith.index_cast %mul3A_622 : i32 to index
          %swap3A_626 = tpu.vector_load %arg16[%swap3A_624, %swap3A_625] {strides = array<i32>} : memref<80x128xf32, #tpu.memory_space<vmem>>, vector<16xf32>,
          tpu.vector_store %arg16[%swap3A_624, %swap3A_625], %gather3A_620 {strides = array<i32>} : memref<80x128xf32, #tpu.memory_space<vmem>>, vector<16xf32>,
          %add3A_627 = arith.constant 2200 : i32
          %add3A_628 = vector.broadcast %add3A_627 : i32 to vector<16xi32>
          %add3A_629 = arith.addi %get3A_516, %add3A_628 : vector<16xi32>
          %gather3A_630 = tpu.vector_load_idx %arg19[%add3A_629] : memref<6400xf32, #tpu.memory_space<vmem>>[vector<16xi32>], vector<16xf32>,
          %mul3A_631 = arith.constant 16 : i32
          %mul3A_632 = arith.muli %scan3A_345, %mul3A_631 : i32
          %swap3A_633 = arith.constant 27 : i32
          %swap3A_634 = arith.index_cast %swap3A_633 : i32 to index
          %swap3A_635 = arith.index_cast %mul3A_632 : i32 to index
          %swap3A_636 = tpu.vector_load %arg16[%swap3A_634, %swap3A_635] {strides = array<i32>} : memref<80x128xf32, #tpu.memory_space<vmem>>, vector<16xf32>,
          tpu.vector_store %arg16[%swap3A_634, %swap3A_635], %gather3A_630 {strides = array<i32>} : memref<80x128xf32, #tpu.memory_space<vmem>>, vector<16xf32>,
          %add3A_637 = arith.constant 2400 : i32
          %add3A_638 = vector.broadcast %add3A_637 : i32 to vector<16xi32>
          %add3A_639 = arith.addi %get3A_516, %add3A_638 : vector<16xi32>
          %gather3A_640 = tpu.vector_load_idx %arg19[%add3A_639] : memref<6400xf32, #tpu.memory_space<vmem>>[vector<16xi32>], vector<16xf32>,
          %mul3A_641 = arith.constant 16 : i32
          %mul3A_642 = arith.muli %scan3A_345, %mul3A_641 : i32
          %swap3A_643 = arith.constant 28 : i32
          %swap3A_644 = arith.index_cast %swap3A_643 : i32 to index
          %swap3A_645 = arith.index_cast %mul3A_642 : i32 to index
          %swap3A_646 = tpu.vector_load %arg16[%swap3A_644, %swap3A_645] {strides = array<i32>} : memref<80x128xf32, #tpu.memory_space<vmem>>, vector<16xf32>,
          tpu.vector_store %arg16[%swap3A_644, %swap3A_645], %gather3A_640 {strides = array<i32>} : memref<80x128xf32, #tpu.memory_space<vmem>>, vector<16xf32>,
          %add3A_647 = arith.constant 2600 : i32
          %add3A_648 = vector.broadcast %add3A_647 : i32 to vector<16xi32>
          %add3A_649 = arith.addi %get3A_516, %add3A_648 : vector<16xi32>
          %gather3A_650 = tpu.vector_load_idx %arg19[%add3A_649] : memref<6400xf32, #tpu.memory_space<vmem>>[vector<16xi32>], vector<16xf32>,
          %mul3A_651 = arith.constant 16 : i32
          %mul3A_652 = arith.muli %scan3A_345, %mul3A_651 : i32
          %swap3A_653 = arith.constant 29 : i32
          %swap3A_654 = arith.index_cast %swap3A_653 : i32 to index
          %swap3A_655 = arith.index_cast %mul3A_652 : i32 to index
          %swap3A_656 = tpu.vector_load %arg16[%swap3A_654, %swap3A_655] {strides = array<i32>} : memref<80x128xf32, #tpu.memory_space<vmem>>, vector<16xf32>,
          tpu.vector_store %arg16[%swap3A_654, %swap3A_655], %gather3A_650 {strides = array<i32>} : memref<80x128xf32, #tpu.memory_space<vmem>>, vector<16xf32>,
          %add3A_657 = arith.constant 2800 : i32
          %add3A_658 = vector.broadcast %add3A_657 : i32 to vector<16xi32>
          %add3A_659 = arith.addi %get3A_516, %add3A_658 : vector<16xi32>
          %gather3A_660 = tpu.vector_load_idx %arg19[%add3A_659] : memref<6400xf32, #tpu.memory_space<vmem>>[vector<16xi32>], vector<16xf32>,
          %mul3A_661 = arith.constant 16 : i32
          %mul3A_662 = arith.muli %scan3A_345, %mul3A_661 : i32
          %swap3A_663 = arith.constant 30 : i32
          %swap3A_664 = arith.index_cast %swap3A_663 : i32 to index
          %swap3A_665 = arith.index_cast %mul3A_662 : i32 to index
          %swap3A_666 = tpu.vector_load %arg16[%swap3A_664, %swap3A_665] {strides = array<i32>} : memref<80x128xf32, #tpu.memory_space<vmem>>, vector<16xf32>,
          tpu.vector_store %arg16[%swap3A_664, %swap3A_665], %gather3A_660 {strides = array<i32>} : memref<80x128xf32, #tpu.memory_space<vmem>>, vector<16xf32>,
          %add3A_667 = arith.constant 3000 : i32
          %add3A_668 = vector.broadcast %add3A_667 : i32 to vector<16xi32>
          %add3A_669 = arith.addi %get3A_516, %add3A_668 : vector<16xi32>
          %gather3A_670 = tpu.vector_load_idx %arg19[%add3A_669] : memref<6400xf32, #tpu.memory_space<vmem>>[vector<16xi32>], vector<16xf32>,
          %mul3A_671 = arith.constant 16 : i32
          %mul3A_672 = arith.muli %scan3A_345, %mul3A_671 : i32
          %swap3A_673 = arith.constant 31 : i32
          %swap3A_674 = arith.index_cast %swap3A_673 : i32 to index
          %swap3A_675 = arith.index_cast %mul3A_672 : i32 to index
          %swap3A_676 = tpu.vector_load %arg16[%swap3A_674, %swap3A_675] {strides = array<i32>} : memref<80x128xf32, #tpu.memory_space<vmem>>, vector<16xf32>,
          tpu.vector_store %arg16[%swap3A_674, %swap3A_675], %gather3A_670 {strides = array<i32>} : memref<80x128xf32, #tpu.memory_space<vmem>>, vector<16xf32>,
          %add3A_677 = arith.constant 3200 : i32
          %add3A_678 = vector.broadcast %add3A_677 : i32 to vector<16xi32>
          %add3A_679 = arith.addi %get3A_516, %add3A_678 : vector<16xi32>
          %gather3A_680 = tpu.vector_load_idx %arg19[%add3A_679] : memref<6400xf32, #tpu.memory_space<vmem>>[vector<16xi32>], vector<16xf32>,
          %mul3A_681 = arith.constant 16 : i32
          %mul3A_682 = arith.muli %scan3A_345, %mul3A_681 : i32
          %swap3A_683 = arith.constant 32 : i32
          %swap3A_684 = arith.index_cast %swap3A_683 : i32 to index
          %swap3A_685 = arith.index_cast %mul3A_682 : i32 to index
          %swap3A_686 = tpu.vector_load %arg16[%swap3A_684, %swap3A_685] {strides = array<i32>} : memref<80x128xf32, #tpu.memory_space<vmem>>, vector<16xf32>,
          tpu.vector_store %arg16[%swap3A_684, %swap3A_685], %gather3A_680 {strides = array<i32>} : memref<80x128xf32, #tpu.memory_space<vmem>>, vector<16xf32>,
          %add3A_687 = arith.constant 3400 : i32
          %add3A_688 = vector.broadcast %add3A_687 : i32 to vector<16xi32>
          %add3A_689 = arith.addi %get3A_516, %add3A_688 : vector<16xi32>
          %gather3A_690 = tpu.vector_load_idx %arg19[%add3A_689] : memref<6400xf32, #tpu.memory_space<vmem>>[vector<16xi32>], vector<16xf32>,
          %mul3A_691 = arith.constant 16 : i32
          %mul3A_692 = arith.muli %scan3A_345, %mul3A_691 : i32
          %swap3A_693 = arith.constant 33 : i32
          %swap3A_694 = arith.index_cast %swap3A_693 : i32 to index
          %swap3A_695 = arith.index_cast %mul3A_692 : i32 to index
          %swap3A_696 = tpu.vector_load %arg16[%swap3A_694, %swap3A_695] {strides = array<i32>} : memref<80x128xf32, #tpu.memory_space<vmem>>, vector<16xf32>,
          tpu.vector_store %arg16[%swap3A_694, %swap3A_695], %gather3A_690 {strides = array<i32>} : memref<80x128xf32, #tpu.memory_space<vmem>>, vector<16xf32>,
          %add3A_697 = arith.constant 3600 : i32
          %add3A_698 = vector.broadcast %add3A_697 : i32 to vector<16xi32>
          %add3A_699 = arith.addi %get3A_516, %add3A_698 : vector<16xi32>
          %gather3A_700 = tpu.vector_load_idx %arg19[%add3A_699] : memref<6400xf32, #tpu.memory_space<vmem>>[vector<16xi32>], vector<16xf32>,
          %mul3A_701 = arith.constant 16 : i32
          %mul3A_702 = arith.muli %scan3A_345, %mul3A_701 : i32
          %swap3A_703 = arith.constant 34 : i32
          %swap3A_704 = arith.index_cast %swap3A_703 : i32 to index
          %swap3A_705 = arith.index_cast %mul3A_702 : i32 to index
          %swap3A_706 = tpu.vector_load %arg16[%swap3A_704, %swap3A_705] {strides = array<i32>} : memref<80x128xf32, #tpu.memory_space<vmem>>, vector<16xf32>,
          tpu.vector_store %arg16[%swap3A_704, %swap3A_705], %gather3A_700 {strides = array<i32>} : memref<80x128xf32, #tpu.memory_space<vmem>>, vector<16xf32>,
          %add3A_707 = arith.constant 3800 : i32
          %add3A_708 = vector.broadcast %add3A_707 : i32 to vector<16xi32>
          %add3A_709 = arith.addi %get3A_516, %add3A_708 : vector<16xi32>
          %gather3A_710 = tpu.vector_load_idx %arg19[%add3A_709] : memref<6400xf32, #tpu.memory_space<vmem>>[vector<16xi32>], vector<16xf32>,
          %mul3A_711 = arith.constant 16 : i32
          %mul3A_712 = arith.muli %scan3A_345, %mul3A_711 : i32
          %swap3A_713 = arith.constant 35 : i32
          %swap3A_714 = arith.index_cast %swap3A_713 : i32 to index
          %swap3A_715 = arith.index_cast %mul3A_712 : i32 to index
          %swap3A_716 = tpu.vector_load %arg16[%swap3A_714, %swap3A_715] {strides = array<i32>} : memref<80x128xf32, #tpu.memory_space<vmem>>, vector<16xf32>,
          tpu.vector_store %arg16[%swap3A_714, %swap3A_715], %gather3A_710 {strides = array<i32>} : memref<80x128xf32, #tpu.memory_space<vmem>>, vector<16xf32>,
          %add3A_717 = arith.constant 4000 : i32
          %add3A_718 = vector.broadcast %add3A_717 : i32 to vector<16xi32>
          %add3A_719 = arith.addi %get3A_516, %add3A_718 : vector<16xi32>
          %gather3A_720 = tpu.vector_load_idx %arg19[%add3A_719] : memref<6400xf32, #tpu.memory_space<vmem>>[vector<16xi32>], vector<16xf32>,
          %mul3A_721 = arith.constant 16 : i32
          %mul3A_722 = arith.muli %scan3A_345, %mul3A_721 : i32
          %swap3A_723 = arith.constant 36 : i32
          %swap3A_724 = arith.index_cast %swap3A_723 : i32 to index
          %swap3A_725 = arith.index_cast %mul3A_722 : i32 to index
          %swap3A_726 = tpu.vector_load %arg16[%swap3A_724, %swap3A_725] {strides = array<i32>} : memref<80x128xf32, #tpu.memory_space<vmem>>, vector<16xf32>,
          tpu.vector_store %arg16[%swap3A_724, %swap3A_725], %gather3A_720 {strides = array<i32>} : memref<80x128xf32, #tpu.memory_space<vmem>>, vector<16xf32>,
          %add3A_727 = arith.constant 4200 : i32
          %add3A_728 = vector.broadcast %add3A_727 : i32 to vector<16xi32>
          %add3A_729 = arith.addi %get3A_516, %add3A_728 : vector<16xi32>
          %gather3A_730 = tpu.vector_load_idx %arg19[%add3A_729] : memref<6400xf32, #tpu.memory_space<vmem>>[vector<16xi32>], vector<16xf32>,
          %mul3A_731 = arith.constant 16 : i32
          %mul3A_732 = arith.muli %scan3A_345, %mul3A_731 : i32
          %swap3A_733 = arith.constant 37 : i32
          %swap3A_734 = arith.index_cast %swap3A_733 : i32 to index
          %swap3A_735 = arith.index_cast %mul3A_732 : i32 to index
          %swap3A_736 = tpu.vector_load %arg16[%swap3A_734, %swap3A_735] {strides = array<i32>} : memref<80x128xf32, #tpu.memory_space<vmem>>, vector<16xf32>,
          tpu.vector_store %arg16[%swap3A_734, %swap3A_735], %gather3A_730 {strides = array<i32>} : memref<80x128xf32, #tpu.memory_space<vmem>>, vector<16xf32>,
          %add3A_737 = arith.constant 4400 : i32
          %add3A_738 = vector.broadcast %add3A_737 : i32 to vector<16xi32>
          %add3A_739 = arith.addi %get3A_516, %add3A_738 : vector<16xi32>
          %gather3A_740 = tpu.vector_load_idx %arg19[%add3A_739] : memref<6400xf32, #tpu.memory_space<vmem>>[vector<16xi32>], vector<16xf32>,
          %mul3A_741 = arith.constant 16 : i32
          %mul3A_742 = arith.muli %scan3A_345, %mul3A_741 : i32
          %swap3A_743 = arith.constant 38 : i32
          %swap3A_744 = arith.index_cast %swap3A_743 : i32 to index
          %swap3A_745 = arith.index_cast %mul3A_742 : i32 to index
          %swap3A_746 = tpu.vector_load %arg16[%swap3A_744, %swap3A_745] {strides = array<i32>} : memref<80x128xf32, #tpu.memory_space<vmem>>, vector<16xf32>,
          tpu.vector_store %arg16[%swap3A_744, %swap3A_745], %gather3A_740 {strides = array<i32>} : memref<80x128xf32, #tpu.memory_space<vmem>>, vector<16xf32>,
          %add3A_747 = arith.constant 4600 : i32
          %add3A_748 = vector.broadcast %add3A_747 : i32 to vector<16xi32>
          %add3A_749 = arith.addi %get3A_516, %add3A_748 : vector<16xi32>
          %gather3A_750 = tpu.vector_load_idx %arg19[%add3A_749] : memref<6400xf32, #tpu.memory_space<vmem>>[vector<16xi32>], vector<16xf32>,
          %mul3A_751 = arith.constant 16 : i32
          %mul3A_752 = arith.muli %scan3A_345, %mul3A_751 : i32
          %swap3A_753 = arith.constant 39 : i32
          %swap3A_754 = arith.index_cast %swap3A_753 : i32 to index
          %swap3A_755 = arith.index_cast %mul3A_752 : i32 to index
          %swap3A_756 = tpu.vector_load %arg16[%swap3A_754, %swap3A_755] {strides = array<i32>} : memref<80x128xf32, #tpu.memory_space<vmem>>, vector<16xf32>,
          tpu.vector_store %arg16[%swap3A_754, %swap3A_755], %gather3A_750 {strides = array<i32>} : memref<80x128xf32, #tpu.memory_space<vmem>>, vector<16xf32>,
          %add3A_757 = arith.constant 4800 : i32
          %add3A_758 = vector.broadcast %add3A_757 : i32 to vector<16xi32>
          %add3A_759 = arith.addi %get3A_516, %add3A_758 : vector<16xi32>
          %gather3A_760 = tpu.vector_load_idx %arg19[%add3A_759] : memref<6400xf32, #tpu.memory_space<vmem>>[vector<16xi32>], vector<16xf32>,
          %mul3A_761 = arith.constant 16 : i32
          %mul3A_762 = arith.muli %scan3A_345, %mul3A_761 : i32
          %swap3A_763 = arith.constant 40 : i32
          %swap3A_764 = arith.index_cast %swap3A_763 : i32 to index
          %swap3A_765 = arith.index_cast %mul3A_762 : i32 to index
          %swap3A_766 = tpu.vector_load %arg16[%swap3A_764, %swap3A_765] {strides = array<i32>} : memref<80x128xf32, #tpu.memory_space<vmem>>, vector<16xf32>,
          tpu.vector_store %arg16[%swap3A_764, %swap3A_765], %gather3A_760 {strides = array<i32>} : memref<80x128xf32, #tpu.memory_space<vmem>>, vector<16xf32>,
          %add3A_767 = arith.constant 5000 : i32
          %add3A_768 = vector.broadcast %add3A_767 : i32 to vector<16xi32>
          %add3A_769 = arith.addi %get3A_516, %add3A_768 : vector<16xi32>
          %gather3A_770 = tpu.vector_load_idx %arg19[%add3A_769] : memref<6400xf32, #tpu.memory_space<vmem>>[vector<16xi32>], vector<16xf32>,
          %mul3A_771 = arith.constant 16 : i32
          %mul3A_772 = arith.muli %scan3A_345, %mul3A_771 : i32
          %swap3A_773 = arith.constant 41 : i32
          %swap3A_774 = arith.index_cast %swap3A_773 : i32 to index
          %swap3A_775 = arith.index_cast %mul3A_772 : i32 to index
          %swap3A_776 = tpu.vector_load %arg16[%swap3A_774, %swap3A_775] {strides = array<i32>} : memref<80x128xf32, #tpu.memory_space<vmem>>, vector<16xf32>,
          tpu.vector_store %arg16[%swap3A_774, %swap3A_775], %gather3A_770 {strides = array<i32>} : memref<80x128xf32, #tpu.memory_space<vmem>>, vector<16xf32>,
          %add3A_777 = arith.constant 5200 : i32
          %add3A_778 = vector.broadcast %add3A_777 : i32 to vector<16xi32>
          %add3A_779 = arith.addi %get3A_516, %add3A_778 : vector<16xi32>
          %gather3A_780 = tpu.vector_load_idx %arg19[%add3A_779] : memref<6400xf32, #tpu.memory_space<vmem>>[vector<16xi32>], vector<16xf32>,
          %mul3A_781 = arith.constant 16 : i32
          %mul3A_782 = arith.muli %scan3A_345, %mul3A_781 : i32
          %swap3A_783 = arith.constant 42 : i32
          %swap3A_784 = arith.index_cast %swap3A_783 : i32 to index
          %swap3A_785 = arith.index_cast %mul3A_782 : i32 to index
          %swap3A_786 = tpu.vector_load %arg16[%swap3A_784, %swap3A_785] {strides = array<i32>} : memref<80x128xf32, #tpu.memory_space<vmem>>, vector<16xf32>,
          tpu.vector_store %arg16[%swap3A_784, %swap3A_785], %gather3A_780 {strides = array<i32>} : memref<80x128xf32, #tpu.memory_space<vmem>>, vector<16xf32>,
          %add3A_787 = arith.constant 5400 : i32
          %add3A_788 = vector.broadcast %add3A_787 : i32 to vector<16xi32>
          %add3A_789 = arith.addi %get3A_516, %add3A_788 : vector<16xi32>
          %gather3A_790 = tpu.vector_load_idx %arg19[%add3A_789] : memref<6400xf32, #tpu.memory_space<vmem>>[vector<16xi32>], vector<16xf32>,
          %mul3A_791 = arith.constant 16 : i32
          %mul3A_792 = arith.muli %scan3A_345, %mul3A_791 : i32
          %swap3A_793 = arith.constant 43 : i32
          %swap3A_794 = arith.index_cast %swap3A_793 : i32 to index
          %swap3A_795 = arith.index_cast %mul3A_792 : i32 to index
          %swap3A_796 = tpu.vector_load %arg16[%swap3A_794, %swap3A_795] {strides = array<i32>} : memref<80x128xf32, #tpu.memory_space<vmem>>, vector<16xf32>,
          tpu.vector_store %arg16[%swap3A_794, %swap3A_795], %gather3A_790 {strides = array<i32>} : memref<80x128xf32, #tpu.memory_space<vmem>>, vector<16xf32>,
          %add3A_797 = arith.constant 5600 : i32
          %add3A_798 = vector.broadcast %add3A_797 : i32 to vector<16xi32>
          %add3A_799 = arith.addi %get3A_516, %add3A_798 : vector<16xi32>
          %gather3A_800 = tpu.vector_load_idx %arg19[%add3A_799] : memref<6400xf32, #tpu.memory_space<vmem>>[vector<16xi32>], vector<16xf32>,
          %mul3A_801 = arith.constant 16 : i32
          %mul3A_802 = arith.muli %scan3A_345, %mul3A_801 : i32
          %swap3A_803 = arith.constant 44 : i32
          %swap3A_804 = arith.index_cast %swap3A_803 : i32 to index
          %swap3A_805 = arith.index_cast %mul3A_802 : i32 to index
          %swap3A_806 = tpu.vector_load %arg16[%swap3A_804, %swap3A_805] {strides = array<i32>} : memref<80x128xf32, #tpu.memory_space<vmem>>, vector<16xf32>,
          tpu.vector_store %arg16[%swap3A_804, %swap3A_805], %gather3A_800 {strides = array<i32>} : memref<80x128xf32, #tpu.memory_space<vmem>>, vector<16xf32>,
          %add3A_807 = arith.constant 5800 : i32
          %add3A_808 = vector.broadcast %add3A_807 : i32 to vector<16xi32>
          %add3A_809 = arith.addi %get3A_516, %add3A_808 : vector<16xi32>
          %gather3A_810 = tpu.vector_load_idx %arg19[%add3A_809] : memref<6400xf32, #tpu.memory_space<vmem>>[vector<16xi32>], vector<16xf32>,
          %mul3A_811 = arith.constant 16 : i32
          %mul3A_812 = arith.muli %scan3A_345, %mul3A_811 : i32
          %swap3A_813 = arith.constant 45 : i32
          %swap3A_814 = arith.index_cast %swap3A_813 : i32 to index
          %swap3A_815 = arith.index_cast %mul3A_812 : i32 to index
          %swap3A_816 = tpu.vector_load %arg16[%swap3A_814, %swap3A_815] {strides = array<i32>} : memref<80x128xf32, #tpu.memory_space<vmem>>, vector<16xf32>,
          tpu.vector_store %arg16[%swap3A_814, %swap3A_815], %gather3A_810 {strides = array<i32>} : memref<80x128xf32, #tpu.memory_space<vmem>>, vector<16xf32>,
          %add3A_817 = arith.constant 6000 : i32
          %add3A_818 = vector.broadcast %add3A_817 : i32 to vector<16xi32>
          %add3A_819 = arith.addi %get3A_516, %add3A_818 : vector<16xi32>
          %gather3A_820 = tpu.vector_load_idx %arg19[%add3A_819] : memref<6400xf32, #tpu.memory_space<vmem>>[vector<16xi32>], vector<16xf32>,
          %mul3A_821 = arith.constant 16 : i32
          %mul3A_822 = arith.muli %scan3A_345, %mul3A_821 : i32
          %swap3A_823 = arith.constant 46 : i32
          %swap3A_824 = arith.index_cast %swap3A_823 : i32 to index
          %swap3A_825 = arith.index_cast %mul3A_822 : i32 to index
          %swap3A_826 = tpu.vector_load %arg16[%swap3A_824, %swap3A_825] {strides = array<i32>} : memref<80x128xf32, #tpu.memory_space<vmem>>, vector<16xf32>,
          tpu.vector_store %arg16[%swap3A_824, %swap3A_825], %gather3A_820 {strides = array<i32>} : memref<80x128xf32, #tpu.memory_space<vmem>>, vector<16xf32>,
          %add3A_827 = arith.constant 6200 : i32
          %add3A_828 = vector.broadcast %add3A_827 : i32 to vector<16xi32>
          %add3A_829 = arith.addi %get3A_516, %add3A_828 : vector<16xi32>
          %gather3A_830 = tpu.vector_load_idx %arg19[%add3A_829] : memref<6400xf32, #tpu.memory_space<vmem>>[vector<16xi32>], vector<16xf32>,
          %mul3A_831 = arith.constant 16 : i32
          %mul3A_832 = arith.muli %scan3A_345, %mul3A_831 : i32
          %swap3A_833 = arith.constant 47 : i32
          %swap3A_834 = arith.index_cast %swap3A_833 : i32 to index
          %swap3A_835 = arith.index_cast %mul3A_832 : i32 to index
          %swap3A_836 = tpu.vector_load %arg16[%swap3A_834, %swap3A_835] {strides = array<i32>} : memref<80x128xf32, #tpu.memory_space<vmem>>, vector<16xf32>,
          tpu.vector_store %arg16[%swap3A_834, %swap3A_835], %gather3A_830 {strides = array<i32>} : memref<80x128xf32, #tpu.memory_space<vmem>>, vector<16xf32>,
          %mul3A_837 = arith.constant 16 : i32
          %mul3A_838 = arith.muli %scan3A_345, %mul3A_837 : i32
          %get3A_839 = arith.constant 256 : i32
          %get3A_840 = tpu.memref_slice %arg10[%get3A_839] : memref<384xi32, #tpu.memory_space<vmem>> -> memref<128xi32, #tpu.memory_space<vmem>>
          %get3A_841 = arith.index_cast %mul3A_838 : i32 to index
          %get3A_842 = tpu.vector_load %get3A_840[%get3A_841] {strides = array<i32>} : memref<128xi32, #tpu.memory_space<vmem>>, vector<16xi32>,
          %add3A_843 = arith.constant 0 : i32
          %add3A_844 = vector.broadcast %add3A_843 : i32 to vector<16xi32>
          %add3A_845 = arith.addi %get3A_842, %add3A_844 : vector<16xi32>
          %gather3A_846 = tpu.vector_load_idx %arg20[%add3A_845] : memref<64000xf32, #tpu.memory_space<vmem>>[vector<16xi32>], vector<16xf32>,
          %mul3A_847 = arith.constant 16 : i32
          %mul3A_848 = arith.muli %scan3A_345, %mul3A_847 : i32
          %swap3A_849 = arith.constant 48 : i32
          %swap3A_850 = arith.index_cast %swap3A_849 : i32 to index
          %swap3A_851 = arith.index_cast %mul3A_848 : i32 to index
          %swap3A_852 = tpu.vector_load %arg16[%swap3A_850, %swap3A_851] {strides = array<i32>} : memref<80x128xf32, #tpu.memory_space<vmem>>, vector<16xf32>,
          tpu.vector_store %arg16[%swap3A_850, %swap3A_851], %gather3A_846 {strides = array<i32>} : memref<80x128xf32, #tpu.memory_space<vmem>>, vector<16xf32>,
          %add3A_853 = arith.constant 2000 : i32
          %add3A_854 = vector.broadcast %add3A_853 : i32 to vector<16xi32>
          %add3A_855 = arith.addi %get3A_842, %add3A_854 : vector<16xi32>
          %gather3A_856 = tpu.vector_load_idx %arg20[%add3A_855] : memref<64000xf32, #tpu.memory_space<vmem>>[vector<16xi32>], vector<16xf32>,
          %mul3A_857 = arith.constant 16 : i32
          %mul3A_858 = arith.muli %scan3A_345, %mul3A_857 : i32
          %swap3A_859 = arith.constant 49 : i32
          %swap3A_860 = arith.index_cast %swap3A_859 : i32 to index
          %swap3A_861 = arith.index_cast %mul3A_858 : i32 to index
          %swap3A_862 = tpu.vector_load %arg16[%swap3A_860, %swap3A_861] {strides = array<i32>} : memref<80x128xf32, #tpu.memory_space<vmem>>, vector<16xf32>,
          tpu.vector_store %arg16[%swap3A_860, %swap3A_861], %gather3A_856 {strides = array<i32>} : memref<80x128xf32, #tpu.memory_space<vmem>>, vector<16xf32>,
          %add3A_863 = arith.constant 4000 : i32
          %add3A_864 = vector.broadcast %add3A_863 : i32 to vector<16xi32>
          %add3A_865 = arith.addi %get3A_842, %add3A_864 : vector<16xi32>
          %gather3A_866 = tpu.vector_load_idx %arg20[%add3A_865] : memref<64000xf32, #tpu.memory_space<vmem>>[vector<16xi32>], vector<16xf32>,
          %mul3A_867 = arith.constant 16 : i32
          %mul3A_868 = arith.muli %scan3A_345, %mul3A_867 : i32
          %swap3A_869 = arith.constant 50 : i32
          %swap3A_870 = arith.index_cast %swap3A_869 : i32 to index
          %swap3A_871 = arith.index_cast %mul3A_868 : i32 to index
          %swap3A_872 = tpu.vector_load %arg16[%swap3A_870, %swap3A_871] {strides = array<i32>} : memref<80x128xf32, #tpu.memory_space<vmem>>, vector<16xf32>,
          tpu.vector_store %arg16[%swap3A_870, %swap3A_871], %gather3A_866 {strides = array<i32>} : memref<80x128xf32, #tpu.memory_space<vmem>>, vector<16xf32>,
          %add3A_873 = arith.constant 6000 : i32
          %add3A_874 = vector.broadcast %add3A_873 : i32 to vector<16xi32>
          %add3A_875 = arith.addi %get3A_842, %add3A_874 : vector<16xi32>
          %gather3A_876 = tpu.vector_load_idx %arg20[%add3A_875] : memref<64000xf32, #tpu.memory_space<vmem>>[vector<16xi32>], vector<16xf32>,
          %mul3A_877 = arith.constant 16 : i32
          %mul3A_878 = arith.muli %scan3A_345, %mul3A_877 : i32
          %swap3A_879 = arith.constant 51 : i32
          %swap3A_880 = arith.index_cast %swap3A_879 : i32 to index
          %swap3A_881 = arith.index_cast %mul3A_878 : i32 to index
          %swap3A_882 = tpu.vector_load %arg16[%swap3A_880, %swap3A_881] {strides = array<i32>} : memref<80x128xf32, #tpu.memory_space<vmem>>, vector<16xf32>,
          tpu.vector_store %arg16[%swap3A_880, %swap3A_881], %gather3A_876 {strides = array<i32>} : memref<80x128xf32, #tpu.memory_space<vmem>>, vector<16xf32>,
          %add3A_883 = arith.constant 8000 : i32
          %add3A_884 = vector.broadcast %add3A_883 : i32 to vector<16xi32>
          %add3A_885 = arith.addi %get3A_842, %add3A_884 : vector<16xi32>
          %gather3A_886 = tpu.vector_load_idx %arg20[%add3A_885] : memref<64000xf32, #tpu.memory_space<vmem>>[vector<16xi32>], vector<16xf32>,
          %mul3A_887 = arith.constant 16 : i32
          %mul3A_888 = arith.muli %scan3A_345, %mul3A_887 : i32
          %swap3A_889 = arith.constant 52 : i32
          %swap3A_890 = arith.index_cast %swap3A_889 : i32 to index
          %swap3A_891 = arith.index_cast %mul3A_888 : i32 to index
          %swap3A_892 = tpu.vector_load %arg16[%swap3A_890, %swap3A_891] {strides = array<i32>} : memref<80x128xf32, #tpu.memory_space<vmem>>, vector<16xf32>,
          tpu.vector_store %arg16[%swap3A_890, %swap3A_891], %gather3A_886 {strides = array<i32>} : memref<80x128xf32, #tpu.memory_space<vmem>>, vector<16xf32>,
          %add3A_893 = arith.constant 10000 : i32
          %add3A_894 = vector.broadcast %add3A_893 : i32 to vector<16xi32>
          %add3A_895 = arith.addi %get3A_842, %add3A_894 : vector<16xi32>
          %gather3A_896 = tpu.vector_load_idx %arg20[%add3A_895] : memref<64000xf32, #tpu.memory_space<vmem>>[vector<16xi32>], vector<16xf32>,
          %mul3A_897 = arith.constant 16 : i32
          %mul3A_898 = arith.muli %scan3A_345, %mul3A_897 : i32
          %swap3A_899 = arith.constant 53 : i32
          %swap3A_900 = arith.index_cast %swap3A_899 : i32 to index
          %swap3A_901 = arith.index_cast %mul3A_898 : i32 to index
          %swap3A_902 = tpu.vector_load %arg16[%swap3A_900, %swap3A_901] {strides = array<i32>} : memref<80x128xf32, #tpu.memory_space<vmem>>, vector<16xf32>,
          tpu.vector_store %arg16[%swap3A_900, %swap3A_901], %gather3A_896 {strides = array<i32>} : memref<80x128xf32, #tpu.memory_space<vmem>>, vector<16xf32>,
          %add3A_903 = arith.constant 12000 : i32
          %add3A_904 = vector.broadcast %add3A_903 : i32 to vector<16xi32>
          %add3A_905 = arith.addi %get3A_842, %add3A_904 : vector<16xi32>
          %gather3A_906 = tpu.vector_load_idx %arg20[%add3A_905] : memref<64000xf32, #tpu.memory_space<vmem>>[vector<16xi32>], vector<16xf32>,
          %mul3A_907 = arith.constant 16 : i32
          %mul3A_908 = arith.muli %scan3A_345, %mul3A_907 : i32
          %swap3A_909 = arith.constant 54 : i32
          %swap3A_910 = arith.index_cast %swap3A_909 : i32 to index
          %swap3A_911 = arith.index_cast %mul3A_908 : i32 to index
          %swap3A_912 = tpu.vector_load %arg16[%swap3A_910, %swap3A_911] {strides = array<i32>} : memref<80x128xf32, #tpu.memory_space<vmem>>, vector<16xf32>,
          tpu.vector_store %arg16[%swap3A_910, %swap3A_911], %gather3A_906 {strides = array<i32>} : memref<80x128xf32, #tpu.memory_space<vmem>>, vector<16xf32>,
          %add3A_913 = arith.constant 14000 : i32
          %add3A_914 = vector.broadcast %add3A_913 : i32 to vector<16xi32>
          %add3A_915 = arith.addi %get3A_842, %add3A_914 : vector<16xi32>
          %gather3A_916 = tpu.vector_load_idx %arg20[%add3A_915] : memref<64000xf32, #tpu.memory_space<vmem>>[vector<16xi32>], vector<16xf32>,
          %mul3A_917 = arith.constant 16 : i32
          %mul3A_918 = arith.muli %scan3A_345, %mul3A_917 : i32
          %swap3A_919 = arith.constant 55 : i32
          %swap3A_920 = arith.index_cast %swap3A_919 : i32 to index
          %swap3A_921 = arith.index_cast %mul3A_918 : i32 to index
          %swap3A_922 = tpu.vector_load %arg16[%swap3A_920, %swap3A_921] {strides = array<i32>} : memref<80x128xf32, #tpu.memory_space<vmem>>, vector<16xf32>,
          tpu.vector_store %arg16[%swap3A_920, %swap3A_921], %gather3A_916 {strides = array<i32>} : memref<80x128xf32, #tpu.memory_space<vmem>>, vector<16xf32>,
          %add3A_923 = arith.constant 16000 : i32
          %add3A_924 = vector.broadcast %add3A_923 : i32 to vector<16xi32>
          %add3A_925 = arith.addi %get3A_842, %add3A_924 : vector<16xi32>
          %gather3A_926 = tpu.vector_load_idx %arg20[%add3A_925] : memref<64000xf32, #tpu.memory_space<vmem>>[vector<16xi32>], vector<16xf32>,
          %mul3A_927 = arith.constant 16 : i32
          %mul3A_928 = arith.muli %scan3A_345, %mul3A_927 : i32
          %swap3A_929 = arith.constant 56 : i32
          %swap3A_930 = arith.index_cast %swap3A_929 : i32 to index
          %swap3A_931 = arith.index_cast %mul3A_928 : i32 to index
          %swap3A_932 = tpu.vector_load %arg16[%swap3A_930, %swap3A_931] {strides = array<i32>} : memref<80x128xf32, #tpu.memory_space<vmem>>, vector<16xf32>,
          tpu.vector_store %arg16[%swap3A_930, %swap3A_931], %gather3A_926 {strides = array<i32>} : memref<80x128xf32, #tpu.memory_space<vmem>>, vector<16xf32>,
          %add3A_933 = arith.constant 18000 : i32
          %add3A_934 = vector.broadcast %add3A_933 : i32 to vector<16xi32>
          %add3A_935 = arith.addi %get3A_842, %add3A_934 : vector<16xi32>
          %gather3A_936 = tpu.vector_load_idx %arg20[%add3A_935] : memref<64000xf32, #tpu.memory_space<vmem>>[vector<16xi32>], vector<16xf32>,
          %mul3A_937 = arith.constant 16 : i32
          %mul3A_938 = arith.muli %scan3A_345, %mul3A_937 : i32
          %swap3A_939 = arith.constant 57 : i32
          %swap3A_940 = arith.index_cast %swap3A_939 : i32 to index
          %swap3A_941 = arith.index_cast %mul3A_938 : i32 to index
          %swap3A_942 = tpu.vector_load %arg16[%swap3A_940, %swap3A_941] {strides = array<i32>} : memref<80x128xf32, #tpu.memory_space<vmem>>, vector<16xf32>,
          tpu.vector_store %arg16[%swap3A_940, %swap3A_941], %gather3A_936 {strides = array<i32>} : memref<80x128xf32, #tpu.memory_space<vmem>>, vector<16xf32>,
          %add3A_943 = arith.constant 20000 : i32
          %add3A_944 = vector.broadcast %add3A_943 : i32 to vector<16xi32>
          %add3A_945 = arith.addi %get3A_842, %add3A_944 : vector<16xi32>
          %gather3A_946 = tpu.vector_load_idx %arg20[%add3A_945] : memref<64000xf32, #tpu.memory_space<vmem>>[vector<16xi32>], vector<16xf32>,
          %mul3A_947 = arith.constant 16 : i32
          %mul3A_948 = arith.muli %scan3A_345, %mul3A_947 : i32
          %swap3A_949 = arith.constant 58 : i32
          %swap3A_950 = arith.index_cast %swap3A_949 : i32 to index
          %swap3A_951 = arith.index_cast %mul3A_948 : i32 to index
          %swap3A_952 = tpu.vector_load %arg16[%swap3A_950, %swap3A_951] {strides = array<i32>} : memref<80x128xf32, #tpu.memory_space<vmem>>, vector<16xf32>,
          tpu.vector_store %arg16[%swap3A_950, %swap3A_951], %gather3A_946 {strides = array<i32>} : memref<80x128xf32, #tpu.memory_space<vmem>>, vector<16xf32>,
          %add3A_953 = arith.constant 22000 : i32
          %add3A_954 = vector.broadcast %add3A_953 : i32 to vector<16xi32>
          %add3A_955 = arith.addi %get3A_842, %add3A_954 : vector<16xi32>
          %gather3A_956 = tpu.vector_load_idx %arg20[%add3A_955] : memref<64000xf32, #tpu.memory_space<vmem>>[vector<16xi32>], vector<16xf32>,
          %mul3A_957 = arith.constant 16 : i32
          %mul3A_958 = arith.muli %scan3A_345, %mul3A_957 : i32
          %swap3A_959 = arith.constant 59 : i32
          %swap3A_960 = arith.index_cast %swap3A_959 : i32 to index
          %swap3A_961 = arith.index_cast %mul3A_958 : i32 to index
          %swap3A_962 = tpu.vector_load %arg16[%swap3A_960, %swap3A_961] {strides = array<i32>} : memref<80x128xf32, #tpu.memory_space<vmem>>, vector<16xf32>,
          tpu.vector_store %arg16[%swap3A_960, %swap3A_961], %gather3A_956 {strides = array<i32>} : memref<80x128xf32, #tpu.memory_space<vmem>>, vector<16xf32>,
          %add3A_963 = arith.constant 24000 : i32
          %add3A_964 = vector.broadcast %add3A_963 : i32 to vector<16xi32>
          %add3A_965 = arith.addi %get3A_842, %add3A_964 : vector<16xi32>
          %gather3A_966 = tpu.vector_load_idx %arg20[%add3A_965] : memref<64000xf32, #tpu.memory_space<vmem>>[vector<16xi32>], vector<16xf32>,
          %mul3A_967 = arith.constant 16 : i32
          %mul3A_968 = arith.muli %scan3A_345, %mul3A_967 : i32
          %swap3A_969 = arith.constant 60 : i32
          %swap3A_970 = arith.index_cast %swap3A_969 : i32 to index
          %swap3A_971 = arith.index_cast %mul3A_968 : i32 to index
          %swap3A_972 = tpu.vector_load %arg16[%swap3A_970, %swap3A_971] {strides = array<i32>} : memref<80x128xf32, #tpu.memory_space<vmem>>, vector<16xf32>,
          tpu.vector_store %arg16[%swap3A_970, %swap3A_971], %gather3A_966 {strides = array<i32>} : memref<80x128xf32, #tpu.memory_space<vmem>>, vector<16xf32>,
          %add3A_973 = arith.constant 26000 : i32
          %add3A_974 = vector.broadcast %add3A_973 : i32 to vector<16xi32>
          %add3A_975 = arith.addi %get3A_842, %add3A_974 : vector<16xi32>
          %gather3A_976 = tpu.vector_load_idx %arg20[%add3A_975] : memref<64000xf32, #tpu.memory_space<vmem>>[vector<16xi32>], vector<16xf32>,
          %mul3A_977 = arith.constant 16 : i32
          %mul3A_978 = arith.muli %scan3A_345, %mul3A_977 : i32
          %swap3A_979 = arith.constant 61 : i32
          %swap3A_980 = arith.index_cast %swap3A_979 : i32 to index
          %swap3A_981 = arith.index_cast %mul3A_978 : i32 to index
          %swap3A_982 = tpu.vector_load %arg16[%swap3A_980, %swap3A_981] {strides = array<i32>} : memref<80x128xf32, #tpu.memory_space<vmem>>, vector<16xf32>,
          tpu.vector_store %arg16[%swap3A_980, %swap3A_981], %gather3A_976 {strides = array<i32>} : memref<80x128xf32, #tpu.memory_space<vmem>>, vector<16xf32>,
          %add3A_983 = arith.constant 28000 : i32
          %add3A_984 = vector.broadcast %add3A_983 : i32 to vector<16xi32>
          %add3A_985 = arith.addi %get3A_842, %add3A_984 : vector<16xi32>
          %gather3A_986 = tpu.vector_load_idx %arg20[%add3A_985] : memref<64000xf32, #tpu.memory_space<vmem>>[vector<16xi32>], vector<16xf32>,
          %mul3A_987 = arith.constant 16 : i32
          %mul3A_988 = arith.muli %scan3A_345, %mul3A_987 : i32
          %swap3A_989 = arith.constant 62 : i32
          %swap3A_990 = arith.index_cast %swap3A_989 : i32 to index
          %swap3A_991 = arith.index_cast %mul3A_988 : i32 to index
          %swap3A_992 = tpu.vector_load %arg16[%swap3A_990, %swap3A_991] {strides = array<i32>} : memref<80x128xf32, #tpu.memory_space<vmem>>, vector<16xf32>,
          tpu.vector_store %arg16[%swap3A_990, %swap3A_991], %gather3A_986 {strides = array<i32>} : memref<80x128xf32, #tpu.memory_space<vmem>>, vector<16xf32>,
          %add3A_993 = arith.constant 30000 : i32
          %add3A_994 = vector.broadcast %add3A_993 : i32 to vector<16xi32>
          %add3A_995 = arith.addi %get3A_842, %add3A_994 : vector<16xi32>
          %gather3A_996 = tpu.vector_load_idx %arg20[%add3A_995] : memref<64000xf32, #tpu.memory_space<vmem>>[vector<16xi32>], vector<16xf32>,
          %mul3A_997 = arith.constant 16 : i32
          %mul3A_998 = arith.muli %scan3A_345, %mul3A_997 : i32
          %swap3A_999 = arith.constant 63 : i32
          %swap3A_1000 = arith.index_cast %swap3A_999 : i32 to index
          %swap3A_1001 = arith.index_cast %mul3A_998 : i32 to index
          %swap3A_1002 = tpu.vector_load %arg16[%swap3A_1000, %swap3A_1001] {strides = array<i32>} : memref<80x128xf32, #tpu.memory_space<vmem>>, vector<16xf32>,
          tpu.vector_store %arg16[%swap3A_1000, %swap3A_1001], %gather3A_996 {strides = array<i32>} : memref<80x128xf32, #tpu.memory_space<vmem>>, vector<16xf32>,
          %add3A_1003 = arith.constant 32000 : i32
          %add3A_1004 = vector.broadcast %add3A_1003 : i32 to vector<16xi32>
          %add3A_1005 = arith.addi %get3A_842, %add3A_1004 : vector<16xi32>
          %gather3A_1006 = tpu.vector_load_idx %arg20[%add3A_1005] : memref<64000xf32, #tpu.memory_space<vmem>>[vector<16xi32>], vector<16xf32>,
          %mul3A_1007 = arith.constant 16 : i32
          %mul3A_1008 = arith.muli %scan3A_345, %mul3A_1007 : i32
          %swap3A_1009 = arith.constant 64 : i32
          %swap3A_1010 = arith.index_cast %swap3A_1009 : i32 to index
          %swap3A_1011 = arith.index_cast %mul3A_1008 : i32 to index
          %swap3A_1012 = tpu.vector_load %arg16[%swap3A_1010, %swap3A_1011] {strides = array<i32>} : memref<80x128xf32, #tpu.memory_space<vmem>>, vector<16xf32>,
          tpu.vector_store %arg16[%swap3A_1010, %swap3A_1011], %gather3A_1006 {strides = array<i32>} : memref<80x128xf32, #tpu.memory_space<vmem>>, vector<16xf32>,
          %add3A_1013 = arith.constant 34000 : i32
          %add3A_1014 = vector.broadcast %add3A_1013 : i32 to vector<16xi32>
          %add3A_1015 = arith.addi %get3A_842, %add3A_1014 : vector<16xi32>
          %gather3A_1016 = tpu.vector_load_idx %arg20[%add3A_1015] : memref<64000xf32, #tpu.memory_space<vmem>>[vector<16xi32>], vector<16xf32>,
          %mul3A_1017 = arith.constant 16 : i32
          %mul3A_1018 = arith.muli %scan3A_345, %mul3A_1017 : i32
          %swap3A_1019 = arith.constant 65 : i32
          %swap3A_1020 = arith.index_cast %swap3A_1019 : i32 to index
          %swap3A_1021 = arith.index_cast %mul3A_1018 : i32 to index
          %swap3A_1022 = tpu.vector_load %arg16[%swap3A_1020, %swap3A_1021] {strides = array<i32>} : memref<80x128xf32, #tpu.memory_space<vmem>>, vector<16xf32>,
          tpu.vector_store %arg16[%swap3A_1020, %swap3A_1021], %gather3A_1016 {strides = array<i32>} : memref<80x128xf32, #tpu.memory_space<vmem>>, vector<16xf32>,
          %add3A_1023 = arith.constant 36000 : i32
          %add3A_1024 = vector.broadcast %add3A_1023 : i32 to vector<16xi32>
          %add3A_1025 = arith.addi %get3A_842, %add3A_1024 : vector<16xi32>
          %gather3A_1026 = tpu.vector_load_idx %arg20[%add3A_1025] : memref<64000xf32, #tpu.memory_space<vmem>>[vector<16xi32>], vector<16xf32>,
          %mul3A_1027 = arith.constant 16 : i32
          %mul3A_1028 = arith.muli %scan3A_345, %mul3A_1027 : i32
          %swap3A_1029 = arith.constant 66 : i32
          %swap3A_1030 = arith.index_cast %swap3A_1029 : i32 to index
          %swap3A_1031 = arith.index_cast %mul3A_1028 : i32 to index
          %swap3A_1032 = tpu.vector_load %arg16[%swap3A_1030, %swap3A_1031] {strides = array<i32>} : memref<80x128xf32, #tpu.memory_space<vmem>>, vector<16xf32>,
          tpu.vector_store %arg16[%swap3A_1030, %swap3A_1031], %gather3A_1026 {strides = array<i32>} : memref<80x128xf32, #tpu.memory_space<vmem>>, vector<16xf32>,
          %add3A_1033 = arith.constant 38000 : i32
          %add3A_1034 = vector.broadcast %add3A_1033 : i32 to vector<16xi32>
          %add3A_1035 = arith.addi %get3A_842, %add3A_1034 : vector<16xi32>
          %gather3A_1036 = tpu.vector_load_idx %arg20[%add3A_1035] : memref<64000xf32, #tpu.memory_space<vmem>>[vector<16xi32>], vector<16xf32>,
          %mul3A_1037 = arith.constant 16 : i32
          %mul3A_1038 = arith.muli %scan3A_345, %mul3A_1037 : i32
          %swap3A_1039 = arith.constant 67 : i32
          %swap3A_1040 = arith.index_cast %swap3A_1039 : i32 to index
          %swap3A_1041 = arith.index_cast %mul3A_1038 : i32 to index
          %swap3A_1042 = tpu.vector_load %arg16[%swap3A_1040, %swap3A_1041] {strides = array<i32>} : memref<80x128xf32, #tpu.memory_space<vmem>>, vector<16xf32>,
          tpu.vector_store %arg16[%swap3A_1040, %swap3A_1041], %gather3A_1036 {strides = array<i32>} : memref<80x128xf32, #tpu.memory_space<vmem>>, vector<16xf32>,
          %add3A_1043 = arith.constant 40000 : i32
          %add3A_1044 = vector.broadcast %add3A_1043 : i32 to vector<16xi32>
          %add3A_1045 = arith.addi %get3A_842, %add3A_1044 : vector<16xi32>
          %gather3A_1046 = tpu.vector_load_idx %arg20[%add3A_1045] : memref<64000xf32, #tpu.memory_space<vmem>>[vector<16xi32>], vector<16xf32>,
          %mul3A_1047 = arith.constant 16 : i32
          %mul3A_1048 = arith.muli %scan3A_345, %mul3A_1047 : i32
          %swap3A_1049 = arith.constant 68 : i32
          %swap3A_1050 = arith.index_cast %swap3A_1049 : i32 to index
          %swap3A_1051 = arith.index_cast %mul3A_1048 : i32 to index
          %swap3A_1052 = tpu.vector_load %arg16[%swap3A_1050, %swap3A_1051] {strides = array<i32>} : memref<80x128xf32, #tpu.memory_space<vmem>>, vector<16xf32>,
          tpu.vector_store %arg16[%swap3A_1050, %swap3A_1051], %gather3A_1046 {strides = array<i32>} : memref<80x128xf32, #tpu.memory_space<vmem>>, vector<16xf32>,
          %add3A_1053 = arith.constant 42000 : i32
          %add3A_1054 = vector.broadcast %add3A_1053 : i32 to vector<16xi32>
          %add3A_1055 = arith.addi %get3A_842, %add3A_1054 : vector<16xi32>
          %gather3A_1056 = tpu.vector_load_idx %arg20[%add3A_1055] : memref<64000xf32, #tpu.memory_space<vmem>>[vector<16xi32>], vector<16xf32>,
          %mul3A_1057 = arith.constant 16 : i32
          %mul3A_1058 = arith.muli %scan3A_345, %mul3A_1057 : i32
          %swap3A_1059 = arith.constant 69 : i32
          %swap3A_1060 = arith.index_cast %swap3A_1059 : i32 to index
          %swap3A_1061 = arith.index_cast %mul3A_1058 : i32 to index
          %swap3A_1062 = tpu.vector_load %arg16[%swap3A_1060, %swap3A_1061] {strides = array<i32>} : memref<80x128xf32, #tpu.memory_space<vmem>>, vector<16xf32>,
          tpu.vector_store %arg16[%swap3A_1060, %swap3A_1061], %gather3A_1056 {strides = array<i32>} : memref<80x128xf32, #tpu.memory_space<vmem>>, vector<16xf32>,
          %add3A_1063 = arith.constant 44000 : i32
          %add3A_1064 = vector.broadcast %add3A_1063 : i32 to vector<16xi32>
          %add3A_1065 = arith.addi %get3A_842, %add3A_1064 : vector<16xi32>
          %gather3A_1066 = tpu.vector_load_idx %arg20[%add3A_1065] : memref<64000xf32, #tpu.memory_space<vmem>>[vector<16xi32>], vector<16xf32>,
          %mul3A_1067 = arith.constant 16 : i32
          %mul3A_1068 = arith.muli %scan3A_345, %mul3A_1067 : i32
          %swap3A_1069 = arith.constant 70 : i32
          %swap3A_1070 = arith.index_cast %swap3A_1069 : i32 to index
          %swap3A_1071 = arith.index_cast %mul3A_1068 : i32 to index
          %swap3A_1072 = tpu.vector_load %arg16[%swap3A_1070, %swap3A_1071] {strides = array<i32>} : memref<80x128xf32, #tpu.memory_space<vmem>>, vector<16xf32>,
          tpu.vector_store %arg16[%swap3A_1070, %swap3A_1071], %gather3A_1066 {strides = array<i32>} : memref<80x128xf32, #tpu.memory_space<vmem>>, vector<16xf32>,
          %add3A_1073 = arith.constant 46000 : i32
          %add3A_1074 = vector.broadcast %add3A_1073 : i32 to vector<16xi32>
          %add3A_1075 = arith.addi %get3A_842, %add3A_1074 : vector<16xi32>
          %gather3A_1076 = tpu.vector_load_idx %arg20[%add3A_1075] : memref<64000xf32, #tpu.memory_space<vmem>>[vector<16xi32>], vector<16xf32>,
          %mul3A_1077 = arith.constant 16 : i32
          %mul3A_1078 = arith.muli %scan3A_345, %mul3A_1077 : i32
          %swap3A_1079 = arith.constant 71 : i32
          %swap3A_1080 = arith.index_cast %swap3A_1079 : i32 to index
          %swap3A_1081 = arith.index_cast %mul3A_1078 : i32 to index
          %swap3A_1082 = tpu.vector_load %arg16[%swap3A_1080, %swap3A_1081] {strides = array<i32>} : memref<80x128xf32, #tpu.memory_space<vmem>>, vector<16xf32>,
          tpu.vector_store %arg16[%swap3A_1080, %swap3A_1081], %gather3A_1076 {strides = array<i32>} : memref<80x128xf32, #tpu.memory_space<vmem>>, vector<16xf32>,
          %add3A_1083 = arith.constant 48000 : i32
          %add3A_1084 = vector.broadcast %add3A_1083 : i32 to vector<16xi32>
          %add3A_1085 = arith.addi %get3A_842, %add3A_1084 : vector<16xi32>
          %gather3A_1086 = tpu.vector_load_idx %arg20[%add3A_1085] : memref<64000xf32, #tpu.memory_space<vmem>>[vector<16xi32>], vector<16xf32>,
          %mul3A_1087 = arith.constant 16 : i32
          %mul3A_1088 = arith.muli %scan3A_345, %mul3A_1087 : i32
          %swap3A_1089 = arith.constant 72 : i32
          %swap3A_1090 = arith.index_cast %swap3A_1089 : i32 to index
          %swap3A_1091 = arith.index_cast %mul3A_1088 : i32 to index
          %swap3A_1092 = tpu.vector_load %arg16[%swap3A_1090, %swap3A_1091] {strides = array<i32>} : memref<80x128xf32, #tpu.memory_space<vmem>>, vector<16xf32>,
          tpu.vector_store %arg16[%swap3A_1090, %swap3A_1091], %gather3A_1086 {strides = array<i32>} : memref<80x128xf32, #tpu.memory_space<vmem>>, vector<16xf32>,
          %add3A_1093 = arith.constant 50000 : i32
          %add3A_1094 = vector.broadcast %add3A_1093 : i32 to vector<16xi32>
          %add3A_1095 = arith.addi %get3A_842, %add3A_1094 : vector<16xi32>
          %gather3A_1096 = tpu.vector_load_idx %arg20[%add3A_1095] : memref<64000xf32, #tpu.memory_space<vmem>>[vector<16xi32>], vector<16xf32>,
          %mul3A_1097 = arith.constant 16 : i32
          %mul3A_1098 = arith.muli %scan3A_345, %mul3A_1097 : i32
          %swap3A_1099 = arith.constant 73 : i32
          %swap3A_1100 = arith.index_cast %swap3A_1099 : i32 to index
          %swap3A_1101 = arith.index_cast %mul3A_1098 : i32 to index
          %swap3A_1102 = tpu.vector_load %arg16[%swap3A_1100, %swap3A_1101] {strides = array<i32>} : memref<80x128xf32, #tpu.memory_space<vmem>>, vector<16xf32>,
          tpu.vector_store %arg16[%swap3A_1100, %swap3A_1101], %gather3A_1096 {strides = array<i32>} : memref<80x128xf32, #tpu.memory_space<vmem>>, vector<16xf32>,
          %add3A_1103 = arith.constant 52000 : i32
          %add3A_1104 = vector.broadcast %add3A_1103 : i32 to vector<16xi32>
          %add3A_1105 = arith.addi %get3A_842, %add3A_1104 : vector<16xi32>
          %gather3A_1106 = tpu.vector_load_idx %arg20[%add3A_1105] : memref<64000xf32, #tpu.memory_space<vmem>>[vector<16xi32>], vector<16xf32>,
          %mul3A_1107 = arith.constant 16 : i32
          %mul3A_1108 = arith.muli %scan3A_345, %mul3A_1107 : i32
          %swap3A_1109 = arith.constant 74 : i32
          %swap3A_1110 = arith.index_cast %swap3A_1109 : i32 to index
          %swap3A_1111 = arith.index_cast %mul3A_1108 : i32 to index
          %swap3A_1112 = tpu.vector_load %arg16[%swap3A_1110, %swap3A_1111] {strides = array<i32>} : memref<80x128xf32, #tpu.memory_space<vmem>>, vector<16xf32>,
          tpu.vector_store %arg16[%swap3A_1110, %swap3A_1111], %gather3A_1106 {strides = array<i32>} : memref<80x128xf32, #tpu.memory_space<vmem>>, vector<16xf32>,
          %add3A_1113 = arith.constant 54000 : i32
          %add3A_1114 = vector.broadcast %add3A_1113 : i32 to vector<16xi32>
          %add3A_1115 = arith.addi %get3A_842, %add3A_1114 : vector<16xi32>
          %gather3A_1116 = tpu.vector_load_idx %arg20[%add3A_1115] : memref<64000xf32, #tpu.memory_space<vmem>>[vector<16xi32>], vector<16xf32>,
          %mul3A_1117 = arith.constant 16 : i32
          %mul3A_1118 = arith.muli %scan3A_345, %mul3A_1117 : i32
          %swap3A_1119 = arith.constant 75 : i32
          %swap3A_1120 = arith.index_cast %swap3A_1119 : i32 to index
          %swap3A_1121 = arith.index_cast %mul3A_1118 : i32 to index
          %swap3A_1122 = tpu.vector_load %arg16[%swap3A_1120, %swap3A_1121] {strides = array<i32>} : memref<80x128xf32, #tpu.memory_space<vmem>>, vector<16xf32>,
          tpu.vector_store %arg16[%swap3A_1120, %swap3A_1121], %gather3A_1116 {strides = array<i32>} : memref<80x128xf32, #tpu.memory_space<vmem>>, vector<16xf32>,
          %add3A_1123 = arith.constant 56000 : i32
          %add3A_1124 = vector.broadcast %add3A_1123 : i32 to vector<16xi32>
          %add3A_1125 = arith.addi %get3A_842, %add3A_1124 : vector<16xi32>
          %gather3A_1126 = tpu.vector_load_idx %arg20[%add3A_1125] : memref<64000xf32, #tpu.memory_space<vmem>>[vector<16xi32>], vector<16xf32>,
          %mul3A_1127 = arith.constant 16 : i32
          %mul3A_1128 = arith.muli %scan3A_345, %mul3A_1127 : i32
          %swap3A_1129 = arith.constant 76 : i32
          %swap3A_1130 = arith.index_cast %swap3A_1129 : i32 to index
          %swap3A_1131 = arith.index_cast %mul3A_1128 : i32 to index
          %swap3A_1132 = tpu.vector_load %arg16[%swap3A_1130, %swap3A_1131] {strides = array<i32>} : memref<80x128xf32, #tpu.memory_space<vmem>>, vector<16xf32>,
          tpu.vector_store %arg16[%swap3A_1130, %swap3A_1131], %gather3A_1126 {strides = array<i32>} : memref<80x128xf32, #tpu.memory_space<vmem>>, vector<16xf32>,
          %add3A_1133 = arith.constant 58000 : i32
          %add3A_1134 = vector.broadcast %add3A_1133 : i32 to vector<16xi32>
          %add3A_1135 = arith.addi %get3A_842, %add3A_1134 : vector<16xi32>
          %gather3A_1136 = tpu.vector_load_idx %arg20[%add3A_1135] : memref<64000xf32, #tpu.memory_space<vmem>>[vector<16xi32>], vector<16xf32>,
          %mul3A_1137 = arith.constant 16 : i32
          %mul3A_1138 = arith.muli %scan3A_345, %mul3A_1137 : i32
          %swap3A_1139 = arith.constant 77 : i32
          %swap3A_1140 = arith.index_cast %swap3A_1139 : i32 to index
          %swap3A_1141 = arith.index_cast %mul3A_1138 : i32 to index
          %swap3A_1142 = tpu.vector_load %arg16[%swap3A_1140, %swap3A_1141] {strides = array<i32>} : memref<80x128xf32, #tpu.memory_space<vmem>>, vector<16xf32>,
          tpu.vector_store %arg16[%swap3A_1140, %swap3A_1141], %gather3A_1136 {strides = array<i32>} : memref<80x128xf32, #tpu.memory_space<vmem>>, vector<16xf32>,
          %add3A_1143 = arith.constant 60000 : i32
          %add3A_1144 = vector.broadcast %add3A_1143 : i32 to vector<16xi32>
          %add3A_1145 = arith.addi %get3A_842, %add3A_1144 : vector<16xi32>
          %gather3A_1146 = tpu.vector_load_idx %arg20[%add3A_1145] : memref<64000xf32, #tpu.memory_space<vmem>>[vector<16xi32>], vector<16xf32>,
          %mul3A_1147 = arith.constant 16 : i32
          %mul3A_1148 = arith.muli %scan3A_345, %mul3A_1147 : i32
          %swap3A_1149 = arith.constant 78 : i32
          %swap3A_1150 = arith.index_cast %swap3A_1149 : i32 to index
          %swap3A_1151 = arith.index_cast %mul3A_1148 : i32 to index
          %swap3A_1152 = tpu.vector_load %arg16[%swap3A_1150, %swap3A_1151] {strides = array<i32>} : memref<80x128xf32, #tpu.memory_space<vmem>>, vector<16xf32>,
          tpu.vector_store %arg16[%swap3A_1150, %swap3A_1151], %gather3A_1146 {strides = array<i32>} : memref<80x128xf32, #tpu.memory_space<vmem>>, vector<16xf32>,
          %add3A_1153 = arith.constant 62000 : i32
          %add3A_1154 = vector.broadcast %add3A_1153 : i32 to vector<16xi32>
          %add3A_1155 = arith.addi %get3A_842, %add3A_1154 : vector<16xi32>
          %gather3A_1156 = tpu.vector_load_idx %arg20[%add3A_1155] : memref<64000xf32, #tpu.memory_space<vmem>>[vector<16xi32>], vector<16xf32>,
          %mul3A_1157 = arith.constant 16 : i32
          %mul3A_1158 = arith.muli %scan3A_345, %mul3A_1157 : i32
          %swap3A_1159 = arith.constant 79 : i32
          %swap3A_1160 = arith.index_cast %swap3A_1159 : i32 to index
          %swap3A_1161 = arith.index_cast %mul3A_1158 : i32 to index
          %swap3A_1162 = tpu.vector_load %arg16[%swap3A_1160, %swap3A_1161] {strides = array<i32>} : memref<80x128xf32, #tpu.memory_space<vmem>>, vector<16xf32>,
          tpu.vector_store %arg16[%swap3A_1160, %swap3A_1161], %gather3A_1156 {strides = array<i32>} : memref<80x128xf32, #tpu.memory_space<vmem>>, vector<16xf32>,
        }
        %scan3A_344 = arith.constant 8 : i32
        "tpu.region"() ({
          %run_scoped3A = tpu.sem_alloc : memref<!tpu.dma_semaphore, #tpu.memory_space<semaphore_mem>>
          %dma_start3A_345 = arith.constant 0 : i32
          %dma_start3A_346 = arith.constant 0 : i32
          %dma_start3A_347 = tpu.memref_slice %arg16[%dma_start3A_345, %dma_start3A_346] : memref<80x128xf32, #tpu.memory_space<vmem>> -> memref<80x128xf32, #tpu.memory_space<vmem>>
          %dma_start3A_348 = arith.constant 0 : i32
          %dma_start3A_349 = tpu.memref_slice %arg7[%dma_start3A_348, %min3A_30] : memref<240x50000xf32, #tpu.memory_space<hbm>> -> memref<80x128xf32, #tpu.memory_space<hbm>>
          %dma_start3A_350 = arith.constant 0 : i32
          %dma_start3A_351 = tpu.memref_slice %arg7[%dma_start3A_350, %min3A_30] : memref<240x50000xf32, #tpu.memory_space<hbm>> -> memref<80x128xf32, #tpu.memory_space<hbm>>
          %dma_start3A_352 = arith.constant 0 : i32
          %dma_start3A_353 = arith.constant 0 : i32
          %dma_start3A_354 = tpu.memref_slice %arg16[%dma_start3A_352, %dma_start3A_353] : memref<80x128xf32, #tpu.memory_space<vmem>> -> memref<80x128xf32, #tpu.memory_space<vmem>>
          tpu.enqueue_dma source(%dma_start3A_354 : memref<80x128xf32, #tpu.memory_space<vmem>>) target(%dma_start3A_351 : memref<80x128xf32, #tpu.memory_space<hbm>>) target_semaphore(%run_scoped3A : memref<!tpu.dma_semaphore, #tpu.memory_space<semaphore_mem>>)
          %dma_wait3A_355 = arith.constant 0 : i32
          %dma_wait3A_356 = arith.constant 0 : i32
          %dma_wait3A_357 = tpu.memref_slice %arg16[%dma_wait3A_355, %dma_wait3A_356] : memref<80x128xf32, #tpu.memory_space<vmem>> -> memref<80x128xf32, #tpu.memory_space<vmem>>
          %dma_wait3A_358 = arith.constant 0 : i32
          %dma_wait3A_359 = tpu.memref_slice %arg7[%dma_wait3A_358, %min3A_30] : memref<240x50000xf32, #tpu.memory_space<hbm>> -> memref<80x128xf32, #tpu.memory_space<hbm>>
          %dma_wait3A_360 = arith.constant 0 : i32
          %dma_wait3A_361 = tpu.memref_slice %arg7[%dma_wait3A_360, %min3A_30] : memref<240x50000xf32, #tpu.memory_space<hbm>> -> memref<80x128xf32, #tpu.memory_space<hbm>>
          %dma_wait3A_362 = arith.constant 0 : i32
          %dma_wait3A_363 = arith.constant 0 : i32
          %dma_wait3A_364 = tpu.memref_slice %arg16[%dma_wait3A_362, %dma_wait3A_363] : memref<80x128xf32, #tpu.memory_space<vmem>> -> memref<80x128xf32, #tpu.memory_space<vmem>>
          tpu.wait_dma2 semaphore(%run_scoped3A : memref<!tpu.dma_semaphore, #tpu.memory_space<semaphore_mem>>) src(%dma_wait3A_364 : memref<80x128xf32, #tpu.memory_space<vmem>>) dst(%dma_wait3A_361 : memref<80x128xf32, #tpu.memory_space<hbm>>)
          tpu.yield
        }) : () -> ()
      }
      %scan3A_19 = arith.constant 36 : i32
    } else {
    }
    %ge3A_9 = arith.constant 27 : i32
    %ge3A_10 = arith.cmpi sge, %add3A, %ge3A_9 : i32
    %convert_element_type3A_11 = arith.extui %ge3A_10 : i1 to i32
    %cond3A_12 = arith.constant 0 : i32
    %cond3A_13 = arith.cmpi ne, %convert_element_type3A_11, %cond3A_12 : i32
    scf.if %cond3A_13 {
      %sub3A = arith.constant 16 : i32
      %sub3A_14 = arith.subi %add3A, %sub3A : i32
      %sub3A_15 = arith.constant 11 : i32
      %sub3A_16 = arith.subi %sub3A_14, %sub3A_15 : i32
      "tpu.region"() ({
        %run_scoped3A = tpu.sem_alloc : memref<!tpu.dma_semaphore, #tpu.memory_space<semaphore_mem>>
        tpu.enqueue_dma source(%arg3 : memref<320xf32, #tpu.memory_space<hbm>>) target(%arg18 : memref<320xf32, #tpu.memory_space<vmem>>) target_semaphore(%run_scoped3A : memref<!tpu.dma_semaphore, #tpu.memory_space<semaphore_mem>>)
        tpu.wait_dma2 semaphore(%run_scoped3A : memref<!tpu.dma_semaphore, #tpu.memory_space<semaphore_mem>>) src(%arg3 : memref<320xf32, #tpu.memory_space<hbm>>) dst(%arg18 : memref<320xf32, #tpu.memory_space<vmem>>)
        tpu.yield
      }) : () -> ()
      "tpu.region"() ({
        %run_scoped3A = tpu.sem_alloc : memref<!tpu.dma_semaphore, #tpu.memory_space<semaphore_mem>>
        tpu.enqueue_dma source(%arg4 : memref<6400xf32, #tpu.memory_space<hbm>>) target(%arg19 : memref<6400xf32, #tpu.memory_space<vmem>>) target_semaphore(%run_scoped3A : memref<!tpu.dma_semaphore, #tpu.memory_space<semaphore_mem>>)
        tpu.wait_dma2 semaphore(%run_scoped3A : memref<!tpu.dma_semaphore, #tpu.memory_space<semaphore_mem>>) src(%arg4 : memref<6400xf32, #tpu.memory_space<hbm>>) dst(%arg19 : memref<6400xf32, #tpu.memory_space<vmem>>)
        tpu.yield
      }) : () -> ()
      "tpu.region"() ({
        %run_scoped3A = tpu.sem_alloc : memref<!tpu.dma_semaphore, #tpu.memory_space<semaphore_mem>>
        %dma_start3A = arith.constant 64000 : i32
        %dma_start3A_22 = tpu.memref_slice %arg5[%dma_start3A] : memref<128000xf32, #tpu.memory_space<hbm>> -> memref<64000xf32, #tpu.memory_space<hbm>>
        %dma_start3A_23 = arith.constant 64000 : i32
        %dma_start3A_24 = tpu.memref_slice %arg5[%dma_start3A_23] : memref<128000xf32, #tpu.memory_space<hbm>> -> memref<64000xf32, #tpu.memory_space<hbm>>
        tpu.enqueue_dma source(%dma_start3A_24 : memref<64000xf32, #tpu.memory_space<hbm>>) target(%arg20 : memref<64000xf32, #tpu.memory_space<vmem>>) target_semaphore(%run_scoped3A : memref<!tpu.dma_semaphore, #tpu.memory_space<semaphore_mem>>)
        %dma_wait3A = arith.constant 64000 : i32
        %dma_wait3A_25 = tpu.memref_slice %arg5[%dma_wait3A] : memref<128000xf32, #tpu.memory_space<hbm>> -> memref<64000xf32, #tpu.memory_space<hbm>>
        %dma_wait3A_26 = arith.constant 64000 : i32
        %dma_wait3A_27 = tpu.memref_slice %arg5[%dma_wait3A_26] : memref<128000xf32, #tpu.memory_space<hbm>> -> memref<64000xf32, #tpu.memory_space<hbm>>
        tpu.wait_dma2 semaphore(%run_scoped3A : memref<!tpu.dma_semaphore, #tpu.memory_space<semaphore_mem>>) src(%dma_wait3A_27 : memref<64000xf32, #tpu.memory_space<hbm>>) dst(%arg20 : memref<64000xf32, #tpu.memory_space<vmem>>)
        tpu.yield
      }) : () -> ()
      %scan3A = arith.constant 0 : i32
      %scan3A_17 = arith.constant 0 : i32
      %scan3A_18 = arith.constant 80 : i32
      %scan3A_19 = arith.addi %scan3A_17, %scan3A_18 : i32
      %scan3A_20 = arith.constant 1 : i32
      scf.for %scan3A_22 = %scan3A_17 to %scan3A_19 step %scan3A_20  : i32 {
        %min3A = arith.constant 79 : i32
        %min3A_23 = arith.minsi %scan3A_22, %min3A : i32
        %mul3A_24 = arith.constant 5 : i32
        %mul3A_25 = arith.muli %min3A_23, %mul3A_24 : i32
        %add3A_26 = arith.addi %mul3A_25, %sub3A_16 : i32
        %min3A_27 = arith.constant 390 : i32
        %min3A_28 = arith.minsi %add3A_26, %min3A_27 : i32
        %mul3A_29 = arith.constant 128 : i32
        %mul3A_30 = arith.muli %min3A_28, %mul3A_29 : i32
        %min3A_31 = arith.constant 49872 : i32
        %min3A_32 = arith.minsi %mul3A_30, %min3A_31 : i32
        %add3A_33 = arith.constant 100000 : i32
        %add3A_34 = arith.addi %add3A_33, %min3A_32 : i32
        %dma_start3A = arith.constant 0 : i32
        %dma_start3A_35 = tpu.memref_slice %arg10[%dma_start3A] : memref<384xi32, #tpu.memory_space<vmem>> -> memref<128xi32, #tpu.memory_space<vmem>>
        %dma_start3A_36 = tpu.memref_slice %arg2[%add3A_34] : memref<200000xi32, #tpu.memory_space<hbm>> -> memref<128xi32, #tpu.memory_space<hbm>>
        %dma_start3A_37 = arith.constant 0 : i32
        %dma_start3A_38 = tpu.memref_slice %arg10[%dma_start3A_37] : memref<384xi32, #tpu.memory_space<vmem>> -> memref<128xi32, #tpu.memory_space<vmem>>
        %dma_start3A_39 = tpu.memref_slice %arg2[%add3A_34] : memref<200000xi32, #tpu.memory_space<hbm>> -> memref<128xi32, #tpu.memory_space<hbm>>
        tpu.enqueue_dma source(%dma_start3A_39 : memref<128xi32, #tpu.memory_space<hbm>>) target(%dma_start3A_38 : memref<128xi32, #tpu.memory_space<vmem>>) target_semaphore(%arg21 : memref<!tpu.dma_semaphore, #tpu.memory_space<semaphore_mem>>)
        %add3A_40 = arith.constant 100000 : i32
        %add3A_41 = arith.addi %add3A_40, %min3A_32 : i32
        %dma_wait3A = arith.constant 0 : i32
        %dma_wait3A_42 = tpu.memref_slice %arg10[%dma_wait3A] : memref<384xi32, #tpu.memory_space<vmem>> -> memref<128xi32, #tpu.memory_space<vmem>>
        %dma_wait3A_43 = tpu.memref_slice %arg2[%add3A_41] : memref<200000xi32, #tpu.memory_space<hbm>> -> memref<128xi32, #tpu.memory_space<hbm>>
        %dma_wait3A_44 = arith.constant 0 : i32
        %dma_wait3A_45 = tpu.memref_slice %arg10[%dma_wait3A_44] : memref<384xi32, #tpu.memory_space<vmem>> -> memref<128xi32, #tpu.memory_space<vmem>>
        %dma_wait3A_46 = tpu.memref_slice %arg2[%add3A_41] : memref<200000xi32, #tpu.memory_space<hbm>> -> memref<128xi32, #tpu.memory_space<hbm>>
        tpu.wait_dma2 semaphore(%arg21 : memref<!tpu.dma_semaphore, #tpu.memory_space<semaphore_mem>>) src(%dma_wait3A_46 : memref<128xi32, #tpu.memory_space<hbm>>) dst(%dma_wait3A_45 : memref<128xi32, #tpu.memory_space<vmem>>)
        %get3A = arith.constant 0 : i32
        %get3A_47 = tpu.memref_slice %arg10[%get3A] : memref<384xi32, #tpu.memory_space<vmem>> -> memref<128xi32, #tpu.memory_space<vmem>>
        %get3A_48 = arith.constant 0 : index
        %get3A_49 = tpu.vector_load %get3A_47[%get3A_48] {strides = array<i32>} : memref<128xi32, #tpu.memory_space<vmem>>, vector<16xi32>,
        %sub3A_50 = arith.constant 1 : i32
        %sub3A_51 = vector.broadcast %sub3A_50 : i32 to vector<16xi32>
        %sub3A_52 = arith.subi %get3A_49, %sub3A_51 : vector<16xi32>
        %swap3A = arith.constant 0 : i32
        %swap3A_53 = tpu.memref_slice %arg10[%swap3A] : memref<384xi32, #tpu.memory_space<vmem>> -> memref<128xi32, #tpu.memory_space<vmem>>
        %swap3A_54 = arith.constant 0 : index
        %swap3A_55 = tpu.vector_load %swap3A_53[%swap3A_54] {strides = array<i32>} : memref<128xi32, #tpu.memory_space<vmem>>, vector<16xi32>,
        tpu.vector_store %swap3A_53[%swap3A_54], %sub3A_52 {strides = array<i32>} : memref<128xi32, #tpu.memory_space<vmem>>, vector<16xi32>,
        %get3A_56 = arith.constant 0 : i32
        %get3A_57 = tpu.memref_slice %arg10[%get3A_56] : memref<384xi32, #tpu.memory_space<vmem>> -> memref<128xi32, #tpu.memory_space<vmem>>
        %get3A_58 = arith.constant 16 : index
        %get3A_59 = tpu.vector_load %get3A_57[%get3A_58] {strides = array<i32>} : memref<128xi32, #tpu.memory_space<vmem>>, vector<16xi32>,
        %sub3A_60 = arith.constant 1 : i32
        %sub3A_61 = vector.broadcast %sub3A_60 : i32 to vector<16xi32>
        %sub3A_62 = arith.subi %get3A_59, %sub3A_61 : vector<16xi32>
        %swap3A_63 = arith.constant 0 : i32
        %swap3A_64 = tpu.memref_slice %arg10[%swap3A_63] : memref<384xi32, #tpu.memory_space<vmem>> -> memref<128xi32, #tpu.memory_space<vmem>>
        %swap3A_65 = arith.constant 16 : index
        %swap3A_66 = tpu.vector_load %swap3A_64[%swap3A_65] {strides = array<i32>} : memref<128xi32, #tpu.memory_space<vmem>>, vector<16xi32>,
        tpu.vector_store %swap3A_64[%swap3A_65], %sub3A_62 {strides = array<i32>} : memref<128xi32, #tpu.memory_space<vmem>>, vector<16xi32>,
        %get3A_67 = arith.constant 0 : i32
        %get3A_68 = tpu.memref_slice %arg10[%get3A_67] : memref<384xi32, #tpu.memory_space<vmem>> -> memref<128xi32, #tpu.memory_space<vmem>>
        %get3A_69 = arith.constant 32 : index
        %get3A_70 = tpu.vector_load %get3A_68[%get3A_69] {strides = array<i32>} : memref<128xi32, #tpu.memory_space<vmem>>, vector<16xi32>,
        %sub3A_71 = arith.constant 1 : i32
        %sub3A_72 = vector.broadcast %sub3A_71 : i32 to vector<16xi32>
        %sub3A_73 = arith.subi %get3A_70, %sub3A_72 : vector<16xi32>
        %swap3A_74 = arith.constant 0 : i32
        %swap3A_75 = tpu.memref_slice %arg10[%swap3A_74] : memref<384xi32, #tpu.memory_space<vmem>> -> memref<128xi32, #tpu.memory_space<vmem>>
        %swap3A_76 = arith.constant 32 : index
        %swap3A_77 = tpu.vector_load %swap3A_75[%swap3A_76] {strides = array<i32>} : memref<128xi32, #tpu.memory_space<vmem>>, vector<16xi32>,
        tpu.vector_store %swap3A_75[%swap3A_76], %sub3A_73 {strides = array<i32>} : memref<128xi32, #tpu.memory_space<vmem>>, vector<16xi32>,
        %get3A_78 = arith.constant 0 : i32
        %get3A_79 = tpu.memref_slice %arg10[%get3A_78] : memref<384xi32, #tpu.memory_space<vmem>> -> memref<128xi32, #tpu.memory_space<vmem>>
        %get3A_80 = arith.constant 48 : index
        %get3A_81 = tpu.vector_load %get3A_79[%get3A_80] {strides = array<i32>} : memref<128xi32, #tpu.memory_space<vmem>>, vector<16xi32>,
        %sub3A_82 = arith.constant 1 : i32
        %sub3A_83 = vector.broadcast %sub3A_82 : i32 to vector<16xi32>
        %sub3A_84 = arith.subi %get3A_81, %sub3A_83 : vector<16xi32>
        %swap3A_85 = arith.constant 0 : i32
        %swap3A_86 = tpu.memref_slice %arg10[%swap3A_85] : memref<384xi32, #tpu.memory_space<vmem>> -> memref<128xi32, #tpu.memory_space<vmem>>
        %swap3A_87 = arith.constant 48 : index
        %swap3A_88 = tpu.vector_load %swap3A_86[%swap3A_87] {strides = array<i32>} : memref<128xi32, #tpu.memory_space<vmem>>, vector<16xi32>,
        tpu.vector_store %swap3A_86[%swap3A_87], %sub3A_84 {strides = array<i32>} : memref<128xi32, #tpu.memory_space<vmem>>, vector<16xi32>,
        %get3A_89 = arith.constant 0 : i32
        %get3A_90 = tpu.memref_slice %arg10[%get3A_89] : memref<384xi32, #tpu.memory_space<vmem>> -> memref<128xi32, #tpu.memory_space<vmem>>
        %get3A_91 = arith.constant 64 : index
        %get3A_92 = tpu.vector_load %get3A_90[%get3A_91] {strides = array<i32>} : memref<128xi32, #tpu.memory_space<vmem>>, vector<16xi32>,
        %sub3A_93 = arith.constant 1 : i32
        %sub3A_94 = vector.broadcast %sub3A_93 : i32 to vector<16xi32>
        %sub3A_95 = arith.subi %get3A_92, %sub3A_94 : vector<16xi32>
        %swap3A_96 = arith.constant 0 : i32
        %swap3A_97 = tpu.memref_slice %arg10[%swap3A_96] : memref<384xi32, #tpu.memory_space<vmem>> -> memref<128xi32, #tpu.memory_space<vmem>>
        %swap3A_98 = arith.constant 64 : index
        %swap3A_99 = tpu.vector_load %swap3A_97[%swap3A_98] {strides = array<i32>} : memref<128xi32, #tpu.memory_space<vmem>>, vector<16xi32>,
        tpu.vector_store %swap3A_97[%swap3A_98], %sub3A_95 {strides = array<i32>} : memref<128xi32, #tpu.memory_space<vmem>>, vector<16xi32>,
        %get3A_100 = arith.constant 0 : i32
        %get3A_101 = tpu.memref_slice %arg10[%get3A_100] : memref<384xi32, #tpu.memory_space<vmem>> -> memref<128xi32, #tpu.memory_space<vmem>>
        %get3A_102 = arith.constant 80 : index
        %get3A_103 = tpu.vector_load %get3A_101[%get3A_102] {strides = array<i32>} : memref<128xi32, #tpu.memory_space<vmem>>, vector<16xi32>,
        %sub3A_104 = arith.constant 1 : i32
        %sub3A_105 = vector.broadcast %sub3A_104 : i32 to vector<16xi32>
        %sub3A_106 = arith.subi %get3A_103, %sub3A_105 : vector<16xi32>
        %swap3A_107 = arith.constant 0 : i32
        %swap3A_108 = tpu.memref_slice %arg10[%swap3A_107] : memref<384xi32, #tpu.memory_space<vmem>> -> memref<128xi32, #tpu.memory_space<vmem>>
        %swap3A_109 = arith.constant 80 : index
        %swap3A_110 = tpu.vector_load %swap3A_108[%swap3A_109] {strides = array<i32>} : memref<128xi32, #tpu.memory_space<vmem>>, vector<16xi32>,
        tpu.vector_store %swap3A_108[%swap3A_109], %sub3A_106 {strides = array<i32>} : memref<128xi32, #tpu.memory_space<vmem>>, vector<16xi32>,
        %get3A_111 = arith.constant 0 : i32
        %get3A_112 = tpu.memref_slice %arg10[%get3A_111] : memref<384xi32, #tpu.memory_space<vmem>> -> memref<128xi32, #tpu.memory_space<vmem>>
        %get3A_113 = arith.constant 96 : index
        %get3A_114 = tpu.vector_load %get3A_112[%get3A_113] {strides = array<i32>} : memref<128xi32, #tpu.memory_space<vmem>>, vector<16xi32>,
        %sub3A_115 = arith.constant 1 : i32
        %sub3A_116 = vector.broadcast %sub3A_115 : i32 to vector<16xi32>
        %sub3A_117 = arith.subi %get3A_114, %sub3A_116 : vector<16xi32>
        %swap3A_118 = arith.constant 0 : i32
        %swap3A_119 = tpu.memref_slice %arg10[%swap3A_118] : memref<384xi32, #tpu.memory_space<vmem>> -> memref<128xi32, #tpu.memory_space<vmem>>
        %swap3A_120 = arith.constant 96 : index
        %swap3A_121 = tpu.vector_load %swap3A_119[%swap3A_120] {strides = array<i32>} : memref<128xi32, #tpu.memory_space<vmem>>, vector<16xi32>,
        tpu.vector_store %swap3A_119[%swap3A_120], %sub3A_117 {strides = array<i32>} : memref<128xi32, #tpu.memory_space<vmem>>, vector<16xi32>,
        %get3A_122 = arith.constant 0 : i32
        %get3A_123 = tpu.memref_slice %arg10[%get3A_122] : memref<384xi32, #tpu.memory_space<vmem>> -> memref<128xi32, #tpu.memory_space<vmem>>
        %get3A_124 = arith.constant 112 : index
        %get3A_125 = tpu.vector_load %get3A_123[%get3A_124] {strides = array<i32>} : memref<128xi32, #tpu.memory_space<vmem>>, vector<16xi32>,
        %sub3A_126 = arith.constant 1 : i32
        %sub3A_127 = vector.broadcast %sub3A_126 : i32 to vector<16xi32>
        %sub3A_128 = arith.subi %get3A_125, %sub3A_127 : vector<16xi32>
        %swap3A_129 = arith.constant 0 : i32
        %swap3A_130 = tpu.memref_slice %arg10[%swap3A_129] : memref<384xi32, #tpu.memory_space<vmem>> -> memref<128xi32, #tpu.memory_space<vmem>>
        %swap3A_131 = arith.constant 112 : index
        %swap3A_132 = tpu.vector_load %swap3A_130[%swap3A_131] {strides = array<i32>} : memref<128xi32, #tpu.memory_space<vmem>>, vector<16xi32>,
        tpu.vector_store %swap3A_130[%swap3A_131], %sub3A_128 {strides = array<i32>} : memref<128xi32, #tpu.memory_space<vmem>>, vector<16xi32>,
        %scan3A_133 = arith.constant 0 : i32
        %scan3A_134 = arith.constant 0 : i32
        %scan3A_135 = arith.constant 8 : i32
        %scan3A_136 = arith.addi %scan3A_134, %scan3A_135 : i32
        %scan3A_137 = arith.constant 1 : i32
        scf.for %scan3A_139 = %scan3A_134 to %scan3A_136 step %scan3A_137  : i32 {
          %mul3A_140 = arith.constant 16 : i32
          %mul3A_141 = arith.muli %scan3A_139, %mul3A_140 : i32
          %get3A_142 = arith.constant 0 : i32
          %get3A_143 = tpu.memref_slice %arg10[%get3A_142] : memref<384xi32, #tpu.memory_space<vmem>> -> memref<128xi32, #tpu.memory_space<vmem>>
          %get3A_144 = arith.index_cast %mul3A_141 : i32 to index
          %get3A_145 = tpu.vector_load %get3A_143[%get3A_144] {strides = array<i32>} : memref<128xi32, #tpu.memory_space<vmem>>, vector<16xi32>,
          %add3A_146 = arith.constant 0 : i32
          %add3A_147 = vector.broadcast %add3A_146 : i32 to vector<16xi32>
          %add3A_148 = arith.addi %get3A_145, %add3A_147 : vector<16xi32>
          %gather3A = tpu.vector_load_idx %arg20[%add3A_148] : memref<64000xf32, #tpu.memory_space<vmem>>[vector<16xi32>], vector<16xf32>,
          %mul3A_149 = arith.constant 16 : i32
          %mul3A_150 = arith.muli %scan3A_139, %mul3A_149 : i32
          %swap3A_151 = arith.constant 0 : i32
          %swap3A_152 = arith.index_cast %swap3A_151 : i32 to index
          %swap3A_153 = arith.index_cast %mul3A_150 : i32 to index
          %swap3A_154 = tpu.vector_load %arg16[%swap3A_152, %swap3A_153] {strides = array<i32>} : memref<80x128xf32, #tpu.memory_space<vmem>>, vector<16xf32>,
          tpu.vector_store %arg16[%swap3A_152, %swap3A_153], %gather3A {strides = array<i32>} : memref<80x128xf32, #tpu.memory_space<vmem>>, vector<16xf32>,
          %add3A_155 = arith.constant 2000 : i32
          %add3A_156 = vector.broadcast %add3A_155 : i32 to vector<16xi32>
          %add3A_157 = arith.addi %get3A_145, %add3A_156 : vector<16xi32>
          %gather3A_158 = tpu.vector_load_idx %arg20[%add3A_157] : memref<64000xf32, #tpu.memory_space<vmem>>[vector<16xi32>], vector<16xf32>,
          %mul3A_159 = arith.constant 16 : i32
          %mul3A_160 = arith.muli %scan3A_139, %mul3A_159 : i32
          %swap3A_161 = arith.constant 1 : i32
          %swap3A_162 = arith.index_cast %swap3A_161 : i32 to index
          %swap3A_163 = arith.index_cast %mul3A_160 : i32 to index
          %swap3A_164 = tpu.vector_load %arg16[%swap3A_162, %swap3A_163] {strides = array<i32>} : memref<80x128xf32, #tpu.memory_space<vmem>>, vector<16xf32>,
          tpu.vector_store %arg16[%swap3A_162, %swap3A_163], %gather3A_158 {strides = array<i32>} : memref<80x128xf32, #tpu.memory_space<vmem>>, vector<16xf32>,
          %add3A_165 = arith.constant 4000 : i32
          %add3A_166 = vector.broadcast %add3A_165 : i32 to vector<16xi32>
          %add3A_167 = arith.addi %get3A_145, %add3A_166 : vector<16xi32>
          %gather3A_168 = tpu.vector_load_idx %arg20[%add3A_167] : memref<64000xf32, #tpu.memory_space<vmem>>[vector<16xi32>], vector<16xf32>,
          %mul3A_169 = arith.constant 16 : i32
          %mul3A_170 = arith.muli %scan3A_139, %mul3A_169 : i32
          %swap3A_171 = arith.constant 2 : i32
          %swap3A_172 = arith.index_cast %swap3A_171 : i32 to index
          %swap3A_173 = arith.index_cast %mul3A_170 : i32 to index
          %swap3A_174 = tpu.vector_load %arg16[%swap3A_172, %swap3A_173] {strides = array<i32>} : memref<80x128xf32, #tpu.memory_space<vmem>>, vector<16xf32>,
          tpu.vector_store %arg16[%swap3A_172, %swap3A_173], %gather3A_168 {strides = array<i32>} : memref<80x128xf32, #tpu.memory_space<vmem>>, vector<16xf32>,
          %add3A_175 = arith.constant 6000 : i32
          %add3A_176 = vector.broadcast %add3A_175 : i32 to vector<16xi32>
          %add3A_177 = arith.addi %get3A_145, %add3A_176 : vector<16xi32>
          %gather3A_178 = tpu.vector_load_idx %arg20[%add3A_177] : memref<64000xf32, #tpu.memory_space<vmem>>[vector<16xi32>], vector<16xf32>,
          %mul3A_179 = arith.constant 16 : i32
          %mul3A_180 = arith.muli %scan3A_139, %mul3A_179 : i32
          %swap3A_181 = arith.constant 3 : i32
          %swap3A_182 = arith.index_cast %swap3A_181 : i32 to index
          %swap3A_183 = arith.index_cast %mul3A_180 : i32 to index
          %swap3A_184 = tpu.vector_load %arg16[%swap3A_182, %swap3A_183] {strides = array<i32>} : memref<80x128xf32, #tpu.memory_space<vmem>>, vector<16xf32>,
          tpu.vector_store %arg16[%swap3A_182, %swap3A_183], %gather3A_178 {strides = array<i32>} : memref<80x128xf32, #tpu.memory_space<vmem>>, vector<16xf32>,
          %add3A_185 = arith.constant 8000 : i32
          %add3A_186 = vector.broadcast %add3A_185 : i32 to vector<16xi32>
          %add3A_187 = arith.addi %get3A_145, %add3A_186 : vector<16xi32>
          %gather3A_188 = tpu.vector_load_idx %arg20[%add3A_187] : memref<64000xf32, #tpu.memory_space<vmem>>[vector<16xi32>], vector<16xf32>,
          %mul3A_189 = arith.constant 16 : i32
          %mul3A_190 = arith.muli %scan3A_139, %mul3A_189 : i32
          %swap3A_191 = arith.constant 4 : i32
          %swap3A_192 = arith.index_cast %swap3A_191 : i32 to index
          %swap3A_193 = arith.index_cast %mul3A_190 : i32 to index
          %swap3A_194 = tpu.vector_load %arg16[%swap3A_192, %swap3A_193] {strides = array<i32>} : memref<80x128xf32, #tpu.memory_space<vmem>>, vector<16xf32>,
          tpu.vector_store %arg16[%swap3A_192, %swap3A_193], %gather3A_188 {strides = array<i32>} : memref<80x128xf32, #tpu.memory_space<vmem>>, vector<16xf32>,
          %add3A_195 = arith.constant 10000 : i32
          %add3A_196 = vector.broadcast %add3A_195 : i32 to vector<16xi32>
          %add3A_197 = arith.addi %get3A_145, %add3A_196 : vector<16xi32>
          %gather3A_198 = tpu.vector_load_idx %arg20[%add3A_197] : memref<64000xf32, #tpu.memory_space<vmem>>[vector<16xi32>], vector<16xf32>,
          %mul3A_199 = arith.constant 16 : i32
          %mul3A_200 = arith.muli %scan3A_139, %mul3A_199 : i32
          %swap3A_201 = arith.constant 5 : i32
          %swap3A_202 = arith.index_cast %swap3A_201 : i32 to index
          %swap3A_203 = arith.index_cast %mul3A_200 : i32 to index
          %swap3A_204 = tpu.vector_load %arg16[%swap3A_202, %swap3A_203] {strides = array<i32>} : memref<80x128xf32, #tpu.memory_space<vmem>>, vector<16xf32>,
          tpu.vector_store %arg16[%swap3A_202, %swap3A_203], %gather3A_198 {strides = array<i32>} : memref<80x128xf32, #tpu.memory_space<vmem>>, vector<16xf32>,
          %add3A_205 = arith.constant 12000 : i32
          %add3A_206 = vector.broadcast %add3A_205 : i32 to vector<16xi32>
          %add3A_207 = arith.addi %get3A_145, %add3A_206 : vector<16xi32>
          %gather3A_208 = tpu.vector_load_idx %arg20[%add3A_207] : memref<64000xf32, #tpu.memory_space<vmem>>[vector<16xi32>], vector<16xf32>,
          %mul3A_209 = arith.constant 16 : i32
          %mul3A_210 = arith.muli %scan3A_139, %mul3A_209 : i32
          %swap3A_211 = arith.constant 6 : i32
          %swap3A_212 = arith.index_cast %swap3A_211 : i32 to index
          %swap3A_213 = arith.index_cast %mul3A_210 : i32 to index
          %swap3A_214 = tpu.vector_load %arg16[%swap3A_212, %swap3A_213] {strides = array<i32>} : memref<80x128xf32, #tpu.memory_space<vmem>>, vector<16xf32>,
          tpu.vector_store %arg16[%swap3A_212, %swap3A_213], %gather3A_208 {strides = array<i32>} : memref<80x128xf32, #tpu.memory_space<vmem>>, vector<16xf32>,
          %add3A_215 = arith.constant 14000 : i32
          %add3A_216 = vector.broadcast %add3A_215 : i32 to vector<16xi32>
          %add3A_217 = arith.addi %get3A_145, %add3A_216 : vector<16xi32>
          %gather3A_218 = tpu.vector_load_idx %arg20[%add3A_217] : memref<64000xf32, #tpu.memory_space<vmem>>[vector<16xi32>], vector<16xf32>,
          %mul3A_219 = arith.constant 16 : i32
          %mul3A_220 = arith.muli %scan3A_139, %mul3A_219 : i32
          %swap3A_221 = arith.constant 7 : i32
          %swap3A_222 = arith.index_cast %swap3A_221 : i32 to index
          %swap3A_223 = arith.index_cast %mul3A_220 : i32 to index
          %swap3A_224 = tpu.vector_load %arg16[%swap3A_222, %swap3A_223] {strides = array<i32>} : memref<80x128xf32, #tpu.memory_space<vmem>>, vector<16xf32>,
          tpu.vector_store %arg16[%swap3A_222, %swap3A_223], %gather3A_218 {strides = array<i32>} : memref<80x128xf32, #tpu.memory_space<vmem>>, vector<16xf32>,
          %add3A_225 = arith.constant 16000 : i32
          %add3A_226 = vector.broadcast %add3A_225 : i32 to vector<16xi32>
          %add3A_227 = arith.addi %get3A_145, %add3A_226 : vector<16xi32>
          %gather3A_228 = tpu.vector_load_idx %arg20[%add3A_227] : memref<64000xf32, #tpu.memory_space<vmem>>[vector<16xi32>], vector<16xf32>,
          %mul3A_229 = arith.constant 16 : i32
          %mul3A_230 = arith.muli %scan3A_139, %mul3A_229 : i32
          %swap3A_231 = arith.constant 8 : i32
          %swap3A_232 = arith.index_cast %swap3A_231 : i32 to index
          %swap3A_233 = arith.index_cast %mul3A_230 : i32 to index
          %swap3A_234 = tpu.vector_load %arg16[%swap3A_232, %swap3A_233] {strides = array<i32>} : memref<80x128xf32, #tpu.memory_space<vmem>>, vector<16xf32>,
          tpu.vector_store %arg16[%swap3A_232, %swap3A_233], %gather3A_228 {strides = array<i32>} : memref<80x128xf32, #tpu.memory_space<vmem>>, vector<16xf32>,
          %add3A_235 = arith.constant 18000 : i32
          %add3A_236 = vector.broadcast %add3A_235 : i32 to vector<16xi32>
          %add3A_237 = arith.addi %get3A_145, %add3A_236 : vector<16xi32>
          %gather3A_238 = tpu.vector_load_idx %arg20[%add3A_237] : memref<64000xf32, #tpu.memory_space<vmem>>[vector<16xi32>], vector<16xf32>,
          %mul3A_239 = arith.constant 16 : i32
          %mul3A_240 = arith.muli %scan3A_139, %mul3A_239 : i32
          %swap3A_241 = arith.constant 9 : i32
          %swap3A_242 = arith.index_cast %swap3A_241 : i32 to index
          %swap3A_243 = arith.index_cast %mul3A_240 : i32 to index
          %swap3A_244 = tpu.vector_load %arg16[%swap3A_242, %swap3A_243] {strides = array<i32>} : memref<80x128xf32, #tpu.memory_space<vmem>>, vector<16xf32>,
          tpu.vector_store %arg16[%swap3A_242, %swap3A_243], %gather3A_238 {strides = array<i32>} : memref<80x128xf32, #tpu.memory_space<vmem>>, vector<16xf32>,
          %add3A_245 = arith.constant 20000 : i32
          %add3A_246 = vector.broadcast %add3A_245 : i32 to vector<16xi32>
          %add3A_247 = arith.addi %get3A_145, %add3A_246 : vector<16xi32>
          %gather3A_248 = tpu.vector_load_idx %arg20[%add3A_247] : memref<64000xf32, #tpu.memory_space<vmem>>[vector<16xi32>], vector<16xf32>,
          %mul3A_249 = arith.constant 16 : i32
          %mul3A_250 = arith.muli %scan3A_139, %mul3A_249 : i32
          %swap3A_251 = arith.constant 10 : i32
          %swap3A_252 = arith.index_cast %swap3A_251 : i32 to index
          %swap3A_253 = arith.index_cast %mul3A_250 : i32 to index
          %swap3A_254 = tpu.vector_load %arg16[%swap3A_252, %swap3A_253] {strides = array<i32>} : memref<80x128xf32, #tpu.memory_space<vmem>>, vector<16xf32>,
          tpu.vector_store %arg16[%swap3A_252, %swap3A_253], %gather3A_248 {strides = array<i32>} : memref<80x128xf32, #tpu.memory_space<vmem>>, vector<16xf32>,
          %add3A_255 = arith.constant 22000 : i32
          %add3A_256 = vector.broadcast %add3A_255 : i32 to vector<16xi32>
          %add3A_257 = arith.addi %get3A_145, %add3A_256 : vector<16xi32>
          %gather3A_258 = tpu.vector_load_idx %arg20[%add3A_257] : memref<64000xf32, #tpu.memory_space<vmem>>[vector<16xi32>], vector<16xf32>,
          %mul3A_259 = arith.constant 16 : i32
          %mul3A_260 = arith.muli %scan3A_139, %mul3A_259 : i32
          %swap3A_261 = arith.constant 11 : i32
          %swap3A_262 = arith.index_cast %swap3A_261 : i32 to index
          %swap3A_263 = arith.index_cast %mul3A_260 : i32 to index
          %swap3A_264 = tpu.vector_load %arg16[%swap3A_262, %swap3A_263] {strides = array<i32>} : memref<80x128xf32, #tpu.memory_space<vmem>>, vector<16xf32>,
          tpu.vector_store %arg16[%swap3A_262, %swap3A_263], %gather3A_258 {strides = array<i32>} : memref<80x128xf32, #tpu.memory_space<vmem>>, vector<16xf32>,
          %add3A_265 = arith.constant 24000 : i32
          %add3A_266 = vector.broadcast %add3A_265 : i32 to vector<16xi32>
          %add3A_267 = arith.addi %get3A_145, %add3A_266 : vector<16xi32>
          %gather3A_268 = tpu.vector_load_idx %arg20[%add3A_267] : memref<64000xf32, #tpu.memory_space<vmem>>[vector<16xi32>], vector<16xf32>,
          %mul3A_269 = arith.constant 16 : i32
          %mul3A_270 = arith.muli %scan3A_139, %mul3A_269 : i32
          %swap3A_271 = arith.constant 12 : i32
          %swap3A_272 = arith.index_cast %swap3A_271 : i32 to index
          %swap3A_273 = arith.index_cast %mul3A_270 : i32 to index
          %swap3A_274 = tpu.vector_load %arg16[%swap3A_272, %swap3A_273] {strides = array<i32>} : memref<80x128xf32, #tpu.memory_space<vmem>>, vector<16xf32>,
          tpu.vector_store %arg16[%swap3A_272, %swap3A_273], %gather3A_268 {strides = array<i32>} : memref<80x128xf32, #tpu.memory_space<vmem>>, vector<16xf32>,
          %add3A_275 = arith.constant 26000 : i32
          %add3A_276 = vector.broadcast %add3A_275 : i32 to vector<16xi32>
          %add3A_277 = arith.addi %get3A_145, %add3A_276 : vector<16xi32>
          %gather3A_278 = tpu.vector_load_idx %arg20[%add3A_277] : memref<64000xf32, #tpu.memory_space<vmem>>[vector<16xi32>], vector<16xf32>,
          %mul3A_279 = arith.constant 16 : i32
          %mul3A_280 = arith.muli %scan3A_139, %mul3A_279 : i32
          %swap3A_281 = arith.constant 13 : i32
          %swap3A_282 = arith.index_cast %swap3A_281 : i32 to index
          %swap3A_283 = arith.index_cast %mul3A_280 : i32 to index
          %swap3A_284 = tpu.vector_load %arg16[%swap3A_282, %swap3A_283] {strides = array<i32>} : memref<80x128xf32, #tpu.memory_space<vmem>>, vector<16xf32>,
          tpu.vector_store %arg16[%swap3A_282, %swap3A_283], %gather3A_278 {strides = array<i32>} : memref<80x128xf32, #tpu.memory_space<vmem>>, vector<16xf32>,
          %add3A_285 = arith.constant 28000 : i32
          %add3A_286 = vector.broadcast %add3A_285 : i32 to vector<16xi32>
          %add3A_287 = arith.addi %get3A_145, %add3A_286 : vector<16xi32>
          %gather3A_288 = tpu.vector_load_idx %arg20[%add3A_287] : memref<64000xf32, #tpu.memory_space<vmem>>[vector<16xi32>], vector<16xf32>,
          %mul3A_289 = arith.constant 16 : i32
          %mul3A_290 = arith.muli %scan3A_139, %mul3A_289 : i32
          %swap3A_291 = arith.constant 14 : i32
          %swap3A_292 = arith.index_cast %swap3A_291 : i32 to index
          %swap3A_293 = arith.index_cast %mul3A_290 : i32 to index
          %swap3A_294 = tpu.vector_load %arg16[%swap3A_292, %swap3A_293] {strides = array<i32>} : memref<80x128xf32, #tpu.memory_space<vmem>>, vector<16xf32>,
          tpu.vector_store %arg16[%swap3A_292, %swap3A_293], %gather3A_288 {strides = array<i32>} : memref<80x128xf32, #tpu.memory_space<vmem>>, vector<16xf32>,
          %add3A_295 = arith.constant 30000 : i32
          %add3A_296 = vector.broadcast %add3A_295 : i32 to vector<16xi32>
          %add3A_297 = arith.addi %get3A_145, %add3A_296 : vector<16xi32>
          %gather3A_298 = tpu.vector_load_idx %arg20[%add3A_297] : memref<64000xf32, #tpu.memory_space<vmem>>[vector<16xi32>], vector<16xf32>,
          %mul3A_299 = arith.constant 16 : i32
          %mul3A_300 = arith.muli %scan3A_139, %mul3A_299 : i32
          %swap3A_301 = arith.constant 15 : i32
          %swap3A_302 = arith.index_cast %swap3A_301 : i32 to index
          %swap3A_303 = arith.index_cast %mul3A_300 : i32 to index
          %swap3A_304 = tpu.vector_load %arg16[%swap3A_302, %swap3A_303] {strides = array<i32>} : memref<80x128xf32, #tpu.memory_space<vmem>>, vector<16xf32>,
          tpu.vector_store %arg16[%swap3A_302, %swap3A_303], %gather3A_298 {strides = array<i32>} : memref<80x128xf32, #tpu.memory_space<vmem>>, vector<16xf32>,
          %add3A_305 = arith.constant 32000 : i32
          %add3A_306 = vector.broadcast %add3A_305 : i32 to vector<16xi32>
          %add3A_307 = arith.addi %get3A_145, %add3A_306 : vector<16xi32>
          %gather3A_308 = tpu.vector_load_idx %arg20[%add3A_307] : memref<64000xf32, #tpu.memory_space<vmem>>[vector<16xi32>], vector<16xf32>,
          %mul3A_309 = arith.constant 16 : i32
          %mul3A_310 = arith.muli %scan3A_139, %mul3A_309 : i32
          %swap3A_311 = arith.constant 16 : i32
          %swap3A_312 = arith.index_cast %swap3A_311 : i32 to index
          %swap3A_313 = arith.index_cast %mul3A_310 : i32 to index
          %swap3A_314 = tpu.vector_load %arg16[%swap3A_312, %swap3A_313] {strides = array<i32>} : memref<80x128xf32, #tpu.memory_space<vmem>>, vector<16xf32>,
          tpu.vector_store %arg16[%swap3A_312, %swap3A_313], %gather3A_308 {strides = array<i32>} : memref<80x128xf32, #tpu.memory_space<vmem>>, vector<16xf32>,
          %add3A_315 = arith.constant 34000 : i32
          %add3A_316 = vector.broadcast %add3A_315 : i32 to vector<16xi32>
          %add3A_317 = arith.addi %get3A_145, %add3A_316 : vector<16xi32>
          %gather3A_318 = tpu.vector_load_idx %arg20[%add3A_317] : memref<64000xf32, #tpu.memory_space<vmem>>[vector<16xi32>], vector<16xf32>,
          %mul3A_319 = arith.constant 16 : i32
          %mul3A_320 = arith.muli %scan3A_139, %mul3A_319 : i32
          %swap3A_321 = arith.constant 17 : i32
          %swap3A_322 = arith.index_cast %swap3A_321 : i32 to index
          %swap3A_323 = arith.index_cast %mul3A_320 : i32 to index
          %swap3A_324 = tpu.vector_load %arg16[%swap3A_322, %swap3A_323] {strides = array<i32>} : memref<80x128xf32, #tpu.memory_space<vmem>>, vector<16xf32>,
          tpu.vector_store %arg16[%swap3A_322, %swap3A_323], %gather3A_318 {strides = array<i32>} : memref<80x128xf32, #tpu.memory_space<vmem>>, vector<16xf32>,
          %add3A_325 = arith.constant 36000 : i32
          %add3A_326 = vector.broadcast %add3A_325 : i32 to vector<16xi32>
          %add3A_327 = arith.addi %get3A_145, %add3A_326 : vector<16xi32>
          %gather3A_328 = tpu.vector_load_idx %arg20[%add3A_327] : memref<64000xf32, #tpu.memory_space<vmem>>[vector<16xi32>], vector<16xf32>,
          %mul3A_329 = arith.constant 16 : i32
          %mul3A_330 = arith.muli %scan3A_139, %mul3A_329 : i32
          %swap3A_331 = arith.constant 18 : i32
          %swap3A_332 = arith.index_cast %swap3A_331 : i32 to index
          %swap3A_333 = arith.index_cast %mul3A_330 : i32 to index
          %swap3A_334 = tpu.vector_load %arg16[%swap3A_332, %swap3A_333] {strides = array<i32>} : memref<80x128xf32, #tpu.memory_space<vmem>>, vector<16xf32>,
          tpu.vector_store %arg16[%swap3A_332, %swap3A_333], %gather3A_328 {strides = array<i32>} : memref<80x128xf32, #tpu.memory_space<vmem>>, vector<16xf32>,
          %add3A_335 = arith.constant 38000 : i32
          %add3A_336 = vector.broadcast %add3A_335 : i32 to vector<16xi32>
          %add3A_337 = arith.addi %get3A_145, %add3A_336 : vector<16xi32>
          %gather3A_338 = tpu.vector_load_idx %arg20[%add3A_337] : memref<64000xf32, #tpu.memory_space<vmem>>[vector<16xi32>], vector<16xf32>,
          %mul3A_339 = arith.constant 16 : i32
          %mul3A_340 = arith.muli %scan3A_139, %mul3A_339 : i32
          %swap3A_341 = arith.constant 19 : i32
          %swap3A_342 = arith.index_cast %swap3A_341 : i32 to index
          %swap3A_343 = arith.index_cast %mul3A_340 : i32 to index
          %swap3A_344 = tpu.vector_load %arg16[%swap3A_342, %swap3A_343] {strides = array<i32>} : memref<80x128xf32, #tpu.memory_space<vmem>>, vector<16xf32>,
          tpu.vector_store %arg16[%swap3A_342, %swap3A_343], %gather3A_338 {strides = array<i32>} : memref<80x128xf32, #tpu.memory_space<vmem>>, vector<16xf32>,
          %add3A_345 = arith.constant 40000 : i32
          %add3A_346 = vector.broadcast %add3A_345 : i32 to vector<16xi32>
          %add3A_347 = arith.addi %get3A_145, %add3A_346 : vector<16xi32>
          %gather3A_348 = tpu.vector_load_idx %arg20[%add3A_347] : memref<64000xf32, #tpu.memory_space<vmem>>[vector<16xi32>], vector<16xf32>,
          %mul3A_349 = arith.constant 16 : i32
          %mul3A_350 = arith.muli %scan3A_139, %mul3A_349 : i32
          %swap3A_351 = arith.constant 20 : i32
          %swap3A_352 = arith.index_cast %swap3A_351 : i32 to index
          %swap3A_353 = arith.index_cast %mul3A_350 : i32 to index
          %swap3A_354 = tpu.vector_load %arg16[%swap3A_352, %swap3A_353] {strides = array<i32>} : memref<80x128xf32, #tpu.memory_space<vmem>>, vector<16xf32>,
          tpu.vector_store %arg16[%swap3A_352, %swap3A_353], %gather3A_348 {strides = array<i32>} : memref<80x128xf32, #tpu.memory_space<vmem>>, vector<16xf32>,
          %add3A_355 = arith.constant 42000 : i32
          %add3A_356 = vector.broadcast %add3A_355 : i32 to vector<16xi32>
          %add3A_357 = arith.addi %get3A_145, %add3A_356 : vector<16xi32>
          %gather3A_358 = tpu.vector_load_idx %arg20[%add3A_357] : memref<64000xf32, #tpu.memory_space<vmem>>[vector<16xi32>], vector<16xf32>,
          %mul3A_359 = arith.constant 16 : i32
          %mul3A_360 = arith.muli %scan3A_139, %mul3A_359 : i32
          %swap3A_361 = arith.constant 21 : i32
          %swap3A_362 = arith.index_cast %swap3A_361 : i32 to index
          %swap3A_363 = arith.index_cast %mul3A_360 : i32 to index
          %swap3A_364 = tpu.vector_load %arg16[%swap3A_362, %swap3A_363] {strides = array<i32>} : memref<80x128xf32, #tpu.memory_space<vmem>>, vector<16xf32>,
          tpu.vector_store %arg16[%swap3A_362, %swap3A_363], %gather3A_358 {strides = array<i32>} : memref<80x128xf32, #tpu.memory_space<vmem>>, vector<16xf32>,
          %add3A_365 = arith.constant 44000 : i32
          %add3A_366 = vector.broadcast %add3A_365 : i32 to vector<16xi32>
          %add3A_367 = arith.addi %get3A_145, %add3A_366 : vector<16xi32>
          %gather3A_368 = tpu.vector_load_idx %arg20[%add3A_367] : memref<64000xf32, #tpu.memory_space<vmem>>[vector<16xi32>], vector<16xf32>,
          %mul3A_369 = arith.constant 16 : i32
          %mul3A_370 = arith.muli %scan3A_139, %mul3A_369 : i32
          %swap3A_371 = arith.constant 22 : i32
          %swap3A_372 = arith.index_cast %swap3A_371 : i32 to index
          %swap3A_373 = arith.index_cast %mul3A_370 : i32 to index
          %swap3A_374 = tpu.vector_load %arg16[%swap3A_372, %swap3A_373] {strides = array<i32>} : memref<80x128xf32, #tpu.memory_space<vmem>>, vector<16xf32>,
          tpu.vector_store %arg16[%swap3A_372, %swap3A_373], %gather3A_368 {strides = array<i32>} : memref<80x128xf32, #tpu.memory_space<vmem>>, vector<16xf32>,
          %add3A_375 = arith.constant 46000 : i32
          %add3A_376 = vector.broadcast %add3A_375 : i32 to vector<16xi32>
          %add3A_377 = arith.addi %get3A_145, %add3A_376 : vector<16xi32>
          %gather3A_378 = tpu.vector_load_idx %arg20[%add3A_377] : memref<64000xf32, #tpu.memory_space<vmem>>[vector<16xi32>], vector<16xf32>,
          %mul3A_379 = arith.constant 16 : i32
          %mul3A_380 = arith.muli %scan3A_139, %mul3A_379 : i32
          %swap3A_381 = arith.constant 23 : i32
          %swap3A_382 = arith.index_cast %swap3A_381 : i32 to index
          %swap3A_383 = arith.index_cast %mul3A_380 : i32 to index
          %swap3A_384 = tpu.vector_load %arg16[%swap3A_382, %swap3A_383] {strides = array<i32>} : memref<80x128xf32, #tpu.memory_space<vmem>>, vector<16xf32>,
          tpu.vector_store %arg16[%swap3A_382, %swap3A_383], %gather3A_378 {strides = array<i32>} : memref<80x128xf32, #tpu.memory_space<vmem>>, vector<16xf32>,
          %add3A_385 = arith.constant 48000 : i32
          %add3A_386 = vector.broadcast %add3A_385 : i32 to vector<16xi32>
          %add3A_387 = arith.addi %get3A_145, %add3A_386 : vector<16xi32>
          %gather3A_388 = tpu.vector_load_idx %arg20[%add3A_387] : memref<64000xf32, #tpu.memory_space<vmem>>[vector<16xi32>], vector<16xf32>,
          %mul3A_389 = arith.constant 16 : i32
          %mul3A_390 = arith.muli %scan3A_139, %mul3A_389 : i32
          %swap3A_391 = arith.constant 24 : i32
          %swap3A_392 = arith.index_cast %swap3A_391 : i32 to index
          %swap3A_393 = arith.index_cast %mul3A_390 : i32 to index
          %swap3A_394 = tpu.vector_load %arg16[%swap3A_392, %swap3A_393] {strides = array<i32>} : memref<80x128xf32, #tpu.memory_space<vmem>>, vector<16xf32>,
          tpu.vector_store %arg16[%swap3A_392, %swap3A_393], %gather3A_388 {strides = array<i32>} : memref<80x128xf32, #tpu.memory_space<vmem>>, vector<16xf32>,
          %add3A_395 = arith.constant 50000 : i32
          %add3A_396 = vector.broadcast %add3A_395 : i32 to vector<16xi32>
          %add3A_397 = arith.addi %get3A_145, %add3A_396 : vector<16xi32>
          %gather3A_398 = tpu.vector_load_idx %arg20[%add3A_397] : memref<64000xf32, #tpu.memory_space<vmem>>[vector<16xi32>], vector<16xf32>,
          %mul3A_399 = arith.constant 16 : i32
          %mul3A_400 = arith.muli %scan3A_139, %mul3A_399 : i32
          %swap3A_401 = arith.constant 25 : i32
          %swap3A_402 = arith.index_cast %swap3A_401 : i32 to index
          %swap3A_403 = arith.index_cast %mul3A_400 : i32 to index
          %swap3A_404 = tpu.vector_load %arg16[%swap3A_402, %swap3A_403] {strides = array<i32>} : memref<80x128xf32, #tpu.memory_space<vmem>>, vector<16xf32>,
          tpu.vector_store %arg16[%swap3A_402, %swap3A_403], %gather3A_398 {strides = array<i32>} : memref<80x128xf32, #tpu.memory_space<vmem>>, vector<16xf32>,
          %add3A_405 = arith.constant 52000 : i32
          %add3A_406 = vector.broadcast %add3A_405 : i32 to vector<16xi32>
          %add3A_407 = arith.addi %get3A_145, %add3A_406 : vector<16xi32>
          %gather3A_408 = tpu.vector_load_idx %arg20[%add3A_407] : memref<64000xf32, #tpu.memory_space<vmem>>[vector<16xi32>], vector<16xf32>,
          %mul3A_409 = arith.constant 16 : i32
          %mul3A_410 = arith.muli %scan3A_139, %mul3A_409 : i32
          %swap3A_411 = arith.constant 26 : i32
          %swap3A_412 = arith.index_cast %swap3A_411 : i32 to index
          %swap3A_413 = arith.index_cast %mul3A_410 : i32 to index
          %swap3A_414 = tpu.vector_load %arg16[%swap3A_412, %swap3A_413] {strides = array<i32>} : memref<80x128xf32, #tpu.memory_space<vmem>>, vector<16xf32>,
          tpu.vector_store %arg16[%swap3A_412, %swap3A_413], %gather3A_408 {strides = array<i32>} : memref<80x128xf32, #tpu.memory_space<vmem>>, vector<16xf32>,
          %add3A_415 = arith.constant 54000 : i32
          %add3A_416 = vector.broadcast %add3A_415 : i32 to vector<16xi32>
          %add3A_417 = arith.addi %get3A_145, %add3A_416 : vector<16xi32>
          %gather3A_418 = tpu.vector_load_idx %arg20[%add3A_417] : memref<64000xf32, #tpu.memory_space<vmem>>[vector<16xi32>], vector<16xf32>,
          %mul3A_419 = arith.constant 16 : i32
          %mul3A_420 = arith.muli %scan3A_139, %mul3A_419 : i32
          %swap3A_421 = arith.constant 27 : i32
          %swap3A_422 = arith.index_cast %swap3A_421 : i32 to index
          %swap3A_423 = arith.index_cast %mul3A_420 : i32 to index
          %swap3A_424 = tpu.vector_load %arg16[%swap3A_422, %swap3A_423] {strides = array<i32>} : memref<80x128xf32, #tpu.memory_space<vmem>>, vector<16xf32>,
          tpu.vector_store %arg16[%swap3A_422, %swap3A_423], %gather3A_418 {strides = array<i32>} : memref<80x128xf32, #tpu.memory_space<vmem>>, vector<16xf32>,
          %add3A_425 = arith.constant 56000 : i32
          %add3A_426 = vector.broadcast %add3A_425 : i32 to vector<16xi32>
          %add3A_427 = arith.addi %get3A_145, %add3A_426 : vector<16xi32>
          %gather3A_428 = tpu.vector_load_idx %arg20[%add3A_427] : memref<64000xf32, #tpu.memory_space<vmem>>[vector<16xi32>], vector<16xf32>,
          %mul3A_429 = arith.constant 16 : i32
          %mul3A_430 = arith.muli %scan3A_139, %mul3A_429 : i32
          %swap3A_431 = arith.constant 28 : i32
          %swap3A_432 = arith.index_cast %swap3A_431 : i32 to index
          %swap3A_433 = arith.index_cast %mul3A_430 : i32 to index
          %swap3A_434 = tpu.vector_load %arg16[%swap3A_432, %swap3A_433] {strides = array<i32>} : memref<80x128xf32, #tpu.memory_space<vmem>>, vector<16xf32>,
          tpu.vector_store %arg16[%swap3A_432, %swap3A_433], %gather3A_428 {strides = array<i32>} : memref<80x128xf32, #tpu.memory_space<vmem>>, vector<16xf32>,
          %add3A_435 = arith.constant 58000 : i32
          %add3A_436 = vector.broadcast %add3A_435 : i32 to vector<16xi32>
          %add3A_437 = arith.addi %get3A_145, %add3A_436 : vector<16xi32>
          %gather3A_438 = tpu.vector_load_idx %arg20[%add3A_437] : memref<64000xf32, #tpu.memory_space<vmem>>[vector<16xi32>], vector<16xf32>,
          %mul3A_439 = arith.constant 16 : i32
          %mul3A_440 = arith.muli %scan3A_139, %mul3A_439 : i32
          %swap3A_441 = arith.constant 29 : i32
          %swap3A_442 = arith.index_cast %swap3A_441 : i32 to index
          %swap3A_443 = arith.index_cast %mul3A_440 : i32 to index
          %swap3A_444 = tpu.vector_load %arg16[%swap3A_442, %swap3A_443] {strides = array<i32>} : memref<80x128xf32, #tpu.memory_space<vmem>>, vector<16xf32>,
          tpu.vector_store %arg16[%swap3A_442, %swap3A_443], %gather3A_438 {strides = array<i32>} : memref<80x128xf32, #tpu.memory_space<vmem>>, vector<16xf32>,
          %add3A_445 = arith.constant 60000 : i32
          %add3A_446 = vector.broadcast %add3A_445 : i32 to vector<16xi32>
          %add3A_447 = arith.addi %get3A_145, %add3A_446 : vector<16xi32>
          %gather3A_448 = tpu.vector_load_idx %arg20[%add3A_447] : memref<64000xf32, #tpu.memory_space<vmem>>[vector<16xi32>], vector<16xf32>,
          %mul3A_449 = arith.constant 16 : i32
          %mul3A_450 = arith.muli %scan3A_139, %mul3A_449 : i32
          %swap3A_451 = arith.constant 30 : i32
          %swap3A_452 = arith.index_cast %swap3A_451 : i32 to index
          %swap3A_453 = arith.index_cast %mul3A_450 : i32 to index
          %swap3A_454 = tpu.vector_load %arg16[%swap3A_452, %swap3A_453] {strides = array<i32>} : memref<80x128xf32, #tpu.memory_space<vmem>>, vector<16xf32>,
          tpu.vector_store %arg16[%swap3A_452, %swap3A_453], %gather3A_448 {strides = array<i32>} : memref<80x128xf32, #tpu.memory_space<vmem>>, vector<16xf32>,
          %add3A_455 = arith.constant 62000 : i32
          %add3A_456 = vector.broadcast %add3A_455 : i32 to vector<16xi32>
          %add3A_457 = arith.addi %get3A_145, %add3A_456 : vector<16xi32>
          %gather3A_458 = tpu.vector_load_idx %arg20[%add3A_457] : memref<64000xf32, #tpu.memory_space<vmem>>[vector<16xi32>], vector<16xf32>,
          %mul3A_459 = arith.constant 16 : i32
          %mul3A_460 = arith.muli %scan3A_139, %mul3A_459 : i32
          %swap3A_461 = arith.constant 31 : i32
          %swap3A_462 = arith.index_cast %swap3A_461 : i32 to index
          %swap3A_463 = arith.index_cast %mul3A_460 : i32 to index
          %swap3A_464 = tpu.vector_load %arg16[%swap3A_462, %swap3A_463] {strides = array<i32>} : memref<80x128xf32, #tpu.memory_space<vmem>>, vector<16xf32>,
          tpu.vector_store %arg16[%swap3A_462, %swap3A_463], %gather3A_458 {strides = array<i32>} : memref<80x128xf32, #tpu.memory_space<vmem>>, vector<16xf32>,
        }
        %scan3A_138 = arith.constant 8 : i32
        "tpu.region"() ({
          %run_scoped3A = tpu.sem_alloc : memref<!tpu.dma_semaphore, #tpu.memory_space<semaphore_mem>>
          %dma_start3A_139 = arith.constant 0 : i32
          %dma_start3A_140 = arith.constant 0 : i32
          %dma_start3A_141 = tpu.memref_slice %arg16[%dma_start3A_139, %dma_start3A_140] : memref<80x128xf32, #tpu.memory_space<vmem>> -> memref<32x128xf32, #tpu.memory_space<vmem>>
          %dma_start3A_142 = arith.constant 80 : i32
          %dma_start3A_143 = tpu.memref_slice %arg7[%dma_start3A_142, %min3A_32] : memref<240x50000xf32, #tpu.memory_space<hbm>> -> memref<32x128xf32, #tpu.memory_space<hbm>>
          %dma_start3A_144 = arith.constant 80 : i32
          %dma_start3A_145 = tpu.memref_slice %arg7[%dma_start3A_144, %min3A_32] : memref<240x50000xf32, #tpu.memory_space<hbm>> -> memref<32x128xf32, #tpu.memory_space<hbm>>
          %dma_start3A_146 = arith.constant 0 : i32
          %dma_start3A_147 = arith.constant 0 : i32
          %dma_start3A_148 = tpu.memref_slice %arg16[%dma_start3A_146, %dma_start3A_147] : memref<80x128xf32, #tpu.memory_space<vmem>> -> memref<32x128xf32, #tpu.memory_space<vmem>>
          tpu.enqueue_dma source(%dma_start3A_148 : memref<32x128xf32, #tpu.memory_space<vmem>>) target(%dma_start3A_145 : memref<32x128xf32, #tpu.memory_space<hbm>>) target_semaphore(%run_scoped3A : memref<!tpu.dma_semaphore, #tpu.memory_space<semaphore_mem>>)
          %dma_wait3A_149 = arith.constant 0 : i32
          %dma_wait3A_150 = arith.constant 0 : i32
          %dma_wait3A_151 = tpu.memref_slice %arg16[%dma_wait3A_149, %dma_wait3A_150] : memref<80x128xf32, #tpu.memory_space<vmem>> -> memref<32x128xf32, #tpu.memory_space<vmem>>
          %dma_wait3A_152 = arith.constant 80 : i32
          %dma_wait3A_153 = tpu.memref_slice %arg7[%dma_wait3A_152, %min3A_32] : memref<240x50000xf32, #tpu.memory_space<hbm>> -> memref<32x128xf32, #tpu.memory_space<hbm>>
          %dma_wait3A_154 = arith.constant 80 : i32
          %dma_wait3A_155 = tpu.memref_slice %arg7[%dma_wait3A_154, %min3A_32] : memref<240x50000xf32, #tpu.memory_space<hbm>> -> memref<32x128xf32, #tpu.memory_space<hbm>>
          %dma_wait3A_156 = arith.constant 0 : i32
          %dma_wait3A_157 = arith.constant 0 : i32
          %dma_wait3A_158 = tpu.memref_slice %arg16[%dma_wait3A_156, %dma_wait3A_157] : memref<80x128xf32, #tpu.memory_space<vmem>> -> memref<32x128xf32, #tpu.memory_space<vmem>>
          tpu.wait_dma2 semaphore(%run_scoped3A : memref<!tpu.dma_semaphore, #tpu.memory_space<semaphore_mem>>) src(%dma_wait3A_158 : memref<32x128xf32, #tpu.memory_space<vmem>>) dst(%dma_wait3A_155 : memref<32x128xf32, #tpu.memory_space<hbm>>)
          tpu.yield
        }) : () -> ()
      }
      %scan3A_21 = arith.constant 80 : i32
    } else {
    }
    return
  }
}

</mosaic_0001>

<sc_bundles>
// kernel: kernel.3.cloned.1.call-start
scs
__scs_entry_jumppad:
0x0: {  	(pc) =	sbr.rel $0x88, $3  }
0x1: {  	(tag) =	ssettag $0x0;
	lr =	simm.s32 $0x1  }
0x2: {  	[smem:$0x3F9C] =	sst lr;
	_ =	strace $0xD0000000  }
0x3: {  	_ = 	snop  }
0x4: {  	_ = 	snop  }
0x5: {  	_ = 	snop  }
0x6: {  	_ = 	snop  }
0x7: {  	_ = 	snop  }
__scs_overlays_trampoline_lowered:
0x8: {  	[smem:$0x3FAB] =	sst s0  }
0x9: {  	[smem:$0x3FAC] =	sst s1  }
0xa: {  	[smem:$0x3FAD] =	sst s2  }
0xb: {  	[smem:$0x3FAE] =	sst s3  }
0xc: {  	[smem:$0x3FAF] =	sst s4  }
0xd: {  	[smem:$0x3FB0] =	sst s5  }
0xe: {  	[smem:$0x3FB1] =	sst s6  }
0xf: {  	[smem:$0x3FB2] =	sst s7  }
0x10: {  	[smem:$0x3FB3] =	sst s8  }
0x11: {  	[smem:$0x3FB4] =	sst s9;
	s0 =	simm.s32 @!p0 $0x0  }
0x12: {  	s1 =	sld [smem:$0x3F9A];
	s0 =	simm.s32 @p0 $0x1  }
0x13: {  	[smem:$0x3FB5] =	sst s0;
	s0 =	simm.s32 @!p1 $0x0  }
0x14: {  	s2 =	sld [smem:$0x3F99];
	s0 =	simm.s32 @p1 $0x1  }
0x15: {  	[smem:$0x3FB6] =	sst s0;
	s0 =	simm.s32 @!p2 $0x0  }
0x16: {  	s3 =	sld [smem:$0x3FDB];
	s0 =	simm.s32 @p2 $0x1  }
0x17: {  	s4 =	simm.s32 $0x1BF5;
	[smem:$0x3FB8] =	sst s0  }
0x18: {  	s0 =	sld [smem:$0x3F9B];
	_ =	swait.ge [sflag:s4], $0x0  }
0x19: {  	s7 =	sld [smem:$0x3F9C]  }
0x1a: {  	s8 =	sadd.s32 $0xFFFFE003, lr  }
0x1b: {  	s9 =	sadd.s32 $0xFFFFFEF7, lr;
	s5 =	simm.s32 $0xFFFFFFFF;
	p2 =	slt.u32 s8, $0xFFFFF086  }
0x1c: {  	p1 =	slt.u32 s9, $0xF7A;
	s5 =	simm.s32 @!p2 $0x0  }
0x1d: {  	s5 =	simm.s32 @p1 $0x1;
	p0 =	seq.s32 s7, s2  }
0x1e: {  	s7 =	smul.u32 @!p0 $0xF7A, s2;
	p2 =	seq.s32 @!p0 s5, $0x0  }
0x1f: {  	s9 =	smul.u32 $0xF7A, s1;
	s8 =	simm.s32 @!p0 $0x1BF5;
	p2 =	por !p2, p0  }
0x20: {  	[sflag:s8] =	ssyncset.s32 @!p0 $0xFFFFF086;
	s6 =	sadd.s32 @!p0 s3, s7;
	s7 =	simm.s32 @!p0 $0x108  }
0x21: {  	s3 =	sadd.s32 s3, s9;
	s6 =	sadd.s32 @!p0 $0x88, s6;
	s7 =	simm.s32 @p2 $0x1082  }
0x22: {  	[simem:s7], [sflag:s8] =	dma.local @!p0 [hbm:s6], $0xF7A  }
0x23: {  	s9 =	sor.u32 $0xD0000000, s2;
	s6 =	simm.s32 $0x108;
	_ =	swait.ge @!p0 [sflag:s8], $0x0  }
0x24: {  	s3 =	sadd.s32 $0x88, s3;
	s6 =	simm.s32 @!p1 $0x1082;
	[sflag:s4] =	ssyncset.s32 $0xFFFFF086  }
0x25: {  	[simem:s6], [sflag:s4] =	dma.local [hbm:s3], $0xF7A  }
0x26: {  	[smem:$0x3F9C] =	sst s1;
	(tag) =	ssettag s2;
	_ =	strace s9  }
0x27: {  	s1 =	sld [smem:$0x3FAC]  }
0x28: {  	s2 =	sld [smem:$0x3FAD]  }
0x29: {  	s4 =	sld [smem:$0x3FAF]  }
0x2a: {  	p0 =	seq.s32 s5, $0x0;
	s5 =	sld [smem:$0x3FB0]  }
0x2b: {  	s6 =	sld [smem:$0x3FB1]  }
0x2c: {  	s7 =	sld [smem:$0x3FB2]  }
0x2d: {  	s3 =	simm.s32 $0x108;
	s8 =	sld [smem:$0x3FB3]  }
0x2e: {  	s3 =	simm.s32 @!p0 $0x1082;
	s9 =	sld [smem:$0x3FB4]  }
0x2f: {  	lr =	sadd.s32 s0, s3;
	s0 =	sld [smem:$0x3FAB]  }
0x30: {  	s3 =	sld [smem:$0x3FAE]  }
0x31: {  	[smem:$0x3FB7] =	sst s10  }
0x32: {  	s10 =	sld [smem:$0x3FB5];
	_ =	sdelay $0x3  }
0x33: {  	p0 =	seq.s32 s10, $0x1;
	s10 =	sld [smem:$0x3FB7];
	_ =	sdelay $0x3  }
0x34: {  	[smem:$0x3FB7] =	sst s10  }
0x35: {  	s10 =	sld [smem:$0x3FB6];
	_ =	sdelay $0x3  }
0x36: {  	p1 =	seq.s32 s10, $0x1;
	s10 =	sld [smem:$0x3FB7];
	_ =	sdelay $0x3  }
0x37: {  	[smem:$0x3FB7] =	sst s10  }
0x38: {  	s10 =	sld [smem:$0x3FB8]  }
0x39: {  	_ = 	snop;
	(pc) =	sbr.ind lr, $3  }
0x3a: {  	_ = 	snop  }
0x3b: {  	_ = 	snop  }
0x3c: {  	p2 =	seq.s32 s10, $0x1;
	s10 =	sld [smem:$0x3FB7]  }
0x3d: {  	_ =	shalt  }
0x3e: {  	_ =	shalt  }
0x3f: {  	_ =	shalt  }
0x40: {  	_ =	shalt  }
0x41: {  	_ =	shalt  }
0x42: {  	_ =	shalt  }
0x43: {  	_ =	shalt  }
0x44: {  	_ =	shalt  }
0x45: {  	_ =	shalt  }
0x46: {  	_ =	shalt  }
0x47: {  	_ =	shalt  }
0x48: {  	_ =	shalt  }
0x49: {  	_ =	shalt  }
0x4a: {  	_ =	shalt  }
0x4b: {  	_ =	shalt  }
0x4c: {  	_ =	shalt  }
0x4d: {  	_ =	shalt  }
0x4e: {  	_ =	shalt  }
0x4f: {  	_ =	shalt  }
0x50: {  	_ =	shalt  }
0x51: {  	_ =	shalt  }
0x52: {  	_ =	shalt  }
0x53: {  	_ =	shalt  }
0x54: {  	_ =	shalt  }
0x55: {  	_ =	shalt  }
0x56: {  	_ =	shalt  }
0x57: {  	_ =	shalt  }
0x58: {  	_ =	shalt  }
0x59: {  	_ =	shalt  }
0x5a: {  	_ =	shalt  }
0x5b: {  	_ =	shalt  }
0x5c: {  	_ =	shalt  }
0x5d: {  	_ =	shalt  }
0x5e: {  	_ =	shalt  }
0x5f: {  	_ =	shalt  }
0x60: {  	_ =	shalt  }
0x61: {  	_ =	shalt  }
0x62: {  	_ =	shalt  }
0x63: {  	_ =	shalt  }
0x64: {  	_ =	shalt  }
0x65: {  	_ =	shalt  }
0x66: {  	_ =	shalt  }
0x67: {  	_ =	shalt  }
0x68: {  	_ =	shalt  }
0x69: {  	_ =	shalt  }
0x6a: {  	_ =	shalt  }
0x6b: {  	_ =	shalt  }
0x6c: {  	_ =	shalt  }
0x6d: {  	_ =	shalt  }
0x6e: {  	_ =	shalt  }
0x6f: {  	_ =	shalt  }
0x70: {  	_ =	shalt  }
0x71: {  	_ =	shalt  }
0x72: {  	_ =	shalt  }
0x73: {  	_ =	shalt  }
0x74: {  	_ =	shalt  }
0x75: {  	_ =	shalt  }
0x76: {  	_ =	shalt  }
0x77: {  	_ =	shalt  }
0x78: {  	_ =	shalt  }
0x79: {  	_ =	shalt  }
0x7a: {  	_ =	shalt  }
0x7b: {  	_ =	shalt  }
0x7c: {  	_ =	shalt  }
0x7d: {  	_ =	shalt  }
0x7e: {  	_ =	shalt  }
0x7f: {  	_ =	shalt  }
0x80: {  	_ =	shalt  }
0x81: {  	_ =	shalt  }
0x82: {  	_ =	shalt  }
0x83: {  	_ =	shalt  }
0x84: {  	_ =	shalt  }
0x85: {  	_ =	shalt  }
0x86: {  	_ =	shalt  }
0x87: {  	_ =	shalt  }
.Lfunc_end0:
.L_simem_size_0:
called_computation_lowered:
.L_overlay_start_0:
0x88: {  	s2 =	sld [smem:$0x3FD9]  }
0x89: {  	s3 =	sld [smem:$0x3FFE];
	_ =	sdelay $0x1  }
0x8a: {  	s1 =	srdreg.scid  }
0x8b: {  	s0 =	sand.u32 $0x1, s1  }
0x8c: {  	s17 =	sshll.u32 s0, $0xA;
	s2 =	sadd.s32 s3, s2  }
0x8d: {  	s2 =	sadd.s32 s2, s17  }
0x8e: {  	[smem:$0x3FC3] =	sst s2  }
0x8f: {  	_ = 	snop  }
0x90: {  	s2 =	sld [smem:$0x3FC5]  }
0x91: {  	s18 =	sld [smem:$0x3FD0];
	(tm) =	ssettm $0x1  }
0x92: {  	s4 =	sld [smem:$0x3FFB];
	_ =	sdelay $0x3  }
0x93: {  	_ =	strace s4  }
0x94: {  	s4 =	sld [smem:$0x3FFC];
	_ =	sdelay $0x3  }
0x95: {  	_ =	strace s4  }
0x96: {  	s4 =	sld [smem:$0x3FFD];
	_ =	sdelay $0x3  }
0x97: {  	_ =	strace s4  }
0x98: {  	_ =	strace $0x8FFFFFFF  }
0x99: {  	s19 =	sld [smem:$0x3FDB];
	_ =	sdelay $0x1  }
0x9a: {  	s5 =	simm.s32 $_scs_section_size  }
0x9b: {  	s6 =	simm.s32 $_size__tile_overlayer_lowered;
	s7 =	simm.s32 $_tile_overlayer_lowered  }
0x9c: {  	s22 =	simm.s32 $0x1BFF;
	s21 =	sshll.u32 s7, $0x1;
	s4 =	sadd.s32 s5, s19  }
0x9d: {  	s8 =	simm.s32 $0x0;
	s20 =	sshll.u32 s6, $0x1;
	s6 =	sadd.s32 s21, s4  }
0x9e: {  	[timem:s8], [sflag:s22] =	dma.local [hbm:s6], s20  }
0x9f: {  	_ =	swait.ge [sflag:s22], s20  }
0xa0: {  	s5 =	ssub.s32 $0x0, s20;
	[sflag:s22] =	ssyncset.done $0x0  }
0xa1: {  	[sflag:s22] =	ssyncadd.s32 s5;
	_ =	sdelay $0x1  }
0xa2: {  	s23 =	simm.s32 $0x1B8B  }
0xa3: {  	_ =	swait.ge [sflag:s23], $0x1  }
0xa4: {  	[sflag:s23] =	ssyncset.done $0x0  }
0xa5: {  	s25 =	simm.s32 $0x1B8E;
	s24 =	sld [smem:$0x3FFE];
	[sflag:s23] =	ssyncadd.s32 $0xFFFFFFFF  }
0xa6: {  	s26 =	simm.s32 $execute0_lowered;
	[smem:$0x3FD2] =	sst s25  }
0xa7: {  	s6 =	sshll.u32 s26, $0x1;
	_ =	strace $0x80000046;
	[dreg:$0x1] =	wrdreg $0xFFFFFFFF  }
0xa8: {  	s28 =	simm.s32 $_size_execute0_lowered;
	s4 =	sadd.s32 s4, s6;
	[dreg:$0x0] =	wrdreg $0x0  }
0xa9: {  	s6 =	sshll.u32 s28, $0x1;
	[dreg:$0x2] =	wrdreg s4  }
0xaa: {  	[dreg:$0x3] =	wrdreg s6  }
0xab: {  	[dreg:$0x4] =	wrdreg $0xC0  }
0xac: {  	_ =	task [dreg:s8], $0x5FFFF  }
0xad: {  	[dreg:$0x1] =	wrdreg $0xFFFFFFFF  }
0xae: {  	[dreg:$0x0] =	wrdreg $0x60  }
0xaf: {  	[dreg:$0x2] =	wrdreg s18  }
0xb0: {  	[dreg:$0x3] =	wrdreg s24  }
0xb1: {  	[dreg:$0x4] =	wrdreg s2  }
0xb2: {  	[dreg:$0x5] =	wrdreg $0x9  }
0xb3: {  	_ =	task.clear_ibuf [dreg:s8], $0x6FFFF;
	_ =	strace $0x90000046  }
0xb4: {  	s29 =	simm.s32 $0x9;
	_ =	strace $0x80000048  }
0xb5: {  	_ =	swait.ge [sflag:s29], $0x1  }
0xb6: {  	[sflag:s29] =	ssyncadd.s32 $0xFFFFFFFF  }
0xb7: {  	_ =	strace $0x90000048  }
0xb8: {  	_ =	sfence  }
0xb9: {  	s30 =	sld [smem:$0x0];
	_ =	sdelay $0x2  }
0xba: {  	s31 =	sshll.u32 s1, $0xD;
	s1 =	sshrl.u32 s1, $0x2  }
0xbb: {  	s3 =	sand.u32 $0x4000, s31;
	s1 =	sadd.s32 s1, s30  }
0xbc: {  	s0 =	sor.u32 s3, s0;
	s1 =	sshll.u32 s1, $0x11  }
0xbd: {  	s0 =	sor.u32 s1, s0  }
0xbe: {  	s0 =	sadd.s32 $0x8F2B, s0  }
0xbf: {  	[sflag:s0] =	ssyncadd.remote.s32 $0x1  }
0xc0: {  	_ =	sfence.sel $0xFFFF  }
0xc1: {  	[dreg:$0x0] =	wrdreg $0xFFFFFFFF;
	(pc) =	sbr.abs _section_cstart, $3  }
0xc2: {  	[dreg:$0x1] =	wrdreg $0xFFFFFFFF  }
0xc3: {  	_ =	task.clear_ibuf [dreg:s8], $0x2FFFF;
	_ =	strace $0x9FFFFFFF  }
0xc4: {  	(tm) =	ssettm $0x7FFFFFFF  }
0xc5: {  	_ =	shalt  }
tec
execute0_lowered:
.L_overlay_start_1:
0x0: {  	(tag) =	ssettag $0x1  }
0x1: {  	s1 =	rddreg [dreg:$0x0]  }
0x2: {  	s0 =	rddreg [dreg:$0x1]  }
0x3: {  	s2 =	rddreg [dreg:$0x2];
	s3 =	simm.s32 $0x0;
	s5 =	srdreg.scid  }
0x4: {  	s13 =	simm.s32 $0x3;
	s14 =	simm.s32 $0x40;
	s15 =	simm.s32 $0x1C0  }
0x5: {  	s16 =	simm.s32 $0x2;
	s17 =	simm.s32 $0xC350;
	s18 =	simm.s32 $0x21C0  }
0x6: {  	s19 =	simm.s32 $0x69C0;
	s20 =	simm.s32 $0x6B00;
	s21 =	simm.s32 $0x8400  }
0x7: {  	s22 =	simm.s32 $0xC0;
	s23 =	simm.s32 $0x140;
	s24 =	simm.s32 $0x1  }
0x8: {  	s26 =	simm.s32 $0x41C0;
	[smem:$0x7FF] =	sst s3;
	s4 =	sadd.s32 $0x400, s0  }
0x9: {  	s7 =	sand.u32 $0x1, s5;
	s6 =	sadd.s32 $0x600, s0;
	s31 =	sadd.s32 $0xA00, s0  }
0xa: {  	s5 =	stileid.u32;
	s8 =	sadd.s32 $0x4A00, s0;
	_ =	strace $0x80000047  }
.Ltmp0:
0xb: {  	[dreg:$0x4] =	wrdreg s31;
	s9 =	ssub.s32 $0x2, s7;
	(pc) =	sbr.rel .LBB2_1-.Ltmp0, $4  }
0xc: {  	s11 =	sshll.u32 s7, $0x4;
	p0 =	sne.s32 s7, $0x0;
	s10 =	sshrl.u32 s9, $0x1  }
0xd: {  	s25 =	sor.u32 s5, s11;
	s11 =	sadd.s32 $0x2940, s0;
	s12 =	ssub.s32 s9, s10  }
0xe: {  	v0 =	vlaneseq.u32;
	s9 =	sadd.s32 $0xFFFFFFF0, s25;
	s10 =	sadd.s32 $0xFFFFFFE5, s25;
	p2 =	slt.u32 s25, $0x1B  }
0xf: {  	v0 =	vmul.u32 $0x80, v0;
	s25 =	simm.s32 $0x80;
	s12 =	smax.u32 s12, $0x1;
	p1 =	sgt.u32 s9, $0xA  }
.LBB2_16:
0x10: {  	s3 =	sadd.s32 $0x1, s3  }
0x11: {  	p3 =	sne.s32 s3, s12  }
.Ltmp1:
0x12: {  	_ = 	snop;
	(pc) =	sbr.rel @!p3 .LBB2_17-.Ltmp1, $1  }
0x13: {  	_ =	sdelay $0x3  }
.LBB2_1:
.Ltmp2:
0x14: {  	(pc) =	sbr.rel @p0 .LBB2_6-.Ltmp2, $1  }
0x15: {  	_ =	sdelay $0x3  }
0x16: {  	s28 =	simm.s32 $0x0;
	s29 =	simm.s32 $0x0  }
.LBB2_3:
0x17: {  	s0 =	sshll.u32 s29, $0x4  }
0x18: {  	s0 =	sor.u32 s5, s0  }
0x19: {  	s0 =	smin.u32 s0, $0x30D  }
0x1a: {  	s0 =	sshll.u32 s0, $0x6  }
0x1b: {  	s0 =	smin.u32 s0, $0xC310  }
0x1c: {  	s30 =	sshrl.u32 s0, $0x3  }
0x1d: {  	s0 =	sadd.s32 s1, s30  }
0x1e: {  	s0 =	sadd.s32 $0x493E, s0  }
0x1f: {  	[tilespmem:s28], [sflag:$0x3] =	stream.linear.gather [hbm4b:s0+s28], $0x40, $0x38;
	[tilespmem:$0x17E00] =	vst v63  }
0x20: {  	_ =	swait.ge [sflag:s13], $0x40  }
0x21: {  	[sflag:s13] =	ssyncset.done $0x0  }
0x22: {  	[sflag:s13] =	ssyncadd.s32 $0xFFFFFFC0  }
0x23: {  	v1 =	vld [tilespmem:$0x0]  }
0x24: {  	v2 =	vld [tilespmem:$0x10]  }
0x25: {  	v3 =	vld [tilespmem:$0x20]  }
0x26: {  	v4 =	vld [tilespmem:$0x30];
	_ =	sdelay $0x1  }
0x27: {  	v1 =	vadd.s32 $0xFFFFFFFF, v1  }
0x28: {  	[tilespmem:$0x0] =	vst v1;
	v1 =	vadd.s32 $0xFFFFFFFF, v2  }
0x29: {  	v2 =	vmov s28;
	[tilespmem:$0x10] =	vst v1;
	v1 =	vadd.s32 $0xFFFFFFFF, v3  }
0x2a: {  	v2 =	vshll.u32 v2, $0x7;
	[tilespmem:$0x20] =	vst v1;
	v1 =	vadd.s32 $0xFFFFFFFF, v4  }
0x2b: {  	[tilespmem:$0x30] =	vst v1;
	v1 =	vor.u32 v0, v2  }
0x2c: {  	[tilespmem:s15], [sflag:$0x2] =	stream.indirect.gather [hbm4b:s2+s14], $0x80, s28, s14, $0xb8;
	[tilespmem:$0x17E00] =	vst v63  }
0x2d: {  	_ =	swait.ge [sflag:s16], $0x2000  }
0x2e: {  	[sflag:s16] =	ssyncset.done $0x0  }
0x2f: {  	[sflag:s16] =	ssyncadd.s32 $0xFFFFE000  }
0x30: {  	v2 =	vld.idx.msk [tilespmem:v1+s15+$0x0], $0xffff  }
0x31: {  	v3 =	vor.u32 $0x1, v1;
	_ =	sdelay $0x2  }
0x32: {  	s31 =	simm.s32 $0x31C0  }
0x33: {  	[tilespmem:s31+$0xFFFFF000] =	vst v2  }
0x34: {  	v2 =	vld.idx.msk [tilespmem:v3+s15+$0x0], $0xffff  }
0x35: {  	v3 =	vor.u32 $0x2, v1;
	_ =	sdelay $0x3  }
0x36: {  	[tilespmem:s31+$0xFFFFF040] =	vst v2  }
0x37: {  	v2 =	vld.idx.msk [tilespmem:v3+s15+$0x0], $0xffff  }
0x38: {  	v3 =	vor.u32 $0x3, v1;
	_ =	sdelay $0x3  }
0x39: {  	[tilespmem:s31+$0xFFFFF080] =	vst v2  }
0x3a: {  	v2 =	vld.idx.msk [tilespmem:v3+s15+$0x0], $0xffff  }
0x3b: {  	v3 =	vor.u32 $0x4, v1;
	_ =	sdelay $0x3  }
0x3c: {  	[tilespmem:s31+$0xFFFFF0C0] =	vst v2  }
0x3d: {  	v2 =	vld.idx.msk [tilespmem:v3+s15+$0x0], $0xffff  }
0x3e: {  	v3 =	vor.u32 $0x5, v1;
	_ =	sdelay $0x3  }
0x3f: {  	[tilespmem:s31+$0xFFFFF100] =	vst v2  }
0x40: {  	v2 =	vld.idx.msk [tilespmem:v3+s15+$0x0], $0xffff  }
0x41: {  	v3 =	vor.u32 $0x6, v1;
	_ =	sdelay $0x3  }
0x42: {  	[tilespmem:s31+$0xFFFFF140] =	vst v2  }
0x43: {  	v2 =	vld.idx.msk [tilespmem:v3+s15+$0x0], $0xffff  }
0x44: {  	v3 =	vor.u32 $0x7, v1;
	_ =	sdelay $0x3  }
0x45: {  	[tilespmem:s31+$0xFFFFF180] =	vst v2  }
0x46: {  	v2 =	vld.idx.msk [tilespmem:v3+s15+$0x0], $0xffff  }
0x47: {  	v3 =	vor.u32 $0x8, v1;
	_ =	sdelay $0x3  }
0x48: {  	[tilespmem:s31+$0xFFFFF1C0] =	vst v2  }
0x49: {  	v2 =	vld.idx.msk [tilespmem:v3+s15+$0x0], $0xffff  }
0x4a: {  	v3 =	vor.u32 $0x9, v1;
	_ =	sdelay $0x3  }
0x4b: {  	[tilespmem:s31+$0xFFFFF200] =	vst v2  }
0x4c: {  	v2 =	vld.idx.msk [tilespmem:v3+s15+$0x0], $0xffff  }
0x4d: {  	v3 =	vor.u32 $0xA, v1;
	_ =	sdelay $0x3  }
0x4e: {  	[tilespmem:s31+$0xFFFFF240] =	vst v2  }
0x4f: {  	v2 =	vld.idx.msk [tilespmem:v3+s15+$0x0], $0xffff  }
0x50: {  	v3 =	vor.u32 $0xB, v1;
	_ =	sdelay $0x3  }
0x51: {  	[tilespmem:s31+$0xFFFFF280] =	vst v2  }
0x52: {  	v2 =	vld.idx.msk [tilespmem:v3+s15+$0x0], $0xffff  }
0x53: {  	v3 =	vor.u32 $0xC, v1;
	_ =	sdelay $0x3  }
0x54: {  	[tilespmem:s31+$0xFFFFF2C0] =	vst v2  }
0x55: {  	v2 =	vld.idx.msk [tilespmem:v3+s15+$0x0], $0xffff  }
0x56: {  	v3 =	vor.u32 $0xD, v1;
	_ =	sdelay $0x3  }
0x57: {  	[tilespmem:s31+$0xFFFFF300] =	vst v2  }
0x58: {  	v2 =	vld.idx.msk [tilespmem:v3+s15+$0x0], $0xffff  }
0x59: {  	v3 =	vor.u32 $0xE, v1;
	_ =	sdelay $0x3  }
0x5a: {  	[tilespmem:s31+$0xFFFFF340] =	vst v2  }
0x5b: {  	v2 =	vld.idx.msk [tilespmem:v3+s15+$0x0], $0xffff  }
0x5c: {  	v3 =	vor.u32 $0xF, v1;
	_ =	sdelay $0x3  }
0x5d: {  	[tilespmem:s31+$0xFFFFF380] =	vst v2  }
0x5e: {  	v2 =	vld.idx.msk [tilespmem:v3+s15+$0x0], $0xffff  }
0x5f: {  	v3 =	vor.u32 $0x10, v1;
	_ =	sdelay $0x3  }
0x60: {  	[tilespmem:s31+$0xFFFFF3C0] =	vst v2  }
0x61: {  	v2 =	vld.idx.msk [tilespmem:v3+s15+$0x0], $0xffff  }
0x62: {  	v3 =	vor.u32 $0x11, v1;
	_ =	sdelay $0x3  }
0x63: {  	[tilespmem:s31+$0xFFFFF400] =	vst v2  }
0x64: {  	v2 =	vld.idx.msk [tilespmem:v3+s15+$0x0], $0xffff  }
0x65: {  	v3 =	vor.u32 $0x12, v1;
	_ =	sdelay $0x3  }
0x66: {  	[tilespmem:s31+$0xFFFFF440] =	vst v2  }
0x67: {  	v2 =	vld.idx.msk [tilespmem:v3+s15+$0x0], $0xffff  }
0x68: {  	v3 =	vor.u32 $0x13, v1;
	_ =	sdelay $0x3  }
0x69: {  	[tilespmem:s31+$0xFFFFF480] =	vst v2  }
0x6a: {  	v2 =	vld.idx.msk [tilespmem:v3+s15+$0x0], $0xffff  }
0x6b: {  	v3 =	vor.u32 $0x14, v1;
	_ =	sdelay $0x3  }
0x6c: {  	[tilespmem:s31+$0xFFFFF4C0] =	vst v2  }
0x6d: {  	v2 =	vld.idx.msk [tilespmem:v3+s15+$0x0], $0xffff  }
0x6e: {  	v3 =	vor.u32 $0x15, v1;
	_ =	sdelay $0x3  }
0x6f: {  	[tilespmem:s31+$0xFFFFF500] =	vst v2  }
0x70: {  	v2 =	vld.idx.msk [tilespmem:v3+s15+$0x0], $0xffff  }
0x71: {  	v3 =	vor.u32 $0x16, v1;
	_ =	sdelay $0x3  }
0x72: {  	[tilespmem:s31+$0xFFFFF540] =	vst v2  }
0x73: {  	v2 =	vld.idx.msk [tilespmem:v3+s15+$0x0], $0xffff  }
0x74: {  	v3 =	vor.u32 $0x17, v1;
	_ =	sdelay $0x3  }
0x75: {  	[tilespmem:s31+$0xFFFFF580] =	vst v2  }
0x76: {  	v2 =	vld.idx.msk [tilespmem:v3+s15+$0x0], $0xffff  }
0x77: {  	v3 =	vor.u32 $0x18, v1;
	_ =	sdelay $0x3  }
0x78: {  	[tilespmem:s31+$0xFFFFF5C0] =	vst v2  }
0x79: {  	v2 =	vld.idx.msk [tilespmem:v3+s15+$0x0], $0xffff  }
0x7a: {  	v3 =	vor.u32 $0x19, v1;
	_ =	sdelay $0x3  }
0x7b: {  	[tilespmem:s31+$0xFFFFF600] =	vst v2  }
0x7c: {  	v2 =	vld.idx.msk [tilespmem:v3+s15+$0x0], $0xffff  }
0x7d: {  	v3 =	vor.u32 $0x1A, v1;
	_ =	sdelay $0x3  }
0x7e: {  	[tilespmem:s31+$0xFFFFF640] =	vst v2  }
0x7f: {  	v2 =	vld.idx.msk [tilespmem:v3+s15+$0x0], $0xffff  }
0x80: {  	v3 =	vor.u32 $0x1B, v1;
	_ =	sdelay $0x3  }
0x81: {  	[tilespmem:s31+$0xFFFFF680] =	vst v2  }
0x82: {  	v2 =	vld.idx.msk [tilespmem:v3+s15+$0x0], $0xffff  }
0x83: {  	v3 =	vor.u32 $0x1C, v1;
	_ =	sdelay $0x3  }
0x84: {  	[tilespmem:s31+$0xFFFFF6C0] =	vst v2  }
0x85: {  	v2 =	vld.idx.msk [tilespmem:v3+s15+$0x0], $0xffff  }
0x86: {  	v3 =	vor.u32 $0x1D, v1;
	_ =	sdelay $0x3  }
0x87: {  	[tilespmem:s31+$0xFFFFF700] =	vst v2  }
0x88: {  	v2 =	vld.idx.msk [tilespmem:v3+s15+$0x0], $0xffff  }
0x89: {  	v3 =	vor.u32 $0x1E, v1;
	_ =	sdelay $0x3  }
0x8a: {  	[tilespmem:s31+$0xFFFFF740] =	vst v2  }
0x8b: {  	v2 =	vld.idx.msk [tilespmem:v3+s15+$0x0], $0xffff  }
0x8c: {  	v3 =	vor.u32 $0x1F, v1;
	_ =	sdelay $0x3  }
0x8d: {  	[tilespmem:s31+$0xFFFFF780] =	vst v2  }
0x8e: {  	v2 =	vld.idx.msk [tilespmem:v3+s15+$0x0], $0xffff  }
0x8f: {  	v3 =	vor.u32 $0x20, v1;
	_ =	sdelay $0x3  }
0x90: {  	[tilespmem:s31+$0xFFFFF7C0] =	vst v2  }
0x91: {  	v2 =	vld.idx.msk [tilespmem:v3+s15+$0x0], $0xffff  }
0x92: {  	v3 =	vor.u32 $0x21, v1;
	_ =	sdelay $0x3  }
0x93: {  	[tilespmem:s31+$0xFFFFF800] =	vst v2  }
0x94: {  	v2 =	vld.idx.msk [tilespmem:v3+s15+$0x0], $0xffff  }
0x95: {  	v3 =	vor.u32 $0x22, v1;
	_ =	sdelay $0x3  }
0x96: {  	[tilespmem:s31+$0xFFFFF840] =	vst v2  }
0x97: {  	v2 =	vld.idx.msk [tilespmem:v3+s15+$0x0], $0xffff  }
0x98: {  	v3 =	vor.u32 $0x23, v1;
	_ =	sdelay $0x3  }
0x99: {  	[tilespmem:s31+$0xFFFFF880] =	vst v2  }
0x9a: {  	v2 =	vld.idx.msk [tilespmem:v3+s15+$0x0], $0xffff  }
0x9b: {  	v3 =	vor.u32 $0x24, v1;
	_ =	sdelay $0x3  }
0x9c: {  	[tilespmem:s31+$0xFFFFF8C0] =	vst v2  }
0x9d: {  	v2 =	vld.idx.msk [tilespmem:v3+s15+$0x0], $0xffff  }
0x9e: {  	v3 =	vor.u32 $0x25, v1;
	_ =	sdelay $0x3  }
0x9f: {  	[tilespmem:s31+$0xFFFFF900] =	vst v2  }
0xa0: {  	v2 =	vld.idx.msk [tilespmem:v3+s15+$0x0], $0xffff  }
0xa1: {  	v3 =	vor.u32 $0x26, v1;
	_ =	sdelay $0x3  }
0xa2: {  	[tilespmem:s31+$0xFFFFF940] =	vst v2  }
0xa3: {  	v2 =	vld.idx.msk [tilespmem:v3+s15+$0x0], $0xffff  }
0xa4: {  	v3 =	vor.u32 $0x27, v1;
	_ =	sdelay $0x3  }
0xa5: {  	[tilespmem:s31+$0xFFFFF980] =	vst v2  }
0xa6: {  	v2 =	vld.idx.msk [tilespmem:v3+s15+$0x0], $0xffff  }
0xa7: {  	v3 =	vor.u32 $0x28, v1;
	_ =	sdelay $0x3  }
0xa8: {  	[tilespmem:s31+$0xFFFFF9C0] =	vst v2  }
0xa9: {  	v2 =	vld.idx.msk [tilespmem:v3+s15+$0x0], $0xffff  }
0xaa: {  	v3 =	vor.u32 $0x29, v1;
	_ =	sdelay $0x3  }
0xab: {  	[tilespmem:s31+$0xFFFFFA00] =	vst v2  }
0xac: {  	v2 =	vld.idx.msk [tilespmem:v3+s15+$0x0], $0xffff  }
0xad: {  	v3 =	vor.u32 $0x2A, v1;
	_ =	sdelay $0x3  }
0xae: {  	[tilespmem:s31+$0xFFFFFA40] =	vst v2  }
0xaf: {  	v2 =	vld.idx.msk [tilespmem:v3+s15+$0x0], $0xffff  }
0xb0: {  	v3 =	vor.u32 $0x2B, v1;
	_ =	sdelay $0x3  }
0xb1: {  	[tilespmem:s31+$0xFFFFFA80] =	vst v2  }
0xb2: {  	v2 =	vld.idx.msk [tilespmem:v3+s15+$0x0], $0xffff  }
0xb3: {  	v3 =	vor.u32 $0x2C, v1;
	_ =	sdelay $0x3  }
0xb4: {  	[tilespmem:s31+$0xFFFFFAC0] =	vst v2  }
0xb5: {  	v2 =	vld.idx.msk [tilespmem:v3+s15+$0x0], $0xffff  }
0xb6: {  	v3 =	vor.u32 $0x2D, v1;
	_ =	sdelay $0x3  }
0xb7: {  	[tilespmem:s31+$0xFFFFFB00] =	vst v2  }
0xb8: {  	v2 =	vld.idx.msk [tilespmem:v3+s15+$0x0], $0xffff  }
0xb9: {  	v3 =	vor.u32 $0x2E, v1;
	_ =	sdelay $0x3  }
0xba: {  	[tilespmem:s31+$0xFFFFFB40] =	vst v2  }
0xbb: {  	v2 =	vld.idx.msk [tilespmem:v3+s15+$0x0], $0xffff  }
0xbc: {  	v3 =	vor.u32 $0x2F, v1;
	_ =	sdelay $0x3  }
0xbd: {  	[tilespmem:s31+$0xFFFFFB80] =	vst v2  }
0xbe: {  	v2 =	vld.idx.msk [tilespmem:v3+s15+$0x0], $0xffff  }
0xbf: {  	v3 =	vor.u32 $0x30, v1;
	_ =	sdelay $0x3  }
0xc0: {  	[tilespmem:s31+$0xFFFFFBC0] =	vst v2  }
0xc1: {  	v2 =	vld.idx.msk [tilespmem:v3+s15+$0x0], $0xffff  }
0xc2: {  	v3 =	vor.u32 $0x31, v1;
	_ =	sdelay $0x3  }
0xc3: {  	[tilespmem:s31+$0xFFFFFC00] =	vst v2  }
0xc4: {  	v2 =	vld.idx.msk [tilespmem:v3+s15+$0x0], $0xffff  }
0xc5: {  	v3 =	vor.u32 $0x32, v1;
	_ =	sdelay $0x3  }
0xc6: {  	[tilespmem:s31+$0xFFFFFC40] =	vst v2  }
0xc7: {  	v2 =	vld.idx.msk [tilespmem:v3+s15+$0x0], $0xffff  }
0xc8: {  	v3 =	vor.u32 $0x33, v1;
	_ =	sdelay $0x3  }
0xc9: {  	[tilespmem:s31+$0xFFFFFC80] =	vst v2  }
0xca: {  	v2 =	vld.idx.msk [tilespmem:v3+s15+$0x0], $0xffff  }
0xcb: {  	v3 =	vor.u32 $0x34, v1;
	_ =	sdelay $0x3  }
0xcc: {  	[tilespmem:s31+$0xFFFFFCC0] =	vst v2  }
0xcd: {  	v2 =	vld.idx.msk [tilespmem:v3+s15+$0x0], $0xffff  }
0xce: {  	v3 =	vor.u32 $0x35, v1;
	_ =	sdelay $0x3  }
0xcf: {  	[tilespmem:s31+$0xFFFFFD00] =	vst v2  }
0xd0: {  	v2 =	vld.idx.msk [tilespmem:v3+s15+$0x0], $0xffff  }
0xd1: {  	v3 =	vor.u32 $0x36, v1;
	_ =	sdelay $0x3  }
0xd2: {  	[tilespmem:s31+$0xFFFFFD40] =	vst v2  }
0xd3: {  	v2 =	vld.idx.msk [tilespmem:v3+s15+$0x0], $0xffff  }
0xd4: {  	v3 =	vor.u32 $0x37, v1;
	_ =	sdelay $0x3  }
0xd5: {  	[tilespmem:s31+$0xFFFFFD80] =	vst v2  }
0xd6: {  	v2 =	vld.idx.msk [tilespmem:v3+s15+$0x0], $0xffff  }
0xd7: {  	v3 =	vor.u32 $0x38, v1;
	_ =	sdelay $0x3  }
0xd8: {  	[tilespmem:s31+$0xFFFFFDC0] =	vst v2  }
0xd9: {  	v2 =	vld.idx.msk [tilespmem:v3+s15+$0x0], $0xffff  }
0xda: {  	v3 =	vor.u32 $0x39, v1;
	_ =	sdelay $0x3  }
0xdb: {  	[tilespmem:s31+$0xFFFFFE00] =	vst v2  }
0xdc: {  	v2 =	vld.idx.msk [tilespmem:v3+s15+$0x0], $0xffff  }
0xdd: {  	v3 =	vor.u32 $0x3A, v1;
	_ =	sdelay $0x3  }
0xde: {  	[tilespmem:s31+$0xFFFFFE40] =	vst v2  }
0xdf: {  	v2 =	vld.idx.msk [tilespmem:v3+s15+$0x0], $0xffff  }
0xe0: {  	v3 =	vor.u32 $0x3B, v1;
	_ =	sdelay $0x3  }
0xe1: {  	[tilespmem:s31+$0xFFFFFE80] =	vst v2  }
0xe2: {  	v2 =	vld.idx.msk [tilespmem:v3+s15+$0x0], $0xffff  }
0xe3: {  	v3 =	vor.u32 $0x3C, v1;
	_ =	sdelay $0x3  }
0xe4: {  	[tilespmem:s31+$0xFFFFFEC0] =	vst v2  }
0xe5: {  	v2 =	vld.idx.msk [tilespmem:v3+s15+$0x0], $0xffff  }
0xe6: {  	v3 =	vor.u32 $0x3D, v1;
	_ =	sdelay $0x3  }
0xe7: {  	[tilespmem:s31+$0xFFFFFF00] =	vst v2  }
0xe8: {  	v2 =	vld.idx.msk [tilespmem:v3+s15+$0x0], $0xffff  }
0xe9: {  	v3 =	vor.u32 $0x3E, v1;
	_ =	sdelay $0x3  }
0xea: {  	[tilespmem:s31+$0xFFFFFF40] =	vst v2  }
0xeb: {  	v2 =	vld.idx.msk [tilespmem:v3+s15+$0x0], $0xffff  }
0xec: {  	v3 =	vor.u32 $0x3F, v1;
	_ =	sdelay $0x3  }
0xed: {  	[tilespmem:s31+$0xFFFFFF80] =	vst v2  }
0xee: {  	v2 =	vld.idx.msk [tilespmem:v3+s15+$0x0], $0xffff  }
0xef: {  	v3 =	vor.u32 $0x40, v1;
	_ =	sdelay $0x3  }
0xf0: {  	[tilespmem:s31+$0xFFFFFFC0] =	vst v2  }
0xf1: {  	v2 =	vld.idx.msk [tilespmem:v3+s15+$0x0], $0xffff  }
0xf2: {  	v3 =	vor.u32 $0x41, v1;
	_ =	sdelay $0x3  }
0xf3: {  	[tilespmem:s31+$0x0] =	vst v2  }
0xf4: {  	v2 =	vld.idx.msk [tilespmem:v3+s15+$0x0], $0xffff  }
0xf5: {  	v3 =	vor.u32 $0x42, v1;
	_ =	sdelay $0x3  }
0xf6: {  	[tilespmem:s31+$0x40] =	vst v2  }
0xf7: {  	v2 =	vld.idx.msk [tilespmem:v3+s15+$0x0], $0xffff  }
0xf8: {  	v3 =	vor.u32 $0x43, v1;
	_ =	sdelay $0x3  }
0xf9: {  	[tilespmem:s31+$0x80] =	vst v2  }
0xfa: {  	v2 =	vld.idx.msk [tilespmem:v3+s15+$0x0], $0xffff  }
0xfb: {  	v3 =	vor.u32 $0x44, v1;
	_ =	sdelay $0x3  }
0xfc: {  	[tilespmem:s31+$0xC0] =	vst v2  }
0xfd: {  	v2 =	vld.idx.msk [tilespmem:v3+s15+$0x0], $0xffff  }
0xfe: {  	v3 =	vor.u32 $0x45, v1;
	_ =	sdelay $0x3  }
0xff: {  	[tilespmem:s31+$0x100] =	vst v2  }
0x100: {  	v2 =	vld.idx.msk [tilespmem:v3+s15+$0x0], $0xffff  }
0x101: {  	v3 =	vor.u32 $0x46, v1;
	_ =	sdelay $0x3  }
0x102: {  	[tilespmem:s31+$0x140] =	vst v2  }
0x103: {  	v2 =	vld.idx.msk [tilespmem:v3+s15+$0x0], $0xffff  }
0x104: {  	v3 =	vor.u32 $0x47, v1;
	_ =	sdelay $0x3  }
0x105: {  	[tilespmem:s31+$0x180] =	vst v2  }
0x106: {  	v2 =	vld.idx.msk [tilespmem:v3+s15+$0x0], $0xffff  }
0x107: {  	v3 =	vor.u32 $0x48, v1;
	_ =	sdelay $0x3  }
0x108: {  	[tilespmem:s31+$0x1C0] =	vst v2  }
0x109: {  	v2 =	vld.idx.msk [tilespmem:v3+s15+$0x0], $0xffff  }
0x10a: {  	v3 =	vor.u32 $0x49, v1;
	_ =	sdelay $0x3  }
0x10b: {  	[tilespmem:s31+$0x200] =	vst v2  }
0x10c: {  	v2 =	vld.idx.msk [tilespmem:v3+s15+$0x0], $0xffff  }
0x10d: {  	v3 =	vor.u32 $0x4A, v1;
	_ =	sdelay $0x3  }
0x10e: {  	[tilespmem:s31+$0x240] =	vst v2  }
0x10f: {  	v2 =	vld.idx.msk [tilespmem:v3+s15+$0x0], $0xffff  }
0x110: {  	v3 =	vor.u32 $0x4B, v1;
	_ =	sdelay $0x3  }
0x111: {  	[tilespmem:s31+$0x280] =	vst v2  }
0x112: {  	v2 =	vld.idx.msk [tilespmem:v3+s15+$0x0], $0xffff  }
0x113: {  	v3 =	vor.u32 $0x4C, v1;
	_ =	sdelay $0x3  }
0x114: {  	[tilespmem:s31+$0x2C0] =	vst v2  }
0x115: {  	v2 =	vld.idx.msk [tilespmem:v3+s15+$0x0], $0xffff  }
0x116: {  	v3 =	vor.u32 $0x4D, v1;
	_ =	sdelay $0x3  }
0x117: {  	[tilespmem:s31+$0x300] =	vst v2  }
0x118: {  	v2 =	vld.idx.msk [tilespmem:v3+s15+$0x0], $0xffff  }
0x119: {  	v3 =	vor.u32 $0x4E, v1;
	_ =	sdelay $0x3  }
0x11a: {  	[tilespmem:s31+$0x340] =	vst v2  }
0x11b: {  	v2 =	vld.idx.msk [tilespmem:v3+s15+$0x0], $0xffff  }
0x11c: {  	v3 =	vor.u32 $0x4F, v1;
	_ =	sdelay $0x3  }
0x11d: {  	[tilespmem:s31+$0x380] =	vst v2  }
0x11e: {  	v2 =	vld.idx.msk [tilespmem:v3+s15+$0x0], $0xffff  }
0x11f: {  	v3 =	vor.u32 $0x50, v1;
	_ =	sdelay $0x3  }
0x120: {  	[tilespmem:s31+$0x3C0] =	vst v2  }
0x121: {  	v2 =	vld.idx.msk [tilespmem:v3+s15+$0x0], $0xffff  }
0x122: {  	v3 =	vor.u32 $0x51, v1;
	_ =	sdelay $0x3  }
0x123: {  	[tilespmem:s31+$0x400] =	vst v2  }
0x124: {  	v2 =	vld.idx.msk [tilespmem:v3+s15+$0x0], $0xffff  }
0x125: {  	v3 =	vor.u32 $0x52, v1;
	_ =	sdelay $0x3  }
0x126: {  	[tilespmem:s31+$0x440] =	vst v2  }
0x127: {  	v2 =	vld.idx.msk [tilespmem:v3+s15+$0x0], $0xffff  }
0x128: {  	v3 =	vor.u32 $0x53, v1;
	_ =	sdelay $0x3  }
0x129: {  	[tilespmem:s31+$0x480] =	vst v2  }
0x12a: {  	v2 =	vld.idx.msk [tilespmem:v3+s15+$0x0], $0xffff  }
0x12b: {  	v3 =	vor.u32 $0x54, v1;
	_ =	sdelay $0x3  }
0x12c: {  	[tilespmem:s31+$0x4C0] =	vst v2  }
0x12d: {  	v2 =	vld.idx.msk [tilespmem:v3+s15+$0x0], $0xffff  }
0x12e: {  	v3 =	vor.u32 $0x55, v1;
	_ =	sdelay $0x3  }
0x12f: {  	[tilespmem:s31+$0x500] =	vst v2  }
0x130: {  	v2 =	vld.idx.msk [tilespmem:v3+s15+$0x0], $0xffff  }
0x131: {  	v3 =	vor.u32 $0x56, v1;
	_ =	sdelay $0x3  }
0x132: {  	[tilespmem:s31+$0x540] =	vst v2  }
0x133: {  	v2 =	vld.idx.msk [tilespmem:v3+s15+$0x0], $0xffff  }
0x134: {  	v3 =	vor.u32 $0x57, v1;
	_ =	sdelay $0x3  }
0x135: {  	[tilespmem:s31+$0x580] =	vst v2  }
0x136: {  	v2 =	vld.idx.msk [tilespmem:v3+s15+$0x0], $0xffff  }
0x137: {  	v3 =	vor.u32 $0x58, v1;
	_ =	sdelay $0x3  }
0x138: {  	[tilespmem:s31+$0x5C0] =	vst v2  }
0x139: {  	v2 =	vld.idx.msk [tilespmem:v3+s15+$0x0], $0xffff  }
0x13a: {  	v3 =	vor.u32 $0x59, v1;
	_ =	sdelay $0x3  }
0x13b: {  	[tilespmem:s31+$0x600] =	vst v2  }
0x13c: {  	v2 =	vld.idx.msk [tilespmem:v3+s15+$0x0], $0xffff  }
0x13d: {  	v3 =	vor.u32 $0x5A, v1;
	_ =	sdelay $0x3  }
0x13e: {  	[tilespmem:s31+$0x640] =	vst v2  }
0x13f: {  	v2 =	vld.idx.msk [tilespmem:v3+s15+$0x0], $0xffff  }
0x140: {  	v3 =	vor.u32 $0x5B, v1;
	_ =	sdelay $0x3  }
0x141: {  	[tilespmem:s31+$0x680] =	vst v2  }
0x142: {  	v2 =	vld.idx.msk [tilespmem:v3+s15+$0x0], $0xffff  }
0x143: {  	v3 =	vor.u32 $0x5C, v1;
	_ =	sdelay $0x3  }
0x144: {  	[tilespmem:s31+$0x6C0] =	vst v2  }
0x145: {  	v2 =	vld.idx.msk [tilespmem:v3+s15+$0x0], $0xffff  }
0x146: {  	v3 =	vor.u32 $0x5D, v1;
	_ =	sdelay $0x3  }
0x147: {  	[tilespmem:s31+$0x700] =	vst v2  }
0x148: {  	v2 =	vld.idx.msk [tilespmem:v3+s15+$0x0], $0xffff  }
0x149: {  	v3 =	vor.u32 $0x5E, v1;
	_ =	sdelay $0x3  }
0x14a: {  	[tilespmem:s31+$0x740] =	vst v2  }
0x14b: {  	v2 =	vld.idx.msk [tilespmem:v3+s15+$0x0], $0xffff  }
0x14c: {  	v3 =	vor.u32 $0x5F, v1;
	_ =	sdelay $0x3  }
0x14d: {  	[tilespmem:s31+$0x780] =	vst v2  }
0x14e: {  	v2 =	vld.idx.msk [tilespmem:v3+s15+$0x0], $0xffff  }
0x14f: {  	v3 =	vor.u32 $0x60, v1;
	_ =	sdelay $0x3  }
0x150: {  	[tilespmem:s31+$0x7C0] =	vst v2  }
0x151: {  	v2 =	vld.idx.msk [tilespmem:v3+s15+$0x0], $0xffff  }
0x152: {  	v3 =	vor.u32 $0x61, v1;
	_ =	sdelay $0x3  }
0x153: {  	[tilespmem:s31+$0x800] =	vst v2  }
0x154: {  	v2 =	vld.idx.msk [tilespmem:v3+s15+$0x0], $0xffff  }
0x155: {  	v3 =	vor.u32 $0x62, v1;
	_ =	sdelay $0x3  }
0x156: {  	[tilespmem:s31+$0x840] =	vst v2  }
0x157: {  	v2 =	vld.idx.msk [tilespmem:v3+s15+$0x0], $0xffff  }
0x158: {  	v3 =	vor.u32 $0x63, v1;
	_ =	sdelay $0x3  }
0x159: {  	[tilespmem:s31+$0x880] =	vst v2  }
0x15a: {  	v2 =	vld.idx.msk [tilespmem:v3+s15+$0x0], $0xffff  }
0x15b: {  	v3 =	vor.u32 $0x64, v1;
	_ =	sdelay $0x3  }
0x15c: {  	[tilespmem:s31+$0x8C0] =	vst v2  }
0x15d: {  	v2 =	vld.idx.msk [tilespmem:v3+s15+$0x0], $0xffff  }
0x15e: {  	v3 =	vor.u32 $0x65, v1;
	_ =	sdelay $0x3  }
0x15f: {  	[tilespmem:s31+$0x900] =	vst v2  }
0x160: {  	v2 =	vld.idx.msk [tilespmem:v3+s15+$0x0], $0xffff  }
0x161: {  	v3 =	vor.u32 $0x66, v1;
	_ =	sdelay $0x3  }
0x162: {  	[tilespmem:s31+$0x940] =	vst v2  }
0x163: {  	v2 =	vld.idx.msk [tilespmem:v3+s15+$0x0], $0xffff  }
0x164: {  	v3 =	vor.u32 $0x67, v1;
	_ =	sdelay $0x3  }
0x165: {  	[tilespmem:s31+$0x980] =	vst v2  }
0x166: {  	v2 =	vld.idx.msk [tilespmem:v3+s15+$0x0], $0xffff  }
0x167: {  	v3 =	vor.u32 $0x68, v1;
	_ =	sdelay $0x3  }
0x168: {  	[tilespmem:s31+$0x9C0] =	vst v2  }
0x169: {  	v2 =	vld.idx.msk [tilespmem:v3+s15+$0x0], $0xffff  }
0x16a: {  	v3 =	vor.u32 $0x69, v1;
	_ =	sdelay $0x3  }
0x16b: {  	[tilespmem:s31+$0xA00] =	vst v2  }
0x16c: {  	v2 =	vld.idx.msk [tilespmem:v3+s15+$0x0], $0xffff  }
0x16d: {  	v3 =	vor.u32 $0x6A, v1;
	_ =	sdelay $0x3  }
0x16e: {  	[tilespmem:s31+$0xA40] =	vst v2  }
0x16f: {  	v2 =	vld.idx.msk [tilespmem:v3+s15+$0x0], $0xffff  }
0x170: {  	v3 =	vor.u32 $0x6B, v1;
	_ =	sdelay $0x3  }
0x171: {  	[tilespmem:s31+$0xA80] =	vst v2  }
0x172: {  	v2 =	vld.idx.msk [tilespmem:v3+s15+$0x0], $0xffff  }
0x173: {  	v3 =	vor.u32 $0x6C, v1;
	_ =	sdelay $0x3  }
0x174: {  	[tilespmem:s31+$0xAC0] =	vst v2  }
0x175: {  	v2 =	vld.idx.msk [tilespmem:v3+s15+$0x0], $0xffff  }
0x176: {  	v3 =	vor.u32 $0x6D, v1;
	_ =	sdelay $0x3  }
0x177: {  	[tilespmem:s31+$0xB00] =	vst v2  }
0x178: {  	v2 =	vld.idx.msk [tilespmem:v3+s15+$0x0], $0xffff  }
0x179: {  	v3 =	vor.u32 $0x6E, v1;
	_ =	sdelay $0x3  }
0x17a: {  	[tilespmem:s31+$0xB40] =	vst v2  }
0x17b: {  	v2 =	vld.idx.msk [tilespmem:v3+s15+$0x0], $0xffff  }
0x17c: {  	v3 =	vor.u32 $0x6F, v1;
	_ =	sdelay $0x3  }
0x17d: {  	[tilespmem:s31+$0xB80] =	vst v2  }
0x17e: {  	v2 =	vld.idx.msk [tilespmem:v3+s15+$0x0], $0xffff  }
0x17f: {  	v3 =	vor.u32 $0x70, v1;
	_ =	sdelay $0x3  }
0x180: {  	[tilespmem:s31+$0xBC0] =	vst v2  }
0x181: {  	v2 =	vld.idx.msk [tilespmem:v3+s15+$0x0], $0xffff  }
0x182: {  	v3 =	vor.u32 $0x71, v1;
	_ =	sdelay $0x3  }
0x183: {  	[tilespmem:s31+$0xC00] =	vst v2  }
0x184: {  	v2 =	vld.idx.msk [tilespmem:v3+s15+$0x0], $0xffff  }
0x185: {  	v3 =	vor.u32 $0x72, v1;
	_ =	sdelay $0x3  }
0x186: {  	[tilespmem:s31+$0xC40] =	vst v2  }
0x187: {  	v2 =	vld.idx.msk [tilespmem:v3+s15+$0x0], $0xffff  }
0x188: {  	v3 =	vor.u32 $0x73, v1;
	_ =	sdelay $0x3  }
0x189: {  	[tilespmem:s31+$0xC80] =	vst v2  }
0x18a: {  	v2 =	vld.idx.msk [tilespmem:v3+s15+$0x0], $0xffff  }
0x18b: {  	v3 =	vor.u32 $0x74, v1;
	_ =	sdelay $0x3  }
0x18c: {  	[tilespmem:s31+$0xCC0] =	vst v2  }
0x18d: {  	v2 =	vld.idx.msk [tilespmem:v3+s15+$0x0], $0xffff  }
0x18e: {  	v3 =	vor.u32 $0x75, v1;
	_ =	sdelay $0x3  }
0x18f: {  	[tilespmem:s31+$0xD00] =	vst v2  }
0x190: {  	v2 =	vld.idx.msk [tilespmem:v3+s15+$0x0], $0xffff  }
0x191: {  	v3 =	vor.u32 $0x76, v1;
	_ =	sdelay $0x3  }
0x192: {  	[tilespmem:s31+$0xD40] =	vst v2  }
0x193: {  	v2 =	vld.idx.msk [tilespmem:v3+s15+$0x0], $0xffff  }
0x194: {  	v3 =	vor.u32 $0x77, v1;
	_ =	sdelay $0x3  }
0x195: {  	[tilespmem:s31+$0xD80] =	vst v2  }
0x196: {  	v2 =	vld.idx.msk [tilespmem:v3+s15+$0x0], $0xffff  }
0x197: {  	v3 =	vor.u32 $0x78, v1;
	_ =	sdelay $0x3  }
0x198: {  	[tilespmem:s31+$0xDC0] =	vst v2  }
0x199: {  	v2 =	vld.idx.msk [tilespmem:v3+s15+$0x0], $0xffff  }
0x19a: {  	v3 =	vor.u32 $0x79, v1;
	_ =	sdelay $0x3  }
0x19b: {  	[tilespmem:s31+$0xE00] =	vst v2  }
0x19c: {  	v2 =	vld.idx.msk [tilespmem:v3+s15+$0x0], $0xffff  }
0x19d: {  	v3 =	vor.u32 $0x7A, v1;
	_ =	sdelay $0x3  }
0x19e: {  	[tilespmem:s31+$0xE40] =	vst v2  }
0x19f: {  	v2 =	vld.idx.msk [tilespmem:v3+s15+$0x0], $0xffff  }
0x1a0: {  	v3 =	vor.u32 $0x7B, v1;
	_ =	sdelay $0x3  }
0x1a1: {  	[tilespmem:s31+$0xE80] =	vst v2  }
0x1a2: {  	v2 =	vld.idx.msk [tilespmem:v3+s15+$0x0], $0xffff  }
0x1a3: {  	v3 =	vor.u32 $0x7C, v1;
	_ =	sdelay $0x3  }
0x1a4: {  	[tilespmem:s31+$0xEC0] =	vst v2  }
0x1a5: {  	v2 =	vld.idx.msk [tilespmem:v3+s15+$0x0], $0xffff  }
0x1a6: {  	v3 =	vor.u32 $0x7D, v1;
	_ =	sdelay $0x3  }
0x1a7: {  	[tilespmem:s31+$0xF00] =	vst v2  }
0x1a8: {  	v2 =	vld.idx.msk [tilespmem:v3+s15+$0x0], $0xffff  }
0x1a9: {  	v3 =	vor.u32 $0x7E, v1;
	_ =	sdelay $0x3  }
0x1aa: {  	[tilespmem:s31+$0xF40] =	vst v2  }
0x1ab: {  	v2 =	vld.idx.msk [tilespmem:v3+s15+$0x0], $0xffff  }
0x1ac: {  	v3 =	vor.u32 $0x7F, v1;
	_ =	sdelay $0x3  }
0x1ad: {  	s7 =	simm.s32 $0x10;
	[tilespmem:s31+$0xF80] =	vst v2  }
0x1ae: {  	s0 =	simm.s32 $0x20;
	v1 =	vmov s7;
	v2 =	vld.idx.msk [tilespmem:v3+s15+$0x0], $0xffff  }
.LBB2_4:
0x1af: {  	p3 =	sne.s32 s0, $0x30;
	v1 =	vshll.u32 v1, $0x7  }
0x1b0: {  	v1 =	vor.u32 v0, v1;
	_ =	sdelay $0x3  }
0x1b1: {  	[tilespmem:s31+$0xFC0] =	vst v2  }
0x1b2: {  	v2 =	vld.idx.msk [tilespmem:v1+s15+$0x0], $0xffff;
	_ =	sdelay $0x1  }
0x1b3: {  	v3 =	vor.u32 $0x1, v1;
	_ =	sdelay $0x2  }
0x1b4: {  	s31 =	sadd.s32 $0x10, s31  }
0x1b5: {  	[tilespmem:s31+$0xFFFFF000] =	vst v2  }
0x1b6: {  	v2 =	vld.idx.msk [tilespmem:v3+s15+$0x0], $0xffff;
	_ =	sdelay $0x1  }
0x1b7: {  	v3 =	vor.u32 $0x2, v1;
	_ =	sdelay $0x3  }
0x1b8: {  	[tilespmem:s31+$0xFFFFF040] =	vst v2  }
0x1b9: {  	v2 =	vld.idx.msk [tilespmem:v3+s15+$0x0], $0xffff;
	_ =	sdelay $0x1  }
0x1ba: {  	v3 =	vor.u32 $0x3, v1;
	_ =	sdelay $0x3  }
0x1bb: {  	[tilespmem:s31+$0xFFFFF080] =	vst v2  }
0x1bc: {  	v2 =	vld.idx.msk [tilespmem:v3+s15+$0x0], $0xffff;
	_ =	sdelay $0x1  }
0x1bd: {  	v3 =	vor.u32 $0x4, v1;
	_ =	sdelay $0x3  }
0x1be: {  	[tilespmem:s31+$0xFFFFF0C0] =	vst v2  }
0x1bf: {  	v2 =	vld.idx.msk [tilespmem:v3+s15+$0x0], $0xffff;
	_ =	sdelay $0x1  }
0x1c0: {  	v3 =	vor.u32 $0x5, v1;
	_ =	sdelay $0x3  }
0x1c1: {  	[tilespmem:s31+$0xFFFFF100] =	vst v2  }
0x1c2: {  	v2 =	vld.idx.msk [tilespmem:v3+s15+$0x0], $0xffff;
	_ =	sdelay $0x1  }
0x1c3: {  	v3 =	vor.u32 $0x6, v1;
	_ =	sdelay $0x3  }
0x1c4: {  	[tilespmem:s31+$0xFFFFF140] =	vst v2  }
0x1c5: {  	v2 =	vld.idx.msk [tilespmem:v3+s15+$0x0], $0xffff;
	_ =	sdelay $0x1  }
0x1c6: {  	v3 =	vor.u32 $0x7, v1;
	_ =	sdelay $0x3  }
0x1c7: {  	[tilespmem:s31+$0xFFFFF180] =	vst v2  }
0x1c8: {  	v2 =	vld.idx.msk [tilespmem:v3+s15+$0x0], $0xffff;
	_ =	sdelay $0x1  }
0x1c9: {  	v3 =	vor.u32 $0x8, v1;
	_ =	sdelay $0x3  }
0x1ca: {  	[tilespmem:s31+$0xFFFFF1C0] =	vst v2  }
0x1cb: {  	v2 =	vld.idx.msk [tilespmem:v3+s15+$0x0], $0xffff;
	_ =	sdelay $0x1  }
0x1cc: {  	v3 =	vor.u32 $0x9, v1;
	_ =	sdelay $0x3  }
0x1cd: {  	[tilespmem:s31+$0xFFFFF200] =	vst v2  }
0x1ce: {  	v2 =	vld.idx.msk [tilespmem:v3+s15+$0x0], $0xffff;
	_ =	sdelay $0x1  }
0x1cf: {  	v3 =	vor.u32 $0xA, v1;
	_ =	sdelay $0x3  }
0x1d0: {  	[tilespmem:s31+$0xFFFFF240] =	vst v2  }
0x1d1: {  	v2 =	vld.idx.msk [tilespmem:v3+s15+$0x0], $0xffff;
	_ =	sdelay $0x1  }
0x1d2: {  	v3 =	vor.u32 $0xB, v1;
	_ =	sdelay $0x3  }
0x1d3: {  	[tilespmem:s31+$0xFFFFF280] =	vst v2  }
0x1d4: {  	v2 =	vld.idx.msk [tilespmem:v3+s15+$0x0], $0xffff;
	_ =	sdelay $0x1  }
0x1d5: {  	v3 =	vor.u32 $0xC, v1;
	_ =	sdelay $0x3  }
0x1d6: {  	[tilespmem:s31+$0xFFFFF2C0] =	vst v2  }
0x1d7: {  	v2 =	vld.idx.msk [tilespmem:v3+s15+$0x0], $0xffff;
	_ =	sdelay $0x1  }
0x1d8: {  	v3 =	vor.u32 $0xD, v1;
	_ =	sdelay $0x3  }
0x1d9: {  	[tilespmem:s31+$0xFFFFF300] =	vst v2  }
0x1da: {  	v2 =	vld.idx.msk [tilespmem:v3+s15+$0x0], $0xffff;
	_ =	sdelay $0x1  }
0x1db: {  	v3 =	vor.u32 $0xE, v1;
	_ =	sdelay $0x3  }
0x1dc: {  	[tilespmem:s31+$0xFFFFF340] =	vst v2  }
0x1dd: {  	v2 =	vld.idx.msk [tilespmem:v3+s15+$0x0], $0xffff;
	_ =	sdelay $0x1  }
0x1de: {  	v3 =	vor.u32 $0xF, v1;
	_ =	sdelay $0x3  }
0x1df: {  	[tilespmem:s31+$0xFFFFF380] =	vst v2  }
0x1e0: {  	v2 =	vld.idx.msk [tilespmem:v3+s15+$0x0], $0xffff;
	_ =	sdelay $0x1  }
0x1e1: {  	v3 =	vor.u32 $0x10, v1;
	_ =	sdelay $0x3  }
0x1e2: {  	[tilespmem:s31+$0xFFFFF3C0] =	vst v2  }
0x1e3: {  	v2 =	vld.idx.msk [tilespmem:v3+s15+$0x0], $0xffff;
	_ =	sdelay $0x1  }
0x1e4: {  	v3 =	vor.u32 $0x11, v1;
	_ =	sdelay $0x3  }
0x1e5: {  	[tilespmem:s31+$0xFFFFF400] =	vst v2  }
0x1e6: {  	v2 =	vld.idx.msk [tilespmem:v3+s15+$0x0], $0xffff;
	_ =	sdelay $0x1  }
0x1e7: {  	v3 =	vor.u32 $0x12, v1;
	_ =	sdelay $0x3  }
0x1e8: {  	[tilespmem:s31+$0xFFFFF440] =	vst v2  }
0x1e9: {  	v2 =	vld.idx.msk [tilespmem:v3+s15+$0x0], $0xffff;
	_ =	sdelay $0x1  }
0x1ea: {  	v3 =	vor.u32 $0x13, v1;
	_ =	sdelay $0x3  }
0x1eb: {  	[tilespmem:s31+$0xFFFFF480] =	vst v2  }
0x1ec: {  	v2 =	vld.idx.msk [tilespmem:v3+s15+$0x0], $0xffff;
	_ =	sdelay $0x1  }
0x1ed: {  	v3 =	vor.u32 $0x14, v1;
	_ =	sdelay $0x3  }
0x1ee: {  	[tilespmem:s31+$0xFFFFF4C0] =	vst v2  }
0x1ef: {  	v2 =	vld.idx.msk [tilespmem:v3+s15+$0x0], $0xffff;
	_ =	sdelay $0x1  }
0x1f0: {  	v3 =	vor.u32 $0x15, v1;
	_ =	sdelay $0x3  }
0x1f1: {  	[tilespmem:s31+$0xFFFFF500] =	vst v2  }
0x1f2: {  	v2 =	vld.idx.msk [tilespmem:v3+s15+$0x0], $0xffff;
	_ =	sdelay $0x1  }
0x1f3: {  	v3 =	vor.u32 $0x16, v1;
	_ =	sdelay $0x3  }
0x1f4: {  	[tilespmem:s31+$0xFFFFF540] =	vst v2  }
0x1f5: {  	v2 =	vld.idx.msk [tilespmem:v3+s15+$0x0], $0xffff;
	_ =	sdelay $0x1  }
0x1f6: {  	v3 =	vor.u32 $0x17, v1;
	_ =	sdelay $0x3  }
0x1f7: {  	[tilespmem:s31+$0xFFFFF580] =	vst v2  }
0x1f8: {  	v2 =	vld.idx.msk [tilespmem:v3+s15+$0x0], $0xffff;
	_ =	sdelay $0x1  }
0x1f9: {  	v3 =	vor.u32 $0x18, v1;
	_ =	sdelay $0x3  }
0x1fa: {  	[tilespmem:s31+$0xFFFFF5C0] =	vst v2  }
0x1fb: {  	v2 =	vld.idx.msk [tilespmem:v3+s15+$0x0], $0xffff;
	_ =	sdelay $0x1  }
0x1fc: {  	v3 =	vor.u32 $0x19, v1;
	_ =	sdelay $0x3  }
0x1fd: {  	[tilespmem:s31+$0xFFFFF600] =	vst v2  }
0x1fe: {  	v2 =	vld.idx.msk [tilespmem:v3+s15+$0x0], $0xffff;
	_ =	sdelay $0x1  }
0x1ff: {  	v3 =	vor.u32 $0x1A, v1;
	_ =	sdelay $0x3  }
0x200: {  	[tilespmem:s31+$0xFFFFF640] =	vst v2  }
0x201: {  	v2 =	vld.idx.msk [tilespmem:v3+s15+$0x0], $0xffff;
	_ =	sdelay $0x1  }
0x202: {  	v3 =	vor.u32 $0x1B, v1;
	_ =	sdelay $0x3  }
0x203: {  	[tilespmem:s31+$0xFFFFF680] =	vst v2  }
0x204: {  	v2 =	vld.idx.msk [tilespmem:v3+s15+$0x0], $0xffff;
	_ =	sdelay $0x1  }
0x205: {  	v3 =	vor.u32 $0x1C, v1;
	_ =	sdelay $0x3  }
0x206: {  	[tilespmem:s31+$0xFFFFF6C0] =	vst v2  }
0x207: {  	v2 =	vld.idx.msk [tilespmem:v3+s15+$0x0], $0xffff;
	_ =	sdelay $0x1  }
0x208: {  	v3 =	vor.u32 $0x1D, v1;
	_ =	sdelay $0x3  }
0x209: {  	[tilespmem:s31+$0xFFFFF700] =	vst v2  }
0x20a: {  	v2 =	vld.idx.msk [tilespmem:v3+s15+$0x0], $0xffff;
	_ =	sdelay $0x1  }
0x20b: {  	v3 =	vor.u32 $0x1E, v1;
	_ =	sdelay $0x3  }
0x20c: {  	[tilespmem:s31+$0xFFFFF740] =	vst v2  }
0x20d: {  	v2 =	vld.idx.msk [tilespmem:v3+s15+$0x0], $0xffff;
	_ =	sdelay $0x1  }
0x20e: {  	v3 =	vor.u32 $0x1F, v1;
	_ =	sdelay $0x3  }
0x20f: {  	[tilespmem:s31+$0xFFFFF780] =	vst v2  }
0x210: {  	v2 =	vld.idx.msk [tilespmem:v3+s15+$0x0], $0xffff;
	_ =	sdelay $0x1  }
0x211: {  	v3 =	vor.u32 $0x20, v1;
	_ =	sdelay $0x3  }
0x212: {  	[tilespmem:s31+$0xFFFFF7C0] =	vst v2  }
0x213: {  	v2 =	vld.idx.msk [tilespmem:v3+s15+$0x0], $0xffff;
	_ =	sdelay $0x1  }
0x214: {  	v3 =	vor.u32 $0x21, v1;
	_ =	sdelay $0x3  }
0x215: {  	[tilespmem:s31+$0xFFFFF800] =	vst v2  }
0x216: {  	v2 =	vld.idx.msk [tilespmem:v3+s15+$0x0], $0xffff;
	_ =	sdelay $0x1  }
0x217: {  	v3 =	vor.u32 $0x22, v1;
	_ =	sdelay $0x3  }
0x218: {  	[tilespmem:s31+$0xFFFFF840] =	vst v2  }
0x219: {  	v2 =	vld.idx.msk [tilespmem:v3+s15+$0x0], $0xffff;
	_ =	sdelay $0x1  }
0x21a: {  	v3 =	vor.u32 $0x23, v1;
	_ =	sdelay $0x3  }
0x21b: {  	[tilespmem:s31+$0xFFFFF880] =	vst v2  }
0x21c: {  	v2 =	vld.idx.msk [tilespmem:v3+s15+$0x0], $0xffff;
	_ =	sdelay $0x1  }
0x21d: {  	v3 =	vor.u32 $0x24, v1;
	_ =	sdelay $0x3  }
0x21e: {  	[tilespmem:s31+$0xFFFFF8C0] =	vst v2  }
0x21f: {  	v2 =	vld.idx.msk [tilespmem:v3+s15+$0x0], $0xffff;
	_ =	sdelay $0x1  }
0x220: {  	v3 =	vor.u32 $0x25, v1;
	_ =	sdelay $0x3  }
0x221: {  	[tilespmem:s31+$0xFFFFF900] =	vst v2  }
0x222: {  	v2 =	vld.idx.msk [tilespmem:v3+s15+$0x0], $0xffff;
	_ =	sdelay $0x1  }
0x223: {  	v3 =	vor.u32 $0x26, v1;
	_ =	sdelay $0x3  }
0x224: {  	[tilespmem:s31+$0xFFFFF940] =	vst v2  }
0x225: {  	v2 =	vld.idx.msk [tilespmem:v3+s15+$0x0], $0xffff;
	_ =	sdelay $0x1  }
0x226: {  	v3 =	vor.u32 $0x27, v1;
	_ =	sdelay $0x3  }
0x227: {  	[tilespmem:s31+$0xFFFFF980] =	vst v2  }
0x228: {  	v2 =	vld.idx.msk [tilespmem:v3+s15+$0x0], $0xffff;
	_ =	sdelay $0x1  }
0x229: {  	v3 =	vor.u32 $0x28, v1;
	_ =	sdelay $0x3  }
0x22a: {  	[tilespmem:s31+$0xFFFFF9C0] =	vst v2  }
0x22b: {  	v2 =	vld.idx.msk [tilespmem:v3+s15+$0x0], $0xffff;
	_ =	sdelay $0x1  }
0x22c: {  	v3 =	vor.u32 $0x29, v1;
	_ =	sdelay $0x3  }
0x22d: {  	[tilespmem:s31+$0xFFFFFA00] =	vst v2  }
0x22e: {  	v2 =	vld.idx.msk [tilespmem:v3+s15+$0x0], $0xffff;
	_ =	sdelay $0x1  }
0x22f: {  	v3 =	vor.u32 $0x2A, v1;
	_ =	sdelay $0x3  }
0x230: {  	[tilespmem:s31+$0xFFFFFA40] =	vst v2  }
0x231: {  	v2 =	vld.idx.msk [tilespmem:v3+s15+$0x0], $0xffff;
	_ =	sdelay $0x1  }
0x232: {  	v3 =	vor.u32 $0x2B, v1;
	_ =	sdelay $0x3  }
0x233: {  	[tilespmem:s31+$0xFFFFFA80] =	vst v2  }
0x234: {  	v2 =	vld.idx.msk [tilespmem:v3+s15+$0x0], $0xffff;
	_ =	sdelay $0x1  }
0x235: {  	v3 =	vor.u32 $0x2C, v1;
	_ =	sdelay $0x3  }
0x236: {  	[tilespmem:s31+$0xFFFFFAC0] =	vst v2  }
0x237: {  	v2 =	vld.idx.msk [tilespmem:v3+s15+$0x0], $0xffff;
	_ =	sdelay $0x1  }
0x238: {  	v3 =	vor.u32 $0x2D, v1;
	_ =	sdelay $0x3  }
0x239: {  	[tilespmem:s31+$0xFFFFFB00] =	vst v2  }
0x23a: {  	v2 =	vld.idx.msk [tilespmem:v3+s15+$0x0], $0xffff;
	_ =	sdelay $0x1  }
0x23b: {  	v3 =	vor.u32 $0x2E, v1;
	_ =	sdelay $0x3  }
0x23c: {  	[tilespmem:s31+$0xFFFFFB40] =	vst v2  }
0x23d: {  	v2 =	vld.idx.msk [tilespmem:v3+s15+$0x0], $0xffff;
	_ =	sdelay $0x1  }
0x23e: {  	v3 =	vor.u32 $0x2F, v1;
	_ =	sdelay $0x3  }
0x23f: {  	[tilespmem:s31+$0xFFFFFB80] =	vst v2  }
0x240: {  	v2 =	vld.idx.msk [tilespmem:v3+s15+$0x0], $0xffff;
	_ =	sdelay $0x1  }
0x241: {  	v3 =	vor.u32 $0x30, v1;
	_ =	sdelay $0x3  }
0x242: {  	[tilespmem:s31+$0xFFFFFBC0] =	vst v2  }
0x243: {  	v2 =	vld.idx.msk [tilespmem:v3+s15+$0x0], $0xffff;
	_ =	sdelay $0x1  }
0x244: {  	v3 =	vor.u32 $0x31, v1;
	_ =	sdelay $0x3  }
0x245: {  	[tilespmem:s31+$0xFFFFFC00] =	vst v2  }
0x246: {  	v2 =	vld.idx.msk [tilespmem:v3+s15+$0x0], $0xffff;
	_ =	sdelay $0x1  }
0x247: {  	v3 =	vor.u32 $0x32, v1;
	_ =	sdelay $0x3  }
0x248: {  	[tilespmem:s31+$0xFFFFFC40] =	vst v2  }
0x249: {  	v2 =	vld.idx.msk [tilespmem:v3+s15+$0x0], $0xffff;
	_ =	sdelay $0x1  }
0x24a: {  	v3 =	vor.u32 $0x33, v1;
	_ =	sdelay $0x3  }
0x24b: {  	[tilespmem:s31+$0xFFFFFC80] =	vst v2  }
0x24c: {  	v2 =	vld.idx.msk [tilespmem:v3+s15+$0x0], $0xffff;
	_ =	sdelay $0x1  }
0x24d: {  	v3 =	vor.u32 $0x34, v1;
	_ =	sdelay $0x3  }
0x24e: {  	[tilespmem:s31+$0xFFFFFCC0] =	vst v2  }
0x24f: {  	v2 =	vld.idx.msk [tilespmem:v3+s15+$0x0], $0xffff;
	_ =	sdelay $0x1  }
0x250: {  	v3 =	vor.u32 $0x35, v1;
	_ =	sdelay $0x3  }
0x251: {  	[tilespmem:s31+$0xFFFFFD00] =	vst v2  }
0x252: {  	v2 =	vld.idx.msk [tilespmem:v3+s15+$0x0], $0xffff;
	_ =	sdelay $0x1  }
0x253: {  	v3 =	vor.u32 $0x36, v1;
	_ =	sdelay $0x3  }
0x254: {  	[tilespmem:s31+$0xFFFFFD40] =	vst v2  }
0x255: {  	v2 =	vld.idx.msk [tilespmem:v3+s15+$0x0], $0xffff;
	_ =	sdelay $0x1  }
0x256: {  	v3 =	vor.u32 $0x37, v1;
	_ =	sdelay $0x3  }
0x257: {  	[tilespmem:s31+$0xFFFFFD80] =	vst v2  }
0x258: {  	v2 =	vld.idx.msk [tilespmem:v3+s15+$0x0], $0xffff;
	_ =	sdelay $0x1  }
0x259: {  	v3 =	vor.u32 $0x38, v1;
	_ =	sdelay $0x3  }
0x25a: {  	[tilespmem:s31+$0xFFFFFDC0] =	vst v2  }
0x25b: {  	v2 =	vld.idx.msk [tilespmem:v3+s15+$0x0], $0xffff;
	_ =	sdelay $0x1  }
0x25c: {  	v3 =	vor.u32 $0x39, v1;
	_ =	sdelay $0x3  }
0x25d: {  	[tilespmem:s31+$0xFFFFFE00] =	vst v2  }
0x25e: {  	v2 =	vld.idx.msk [tilespmem:v3+s15+$0x0], $0xffff;
	_ =	sdelay $0x1  }
0x25f: {  	v3 =	vor.u32 $0x3A, v1;
	_ =	sdelay $0x3  }
0x260: {  	[tilespmem:s31+$0xFFFFFE40] =	vst v2  }
0x261: {  	v2 =	vld.idx.msk [tilespmem:v3+s15+$0x0], $0xffff;
	_ =	sdelay $0x1  }
0x262: {  	v3 =	vor.u32 $0x3B, v1;
	_ =	sdelay $0x3  }
0x263: {  	[tilespmem:s31+$0xFFFFFE80] =	vst v2  }
0x264: {  	v2 =	vld.idx.msk [tilespmem:v3+s15+$0x0], $0xffff;
	_ =	sdelay $0x1  }
0x265: {  	v3 =	vor.u32 $0x3C, v1;
	_ =	sdelay $0x3  }
0x266: {  	[tilespmem:s31+$0xFFFFFEC0] =	vst v2  }
0x267: {  	v2 =	vld.idx.msk [tilespmem:v3+s15+$0x0], $0xffff;
	_ =	sdelay $0x1  }
0x268: {  	v3 =	vor.u32 $0x3D, v1;
	_ =	sdelay $0x3  }
0x269: {  	[tilespmem:s31+$0xFFFFFF00] =	vst v2  }
0x26a: {  	v2 =	vld.idx.msk [tilespmem:v3+s15+$0x0], $0xffff;
	_ =	sdelay $0x1  }
0x26b: {  	v3 =	vor.u32 $0x3E, v1;
	_ =	sdelay $0x3  }
0x26c: {  	[tilespmem:s31+$0xFFFFFF40] =	vst v2  }
0x26d: {  	v2 =	vld.idx.msk [tilespmem:v3+s15+$0x0], $0xffff;
	_ =	sdelay $0x1  }
0x26e: {  	v3 =	vor.u32 $0x3F, v1;
	_ =	sdelay $0x3  }
0x26f: {  	[tilespmem:s31+$0xFFFFFF80] =	vst v2  }
0x270: {  	v2 =	vld.idx.msk [tilespmem:v3+s15+$0x0], $0xffff;
	_ =	sdelay $0x1  }
0x271: {  	v3 =	vor.u32 $0x40, v1;
	_ =	sdelay $0x3  }
0x272: {  	[tilespmem:s31+$0xFFFFFFC0] =	vst v2  }
0x273: {  	v2 =	vld.idx.msk [tilespmem:v3+s15+$0x0], $0xffff;
	_ =	sdelay $0x1  }
0x274: {  	v3 =	vor.u32 $0x41, v1;
	_ =	sdelay $0x3  }
0x275: {  	[tilespmem:s31+$0x0] =	vst v2  }
0x276: {  	v2 =	vld.idx.msk [tilespmem:v3+s15+$0x0], $0xffff;
	_ =	sdelay $0x1  }
0x277: {  	v3 =	vor.u32 $0x42, v1;
	_ =	sdelay $0x3  }
0x278: {  	[tilespmem:s31+$0x40] =	vst v2  }
0x279: {  	v2 =	vld.idx.msk [tilespmem:v3+s15+$0x0], $0xffff;
	_ =	sdelay $0x1  }
0x27a: {  	v3 =	vor.u32 $0x43, v1;
	_ =	sdelay $0x3  }
0x27b: {  	[tilespmem:s31+$0x80] =	vst v2  }
0x27c: {  	v2 =	vld.idx.msk [tilespmem:v3+s15+$0x0], $0xffff;
	_ =	sdelay $0x1  }
0x27d: {  	v3 =	vor.u32 $0x44, v1;
	_ =	sdelay $0x3  }
0x27e: {  	[tilespmem:s31+$0xC0] =	vst v2  }
0x27f: {  	v2 =	vld.idx.msk [tilespmem:v3+s15+$0x0], $0xffff;
	_ =	sdelay $0x1  }
0x280: {  	v3 =	vor.u32 $0x45, v1;
	_ =	sdelay $0x3  }
0x281: {  	[tilespmem:s31+$0x100] =	vst v2  }
0x282: {  	v2 =	vld.idx.msk [tilespmem:v3+s15+$0x0], $0xffff;
	_ =	sdelay $0x1  }
0x283: {  	v3 =	vor.u32 $0x46, v1;
	_ =	sdelay $0x3  }
0x284: {  	[tilespmem:s31+$0x140] =	vst v2  }
0x285: {  	v2 =	vld.idx.msk [tilespmem:v3+s15+$0x0], $0xffff;
	_ =	sdelay $0x1  }
0x286: {  	v3 =	vor.u32 $0x47, v1;
	_ =	sdelay $0x3  }
0x287: {  	[tilespmem:s31+$0x180] =	vst v2  }
0x288: {  	v2 =	vld.idx.msk [tilespmem:v3+s15+$0x0], $0xffff;
	_ =	sdelay $0x1  }
0x289: {  	v3 =	vor.u32 $0x48, v1;
	_ =	sdelay $0x3  }
0x28a: {  	[tilespmem:s31+$0x1C0] =	vst v2  }
0x28b: {  	v2 =	vld.idx.msk [tilespmem:v3+s15+$0x0], $0xffff;
	_ =	sdelay $0x1  }
0x28c: {  	v3 =	vor.u32 $0x49, v1;
	_ =	sdelay $0x3  }
0x28d: {  	[tilespmem:s31+$0x200] =	vst v2  }
0x28e: {  	v2 =	vld.idx.msk [tilespmem:v3+s15+$0x0], $0xffff;
	_ =	sdelay $0x1  }
0x28f: {  	v3 =	vor.u32 $0x4A, v1;
	_ =	sdelay $0x3  }
0x290: {  	[tilespmem:s31+$0x240] =	vst v2  }
0x291: {  	v2 =	vld.idx.msk [tilespmem:v3+s15+$0x0], $0xffff;
	_ =	sdelay $0x1  }
0x292: {  	v3 =	vor.u32 $0x4B, v1;
	_ =	sdelay $0x3  }
0x293: {  	[tilespmem:s31+$0x280] =	vst v2  }
0x294: {  	v2 =	vld.idx.msk [tilespmem:v3+s15+$0x0], $0xffff;
	_ =	sdelay $0x1  }
0x295: {  	v3 =	vor.u32 $0x4C, v1;
	_ =	sdelay $0x3  }
0x296: {  	[tilespmem:s31+$0x2C0] =	vst v2  }
0x297: {  	v2 =	vld.idx.msk [tilespmem:v3+s15+$0x0], $0xffff;
	_ =	sdelay $0x1  }
0x298: {  	v3 =	vor.u32 $0x4D, v1;
	_ =	sdelay $0x3  }
0x299: {  	[tilespmem:s31+$0x300] =	vst v2  }
0x29a: {  	v2 =	vld.idx.msk [tilespmem:v3+s15+$0x0], $0xffff;
	_ =	sdelay $0x1  }
0x29b: {  	v3 =	vor.u32 $0x4E, v1;
	_ =	sdelay $0x3  }
0x29c: {  	[tilespmem:s31+$0x340] =	vst v2  }
0x29d: {  	v2 =	vld.idx.msk [tilespmem:v3+s15+$0x0], $0xffff;
	_ =	sdelay $0x1  }
0x29e: {  	v3 =	vor.u32 $0x4F, v1;
	_ =	sdelay $0x3  }
0x29f: {  	[tilespmem:s31+$0x380] =	vst v2  }
0x2a0: {  	v2 =	vld.idx.msk [tilespmem:v3+s15+$0x0], $0xffff;
	_ =	sdelay $0x1  }
0x2a1: {  	v3 =	vor.u32 $0x50, v1;
	_ =	sdelay $0x3  }
0x2a2: {  	[tilespmem:s31+$0x3C0] =	vst v2  }
0x2a3: {  	v2 =	vld.idx.msk [tilespmem:v3+s15+$0x0], $0xffff;
	_ =	sdelay $0x1  }
0x2a4: {  	v3 =	vor.u32 $0x51, v1;
	_ =	sdelay $0x3  }
0x2a5: {  	[tilespmem:s31+$0x400] =	vst v2  }
0x2a6: {  	v2 =	vld.idx.msk [tilespmem:v3+s15+$0x0], $0xffff;
	_ =	sdelay $0x1  }
0x2a7: {  	v3 =	vor.u32 $0x52, v1;
	_ =	sdelay $0x3  }
0x2a8: {  	[tilespmem:s31+$0x440] =	vst v2  }
0x2a9: {  	v2 =	vld.idx.msk [tilespmem:v3+s15+$0x0], $0xffff;
	_ =	sdelay $0x1  }
0x2aa: {  	v3 =	vor.u32 $0x53, v1;
	_ =	sdelay $0x3  }
0x2ab: {  	[tilespmem:s31+$0x480] =	vst v2  }
0x2ac: {  	v2 =	vld.idx.msk [tilespmem:v3+s15+$0x0], $0xffff;
	_ =	sdelay $0x1  }
0x2ad: {  	v3 =	vor.u32 $0x54, v1;
	_ =	sdelay $0x3  }
0x2ae: {  	[tilespmem:s31+$0x4C0] =	vst v2  }
0x2af: {  	v2 =	vld.idx.msk [tilespmem:v3+s15+$0x0], $0xffff;
	_ =	sdelay $0x1  }
0x2b0: {  	v3 =	vor.u32 $0x55, v1;
	_ =	sdelay $0x3  }
0x2b1: {  	[tilespmem:s31+$0x500] =	vst v2  }
0x2b2: {  	v2 =	vld.idx.msk [tilespmem:v3+s15+$0x0], $0xffff;
	_ =	sdelay $0x1  }
0x2b3: {  	v3 =	vor.u32 $0x56, v1;
	_ =	sdelay $0x3  }
0x2b4: {  	[tilespmem:s31+$0x540] =	vst v2  }
0x2b5: {  	v2 =	vld.idx.msk [tilespmem:v3+s15+$0x0], $0xffff;
	_ =	sdelay $0x1  }
0x2b6: {  	v3 =	vor.u32 $0x57, v1;
	_ =	sdelay $0x3  }
0x2b7: {  	[tilespmem:s31+$0x580] =	vst v2  }
0x2b8: {  	v2 =	vld.idx.msk [tilespmem:v3+s15+$0x0], $0xffff;
	_ =	sdelay $0x1  }
0x2b9: {  	v3 =	vor.u32 $0x58, v1;
	_ =	sdelay $0x3  }
0x2ba: {  	[tilespmem:s31+$0x5C0] =	vst v2  }
0x2bb: {  	v2 =	vld.idx.msk [tilespmem:v3+s15+$0x0], $0xffff;
	_ =	sdelay $0x1  }
0x2bc: {  	v3 =	vor.u32 $0x59, v1;
	_ =	sdelay $0x3  }
0x2bd: {  	[tilespmem:s31+$0x600] =	vst v2  }
0x2be: {  	v2 =	vld.idx.msk [tilespmem:v3+s15+$0x0], $0xffff;
	_ =	sdelay $0x1  }
0x2bf: {  	v3 =	vor.u32 $0x5A, v1;
	_ =	sdelay $0x3  }
0x2c0: {  	[tilespmem:s31+$0x640] =	vst v2  }
0x2c1: {  	v2 =	vld.idx.msk [tilespmem:v3+s15+$0x0], $0xffff;
	_ =	sdelay $0x1  }
0x2c2: {  	v3 =	vor.u32 $0x5B, v1;
	_ =	sdelay $0x3  }
0x2c3: {  	[tilespmem:s31+$0x680] =	vst v2  }
0x2c4: {  	v2 =	vld.idx.msk [tilespmem:v3+s15+$0x0], $0xffff;
	_ =	sdelay $0x1  }
0x2c5: {  	v3 =	vor.u32 $0x5C, v1;
	_ =	sdelay $0x3  }
0x2c6: {  	[tilespmem:s31+$0x6C0] =	vst v2  }
0x2c7: {  	v2 =	vld.idx.msk [tilespmem:v3+s15+$0x0], $0xffff;
	_ =	sdelay $0x1  }
0x2c8: {  	v3 =	vor.u32 $0x5D, v1;
	_ =	sdelay $0x3  }
0x2c9: {  	[tilespmem:s31+$0x700] =	vst v2  }
0x2ca: {  	v2 =	vld.idx.msk [tilespmem:v3+s15+$0x0], $0xffff;
	_ =	sdelay $0x1  }
0x2cb: {  	v3 =	vor.u32 $0x5E, v1;
	_ =	sdelay $0x3  }
0x2cc: {  	[tilespmem:s31+$0x740] =	vst v2  }
0x2cd: {  	v2 =	vld.idx.msk [tilespmem:v3+s15+$0x0], $0xffff;
	_ =	sdelay $0x1  }
0x2ce: {  	v3 =	vor.u32 $0x5F, v1;
	_ =	sdelay $0x3  }
0x2cf: {  	[tilespmem:s31+$0x780] =	vst v2  }
0x2d0: {  	v2 =	vld.idx.msk [tilespmem:v3+s15+$0x0], $0xffff;
	_ =	sdelay $0x1  }
0x2d1: {  	v3 =	vor.u32 $0x60, v1;
	_ =	sdelay $0x3  }
0x2d2: {  	[tilespmem:s31+$0x7C0] =	vst v2  }
0x2d3: {  	v2 =	vld.idx.msk [tilespmem:v3+s15+$0x0], $0xffff;
	_ =	sdelay $0x1  }
0x2d4: {  	v3 =	vor.u32 $0x61, v1;
	_ =	sdelay $0x3  }
0x2d5: {  	[tilespmem:s31+$0x800] =	vst v2  }
0x2d6: {  	v2 =	vld.idx.msk [tilespmem:v3+s15+$0x0], $0xffff;
	_ =	sdelay $0x1  }
0x2d7: {  	v3 =	vor.u32 $0x62, v1;
	_ =	sdelay $0x3  }
0x2d8: {  	[tilespmem:s31+$0x840] =	vst v2  }
0x2d9: {  	v2 =	vld.idx.msk [tilespmem:v3+s15+$0x0], $0xffff;
	_ =	sdelay $0x1  }
0x2da: {  	v3 =	vor.u32 $0x63, v1;
	_ =	sdelay $0x3  }
0x2db: {  	[tilespmem:s31+$0x880] =	vst v2  }
0x2dc: {  	v2 =	vld.idx.msk [tilespmem:v3+s15+$0x0], $0xffff;
	_ =	sdelay $0x1  }
0x2dd: {  	v3 =	vor.u32 $0x64, v1;
	_ =	sdelay $0x3  }
0x2de: {  	[tilespmem:s31+$0x8C0] =	vst v2  }
0x2df: {  	v2 =	vld.idx.msk [tilespmem:v3+s15+$0x0], $0xffff;
	_ =	sdelay $0x1  }
0x2e0: {  	v3 =	vor.u32 $0x65, v1;
	_ =	sdelay $0x3  }
0x2e1: {  	[tilespmem:s31+$0x900] =	vst v2  }
0x2e2: {  	v2 =	vld.idx.msk [tilespmem:v3+s15+$0x0], $0xffff;
	_ =	sdelay $0x1  }
0x2e3: {  	v3 =	vor.u32 $0x66, v1;
	_ =	sdelay $0x3  }
0x2e4: {  	[tilespmem:s31+$0x940] =	vst v2  }
0x2e5: {  	v2 =	vld.idx.msk [tilespmem:v3+s15+$0x0], $0xffff;
	_ =	sdelay $0x1  }
0x2e6: {  	v3 =	vor.u32 $0x67, v1;
	_ =	sdelay $0x3  }
0x2e7: {  	[tilespmem:s31+$0x980] =	vst v2  }
0x2e8: {  	v2 =	vld.idx.msk [tilespmem:v3+s15+$0x0], $0xffff;
	_ =	sdelay $0x1  }
0x2e9: {  	v3 =	vor.u32 $0x68, v1;
	_ =	sdelay $0x3  }
0x2ea: {  	[tilespmem:s31+$0x9C0] =	vst v2  }
0x2eb: {  	v2 =	vld.idx.msk [tilespmem:v3+s15+$0x0], $0xffff;
	_ =	sdelay $0x1  }
0x2ec: {  	v3 =	vor.u32 $0x69, v1;
	_ =	sdelay $0x3  }
0x2ed: {  	[tilespmem:s31+$0xA00] =	vst v2  }
0x2ee: {  	v2 =	vld.idx.msk [tilespmem:v3+s15+$0x0], $0xffff;
	_ =	sdelay $0x1  }
0x2ef: {  	v3 =	vor.u32 $0x6A, v1;
	_ =	sdelay $0x3  }
0x2f0: {  	[tilespmem:s31+$0xA40] =	vst v2  }
0x2f1: {  	v2 =	vld.idx.msk [tilespmem:v3+s15+$0x0], $0xffff;
	_ =	sdelay $0x1  }
0x2f2: {  	v3 =	vor.u32 $0x6B, v1;
	_ =	sdelay $0x3  }
0x2f3: {  	[tilespmem:s31+$0xA80] =	vst v2  }
0x2f4: {  	v2 =	vld.idx.msk [tilespmem:v3+s15+$0x0], $0xffff;
	_ =	sdelay $0x1  }
0x2f5: {  	v3 =	vor.u32 $0x6C, v1;
	_ =	sdelay $0x3  }
0x2f6: {  	[tilespmem:s31+$0xAC0] =	vst v2  }
0x2f7: {  	v2 =	vld.idx.msk [tilespmem:v3+s15+$0x0], $0xffff;
	_ =	sdelay $0x1  }
0x2f8: {  	v3 =	vor.u32 $0x6D, v1;
	_ =	sdelay $0x3  }
0x2f9: {  	[tilespmem:s31+$0xB00] =	vst v2  }
0x2fa: {  	v2 =	vld.idx.msk [tilespmem:v3+s15+$0x0], $0xffff;
	_ =	sdelay $0x1  }
0x2fb: {  	v3 =	vor.u32 $0x6E, v1;
	_ =	sdelay $0x3  }
0x2fc: {  	[tilespmem:s31+$0xB40] =	vst v2  }
0x2fd: {  	v2 =	vld.idx.msk [tilespmem:v3+s15+$0x0], $0xffff;
	_ =	sdelay $0x1  }
0x2fe: {  	v3 =	vor.u32 $0x6F, v1;
	_ =	sdelay $0x3  }
0x2ff: {  	[tilespmem:s31+$0xB80] =	vst v2  }
0x300: {  	v2 =	vld.idx.msk [tilespmem:v3+s15+$0x0], $0xffff;
	_ =	sdelay $0x1  }
0x301: {  	v3 =	vor.u32 $0x70, v1;
	_ =	sdelay $0x3  }
0x302: {  	[tilespmem:s31+$0xBC0] =	vst v2  }
0x303: {  	v2 =	vld.idx.msk [tilespmem:v3+s15+$0x0], $0xffff;
	_ =	sdelay $0x1  }
0x304: {  	v3 =	vor.u32 $0x71, v1;
	_ =	sdelay $0x3  }
0x305: {  	[tilespmem:s31+$0xC00] =	vst v2  }
0x306: {  	v2 =	vld.idx.msk [tilespmem:v3+s15+$0x0], $0xffff;
	_ =	sdelay $0x1  }
0x307: {  	v3 =	vor.u32 $0x72, v1;
	_ =	sdelay $0x3  }
0x308: {  	[tilespmem:s31+$0xC40] =	vst v2  }
0x309: {  	v2 =	vld.idx.msk [tilespmem:v3+s15+$0x0], $0xffff;
	_ =	sdelay $0x1  }
0x30a: {  	v3 =	vor.u32 $0x73, v1;
	_ =	sdelay $0x3  }
0x30b: {  	[tilespmem:s31+$0xC80] =	vst v2  }
0x30c: {  	v2 =	vld.idx.msk [tilespmem:v3+s15+$0x0], $0xffff;
	_ =	sdelay $0x1  }
0x30d: {  	v3 =	vor.u32 $0x74, v1;
	_ =	sdelay $0x3  }
0x30e: {  	[tilespmem:s31+$0xCC0] =	vst v2  }
0x30f: {  	v2 =	vld.idx.msk [tilespmem:v3+s15+$0x0], $0xffff;
	_ =	sdelay $0x1  }
0x310: {  	v3 =	vor.u32 $0x75, v1;
	_ =	sdelay $0x3  }
0x311: {  	[tilespmem:s31+$0xD00] =	vst v2  }
0x312: {  	v2 =	vld.idx.msk [tilespmem:v3+s15+$0x0], $0xffff;
	_ =	sdelay $0x1  }
0x313: {  	v3 =	vor.u32 $0x76, v1;
	_ =	sdelay $0x3  }
0x314: {  	[tilespmem:s31+$0xD40] =	vst v2  }
0x315: {  	v2 =	vld.idx.msk [tilespmem:v3+s15+$0x0], $0xffff;
	_ =	sdelay $0x1  }
0x316: {  	v3 =	vor.u32 $0x77, v1;
	_ =	sdelay $0x3  }
0x317: {  	[tilespmem:s31+$0xD80] =	vst v2  }
0x318: {  	v2 =	vld.idx.msk [tilespmem:v3+s15+$0x0], $0xffff;
	_ =	sdelay $0x1  }
0x319: {  	v3 =	vor.u32 $0x78, v1;
	_ =	sdelay $0x3  }
0x31a: {  	[tilespmem:s31+$0xDC0] =	vst v2  }
0x31b: {  	v2 =	vld.idx.msk [tilespmem:v3+s15+$0x0], $0xffff;
	_ =	sdelay $0x1  }
0x31c: {  	v3 =	vor.u32 $0x79, v1;
	_ =	sdelay $0x3  }
0x31d: {  	[tilespmem:s31+$0xE00] =	vst v2  }
0x31e: {  	v2 =	vld.idx.msk [tilespmem:v3+s15+$0x0], $0xffff;
	_ =	sdelay $0x1  }
0x31f: {  	v3 =	vor.u32 $0x7A, v1;
	_ =	sdelay $0x3  }
0x320: {  	[tilespmem:s31+$0xE40] =	vst v2  }
0x321: {  	v2 =	vld.idx.msk [tilespmem:v3+s15+$0x0], $0xffff;
	_ =	sdelay $0x1  }
0x322: {  	v3 =	vor.u32 $0x7B, v1;
	_ =	sdelay $0x3  }
0x323: {  	[tilespmem:s31+$0xE80] =	vst v2  }
0x324: {  	v2 =	vld.idx.msk [tilespmem:v3+s15+$0x0], $0xffff;
	_ =	sdelay $0x1  }
0x325: {  	v3 =	vor.u32 $0x7C, v1;
	_ =	sdelay $0x3  }
0x326: {  	[tilespmem:s31+$0xEC0] =	vst v2  }
0x327: {  	v2 =	vld.idx.msk [tilespmem:v3+s15+$0x0], $0xffff;
	_ =	sdelay $0x1  }
0x328: {  	v3 =	vor.u32 $0x7D, v1;
	_ =	sdelay $0x3  }
0x329: {  	[tilespmem:s31+$0xF00] =	vst v2  }
0x32a: {  	v2 =	vld.idx.msk [tilespmem:v3+s15+$0x0], $0xffff;
	_ =	sdelay $0x1  }
0x32b: {  	v3 =	vor.u32 $0x7E, v1;
	_ =	sdelay $0x3  }
0x32c: {  	[tilespmem:s31+$0xF40] =	vst v2  }
0x32d: {  	v2 =	vld.idx.msk [tilespmem:v3+s15+$0x0], $0xffff;
	_ =	sdelay $0x1  }
0x32e: {  	v3 =	vor.u32 $0x7F, v1  }
.Ltmp3:
0x32f: {  	(pc) =	sbr.rel @p3 .LBB2_4-.Ltmp3, $3  }
0x330: {  	_ =	sdelay $0x1  }
0x331: {  	[tilespmem:s31+$0xF80] =	vst v2  }
0x332: {  	v1 =	vmov s0;
	s0 =	sadd.s32 $0x10, s0;
	v2 =	vld.idx.msk [tilespmem:v3+s15+$0x0], $0xffff  }
0x333: {  	v1 =	vshll.u32 v1, $0x7  }
0x334: {  	v1 =	vor.u32 v0, v1;
	_ =	sdelay $0x3  }
0x335: {  	[tilespmem:s31+$0xFC0] =	vst v2  }
0x336: {  	v2 =	vld.idx.msk [tilespmem:v1+s15+$0x0], $0xffff  }
0x337: {  	v3 =	vor.u32 $0x1, v1;
	_ =	sdelay $0x2  }
0x338: {  	s0 =	sadd.s32 $0x10, s31  }
0x339: {  	[tilespmem:s0+$0xFFFFF000] =	vst v2  }
0x33a: {  	v2 =	vld.idx.msk [tilespmem:v3+s15+$0x0], $0xffff  }
0x33b: {  	v3 =	vor.u32 $0x2, v1;
	_ =	sdelay $0x3  }
0x33c: {  	[tilespmem:s0+$0xFFFFF040] =	vst v2  }
0x33d: {  	v2 =	vld.idx.msk [tilespmem:v3+s15+$0x0], $0xffff  }
0x33e: {  	v3 =	vor.u32 $0x3, v1;
	_ =	sdelay $0x3  }
0x33f: {  	[tilespmem:s0+$0xFFFFF080] =	vst v2  }
0x340: {  	v2 =	vld.idx.msk [tilespmem:v3+s15+$0x0], $0xffff  }
0x341: {  	v3 =	vor.u32 $0x4, v1;
	_ =	sdelay $0x3  }
0x342: {  	[tilespmem:s0+$0xFFFFF0C0] =	vst v2  }
0x343: {  	v2 =	vld.idx.msk [tilespmem:v3+s15+$0x0], $0xffff  }
0x344: {  	v3 =	vor.u32 $0x5, v1;
	_ =	sdelay $0x3  }
0x345: {  	[tilespmem:s0+$0xFFFFF100] =	vst v2  }
0x346: {  	v2 =	vld.idx.msk [tilespmem:v3+s15+$0x0], $0xffff  }
0x347: {  	v3 =	vor.u32 $0x6, v1;
	_ =	sdelay $0x3  }
0x348: {  	[tilespmem:s0+$0xFFFFF140] =	vst v2  }
0x349: {  	v2 =	vld.idx.msk [tilespmem:v3+s15+$0x0], $0xffff  }
0x34a: {  	v3 =	vor.u32 $0x7, v1;
	_ =	sdelay $0x3  }
0x34b: {  	[tilespmem:s0+$0xFFFFF180] =	vst v2  }
0x34c: {  	v2 =	vld.idx.msk [tilespmem:v3+s15+$0x0], $0xffff  }
0x34d: {  	v3 =	vor.u32 $0x8, v1;
	_ =	sdelay $0x3  }
0x34e: {  	[tilespmem:s0+$0xFFFFF1C0] =	vst v2  }
0x34f: {  	v2 =	vld.idx.msk [tilespmem:v3+s15+$0x0], $0xffff  }
0x350: {  	v3 =	vor.u32 $0x9, v1;
	_ =	sdelay $0x3  }
0x351: {  	[tilespmem:s0+$0xFFFFF200] =	vst v2  }
0x352: {  	v2 =	vld.idx.msk [tilespmem:v3+s15+$0x0], $0xffff  }
0x353: {  	v3 =	vor.u32 $0xA, v1;
	_ =	sdelay $0x3  }
0x354: {  	[tilespmem:s0+$0xFFFFF240] =	vst v2  }
0x355: {  	v2 =	vld.idx.msk [tilespmem:v3+s15+$0x0], $0xffff  }
0x356: {  	v3 =	vor.u32 $0xB, v1;
	_ =	sdelay $0x3  }
0x357: {  	[tilespmem:s0+$0xFFFFF280] =	vst v2  }
0x358: {  	v2 =	vld.idx.msk [tilespmem:v3+s15+$0x0], $0xffff  }
0x359: {  	v3 =	vor.u32 $0xC, v1;
	_ =	sdelay $0x3  }
0x35a: {  	[tilespmem:s0+$0xFFFFF2C0] =	vst v2  }
0x35b: {  	v2 =	vld.idx.msk [tilespmem:v3+s15+$0x0], $0xffff  }
0x35c: {  	v3 =	vor.u32 $0xD, v1;
	_ =	sdelay $0x3  }
0x35d: {  	[tilespmem:s0+$0xFFFFF300] =	vst v2  }
0x35e: {  	v2 =	vld.idx.msk [tilespmem:v3+s15+$0x0], $0xffff  }
0x35f: {  	v3 =	vor.u32 $0xE, v1;
	_ =	sdelay $0x3  }
0x360: {  	[tilespmem:s0+$0xFFFFF340] =	vst v2  }
0x361: {  	v2 =	vld.idx.msk [tilespmem:v3+s15+$0x0], $0xffff  }
0x362: {  	v3 =	vor.u32 $0xF, v1;
	_ =	sdelay $0x3  }
0x363: {  	[tilespmem:s0+$0xFFFFF380] =	vst v2  }
0x364: {  	v2 =	vld.idx.msk [tilespmem:v3+s15+$0x0], $0xffff  }
0x365: {  	v3 =	vor.u32 $0x10, v1;
	_ =	sdelay $0x3  }
0x366: {  	[tilespmem:s0+$0xFFFFF3C0] =	vst v2  }
0x367: {  	v2 =	vld.idx.msk [tilespmem:v3+s15+$0x0], $0xffff  }
0x368: {  	v3 =	vor.u32 $0x11, v1;
	_ =	sdelay $0x3  }
0x369: {  	[tilespmem:s0+$0xFFFFF400] =	vst v2  }
0x36a: {  	v2 =	vld.idx.msk [tilespmem:v3+s15+$0x0], $0xffff  }
0x36b: {  	v3 =	vor.u32 $0x12, v1;
	_ =	sdelay $0x3  }
0x36c: {  	[tilespmem:s0+$0xFFFFF440] =	vst v2  }
0x36d: {  	v2 =	vld.idx.msk [tilespmem:v3+s15+$0x0], $0xffff  }
0x36e: {  	v3 =	vor.u32 $0x13, v1;
	_ =	sdelay $0x3  }
0x36f: {  	[tilespmem:s0+$0xFFFFF480] =	vst v2  }
0x370: {  	v2 =	vld.idx.msk [tilespmem:v3+s15+$0x0], $0xffff  }
0x371: {  	v3 =	vor.u32 $0x14, v1;
	_ =	sdelay $0x3  }
0x372: {  	[tilespmem:s0+$0xFFFFF4C0] =	vst v2  }
0x373: {  	v2 =	vld.idx.msk [tilespmem:v3+s15+$0x0], $0xffff  }
0x374: {  	v3 =	vor.u32 $0x15, v1;
	_ =	sdelay $0x3  }
0x375: {  	[tilespmem:s0+$0xFFFFF500] =	vst v2  }
0x376: {  	v2 =	vld.idx.msk [tilespmem:v3+s15+$0x0], $0xffff  }
0x377: {  	v3 =	vor.u32 $0x16, v1;
	_ =	sdelay $0x3  }
0x378: {  	[tilespmem:s0+$0xFFFFF540] =	vst v2  }
0x379: {  	v2 =	vld.idx.msk [tilespmem:v3+s15+$0x0], $0xffff  }
0x37a: {  	v3 =	vor.u32 $0x17, v1;
	_ =	sdelay $0x3  }
0x37b: {  	[tilespmem:s0+$0xFFFFF580] =	vst v2  }
0x37c: {  	v2 =	vld.idx.msk [tilespmem:v3+s15+$0x0], $0xffff  }
0x37d: {  	v3 =	vor.u32 $0x18, v1;
	_ =	sdelay $0x3  }
0x37e: {  	[tilespmem:s0+$0xFFFFF5C0] =	vst v2  }
0x37f: {  	v2 =	vld.idx.msk [tilespmem:v3+s15+$0x0], $0xffff  }
0x380: {  	v3 =	vor.u32 $0x19, v1;
	_ =	sdelay $0x3  }
0x381: {  	[tilespmem:s0+$0xFFFFF600] =	vst v2  }
0x382: {  	v2 =	vld.idx.msk [tilespmem:v3+s15+$0x0], $0xffff  }
0x383: {  	v3 =	vor.u32 $0x1A, v1;
	_ =	sdelay $0x3  }
0x384: {  	[tilespmem:s0+$0xFFFFF640] =	vst v2  }
0x385: {  	v2 =	vld.idx.msk [tilespmem:v3+s15+$0x0], $0xffff  }
0x386: {  	v3 =	vor.u32 $0x1B, v1;
	_ =	sdelay $0x3  }
0x387: {  	[tilespmem:s0+$0xFFFFF680] =	vst v2  }
0x388: {  	v2 =	vld.idx.msk [tilespmem:v3+s15+$0x0], $0xffff  }
0x389: {  	v3 =	vor.u32 $0x1C, v1;
	_ =	sdelay $0x3  }
0x38a: {  	[tilespmem:s0+$0xFFFFF6C0] =	vst v2  }
0x38b: {  	v2 =	vld.idx.msk [tilespmem:v3+s15+$0x0], $0xffff  }
0x38c: {  	v3 =	vor.u32 $0x1D, v1;
	_ =	sdelay $0x3  }
0x38d: {  	[tilespmem:s0+$0xFFFFF700] =	vst v2  }
0x38e: {  	v2 =	vld.idx.msk [tilespmem:v3+s15+$0x0], $0xffff  }
0x38f: {  	v3 =	vor.u32 $0x1E, v1;
	_ =	sdelay $0x3  }
0x390: {  	[tilespmem:s0+$0xFFFFF740] =	vst v2  }
0x391: {  	v2 =	vld.idx.msk [tilespmem:v3+s15+$0x0], $0xffff  }
0x392: {  	v3 =	vor.u32 $0x1F, v1;
	_ =	sdelay $0x3  }
0x393: {  	[tilespmem:s0+$0xFFFFF780] =	vst v2  }
0x394: {  	v2 =	vld.idx.msk [tilespmem:v3+s15+$0x0], $0xffff  }
0x395: {  	v3 =	vor.u32 $0x20, v1;
	_ =	sdelay $0x3  }
0x396: {  	[tilespmem:s0+$0xFFFFF7C0] =	vst v2  }
0x397: {  	v2 =	vld.idx.msk [tilespmem:v3+s15+$0x0], $0xffff  }
0x398: {  	v3 =	vor.u32 $0x21, v1;
	_ =	sdelay $0x3  }
0x399: {  	[tilespmem:s0+$0xFFFFF800] =	vst v2  }
0x39a: {  	v2 =	vld.idx.msk [tilespmem:v3+s15+$0x0], $0xffff  }
0x39b: {  	v3 =	vor.u32 $0x22, v1;
	_ =	sdelay $0x3  }
0x39c: {  	[tilespmem:s0+$0xFFFFF840] =	vst v2  }
0x39d: {  	v2 =	vld.idx.msk [tilespmem:v3+s15+$0x0], $0xffff  }
0x39e: {  	v3 =	vor.u32 $0x23, v1;
	_ =	sdelay $0x3  }
0x39f: {  	[tilespmem:s0+$0xFFFFF880] =	vst v2  }
0x3a0: {  	v2 =	vld.idx.msk [tilespmem:v3+s15+$0x0], $0xffff  }
0x3a1: {  	v3 =	vor.u32 $0x24, v1;
	_ =	sdelay $0x3  }
0x3a2: {  	[tilespmem:s0+$0xFFFFF8C0] =	vst v2  }
0x3a3: {  	v2 =	vld.idx.msk [tilespmem:v3+s15+$0x0], $0xffff  }
0x3a4: {  	v3 =	vor.u32 $0x25, v1;
	_ =	sdelay $0x3  }
0x3a5: {  	[tilespmem:s0+$0xFFFFF900] =	vst v2  }
0x3a6: {  	v2 =	vld.idx.msk [tilespmem:v3+s15+$0x0], $0xffff  }
0x3a7: {  	v3 =	vor.u32 $0x26, v1;
	_ =	sdelay $0x3  }
0x3a8: {  	[tilespmem:s0+$0xFFFFF940] =	vst v2  }
0x3a9: {  	v2 =	vld.idx.msk [tilespmem:v3+s15+$0x0], $0xffff  }
0x3aa: {  	v3 =	vor.u32 $0x27, v1;
	_ =	sdelay $0x3  }
0x3ab: {  	[tilespmem:s0+$0xFFFFF980] =	vst v2  }
0x3ac: {  	v2 =	vld.idx.msk [tilespmem:v3+s15+$0x0], $0xffff  }
0x3ad: {  	v3 =	vor.u32 $0x28, v1;
	_ =	sdelay $0x3  }
0x3ae: {  	[tilespmem:s0+$0xFFFFF9C0] =	vst v2  }
0x3af: {  	v2 =	vld.idx.msk [tilespmem:v3+s15+$0x0], $0xffff  }
0x3b0: {  	v3 =	vor.u32 $0x29, v1;
	_ =	sdelay $0x3  }
0x3b1: {  	[tilespmem:s0+$0xFFFFFA00] =	vst v2  }
0x3b2: {  	v2 =	vld.idx.msk [tilespmem:v3+s15+$0x0], $0xffff  }
0x3b3: {  	v3 =	vor.u32 $0x2A, v1;
	_ =	sdelay $0x3  }
0x3b4: {  	[tilespmem:s0+$0xFFFFFA40] =	vst v2  }
0x3b5: {  	v2 =	vld.idx.msk [tilespmem:v3+s15+$0x0], $0xffff  }
0x3b6: {  	v3 =	vor.u32 $0x2B, v1;
	_ =	sdelay $0x3  }
0x3b7: {  	[tilespmem:s0+$0xFFFFFA80] =	vst v2  }
0x3b8: {  	v2 =	vld.idx.msk [tilespmem:v3+s15+$0x0], $0xffff  }
0x3b9: {  	v3 =	vor.u32 $0x2C, v1;
	_ =	sdelay $0x3  }
0x3ba: {  	[tilespmem:s0+$0xFFFFFAC0] =	vst v2  }
0x3bb: {  	v2 =	vld.idx.msk [tilespmem:v3+s15+$0x0], $0xffff  }
0x3bc: {  	v3 =	vor.u32 $0x2D, v1;
	_ =	sdelay $0x3  }
0x3bd: {  	[tilespmem:s0+$0xFFFFFB00] =	vst v2  }
0x3be: {  	v2 =	vld.idx.msk [tilespmem:v3+s15+$0x0], $0xffff  }
0x3bf: {  	v3 =	vor.u32 $0x2E, v1;
	_ =	sdelay $0x3  }
0x3c0: {  	[tilespmem:s0+$0xFFFFFB40] =	vst v2  }
0x3c1: {  	v2 =	vld.idx.msk [tilespmem:v3+s15+$0x0], $0xffff  }
0x3c2: {  	v3 =	vor.u32 $0x2F, v1;
	_ =	sdelay $0x3  }
0x3c3: {  	[tilespmem:s0+$0xFFFFFB80] =	vst v2  }
0x3c4: {  	v2 =	vld.idx.msk [tilespmem:v3+s15+$0x0], $0xffff  }
0x3c5: {  	v3 =	vor.u32 $0x30, v1;
	_ =	sdelay $0x3  }
0x3c6: {  	[tilespmem:s0+$0xFFFFFBC0] =	vst v2  }
0x3c7: {  	v2 =	vld.idx.msk [tilespmem:v3+s15+$0x0], $0xffff  }
0x3c8: {  	v3 =	vor.u32 $0x31, v1;
	_ =	sdelay $0x3  }
0x3c9: {  	[tilespmem:s0+$0xFFFFFC00] =	vst v2  }
0x3ca: {  	v2 =	vld.idx.msk [tilespmem:v3+s15+$0x0], $0xffff  }
0x3cb: {  	v3 =	vor.u32 $0x32, v1;
	_ =	sdelay $0x3  }
0x3cc: {  	[tilespmem:s0+$0xFFFFFC40] =	vst v2  }
0x3cd: {  	v2 =	vld.idx.msk [tilespmem:v3+s15+$0x0], $0xffff  }
0x3ce: {  	v3 =	vor.u32 $0x33, v1;
	_ =	sdelay $0x3  }
0x3cf: {  	[tilespmem:s0+$0xFFFFFC80] =	vst v2  }
0x3d0: {  	v2 =	vld.idx.msk [tilespmem:v3+s15+$0x0], $0xffff  }
0x3d1: {  	v3 =	vor.u32 $0x34, v1;
	_ =	sdelay $0x3  }
0x3d2: {  	[tilespmem:s0+$0xFFFFFCC0] =	vst v2  }
0x3d3: {  	v2 =	vld.idx.msk [tilespmem:v3+s15+$0x0], $0xffff  }
0x3d4: {  	v3 =	vor.u32 $0x35, v1;
	_ =	sdelay $0x3  }
0x3d5: {  	[tilespmem:s0+$0xFFFFFD00] =	vst v2  }
0x3d6: {  	v2 =	vld.idx.msk [tilespmem:v3+s15+$0x0], $0xffff  }
0x3d7: {  	v3 =	vor.u32 $0x36, v1;
	_ =	sdelay $0x3  }
0x3d8: {  	[tilespmem:s0+$0xFFFFFD40] =	vst v2  }
0x3d9: {  	v2 =	vld.idx.msk [tilespmem:v3+s15+$0x0], $0xffff  }
0x3da: {  	v3 =	vor.u32 $0x37, v1;
	_ =	sdelay $0x3  }
0x3db: {  	[tilespmem:s0+$0xFFFFFD80] =	vst v2  }
0x3dc: {  	v2 =	vld.idx.msk [tilespmem:v3+s15+$0x0], $0xffff  }
0x3dd: {  	v3 =	vor.u32 $0x38, v1;
	_ =	sdelay $0x3  }
0x3de: {  	[tilespmem:s0+$0xFFFFFDC0] =	vst v2  }
0x3df: {  	v2 =	vld.idx.msk [tilespmem:v3+s15+$0x0], $0xffff  }
0x3e0: {  	v3 =	vor.u32 $0x39, v1;
	_ =	sdelay $0x3  }
0x3e1: {  	[tilespmem:s0+$0xFFFFFE00] =	vst v2  }
0x3e2: {  	v2 =	vld.idx.msk [tilespmem:v3+s15+$0x0], $0xffff  }
0x3e3: {  	v3 =	vor.u32 $0x3A, v1;
	_ =	sdelay $0x3  }
0x3e4: {  	[tilespmem:s0+$0xFFFFFE40] =	vst v2  }
0x3e5: {  	v2 =	vld.idx.msk [tilespmem:v3+s15+$0x0], $0xffff  }
0x3e6: {  	v3 =	vor.u32 $0x3B, v1;
	_ =	sdelay $0x3  }
0x3e7: {  	[tilespmem:s0+$0xFFFFFE80] =	vst v2  }
0x3e8: {  	v2 =	vld.idx.msk [tilespmem:v3+s15+$0x0], $0xffff  }
0x3e9: {  	v3 =	vor.u32 $0x3C, v1;
	_ =	sdelay $0x3  }
0x3ea: {  	[tilespmem:s0+$0xFFFFFEC0] =	vst v2  }
0x3eb: {  	v2 =	vld.idx.msk [tilespmem:v3+s15+$0x0], $0xffff  }
0x3ec: {  	v3 =	vor.u32 $0x3D, v1;
	_ =	sdelay $0x3  }
0x3ed: {  	[tilespmem:s0+$0xFFFFFF00] =	vst v2  }
0x3ee: {  	v2 =	vld.idx.msk [tilespmem:v3+s15+$0x0], $0xffff  }
0x3ef: {  	v3 =	vor.u32 $0x3E, v1;
	_ =	sdelay $0x3  }
0x3f0: {  	[tilespmem:s0+$0xFFFFFF40] =	vst v2  }
0x3f1: {  	v2 =	vld.idx.msk [tilespmem:v3+s15+$0x0], $0xffff  }
0x3f2: {  	v3 =	vor.u32 $0x3F, v1;
	_ =	sdelay $0x3  }
0x3f3: {  	[tilespmem:s0+$0xFFFFFF80] =	vst v2  }
0x3f4: {  	v2 =	vld.idx.msk [tilespmem:v3+s15+$0x0], $0xffff  }
0x3f5: {  	v3 =	vor.u32 $0x40, v1;
	_ =	sdelay $0x3  }
0x3f6: {  	[tilespmem:s0+$0xFFFFFFC0] =	vst v2  }
0x3f7: {  	v2 =	vld.idx.msk [tilespmem:v3+s15+$0x0], $0xffff  }
0x3f8: {  	v3 =	vor.u32 $0x41, v1;
	_ =	sdelay $0x3  }
0x3f9: {  	[tilespmem:s0+$0x0] =	vst v2  }
0x3fa: {  	v2 =	vld.idx.msk [tilespmem:v3+s15+$0x0], $0xffff  }
0x3fb: {  	v3 =	vor.u32 $0x42, v1;
	_ =	sdelay $0x3  }
0x3fc: {  	[tilespmem:s0+$0x40] =	vst v2  }
0x3fd: {  	v2 =	vld.idx.msk [tilespmem:v3+s15+$0x0], $0xffff  }
0x3fe: {  	v3 =	vor.u32 $0x43, v1;
	_ =	sdelay $0x3  }
0x3ff: {  	[tilespmem:s0+$0x80] =	vst v2  }
0x400: {  	v2 =	vld.idx.msk [tilespmem:v3+s15+$0x0], $0xffff  }
0x401: {  	v3 =	vor.u32 $0x44, v1;
	_ =	sdelay $0x3  }
0x402: {  	[tilespmem:s0+$0xC0] =	vst v2  }
0x403: {  	v2 =	vld.idx.msk [tilespmem:v3+s15+$0x0], $0xffff  }
0x404: {  	v3 =	vor.u32 $0x45, v1;
	_ =	sdelay $0x3  }
0x405: {  	[tilespmem:s0+$0x100] =	vst v2  }
0x406: {  	v2 =	vld.idx.msk [tilespmem:v3+s15+$0x0], $0xffff  }
0x407: {  	v3 =	vor.u32 $0x46, v1;
	_ =	sdelay $0x3  }
0x408: {  	[tilespmem:s0+$0x140] =	vst v2  }
0x409: {  	v2 =	vld.idx.msk [tilespmem:v3+s15+$0x0], $0xffff  }
0x40a: {  	v3 =	vor.u32 $0x47, v1;
	_ =	sdelay $0x3  }
0x40b: {  	[tilespmem:s0+$0x180] =	vst v2  }
0x40c: {  	v2 =	vld.idx.msk [tilespmem:v3+s15+$0x0], $0xffff  }
0x40d: {  	v3 =	vor.u32 $0x48, v1;
	_ =	sdelay $0x3  }
0x40e: {  	[tilespmem:s0+$0x1C0] =	vst v2  }
0x40f: {  	v2 =	vld.idx.msk [tilespmem:v3+s15+$0x0], $0xffff  }
0x410: {  	v3 =	vor.u32 $0x49, v1;
	_ =	sdelay $0x3  }
0x411: {  	[tilespmem:s0+$0x200] =	vst v2  }
0x412: {  	v2 =	vld.idx.msk [tilespmem:v3+s15+$0x0], $0xffff  }
0x413: {  	v3 =	vor.u32 $0x4A, v1;
	_ =	sdelay $0x3  }
0x414: {  	[tilespmem:s0+$0x240] =	vst v2  }
0x415: {  	v2 =	vld.idx.msk [tilespmem:v3+s15+$0x0], $0xffff  }
0x416: {  	v3 =	vor.u32 $0x4B, v1;
	_ =	sdelay $0x3  }
0x417: {  	[tilespmem:s0+$0x280] =	vst v2  }
0x418: {  	v2 =	vld.idx.msk [tilespmem:v3+s15+$0x0], $0xffff  }
0x419: {  	v3 =	vor.u32 $0x4C, v1;
	_ =	sdelay $0x3  }
0x41a: {  	[tilespmem:s0+$0x2C0] =	vst v2  }
0x41b: {  	v2 =	vld.idx.msk [tilespmem:v3+s15+$0x0], $0xffff  }
0x41c: {  	v3 =	vor.u32 $0x4D, v1;
	_ =	sdelay $0x3  }
0x41d: {  	[tilespmem:s0+$0x300] =	vst v2  }
0x41e: {  	v2 =	vld.idx.msk [tilespmem:v3+s15+$0x0], $0xffff  }
0x41f: {  	v3 =	vor.u32 $0x4E, v1;
	_ =	sdelay $0x3  }
0x420: {  	[tilespmem:s0+$0x340] =	vst v2  }
0x421: {  	v2 =	vld.idx.msk [tilespmem:v3+s15+$0x0], $0xffff  }
0x422: {  	v3 =	vor.u32 $0x4F, v1;
	_ =	sdelay $0x3  }
0x423: {  	[tilespmem:s0+$0x380] =	vst v2  }
0x424: {  	v2 =	vld.idx.msk [tilespmem:v3+s15+$0x0], $0xffff  }
0x425: {  	v3 =	vor.u32 $0x50, v1;
	_ =	sdelay $0x3  }
0x426: {  	[tilespmem:s0+$0x3C0] =	vst v2  }
0x427: {  	v2 =	vld.idx.msk [tilespmem:v3+s15+$0x0], $0xffff  }
0x428: {  	v3 =	vor.u32 $0x51, v1;
	_ =	sdelay $0x3  }
0x429: {  	[tilespmem:s0+$0x400] =	vst v2  }
0x42a: {  	v2 =	vld.idx.msk [tilespmem:v3+s15+$0x0], $0xffff  }
0x42b: {  	v3 =	vor.u32 $0x52, v1;
	_ =	sdelay $0x3  }
0x42c: {  	[tilespmem:s0+$0x440] =	vst v2  }
0x42d: {  	v2 =	vld.idx.msk [tilespmem:v3+s15+$0x0], $0xffff  }
0x42e: {  	v3 =	vor.u32 $0x53, v1;
	_ =	sdelay $0x3  }
0x42f: {  	[tilespmem:s0+$0x480] =	vst v2  }
0x430: {  	v2 =	vld.idx.msk [tilespmem:v3+s15+$0x0], $0xffff  }
0x431: {  	v3 =	vor.u32 $0x54, v1;
	_ =	sdelay $0x3  }
0x432: {  	[tilespmem:s0+$0x4C0] =	vst v2  }
0x433: {  	v2 =	vld.idx.msk [tilespmem:v3+s15+$0x0], $0xffff  }
0x434: {  	v3 =	vor.u32 $0x55, v1;
	_ =	sdelay $0x3  }
0x435: {  	[tilespmem:s0+$0x500] =	vst v2  }
0x436: {  	v2 =	vld.idx.msk [tilespmem:v3+s15+$0x0], $0xffff  }
0x437: {  	v3 =	vor.u32 $0x56, v1;
	_ =	sdelay $0x3  }
0x438: {  	[tilespmem:s0+$0x540] =	vst v2  }
0x439: {  	v2 =	vld.idx.msk [tilespmem:v3+s15+$0x0], $0xffff  }
0x43a: {  	v3 =	vor.u32 $0x57, v1;
	_ =	sdelay $0x3  }
0x43b: {  	[tilespmem:s0+$0x580] =	vst v2  }
0x43c: {  	v2 =	vld.idx.msk [tilespmem:v3+s15+$0x0], $0xffff  }
0x43d: {  	v3 =	vor.u32 $0x58, v1;
	_ =	sdelay $0x3  }
0x43e: {  	[tilespmem:s0+$0x5C0] =	vst v2  }
0x43f: {  	v2 =	vld.idx.msk [tilespmem:v3+s15+$0x0], $0xffff  }
0x440: {  	v3 =	vor.u32 $0x59, v1;
	_ =	sdelay $0x3  }
0x441: {  	[tilespmem:s0+$0x600] =	vst v2  }
0x442: {  	v2 =	vld.idx.msk [tilespmem:v3+s15+$0x0], $0xffff  }
0x443: {  	v3 =	vor.u32 $0x5A, v1;
	_ =	sdelay $0x3  }
0x444: {  	[tilespmem:s0+$0x640] =	vst v2  }
0x445: {  	v2 =	vld.idx.msk [tilespmem:v3+s15+$0x0], $0xffff  }
0x446: {  	v3 =	vor.u32 $0x5B, v1;
	_ =	sdelay $0x3  }
0x447: {  	[tilespmem:s0+$0x680] =	vst v2  }
0x448: {  	v2 =	vld.idx.msk [tilespmem:v3+s15+$0x0], $0xffff  }
0x449: {  	v3 =	vor.u32 $0x5C, v1;
	_ =	sdelay $0x3  }
0x44a: {  	[tilespmem:s0+$0x6C0] =	vst v2  }
0x44b: {  	v2 =	vld.idx.msk [tilespmem:v3+s15+$0x0], $0xffff  }
0x44c: {  	v3 =	vor.u32 $0x5D, v1;
	_ =	sdelay $0x3  }
0x44d: {  	[tilespmem:s0+$0x700] =	vst v2  }
0x44e: {  	v2 =	vld.idx.msk [tilespmem:v3+s15+$0x0], $0xffff  }
0x44f: {  	v3 =	vor.u32 $0x5E, v1;
	_ =	sdelay $0x3  }
0x450: {  	[tilespmem:s0+$0x740] =	vst v2  }
0x451: {  	v2 =	vld.idx.msk [tilespmem:v3+s15+$0x0], $0xffff  }
0x452: {  	v3 =	vor.u32 $0x5F, v1;
	_ =	sdelay $0x3  }
0x453: {  	[tilespmem:s0+$0x780] =	vst v2  }
0x454: {  	v2 =	vld.idx.msk [tilespmem:v3+s15+$0x0], $0xffff  }
0x455: {  	v3 =	vor.u32 $0x60, v1;
	_ =	sdelay $0x3  }
0x456: {  	[tilespmem:s0+$0x7C0] =	vst v2  }
0x457: {  	v2 =	vld.idx.msk [tilespmem:v3+s15+$0x0], $0xffff  }
0x458: {  	v3 =	vor.u32 $0x61, v1;
	_ =	sdelay $0x3  }
0x459: {  	[tilespmem:s0+$0x800] =	vst v2  }
0x45a: {  	v2 =	vld.idx.msk [tilespmem:v3+s15+$0x0], $0xffff  }
0x45b: {  	v3 =	vor.u32 $0x62, v1;
	_ =	sdelay $0x3  }
0x45c: {  	[tilespmem:s0+$0x840] =	vst v2  }
0x45d: {  	v2 =	vld.idx.msk [tilespmem:v3+s15+$0x0], $0xffff  }
0x45e: {  	v3 =	vor.u32 $0x63, v1;
	_ =	sdelay $0x3  }
0x45f: {  	[tilespmem:s0+$0x880] =	vst v2  }
0x460: {  	v2 =	vld.idx.msk [tilespmem:v3+s15+$0x0], $0xffff  }
0x461: {  	v3 =	vor.u32 $0x64, v1;
	_ =	sdelay $0x3  }
0x462: {  	[tilespmem:s0+$0x8C0] =	vst v2  }
0x463: {  	v2 =	vld.idx.msk [tilespmem:v3+s15+$0x0], $0xffff  }
0x464: {  	v3 =	vor.u32 $0x65, v1;
	_ =	sdelay $0x3  }
0x465: {  	[tilespmem:s0+$0x900] =	vst v2  }
0x466: {  	v2 =	vld.idx.msk [tilespmem:v3+s15+$0x0], $0xffff  }
0x467: {  	v3 =	vor.u32 $0x66, v1;
	_ =	sdelay $0x3  }
0x468: {  	[tilespmem:s0+$0x940] =	vst v2  }
0x469: {  	v2 =	vld.idx.msk [tilespmem:v3+s15+$0x0], $0xffff  }
0x46a: {  	v3 =	vor.u32 $0x67, v1;
	_ =	sdelay $0x3  }
0x46b: {  	[tilespmem:s0+$0x980] =	vst v2  }
0x46c: {  	v2 =	vld.idx.msk [tilespmem:v3+s15+$0x0], $0xffff  }
0x46d: {  	v3 =	vor.u32 $0x68, v1;
	_ =	sdelay $0x3  }
0x46e: {  	[tilespmem:s0+$0x9C0] =	vst v2  }
0x46f: {  	v2 =	vld.idx.msk [tilespmem:v3+s15+$0x0], $0xffff  }
0x470: {  	v3 =	vor.u32 $0x69, v1;
	_ =	sdelay $0x3  }
0x471: {  	[tilespmem:s0+$0xA00] =	vst v2  }
0x472: {  	v2 =	vld.idx.msk [tilespmem:v3+s15+$0x0], $0xffff  }
0x473: {  	v3 =	vor.u32 $0x6A, v1;
	_ =	sdelay $0x3  }
0x474: {  	[tilespmem:s0+$0xA40] =	vst v2  }
0x475: {  	v2 =	vld.idx.msk [tilespmem:v3+s15+$0x0], $0xffff  }
0x476: {  	v3 =	vor.u32 $0x6B, v1;
	_ =	sdelay $0x3  }
0x477: {  	[tilespmem:s0+$0xA80] =	vst v2  }
0x478: {  	v2 =	vld.idx.msk [tilespmem:v3+s15+$0x0], $0xffff  }
0x479: {  	v3 =	vor.u32 $0x6C, v1;
	_ =	sdelay $0x3  }
0x47a: {  	[tilespmem:s0+$0xAC0] =	vst v2  }
0x47b: {  	v2 =	vld.idx.msk [tilespmem:v3+s15+$0x0], $0xffff  }
0x47c: {  	v3 =	vor.u32 $0x6D, v1;
	_ =	sdelay $0x3  }
0x47d: {  	[tilespmem:s0+$0xB00] =	vst v2  }
0x47e: {  	v2 =	vld.idx.msk [tilespmem:v3+s15+$0x0], $0xffff  }
0x47f: {  	v3 =	vor.u32 $0x6E, v1;
	_ =	sdelay $0x3  }
0x480: {  	[tilespmem:s0+$0xB40] =	vst v2  }
0x481: {  	v2 =	vld.idx.msk [tilespmem:v3+s15+$0x0], $0xffff  }
0x482: {  	v3 =	vor.u32 $0x6F, v1;
	_ =	sdelay $0x3  }
0x483: {  	[tilespmem:s0+$0xB80] =	vst v2  }
0x484: {  	v2 =	vld.idx.msk [tilespmem:v3+s15+$0x0], $0xffff  }
0x485: {  	v3 =	vor.u32 $0x70, v1;
	_ =	sdelay $0x3  }
0x486: {  	[tilespmem:s0+$0xBC0] =	vst v2  }
0x487: {  	v2 =	vld.idx.msk [tilespmem:v3+s15+$0x0], $0xffff  }
0x488: {  	v3 =	vor.u32 $0x71, v1;
	_ =	sdelay $0x3  }
0x489: {  	[tilespmem:s0+$0xC00] =	vst v2  }
0x48a: {  	v2 =	vld.idx.msk [tilespmem:v3+s15+$0x0], $0xffff  }
0x48b: {  	v3 =	vor.u32 $0x72, v1;
	_ =	sdelay $0x3  }
0x48c: {  	[tilespmem:s0+$0xC40] =	vst v2  }
0x48d: {  	v2 =	vld.idx.msk [tilespmem:v3+s15+$0x0], $0xffff  }
0x48e: {  	v3 =	vor.u32 $0x73, v1;
	_ =	sdelay $0x3  }
0x48f: {  	[tilespmem:s0+$0xC80] =	vst v2  }
0x490: {  	v2 =	vld.idx.msk [tilespmem:v3+s15+$0x0], $0xffff  }
0x491: {  	v3 =	vor.u32 $0x74, v1;
	_ =	sdelay $0x3  }
0x492: {  	[tilespmem:s0+$0xCC0] =	vst v2  }
0x493: {  	v2 =	vld.idx.msk [tilespmem:v3+s15+$0x0], $0xffff  }
0x494: {  	v3 =	vor.u32 $0x75, v1;
	_ =	sdelay $0x3  }
0x495: {  	[tilespmem:s0+$0xD00] =	vst v2  }
0x496: {  	v2 =	vld.idx.msk [tilespmem:v3+s15+$0x0], $0xffff  }
0x497: {  	v3 =	vor.u32 $0x76, v1;
	_ =	sdelay $0x3  }
0x498: {  	[tilespmem:s0+$0xD40] =	vst v2  }
0x499: {  	v2 =	vld.idx.msk [tilespmem:v3+s15+$0x0], $0xffff  }
0x49a: {  	v3 =	vor.u32 $0x77, v1;
	_ =	sdelay $0x3  }
0x49b: {  	[tilespmem:s0+$0xD80] =	vst v2  }
0x49c: {  	v2 =	vld.idx.msk [tilespmem:v3+s15+$0x0], $0xffff  }
0x49d: {  	v3 =	vor.u32 $0x78, v1;
	_ =	sdelay $0x3  }
0x49e: {  	[tilespmem:s0+$0xDC0] =	vst v2  }
0x49f: {  	v2 =	vld.idx.msk [tilespmem:v3+s15+$0x0], $0xffff  }
0x4a0: {  	v3 =	vor.u32 $0x79, v1;
	_ =	sdelay $0x3  }
0x4a1: {  	[tilespmem:s0+$0xE00] =	vst v2  }
0x4a2: {  	v2 =	vld.idx.msk [tilespmem:v3+s15+$0x0], $0xffff  }
0x4a3: {  	v3 =	vor.u32 $0x7A, v1;
	_ =	sdelay $0x3  }
0x4a4: {  	[tilespmem:s0+$0xE40] =	vst v2  }
0x4a5: {  	v2 =	vld.idx.msk [tilespmem:v3+s15+$0x0], $0xffff  }
0x4a6: {  	v3 =	vor.u32 $0x7B, v1;
	_ =	sdelay $0x3  }
0x4a7: {  	[tilespmem:s0+$0xE80] =	vst v2  }
0x4a8: {  	v2 =	vld.idx.msk [tilespmem:v3+s15+$0x0], $0xffff  }
0x4a9: {  	v3 =	vor.u32 $0x7C, v1;
	_ =	sdelay $0x3  }
0x4aa: {  	[tilespmem:s0+$0xEC0] =	vst v2  }
0x4ab: {  	v2 =	vld.idx.msk [tilespmem:v3+s15+$0x0], $0xffff  }
0x4ac: {  	v3 =	vor.u32 $0x7D, v1;
	_ =	sdelay $0x3  }
0x4ad: {  	[tilespmem:s0+$0xF00] =	vst v2  }
0x4ae: {  	v2 =	vld.idx.msk [tilespmem:v3+s15+$0x0], $0xffff  }
0x4af: {  	v3 =	vor.u32 $0x7E, v1;
	_ =	sdelay $0x3  }
0x4b0: {  	[tilespmem:s0+$0xF40] =	vst v2  }
0x4b1: {  	v2 =	vld.idx.msk [tilespmem:v3+s15+$0x0], $0xffff  }
0x4b2: {  	v1 =	vor.u32 $0x7F, v1;
	_ =	sdelay $0x3  }
0x4b3: {  	[tilespmem:s0+$0xF80] =	vst v2  }
0x4b4: {  	v1 =	vld.idx.msk [tilespmem:v1+s15+$0x0], $0xffff;
	_ =	sdelay $0x2  }
0x4b5: {  	s29 =	sadd.s32 $0x1, s29  }
0x4b6: {  	s7 =	sadd.s32 s8, s30;
	p3 =	sne.s32 s29, $0x32  }
.Ltmp4:
0x4b7: {  	s31 =	sadd.s32 $0xAAE60, s7;
	[tilespmem:s0+$0xFC0] =	vst v1;
	(pc) =	sbr.rel @p3 .LBB2_3-.Ltmp4, $4  }
0x4b8: {  	[hbm4b:s31+s14] =	stream.strided.scatter [tilespmem:s18], [sflag:$0x3], $0x2000, s17, s14, $0x38;
	[tilespmem:$0x17E00] =	vst v63  }
0x4b9: {  	_ =	swait.ge [sflag:s13], $0x2000  }
0x4ba: {  	[sflag:s13] =	ssyncset.done $0x0  }
0x4bb: {  	[sflag:s13] =	ssyncadd.s32 $0xFFFFE000  }
.LBB2_6:
.Ltmp5:
0x4bc: {  	(pc) =	sbr.rel @p1 .LBB2_11-.Ltmp5, $1  }
0x4bd: {  	_ =	sdelay $0x3  }
0x4be: {  	s28 =	simm.s32 $0x0  }
0x4bf: {  	[tilespmem:s19], [sflag:$0x3] =	stream.linear.gather [hbm4b:s4+s28], $0x140, $0x38;
	[tilespmem:$0x17E00] =	vst v63  }
0x4c0: {  	_ =	swait.ge [sflag:s13], $0x140  }
0x4c1: {  	[sflag:s13] =	ssyncset.done $0x0  }
0x4c2: {  	[sflag:s13] =	ssyncadd.s32 $0xFFFFFEC0  }
0x4c3: {  	[tilespmem:s20], [sflag:$0x3] =	stream.linear.gather [hbm4b:s6+s28], $0x1900, $0x38;
	[tilespmem:$0x17E00] =	vst v63  }
0x4c4: {  	_ =	swait.ge [sflag:s13], $0x1900  }
0x4c5: {  	[sflag:s13] =	ssyncset.done $0x0  }
0x4c6: {  	s0 =	rddreg [dreg:$0x4];
	[sflag:s13] =	ssyncadd.s32 $0xFFFFE700  }
0x4c7: {  	[tilespmem:s21], [sflag:$0x3] =	stream.linear.gather [hbm4b:s0+s28], $0xFA00, $0x38;
	[tilespmem:$0x17E00] =	vst v63  }
0x4c8: {  	_ =	swait.ge [sflag:s13], $0xFA00  }
0x4c9: {  	[sflag:s13] =	ssyncset.done $0x0  }
0x4ca: {  	s29 =	simm.s32 $0x0;
	[sflag:s13] =	ssyncadd.s32 $0xFFFF0600  }
.LBB2_8:
0x4cb: {  	s0 =	smul.u32 $0xB, s29;
	_ =	sdelay $0x1  }
0x4cc: {  	s0 =	sadd.s32 s9, s0  }
0x4cd: {  	p3 =	slt.s32 s0, $0x186  }
0x4ce: {  	s0 =	simm.s32 @!p3 $0x186  }
0x4cf: {  	s0 =	sshll.u32 s0, $0x7  }
0x4d0: {  	s0 =	smin.u32 s0, $0xC2D0  }
0x4d1: {  	s30 =	sshrl.u32 s0, $0x3  }
0x4d2: {  	s0 =	sadd.s32 s1, s30  }
0x4d3: {  	[tilespmem:s14], [sflag:$0x1] =	stream.linear.gather [hbm4b:s0+s28], $0x80, $0x38;
	[tilespmem:$0x17E00] =	vst v63  }
0x4d4: {  	s7 =	sadd.s32 $0x186A, s0  }
0x4d5: {  	[tilespmem:s22], [sflag:$0x1] =	stream.linear.gather [hbm4b:s7+s28], $0x80, $0x38;
	[tilespmem:$0x17E00] =	vst v63  }
0x4d6: {  	s0 =	sadd.s32 $0x30D4, s0  }
0x4d7: {  	[tilespmem:s23], [sflag:$0x1] =	stream.linear.gather [hbm4b:s0+s28], $0x80, $0x38;
	[tilespmem:$0x17E00] =	vst v63  }
0x4d8: {  	_ =	swait.ge [sflag:s24], $0x80  }
0x4d9: {  	[sflag:s24] =	ssyncset.done $0x0  }
0x4da: {  	[sflag:s24] =	ssyncadd.s32 $0xFFFFFF80  }
0x4db: {  	_ =	swait.ge [sflag:s24], $0x80  }
0x4dc: {  	[sflag:s24] =	ssyncset.done $0x0  }
0x4dd: {  	[sflag:s24] =	ssyncadd.s32 $0xFFFFFF80  }
0x4de: {  	_ =	swait.ge [sflag:s24], $0x80  }
0x4df: {  	[sflag:s24] =	ssyncset.done $0x0  }
0x4e0: {  	[sflag:s24] =	ssyncadd.s32 $0xFFFFFF80  }
0x4e1: {  	v1 =	vld [tilespmem:$0x40]  }
0x4e2: {  	v2 =	vld [tilespmem:$0x50]  }
0x4e3: {  	v3 =	vld [tilespmem:$0x60]  }
0x4e4: {  	v4 =	vld [tilespmem:$0x70]  }
0x4e5: {  	v5 =	vld [tilespmem:$0x80]  }
0x4e6: {  	v6 =	vld [tilespmem:$0x90];
	v1 =	vadd.s32 $0xFFFFFFFF, v1  }
0x4e7: {  	[tilespmem:$0x40] =	vst v1;
	v1 =	vadd.s32 $0xFFFFFFFF, v2;
	v2 =	vld [tilespmem:$0xA0]  }
0x4e8: {  	[tilespmem:$0x50] =	vst v1;
	v1 =	vadd.s32 $0xFFFFFFFF, v3;
	v3 =	vld [tilespmem:$0xB0]  }
0x4e9: {  	[tilespmem:$0x60] =	vst v1;
	v1 =	vadd.s32 $0xFFFFFFFF, v4;
	v4 =	vld [tilespmem:$0xC0]  }
0x4ea: {  	[tilespmem:$0x70] =	vst v1;
	v1 =	vadd.s32 $0xFFFFFFFF, v5;
	v5 =	vld [tilespmem:$0xD0]  }
0x4eb: {  	v61 =	vld [tilespmem:$0xE0];
	[tilespmem:$0x80] =	vst v1;
	v1 =	vadd.s32 $0xFFFFFFFF, v6  }
0x4ec: {  	[tilespmem:$0x90] =	vst v1;
	v1 =	vadd.s32 $0xFFFFFFFF, v2;
	v2 =	vld [tilespmem:$0xF0]  }
0x4ed: {  	[tilespmem:$0xA0] =	vst v1;
	v1 =	vadd.s32 $0xFFFFFFFF, v3;
	v3 =	vld [tilespmem:$0x100]  }
0x4ee: {  	[tilespmem:$0xB0] =	vst v1;
	v1 =	vadd.s32 $0xFFFFFFFF, v4;
	v4 =	vld [tilespmem:$0x110]  }
0x4ef: {  	[tilespmem:$0xC0] =	vst v1;
	v1 =	vadd.s32 $0xFFFFFFFF, v5;
	v5 =	vld [tilespmem:$0x120]  }
0x4f0: {  	v62 =	vld [tilespmem:$0x130];
	[tilespmem:$0xD0] =	vst v1;
	v1 =	vadd.s32 $0xFFFFFFFF, v61  }
0x4f1: {  	[tilespmem:$0xE0] =	vst v1;
	v1 =	vadd.s32 $0xFFFFFFFF, v2;
	v2 =	vld [tilespmem:$0x140]  }
0x4f2: {  	[tilespmem:$0xF0] =	vst v1;
	v1 =	vadd.s32 $0xFFFFFFFF, v3;
	v3 =	vld [tilespmem:$0x150]  }
0x4f3: {  	[tilespmem:$0x100] =	vst v1;
	v1 =	vadd.s32 $0xFFFFFFFF, v4;
	v4 =	vld [tilespmem:$0x160]  }
0x4f4: {  	[tilespmem:$0x110] =	vst v1;
	v1 =	vadd.s32 $0xFFFFFFFF, v5;
	v5 =	vld [tilespmem:$0x170]  }
0x4f5: {  	v63 =	vld [tilespmem:$0x180];
	[tilespmem:$0x120] =	vst v1;
	v1 =	vadd.s32 $0xFFFFFFFF, v62  }
0x4f6: {  	[tilespmem:$0x130] =	vst v1;
	v1 =	vadd.s32 $0xFFFFFFFF, v2;
	v2 =	vld [tilespmem:$0x190]  }
0x4f7: {  	[tilespmem:$0x140] =	vst v1;
	v1 =	vadd.s32 $0xFFFFFFFF, v3;
	v3 =	vld [tilespmem:$0x1A0]  }
0x4f8: {  	[tilespmem:$0x150] =	vst v1;
	v1 =	vadd.s32 $0xFFFFFFFF, v4;
	v4 =	vld [tilespmem:$0x1B0]  }
0x4f9: {  	[tilespmem:$0x160] =	vst v1;
	v1 =	vadd.s32 $0xFFFFFFFF, v5  }
0x4fa: {  	[tilespmem:$0x170] =	vst v1;
	v1 =	vadd.s32 $0xFFFFFFFF, v63  }
0x4fb: {  	[tilespmem:$0x180] =	vst v1;
	v1 =	vadd.s32 $0xFFFFFFFF, v2  }
0x4fc: {  	[tilespmem:$0x190] =	vst v1;
	v1 =	vadd.s32 $0xFFFFFFFF, v3  }
0x4fd: {  	[tilespmem:$0x1A0] =	vst v1;
	v1 =	vadd.s32 $0xFFFFFFFF, v4  }
0x4fe: {  	s0 =	simm.s32 $0x0;
	[tilespmem:$0x1B0] =	vst v1  }
0x4ff: {  	v1 =	vld [tilespmem:s0+$0x40];
	_ =	sdelay $0x7  }
0x500: {  	v2 =	vld.idx.msk [tilespmem:v1+s19+$0x0], $0xffff  }
0x501: {  	v3 =	vadd.s32 $0x14, v1;
	_ =	sdelay $0x3  }
0x502: {  	[tilespmem:s0+$0x41C0] =	vst v2  }
0x503: {  	v2 =	vld.idx.msk [tilespmem:v3+s19+$0x0], $0xffff  }
0x504: {  	v3 =	vadd.s32 $0x28, v1;
	_ =	sdelay $0x3  }
0x505: {  	[tilespmem:s0+$0x4240] =	vst v2  }
0x506: {  	v2 =	vld.idx.msk [tilespmem:v3+s19+$0x0], $0xffff  }
0x507: {  	v3 =	vadd.s32 $0x3C, v1;
	_ =	sdelay $0x3  }
0x508: {  	[tilespmem:s0+$0x42C0] =	vst v2  }
0x509: {  	v2 =	vld.idx.msk [tilespmem:v3+s19+$0x0], $0xffff  }
0x50a: {  	v3 =	vadd.s32 $0x50, v1;
	_ =	sdelay $0x3  }
0x50b: {  	[tilespmem:s0+$0x4340] =	vst v2  }
0x50c: {  	v2 =	vld.idx.msk [tilespmem:v3+s19+$0x0], $0xffff  }
0x50d: {  	v3 =	vadd.s32 $0x64, v1;
	_ =	sdelay $0x3  }
0x50e: {  	[tilespmem:s0+$0x43C0] =	vst v2  }
0x50f: {  	v2 =	vld.idx.msk [tilespmem:v3+s19+$0x0], $0xffff  }
0x510: {  	v3 =	vadd.s32 $0x78, v1;
	_ =	sdelay $0x3  }
0x511: {  	[tilespmem:s0+$0x4440] =	vst v2  }
0x512: {  	v2 =	vld.idx.msk [tilespmem:v3+s19+$0x0], $0xffff  }
0x513: {  	v3 =	vadd.s32 $0x8C, v1;
	_ =	sdelay $0x3  }
0x514: {  	[tilespmem:s0+$0x44C0] =	vst v2  }
0x515: {  	v2 =	vld.idx.msk [tilespmem:v3+s19+$0x0], $0xffff  }
0x516: {  	v3 =	vadd.s32 $0xA0, v1;
	_ =	sdelay $0x3  }
0x517: {  	[tilespmem:s0+$0x4540] =	vst v2  }
0x518: {  	v2 =	vld.idx.msk [tilespmem:v3+s19+$0x0], $0xffff  }
0x519: {  	v3 =	vadd.s32 $0xB4, v1;
	_ =	sdelay $0x3  }
0x51a: {  	[tilespmem:s0+$0x45C0] =	vst v2  }
0x51b: {  	v2 =	vld.idx.msk [tilespmem:v3+s19+$0x0], $0xffff  }
0x51c: {  	v3 =	vadd.s32 $0xC8, v1;
	_ =	sdelay $0x3  }
0x51d: {  	[tilespmem:s0+$0x4640] =	vst v2  }
0x51e: {  	v2 =	vld.idx.msk [tilespmem:v3+s19+$0x0], $0xffff  }
0x51f: {  	v3 =	vadd.s32 $0xDC, v1;
	_ =	sdelay $0x3  }
0x520: {  	[tilespmem:s0+$0x46C0] =	vst v2  }
0x521: {  	v2 =	vld.idx.msk [tilespmem:v3+s19+$0x0], $0xffff  }
0x522: {  	v3 =	vadd.s32 $0xF0, v1;
	_ =	sdelay $0x3  }
0x523: {  	[tilespmem:s0+$0x4740] =	vst v2  }
0x524: {  	v2 =	vld.idx.msk [tilespmem:v3+s19+$0x0], $0xffff  }
0x525: {  	v3 =	vadd.s32 $0x104, v1;
	_ =	sdelay $0x3  }
0x526: {  	[tilespmem:s0+$0x47C0] =	vst v2  }
0x527: {  	v2 =	vld.idx.msk [tilespmem:v3+s19+$0x0], $0xffff  }
0x528: {  	v3 =	vadd.s32 $0x118, v1;
	_ =	sdelay $0x3  }
0x529: {  	[tilespmem:s0+$0x4840] =	vst v2  }
0x52a: {  	v2 =	vld.idx.msk [tilespmem:v3+s19+$0x0], $0xffff;
	_ =	sdelay $0x1  }
0x52b: {  	v1 =	vadd.s32 $0x12C, v1;
	_ =	sdelay $0x2  }
0x52c: {  	[tilespmem:s0+$0x48C0] =	vst v2;
	v2 =	vld [tilespmem:s0+$0xC0];
	_ =	sdelay $0x1  }
0x52d: {  	v1 =	vld.idx.msk [tilespmem:v1+s19+$0x0], $0xffff;
	_ =	sdelay $0x4  }
0x52e: {  	[tilespmem:s0+$0x4940] =	vst v1  }
0x52f: {  	v1 =	vld.idx.msk [tilespmem:v2+s20+$0x0], $0xffff  }
0x530: {  	v3 =	vadd.s32 $0xC8, v2;
	_ =	sdelay $0x3  }
0x531: {  	[tilespmem:s0+$0x49C0] =	vst v1  }
0x532: {  	v1 =	vld.idx.msk [tilespmem:v3+s20+$0x0], $0xffff  }
0x533: {  	v3 =	vadd.s32 $0x190, v2;
	_ =	sdelay $0x3  }
0x534: {  	[tilespmem:s0+$0x4A40] =	vst v1  }
0x535: {  	v1 =	vld.idx.msk [tilespmem:v3+s20+$0x0], $0xffff  }
0x536: {  	v3 =	vadd.s32 $0x258, v2;
	_ =	sdelay $0x3  }
0x537: {  	[tilespmem:s0+$0x4AC0] =	vst v1  }
0x538: {  	v1 =	vld.idx.msk [tilespmem:v3+s20+$0x0], $0xffff  }
0x539: {  	v3 =	vadd.s32 $0x320, v2;
	_ =	sdelay $0x3  }
0x53a: {  	[tilespmem:s0+$0x4B40] =	vst v1  }
0x53b: {  	v1 =	vld.idx.msk [tilespmem:v3+s20+$0x0], $0xffff  }
0x53c: {  	v3 =	vadd.s32 $0x3E8, v2;
	_ =	sdelay $0x3  }
0x53d: {  	[tilespmem:s0+$0x4BC0] =	vst v1  }
0x53e: {  	v1 =	vld.idx.msk [tilespmem:v3+s20+$0x0], $0xffff  }
0x53f: {  	v3 =	vadd.s32 $0x4B0, v2;
	_ =	sdelay $0x3  }
0x540: {  	[tilespmem:s0+$0x4C40] =	vst v1  }
0x541: {  	v1 =	vld.idx.msk [tilespmem:v3+s20+$0x0], $0xffff  }
0x542: {  	v3 =	vadd.s32 $0x578, v2;
	_ =	sdelay $0x3  }
0x543: {  	[tilespmem:s0+$0x4CC0] =	vst v1  }
0x544: {  	v1 =	vld.idx.msk [tilespmem:v3+s20+$0x0], $0xffff  }
0x545: {  	v3 =	vadd.s32 $0x640, v2;
	_ =	sdelay $0x3  }
0x546: {  	[tilespmem:s0+$0x4D40] =	vst v1  }
0x547: {  	v1 =	vld.idx.msk [tilespmem:v3+s20+$0x0], $0xffff  }
0x548: {  	v3 =	vadd.s32 $0x708, v2;
	_ =	sdelay $0x3  }
0x549: {  	[tilespmem:s0+$0x4DC0] =	vst v1  }
0x54a: {  	v1 =	vld.idx.msk [tilespmem:v3+s20+$0x0], $0xffff  }
0x54b: {  	v3 =	vadd.s32 $0x7D0, v2;
	_ =	sdelay $0x3  }
0x54c: {  	[tilespmem:s0+$0x4E40] =	vst v1  }
0x54d: {  	v1 =	vld.idx.msk [tilespmem:v3+s20+$0x0], $0xffff  }
0x54e: {  	v3 =	vadd.s32 $0x898, v2;
	_ =	sdelay $0x3  }
0x54f: {  	[tilespmem:s0+$0x4EC0] =	vst v1  }
0x550: {  	v1 =	vld.idx.msk [tilespmem:v3+s20+$0x0], $0xffff  }
0x551: {  	v3 =	vadd.s32 $0x960, v2;
	_ =	sdelay $0x3  }
0x552: {  	[tilespmem:s0+$0x4F40] =	vst v1  }
0x553: {  	v1 =	vld.idx.msk [tilespmem:v3+s20+$0x0], $0xffff  }
0x554: {  	v3 =	vadd.s32 $0xA28, v2;
	_ =	sdelay $0x3  }
0x555: {  	[tilespmem:s0+$0x4FC0] =	vst v1  }
0x556: {  	v1 =	vld.idx.msk [tilespmem:v3+s20+$0x0], $0xffff  }
0x557: {  	v3 =	vadd.s32 $0xAF0, v2;
	_ =	sdelay $0x3  }
0x558: {  	[tilespmem:s0+$0x5040] =	vst v1  }
0x559: {  	v1 =	vld.idx.msk [tilespmem:v3+s20+$0x0], $0xffff  }
0x55a: {  	v3 =	vadd.s32 $0xBB8, v2;
	_ =	sdelay $0x3  }
0x55b: {  	[tilespmem:s0+$0x50C0] =	vst v1  }
0x55c: {  	v1 =	vld.idx.msk [tilespmem:v3+s20+$0x0], $0xffff  }
0x55d: {  	v3 =	vadd.s32 $0xC80, v2;
	_ =	sdelay $0x3  }
0x55e: {  	[tilespmem:s0+$0x5140] =	vst v1  }
0x55f: {  	v1 =	vld.idx.msk [tilespmem:v3+s20+$0x0], $0xffff  }
0x560: {  	v3 =	vadd.s32 $0xD48, v2;
	_ =	sdelay $0x3  }
0x561: {  	[tilespmem:s0+$0x51C0] =	vst v1  }
0x562: {  	v1 =	vld.idx.msk [tilespmem:v3+s20+$0x0], $0xffff  }
0x563: {  	v3 =	vadd.s32 $0xE10, v2;
	_ =	sdelay $0x3  }
0x564: {  	[tilespmem:s0+$0x5240] =	vst v1  }
0x565: {  	v1 =	vld.idx.msk [tilespmem:v3+s20+$0x0], $0xffff  }
0x566: {  	v3 =	vadd.s32 $0xED8, v2;
	_ =	sdelay $0x3  }
0x567: {  	[tilespmem:s0+$0x52C0] =	vst v1  }
0x568: {  	v1 =	vld.idx.msk [tilespmem:v3+s20+$0x0], $0xffff  }
0x569: {  	v3 =	vadd.s32 $0xFA0, v2;
	_ =	sdelay $0x3  }
0x56a: {  	[tilespmem:s0+$0x5340] =	vst v1  }
0x56b: {  	v1 =	vld.idx.msk [tilespmem:v3+s20+$0x0], $0xffff  }
0x56c: {  	v3 =	vadd.s32 $0x1068, v2;
	_ =	sdelay $0x3  }
0x56d: {  	[tilespmem:s0+$0x53C0] =	vst v1  }
0x56e: {  	v1 =	vld.idx.msk [tilespmem:v3+s20+$0x0], $0xffff  }
0x56f: {  	v3 =	vadd.s32 $0x1130, v2;
	_ =	sdelay $0x3  }
0x570: {  	[tilespmem:s0+$0x5440] =	vst v1  }
0x571: {  	v1 =	vld.idx.msk [tilespmem:v3+s20+$0x0], $0xffff  }
0x572: {  	v3 =	vadd.s32 $0x11F8, v2;
	_ =	sdelay $0x3  }
0x573: {  	[tilespmem:s0+$0x54C0] =	vst v1  }
0x574: {  	v1 =	vld.idx.msk [tilespmem:v3+s20+$0x0], $0xffff  }
0x575: {  	v3 =	vadd.s32 $0x12C0, v2;
	_ =	sdelay $0x3  }
0x576: {  	[tilespmem:s0+$0x5540] =	vst v1  }
0x577: {  	v1 =	vld.idx.msk [tilespmem:v3+s20+$0x0], $0xffff  }
0x578: {  	v3 =	vadd.s32 $0x1388, v2;
	_ =	sdelay $0x3  }
0x579: {  	[tilespmem:s0+$0x55C0] =	vst v1  }
0x57a: {  	v1 =	vld.idx.msk [tilespmem:v3+s20+$0x0], $0xffff  }
0x57b: {  	v3 =	vadd.s32 $0x1450, v2;
	_ =	sdelay $0x3  }
0x57c: {  	[tilespmem:s0+$0x5640] =	vst v1  }
0x57d: {  	v1 =	vld.idx.msk [tilespmem:v3+s20+$0x0], $0xffff  }
0x57e: {  	v3 =	vadd.s32 $0x1518, v2;
	_ =	sdelay $0x3  }
0x57f: {  	[tilespmem:s0+$0x56C0] =	vst v1  }
0x580: {  	v1 =	vld.idx.msk [tilespmem:v3+s20+$0x0], $0xffff  }
0x581: {  	v3 =	vadd.s32 $0x15E0, v2;
	_ =	sdelay $0x3  }
0x582: {  	[tilespmem:s0+$0x5740] =	vst v1  }
0x583: {  	v1 =	vld.idx.msk [tilespmem:v3+s20+$0x0], $0xffff  }
0x584: {  	v3 =	vadd.s32 $0x16A8, v2;
	_ =	sdelay $0x3  }
0x585: {  	[tilespmem:s0+$0x57C0] =	vst v1  }
0x586: {  	v1 =	vld.idx.msk [tilespmem:v3+s20+$0x0], $0xffff  }
0x587: {  	v3 =	vadd.s32 $0x1770, v2;
	_ =	sdelay $0x3  }
0x588: {  	[tilespmem:s0+$0x5840] =	vst v1  }
0x589: {  	v1 =	vld.idx.msk [tilespmem:v3+s20+$0x0], $0xffff;
	_ =	sdelay $0x1  }
0x58a: {  	v2 =	vadd.s32 $0x1838, v2;
	_ =	sdelay $0x2  }
0x58b: {  	[tilespmem:s0+$0x58C0] =	vst v1;
	v1 =	vld [tilespmem:s0+$0x140];
	_ =	sdelay $0x1  }
0x58c: {  	v2 =	vld.idx.msk [tilespmem:v2+s20+$0x0], $0xffff;
	_ =	sdelay $0x4  }
0x58d: {  	[tilespmem:s0+$0x5940] =	vst v2  }
0x58e: {  	v2 =	vld.idx.msk [tilespmem:v1+s21+$0x0], $0xffff  }
0x58f: {  	v3 =	vadd.s32 $0x7D0, v1;
	_ =	sdelay $0x3  }
0x590: {  	[tilespmem:s0+$0x59C0] =	vst v2  }
0x591: {  	v2 =	vld.idx.msk [tilespmem:v3+s21+$0x0], $0xffff  }
0x592: {  	v3 =	vadd.s32 $0xFA0, v1;
	_ =	sdelay $0x3  }
0x593: {  	[tilespmem:s0+$0x5A40] =	vst v2  }
0x594: {  	v2 =	vld.idx.msk [tilespmem:v3+s21+$0x0], $0xffff  }
0x595: {  	v3 =	vadd.s32 $0x1770, v1;
	_ =	sdelay $0x3  }
0x596: {  	[tilespmem:s0+$0x5AC0] =	vst v2  }
0x597: {  	v2 =	vld.idx.msk [tilespmem:v3+s21+$0x0], $0xffff  }
0x598: {  	v3 =	vadd.s32 $0x1F40, v1;
	_ =	sdelay $0x3  }
0x599: {  	[tilespmem:s0+$0x5B40] =	vst v2  }
0x59a: {  	v2 =	vld.idx.msk [tilespmem:v3+s21+$0x0], $0xffff  }
0x59b: {  	v3 =	vadd.s32 $0x2710, v1;
	_ =	sdelay $0x3  }
0x59c: {  	[tilespmem:s0+$0x5BC0] =	vst v2  }
0x59d: {  	v2 =	vld.idx.msk [tilespmem:v3+s21+$0x0], $0xffff  }
0x59e: {  	v3 =	vadd.s32 $0x2EE0, v1;
	_ =	sdelay $0x3  }
0x59f: {  	[tilespmem:s0+$0x5C40] =	vst v2  }
0x5a0: {  	v2 =	vld.idx.msk [tilespmem:v3+s21+$0x0], $0xffff  }
0x5a1: {  	v3 =	vadd.s32 $0x36B0, v1;
	_ =	sdelay $0x3  }
0x5a2: {  	[tilespmem:s0+$0x5CC0] =	vst v2  }
0x5a3: {  	v2 =	vld.idx.msk [tilespmem:v3+s21+$0x0], $0xffff  }
0x5a4: {  	v3 =	vadd.s32 $0x3E80, v1;
	_ =	sdelay $0x3  }
0x5a5: {  	[tilespmem:s0+$0x5D40] =	vst v2  }
0x5a6: {  	v2 =	vld.idx.msk [tilespmem:v3+s21+$0x0], $0xffff  }
0x5a7: {  	v3 =	vadd.s32 $0x4650, v1;
	_ =	sdelay $0x3  }
0x5a8: {  	[tilespmem:s0+$0x5DC0] =	vst v2  }
0x5a9: {  	v2 =	vld.idx.msk [tilespmem:v3+s21+$0x0], $0xffff  }
0x5aa: {  	v3 =	vadd.s32 $0x4E20, v1;
	_ =	sdelay $0x3  }
0x5ab: {  	[tilespmem:s0+$0x5E40] =	vst v2  }
0x5ac: {  	v2 =	vld.idx.msk [tilespmem:v3+s21+$0x0], $0xffff  }
0x5ad: {  	v3 =	vadd.s32 $0x55F0, v1;
	_ =	sdelay $0x3  }
0x5ae: {  	[tilespmem:s0+$0x5EC0] =	vst v2  }
0x5af: {  	v2 =	vld.idx.msk [tilespmem:v3+s21+$0x0], $0xffff  }
0x5b0: {  	v3 =	vadd.s32 $0x5DC0, v1;
	_ =	sdelay $0x3  }
0x5b1: {  	[tilespmem:s0+$0x5F40] =	vst v2  }
0x5b2: {  	v2 =	vld.idx.msk [tilespmem:v3+s21+$0x0], $0xffff  }
0x5b3: {  	v3 =	vadd.s32 $0x6590, v1;
	_ =	sdelay $0x3  }
0x5b4: {  	[tilespmem:s0+$0x5FC0] =	vst v2  }
0x5b5: {  	v2 =	vld.idx.msk [tilespmem:v3+s21+$0x0], $0xffff  }
0x5b6: {  	v3 =	vadd.s32 $0x6D60, v1;
	_ =	sdelay $0x3  }
0x5b7: {  	[tilespmem:s0+$0x6040] =	vst v2  }
0x5b8: {  	v2 =	vld.idx.msk [tilespmem:v3+s21+$0x0], $0xffff  }
0x5b9: {  	v3 =	vadd.s32 $0x7530, v1;
	_ =	sdelay $0x3  }
0x5ba: {  	[tilespmem:s0+$0x60C0] =	vst v2  }
0x5bb: {  	v2 =	vld.idx.msk [tilespmem:v3+s21+$0x0], $0xffff  }
0x5bc: {  	v3 =	vadd.s32 $0x7D00, v1;
	_ =	sdelay $0x3  }
0x5bd: {  	[tilespmem:s0+$0x6140] =	vst v2  }
0x5be: {  	v2 =	vld.idx.msk [tilespmem:v3+s21+$0x0], $0xffff  }
0x5bf: {  	v3 =	vadd.s32 $0x84D0, v1;
	_ =	sdelay $0x3  }
0x5c0: {  	[tilespmem:s0+$0x61C0] =	vst v2  }
0x5c1: {  	v2 =	vld.idx.msk [tilespmem:v3+s21+$0x0], $0xffff  }
0x5c2: {  	v3 =	vadd.s32 $0x8CA0, v1;
	_ =	sdelay $0x3  }
0x5c3: {  	[tilespmem:s0+$0x6240] =	vst v2  }
0x5c4: {  	v2 =	vld.idx.msk [tilespmem:v3+s21+$0x0], $0xffff  }
0x5c5: {  	v3 =	vadd.s32 $0x9470, v1;
	_ =	sdelay $0x3  }
0x5c6: {  	[tilespmem:s0+$0x62C0] =	vst v2  }
0x5c7: {  	v2 =	vld.idx.msk [tilespmem:v3+s21+$0x0], $0xffff  }
0x5c8: {  	v3 =	vadd.s32 $0x9C40, v1;
	_ =	sdelay $0x3  }
0x5c9: {  	[tilespmem:s0+$0x6340] =	vst v2  }
0x5ca: {  	v2 =	vld.idx.msk [tilespmem:v3+s21+$0x0], $0xffff  }
0x5cb: {  	v3 =	vadd.s32 $0xA410, v1;
	_ =	sdelay $0x3  }
0x5cc: {  	[tilespmem:s0+$0x63C0] =	vst v2  }
0x5cd: {  	v2 =	vld.idx.msk [tilespmem:v3+s21+$0x0], $0xffff  }
0x5ce: {  	v3 =	vadd.s32 $0xABE0, v1;
	_ =	sdelay $0x3  }
0x5cf: {  	[tilespmem:s0+$0x6440] =	vst v2  }
0x5d0: {  	v2 =	vld.idx.msk [tilespmem:v3+s21+$0x0], $0xffff  }
0x5d1: {  	v3 =	vadd.s32 $0xB3B0, v1;
	_ =	sdelay $0x3  }
0x5d2: {  	[tilespmem:s0+$0x64C0] =	vst v2  }
0x5d3: {  	v2 =	vld.idx.msk [tilespmem:v3+s21+$0x0], $0xffff  }
0x5d4: {  	v3 =	vadd.s32 $0xBB80, v1;
	_ =	sdelay $0x3  }
0x5d5: {  	[tilespmem:s0+$0x6540] =	vst v2  }
0x5d6: {  	v2 =	vld.idx.msk [tilespmem:v3+s21+$0x0], $0xffff  }
0x5d7: {  	v3 =	vadd.s32 $0xC350, v1;
	_ =	sdelay $0x3  }
0x5d8: {  	[tilespmem:s0+$0x65C0] =	vst v2  }
0x5d9: {  	v2 =	vld.idx.msk [tilespmem:v3+s21+$0x0], $0xffff  }
0x5da: {  	v3 =	vadd.s32 $0xCB20, v1;
	_ =	sdelay $0x3  }
0x5db: {  	[tilespmem:s0+$0x6640] =	vst v2  }
0x5dc: {  	v2 =	vld.idx.msk [tilespmem:v3+s21+$0x0], $0xffff  }
0x5dd: {  	v3 =	vadd.s32 $0xD2F0, v1;
	_ =	sdelay $0x3  }
0x5de: {  	[tilespmem:s0+$0x66C0] =	vst v2  }
0x5df: {  	v2 =	vld.idx.msk [tilespmem:v3+s21+$0x0], $0xffff  }
0x5e0: {  	v3 =	vadd.s32 $0xDAC0, v1;
	_ =	sdelay $0x3  }
0x5e1: {  	[tilespmem:s0+$0x6740] =	vst v2  }
0x5e2: {  	v2 =	vld.idx.msk [tilespmem:v3+s21+$0x0], $0xffff  }
0x5e3: {  	v3 =	vadd.s32 $0xE290, v1;
	_ =	sdelay $0x3  }
0x5e4: {  	[tilespmem:s0+$0x67C0] =	vst v2  }
0x5e5: {  	v2 =	vld.idx.msk [tilespmem:v3+s21+$0x0], $0xffff  }
0x5e6: {  	v3 =	vadd.s32 $0xEA60, v1;
	_ =	sdelay $0x3  }
0x5e7: {  	[tilespmem:s0+$0x6840] =	vst v2  }
0x5e8: {  	v2 =	vld.idx.msk [tilespmem:v3+s21+$0x0], $0xffff  }
0x5e9: {  	v3 =	vadd.s32 $0xF230, v1;
	_ =	sdelay $0x2  }
0x5ea: {  	s31 =	simm.s32 $0x80;
	s7 =	simm.s32 $0x10  }
.LBB2_9:
0x5eb: {  	p3 =	sne.s32 s31, $0x1C0;
	v1 =	vld [tilespmem:s7+$0x40];
	[tilespmem:s0+$0x68C0] =	vst v2  }
0x5ec: {  	v2 =	vld.idx.msk [tilespmem:v3+s21+$0x0], $0xffff;
	_ =	sdelay $0x5  }
0x5ed: {  	[tilespmem:s0+$0x6940] =	vst v2;
	s0 =	smov.u32 s7  }
0x5ee: {  	v2 =	vld.idx.msk [tilespmem:v1+s19+$0x0], $0xffff;
	_ =	sdelay $0x1  }
0x5ef: {  	v3 =	vadd.s32 $0x14, v1;
	_ =	sdelay $0x3  }
0x5f0: {  	[tilespmem:s0+$0x41C0] =	vst v2  }
0x5f1: {  	v2 =	vld.idx.msk [tilespmem:v3+s19+$0x0], $0xffff;
	_ =	sdelay $0x1  }
0x5f2: {  	v3 =	vadd.s32 $0x28, v1;
	_ =	sdelay $0x3  }
0x5f3: {  	[tilespmem:s0+$0x4240] =	vst v2  }
0x5f4: {  	v2 =	vld.idx.msk [tilespmem:v3+s19+$0x0], $0xffff;
	_ =	sdelay $0x1  }
0x5f5: {  	v3 =	vadd.s32 $0x3C, v1;
	_ =	sdelay $0x3  }
0x5f6: {  	[tilespmem:s0+$0x42C0] =	vst v2  }
0x5f7: {  	v2 =	vld.idx.msk [tilespmem:v3+s19+$0x0], $0xffff;
	_ =	sdelay $0x1  }
0x5f8: {  	v3 =	vadd.s32 $0x50, v1;
	_ =	sdelay $0x3  }
0x5f9: {  	[tilespmem:s0+$0x4340] =	vst v2  }
0x5fa: {  	v2 =	vld.idx.msk [tilespmem:v3+s19+$0x0], $0xffff;
	_ =	sdelay $0x1  }
0x5fb: {  	v3 =	vadd.s32 $0x64, v1;
	_ =	sdelay $0x3  }
0x5fc: {  	[tilespmem:s0+$0x43C0] =	vst v2  }
0x5fd: {  	v2 =	vld.idx.msk [tilespmem:v3+s19+$0x0], $0xffff;
	_ =	sdelay $0x1  }
0x5fe: {  	v3 =	vadd.s32 $0x78, v1;
	_ =	sdelay $0x3  }
0x5ff: {  	[tilespmem:s0+$0x4440] =	vst v2  }
0x600: {  	v2 =	vld.idx.msk [tilespmem:v3+s19+$0x0], $0xffff;
	_ =	sdelay $0x1  }
0x601: {  	v3 =	vadd.s32 $0x8C, v1;
	_ =	sdelay $0x3  }
0x602: {  	[tilespmem:s0+$0x44C0] =	vst v2  }
0x603: {  	v2 =	vld.idx.msk [tilespmem:v3+s19+$0x0], $0xffff;
	_ =	sdelay $0x1  }
0x604: {  	v3 =	vadd.s32 $0xA0, v1;
	_ =	sdelay $0x3  }
0x605: {  	[tilespmem:s0+$0x4540] =	vst v2  }
0x606: {  	v2 =	vld.idx.msk [tilespmem:v3+s19+$0x0], $0xffff;
	_ =	sdelay $0x1  }
0x607: {  	v3 =	vadd.s32 $0xB4, v1;
	_ =	sdelay $0x3  }
0x608: {  	[tilespmem:s0+$0x45C0] =	vst v2  }
0x609: {  	v2 =	vld.idx.msk [tilespmem:v3+s19+$0x0], $0xffff;
	_ =	sdelay $0x1  }
0x60a: {  	v3 =	vadd.s32 $0xC8, v1;
	_ =	sdelay $0x3  }
0x60b: {  	[tilespmem:s0+$0x4640] =	vst v2  }
0x60c: {  	v2 =	vld.idx.msk [tilespmem:v3+s19+$0x0], $0xffff;
	_ =	sdelay $0x1  }
0x60d: {  	v3 =	vadd.s32 $0xDC, v1;
	_ =	sdelay $0x3  }
0x60e: {  	[tilespmem:s0+$0x46C0] =	vst v2  }
0x60f: {  	v2 =	vld.idx.msk [tilespmem:v3+s19+$0x0], $0xffff;
	_ =	sdelay $0x1  }
0x610: {  	v3 =	vadd.s32 $0xF0, v1;
	_ =	sdelay $0x3  }
0x611: {  	[tilespmem:s0+$0x4740] =	vst v2  }
0x612: {  	v2 =	vld.idx.msk [tilespmem:v3+s19+$0x0], $0xffff;
	_ =	sdelay $0x1  }
0x613: {  	v3 =	vadd.s32 $0x104, v1;
	_ =	sdelay $0x3  }
0x614: {  	[tilespmem:s0+$0x47C0] =	vst v2  }
0x615: {  	v2 =	vld.idx.msk [tilespmem:v3+s19+$0x0], $0xffff;
	_ =	sdelay $0x1  }
0x616: {  	v3 =	vadd.s32 $0x118, v1;
	_ =	sdelay $0x3  }
0x617: {  	[tilespmem:s0+$0x4840] =	vst v2  }
0x618: {  	v2 =	vld.idx.msk [tilespmem:v3+s19+$0x0], $0xffff;
	_ =	sdelay $0x1  }
0x619: {  	v3 =	vadd.s32 $0x12C, v1;
	_ =	sdelay $0x3  }
0x61a: {  	[tilespmem:s0+$0x48C0] =	vst v2;
	v1 =	vld [tilespmem:s0+$0xC0]  }
0x61b: {  	v2 =	vld.idx.msk [tilespmem:v3+s19+$0x0], $0xffff;
	_ =	sdelay $0x5  }
0x61c: {  	[tilespmem:s0+$0x4940] =	vst v2  }
0x61d: {  	v2 =	vld.idx.msk [tilespmem:v1+s20+$0x0], $0xffff;
	_ =	sdelay $0x1  }
0x61e: {  	v3 =	vadd.s32 $0xC8, v1;
	_ =	sdelay $0x3  }
0x61f: {  	[tilespmem:s0+$0x49C0] =	vst v2  }
0x620: {  	v2 =	vld.idx.msk [tilespmem:v3+s20+$0x0], $0xffff;
	_ =	sdelay $0x1  }
0x621: {  	v3 =	vadd.s32 $0x190, v1;
	_ =	sdelay $0x3  }
0x622: {  	[tilespmem:s0+$0x4A40] =	vst v2  }
0x623: {  	v2 =	vld.idx.msk [tilespmem:v3+s20+$0x0], $0xffff;
	_ =	sdelay $0x1  }
0x624: {  	v3 =	vadd.s32 $0x258, v1;
	_ =	sdelay $0x3  }
0x625: {  	[tilespmem:s0+$0x4AC0] =	vst v2  }
0x626: {  	v2 =	vld.idx.msk [tilespmem:v3+s20+$0x0], $0xffff;
	_ =	sdelay $0x1  }
0x627: {  	v3 =	vadd.s32 $0x320, v1;
	_ =	sdelay $0x3  }
0x628: {  	[tilespmem:s0+$0x4B40] =	vst v2  }
0x629: {  	v2 =	vld.idx.msk [tilespmem:v3+s20+$0x0], $0xffff;
	_ =	sdelay $0x1  }
0x62a: {  	v3 =	vadd.s32 $0x3E8, v1;
	_ =	sdelay $0x3  }
0x62b: {  	[tilespmem:s0+$0x4BC0] =	vst v2  }
0x62c: {  	v2 =	vld.idx.msk [tilespmem:v3+s20+$0x0], $0xffff;
	_ =	sdelay $0x1  }
0x62d: {  	v3 =	vadd.s32 $0x4B0, v1;
	_ =	sdelay $0x3  }
0x62e: {  	[tilespmem:s0+$0x4C40] =	vst v2  }
0x62f: {  	v2 =	vld.idx.msk [tilespmem:v3+s20+$0x0], $0xffff;
	_ =	sdelay $0x1  }
0x630: {  	v3 =	vadd.s32 $0x578, v1;
	_ =	sdelay $0x3  }
0x631: {  	[tilespmem:s0+$0x4CC0] =	vst v2  }
0x632: {  	v2 =	vld.idx.msk [tilespmem:v3+s20+$0x0], $0xffff;
	_ =	sdelay $0x1  }
0x633: {  	v3 =	vadd.s32 $0x640, v1;
	_ =	sdelay $0x3  }
0x634: {  	[tilespmem:s0+$0x4D40] =	vst v2  }
0x635: {  	v2 =	vld.idx.msk [tilespmem:v3+s20+$0x0], $0xffff;
	_ =	sdelay $0x1  }
0x636: {  	v3 =	vadd.s32 $0x708, v1;
	_ =	sdelay $0x3  }
0x637: {  	[tilespmem:s0+$0x4DC0] =	vst v2  }
0x638: {  	v2 =	vld.idx.msk [tilespmem:v3+s20+$0x0], $0xffff;
	_ =	sdelay $0x1  }
0x639: {  	v3 =	vadd.s32 $0x7D0, v1;
	_ =	sdelay $0x3  }
0x63a: {  	[tilespmem:s0+$0x4E40] =	vst v2  }
0x63b: {  	v2 =	vld.idx.msk [tilespmem:v3+s20+$0x0], $0xffff;
	_ =	sdelay $0x1  }
0x63c: {  	v3 =	vadd.s32 $0x898, v1;
	_ =	sdelay $0x3  }
0x63d: {  	[tilespmem:s0+$0x4EC0] =	vst v2  }
0x63e: {  	v2 =	vld.idx.msk [tilespmem:v3+s20+$0x0], $0xffff;
	_ =	sdelay $0x1  }
0x63f: {  	v3 =	vadd.s32 $0x960, v1;
	_ =	sdelay $0x3  }
0x640: {  	[tilespmem:s0+$0x4F40] =	vst v2  }
0x641: {  	v2 =	vld.idx.msk [tilespmem:v3+s20+$0x0], $0xffff;
	_ =	sdelay $0x1  }
0x642: {  	v3 =	vadd.s32 $0xA28, v1;
	_ =	sdelay $0x3  }
0x643: {  	[tilespmem:s0+$0x4FC0] =	vst v2  }
0x644: {  	v2 =	vld.idx.msk [tilespmem:v3+s20+$0x0], $0xffff;
	_ =	sdelay $0x1  }
0x645: {  	v3 =	vadd.s32 $0xAF0, v1;
	_ =	sdelay $0x3  }
0x646: {  	[tilespmem:s0+$0x5040] =	vst v2  }
0x647: {  	v2 =	vld.idx.msk [tilespmem:v3+s20+$0x0], $0xffff;
	_ =	sdelay $0x1  }
0x648: {  	v3 =	vadd.s32 $0xBB8, v1;
	_ =	sdelay $0x3  }
0x649: {  	[tilespmem:s0+$0x50C0] =	vst v2  }
0x64a: {  	v2 =	vld.idx.msk [tilespmem:v3+s20+$0x0], $0xffff;
	_ =	sdelay $0x1  }
0x64b: {  	v3 =	vadd.s32 $0xC80, v1;
	_ =	sdelay $0x3  }
0x64c: {  	[tilespmem:s0+$0x5140] =	vst v2  }
0x64d: {  	v2 =	vld.idx.msk [tilespmem:v3+s20+$0x0], $0xffff;
	_ =	sdelay $0x1  }
0x64e: {  	v3 =	vadd.s32 $0xD48, v1;
	_ =	sdelay $0x3  }
0x64f: {  	[tilespmem:s0+$0x51C0] =	vst v2  }
0x650: {  	v2 =	vld.idx.msk [tilespmem:v3+s20+$0x0], $0xffff;
	_ =	sdelay $0x1  }
0x651: {  	v3 =	vadd.s32 $0xE10, v1;
	_ =	sdelay $0x3  }
0x652: {  	[tilespmem:s0+$0x5240] =	vst v2  }
0x653: {  	v2 =	vld.idx.msk [tilespmem:v3+s20+$0x0], $0xffff;
	_ =	sdelay $0x1  }
0x654: {  	v3 =	vadd.s32 $0xED8, v1;
	_ =	sdelay $0x3  }
0x655: {  	[tilespmem:s0+$0x52C0] =	vst v2  }
0x656: {  	v2 =	vld.idx.msk [tilespmem:v3+s20+$0x0], $0xffff;
	_ =	sdelay $0x1  }
0x657: {  	v3 =	vadd.s32 $0xFA0, v1;
	_ =	sdelay $0x3  }
0x658: {  	[tilespmem:s0+$0x5340] =	vst v2  }
0x659: {  	v2 =	vld.idx.msk [tilespmem:v3+s20+$0x0], $0xffff;
	_ =	sdelay $0x1  }
0x65a: {  	v3 =	vadd.s32 $0x1068, v1;
	_ =	sdelay $0x3  }
0x65b: {  	[tilespmem:s0+$0x53C0] =	vst v2  }
0x65c: {  	v2 =	vld.idx.msk [tilespmem:v3+s20+$0x0], $0xffff;
	_ =	sdelay $0x1  }
0x65d: {  	v3 =	vadd.s32 $0x1130, v1;
	_ =	sdelay $0x3  }
0x65e: {  	[tilespmem:s0+$0x5440] =	vst v2  }
0x65f: {  	v2 =	vld.idx.msk [tilespmem:v3+s20+$0x0], $0xffff;
	_ =	sdelay $0x1  }
0x660: {  	v3 =	vadd.s32 $0x11F8, v1;
	_ =	sdelay $0x3  }
0x661: {  	[tilespmem:s0+$0x54C0] =	vst v2  }
0x662: {  	v2 =	vld.idx.msk [tilespmem:v3+s20+$0x0], $0xffff;
	_ =	sdelay $0x1  }
0x663: {  	v3 =	vadd.s32 $0x12C0, v1;
	_ =	sdelay $0x3  }
0x664: {  	[tilespmem:s0+$0x5540] =	vst v2  }
0x665: {  	v2 =	vld.idx.msk [tilespmem:v3+s20+$0x0], $0xffff;
	_ =	sdelay $0x1  }
0x666: {  	v3 =	vadd.s32 $0x1388, v1;
	_ =	sdelay $0x3  }
0x667: {  	[tilespmem:s0+$0x55C0] =	vst v2  }
0x668: {  	v2 =	vld.idx.msk [tilespmem:v3+s20+$0x0], $0xffff;
	_ =	sdelay $0x1  }
0x669: {  	v3 =	vadd.s32 $0x1450, v1;
	_ =	sdelay $0x3  }
0x66a: {  	[tilespmem:s0+$0x5640] =	vst v2  }
0x66b: {  	v2 =	vld.idx.msk [tilespmem:v3+s20+$0x0], $0xffff;
	_ =	sdelay $0x1  }
0x66c: {  	v3 =	vadd.s32 $0x1518, v1;
	_ =	sdelay $0x3  }
0x66d: {  	[tilespmem:s0+$0x56C0] =	vst v2  }
0x66e: {  	v2 =	vld.idx.msk [tilespmem:v3+s20+$0x0], $0xffff;
	_ =	sdelay $0x1  }
0x66f: {  	v3 =	vadd.s32 $0x15E0, v1;
	_ =	sdelay $0x3  }
0x670: {  	[tilespmem:s0+$0x5740] =	vst v2  }
0x671: {  	v2 =	vld.idx.msk [tilespmem:v3+s20+$0x0], $0xffff;
	_ =	sdelay $0x1  }
0x672: {  	v3 =	vadd.s32 $0x16A8, v1;
	_ =	sdelay $0x3  }
0x673: {  	[tilespmem:s0+$0x57C0] =	vst v2  }
0x674: {  	v2 =	vld.idx.msk [tilespmem:v3+s20+$0x0], $0xffff;
	_ =	sdelay $0x1  }
0x675: {  	v3 =	vadd.s32 $0x1770, v1;
	_ =	sdelay $0x3  }
0x676: {  	[tilespmem:s0+$0x5840] =	vst v2  }
0x677: {  	v2 =	vld.idx.msk [tilespmem:v3+s20+$0x0], $0xffff;
	_ =	sdelay $0x1  }
0x678: {  	v3 =	vadd.s32 $0x1838, v1;
	_ =	sdelay $0x3  }
0x679: {  	[tilespmem:s0+$0x58C0] =	vst v2;
	v1 =	vld [tilespmem:s0+$0x140]  }
0x67a: {  	v2 =	vld.idx.msk [tilespmem:v3+s20+$0x0], $0xffff;
	_ =	sdelay $0x5  }
0x67b: {  	[tilespmem:s0+$0x5940] =	vst v2  }
0x67c: {  	v2 =	vld.idx.msk [tilespmem:v1+s21+$0x0], $0xffff;
	_ =	sdelay $0x1  }
0x67d: {  	v3 =	vadd.s32 $0x7D0, v1;
	_ =	sdelay $0x3  }
0x67e: {  	[tilespmem:s0+$0x59C0] =	vst v2  }
0x67f: {  	v2 =	vld.idx.msk [tilespmem:v3+s21+$0x0], $0xffff;
	_ =	sdelay $0x1  }
0x680: {  	v3 =	vadd.s32 $0xFA0, v1;
	_ =	sdelay $0x3  }
0x681: {  	[tilespmem:s0+$0x5A40] =	vst v2  }
0x682: {  	v2 =	vld.idx.msk [tilespmem:v3+s21+$0x0], $0xffff;
	_ =	sdelay $0x1  }
0x683: {  	v3 =	vadd.s32 $0x1770, v1;
	_ =	sdelay $0x3  }
0x684: {  	[tilespmem:s0+$0x5AC0] =	vst v2  }
0x685: {  	v2 =	vld.idx.msk [tilespmem:v3+s21+$0x0], $0xffff;
	_ =	sdelay $0x1  }
0x686: {  	v3 =	vadd.s32 $0x1F40, v1;
	_ =	sdelay $0x3  }
0x687: {  	[tilespmem:s0+$0x5B40] =	vst v2  }
0x688: {  	v2 =	vld.idx.msk [tilespmem:v3+s21+$0x0], $0xffff;
	_ =	sdelay $0x1  }
0x689: {  	v3 =	vadd.s32 $0x2710, v1;
	_ =	sdelay $0x3  }
0x68a: {  	[tilespmem:s0+$0x5BC0] =	vst v2  }
0x68b: {  	v2 =	vld.idx.msk [tilespmem:v3+s21+$0x0], $0xffff;
	_ =	sdelay $0x1  }
0x68c: {  	v3 =	vadd.s32 $0x2EE0, v1;
	_ =	sdelay $0x3  }
0x68d: {  	[tilespmem:s0+$0x5C40] =	vst v2  }
0x68e: {  	v2 =	vld.idx.msk [tilespmem:v3+s21+$0x0], $0xffff;
	_ =	sdelay $0x1  }
0x68f: {  	v3 =	vadd.s32 $0x36B0, v1;
	_ =	sdelay $0x3  }
0x690: {  	[tilespmem:s0+$0x5CC0] =	vst v2  }
0x691: {  	v2 =	vld.idx.msk [tilespmem:v3+s21+$0x0], $0xffff;
	_ =	sdelay $0x1  }
0x692: {  	v3 =	vadd.s32 $0x3E80, v1;
	_ =	sdelay $0x3  }
0x693: {  	[tilespmem:s0+$0x5D40] =	vst v2  }
0x694: {  	v2 =	vld.idx.msk [tilespmem:v3+s21+$0x0], $0xffff;
	_ =	sdelay $0x1  }
0x695: {  	v3 =	vadd.s32 $0x4650, v1;
	_ =	sdelay $0x3  }
0x696: {  	[tilespmem:s0+$0x5DC0] =	vst v2  }
0x697: {  	v2 =	vld.idx.msk [tilespmem:v3+s21+$0x0], $0xffff;
	_ =	sdelay $0x1  }
0x698: {  	v3 =	vadd.s32 $0x4E20, v1;
	_ =	sdelay $0x3  }
0x699: {  	[tilespmem:s0+$0x5E40] =	vst v2  }
0x69a: {  	v2 =	vld.idx.msk [tilespmem:v3+s21+$0x0], $0xffff;
	_ =	sdelay $0x1  }
0x69b: {  	v3 =	vadd.s32 $0x55F0, v1;
	_ =	sdelay $0x3  }
0x69c: {  	[tilespmem:s0+$0x5EC0] =	vst v2  }
0x69d: {  	v2 =	vld.idx.msk [tilespmem:v3+s21+$0x0], $0xffff;
	_ =	sdelay $0x1  }
0x69e: {  	v3 =	vadd.s32 $0x5DC0, v1;
	_ =	sdelay $0x3  }
0x69f: {  	[tilespmem:s0+$0x5F40] =	vst v2  }
0x6a0: {  	v2 =	vld.idx.msk [tilespmem:v3+s21+$0x0], $0xffff;
	_ =	sdelay $0x1  }
0x6a1: {  	v3 =	vadd.s32 $0x6590, v1;
	_ =	sdelay $0x3  }
0x6a2: {  	[tilespmem:s0+$0x5FC0] =	vst v2  }
0x6a3: {  	v2 =	vld.idx.msk [tilespmem:v3+s21+$0x0], $0xffff;
	_ =	sdelay $0x1  }
0x6a4: {  	v3 =	vadd.s32 $0x6D60, v1;
	_ =	sdelay $0x3  }
0x6a5: {  	[tilespmem:s0+$0x6040] =	vst v2  }
0x6a6: {  	v2 =	vld.idx.msk [tilespmem:v3+s21+$0x0], $0xffff;
	_ =	sdelay $0x1  }
0x6a7: {  	v3 =	vadd.s32 $0x7530, v1;
	_ =	sdelay $0x3  }
0x6a8: {  	[tilespmem:s0+$0x60C0] =	vst v2  }
0x6a9: {  	v2 =	vld.idx.msk [tilespmem:v3+s21+$0x0], $0xffff;
	_ =	sdelay $0x1  }
0x6aa: {  	v3 =	vadd.s32 $0x7D00, v1;
	_ =	sdelay $0x3  }
0x6ab: {  	[tilespmem:s0+$0x6140] =	vst v2  }
0x6ac: {  	v2 =	vld.idx.msk [tilespmem:v3+s21+$0x0], $0xffff;
	_ =	sdelay $0x1  }
0x6ad: {  	v3 =	vadd.s32 $0x84D0, v1;
	_ =	sdelay $0x3  }
0x6ae: {  	[tilespmem:s0+$0x61C0] =	vst v2  }
0x6af: {  	v2 =	vld.idx.msk [tilespmem:v3+s21+$0x0], $0xffff;
	_ =	sdelay $0x1  }
0x6b0: {  	v3 =	vadd.s32 $0x8CA0, v1;
	_ =	sdelay $0x3  }
0x6b1: {  	[tilespmem:s0+$0x6240] =	vst v2  }
0x6b2: {  	v2 =	vld.idx.msk [tilespmem:v3+s21+$0x0], $0xffff;
	_ =	sdelay $0x1  }
0x6b3: {  	v3 =	vadd.s32 $0x9470, v1;
	_ =	sdelay $0x3  }
0x6b4: {  	[tilespmem:s0+$0x62C0] =	vst v2  }
0x6b5: {  	v2 =	vld.idx.msk [tilespmem:v3+s21+$0x0], $0xffff;
	_ =	sdelay $0x1  }
0x6b6: {  	v3 =	vadd.s32 $0x9C40, v1;
	_ =	sdelay $0x3  }
0x6b7: {  	[tilespmem:s0+$0x6340] =	vst v2  }
0x6b8: {  	v2 =	vld.idx.msk [tilespmem:v3+s21+$0x0], $0xffff;
	_ =	sdelay $0x1  }
0x6b9: {  	v3 =	vadd.s32 $0xA410, v1;
	_ =	sdelay $0x3  }
0x6ba: {  	[tilespmem:s0+$0x63C0] =	vst v2  }
0x6bb: {  	v2 =	vld.idx.msk [tilespmem:v3+s21+$0x0], $0xffff;
	_ =	sdelay $0x1  }
0x6bc: {  	v3 =	vadd.s32 $0xABE0, v1;
	_ =	sdelay $0x3  }
0x6bd: {  	[tilespmem:s0+$0x6440] =	vst v2  }
0x6be: {  	v2 =	vld.idx.msk [tilespmem:v3+s21+$0x0], $0xffff;
	_ =	sdelay $0x1  }
0x6bf: {  	v3 =	vadd.s32 $0xB3B0, v1;
	_ =	sdelay $0x3  }
0x6c0: {  	[tilespmem:s0+$0x64C0] =	vst v2  }
0x6c1: {  	v2 =	vld.idx.msk [tilespmem:v3+s21+$0x0], $0xffff;
	_ =	sdelay $0x1  }
0x6c2: {  	v3 =	vadd.s32 $0xBB80, v1;
	_ =	sdelay $0x3  }
0x6c3: {  	[tilespmem:s0+$0x6540] =	vst v2  }
0x6c4: {  	v2 =	vld.idx.msk [tilespmem:v3+s21+$0x0], $0xffff;
	_ =	sdelay $0x1  }
0x6c5: {  	v3 =	vadd.s32 $0xC350, v1;
	_ =	sdelay $0x3  }
0x6c6: {  	[tilespmem:s0+$0x65C0] =	vst v2  }
0x6c7: {  	v2 =	vld.idx.msk [tilespmem:v3+s21+$0x0], $0xffff;
	_ =	sdelay $0x1  }
0x6c8: {  	v3 =	vadd.s32 $0xCB20, v1;
	_ =	sdelay $0x3  }
0x6c9: {  	[tilespmem:s0+$0x6640] =	vst v2  }
0x6ca: {  	v2 =	vld.idx.msk [tilespmem:v3+s21+$0x0], $0xffff;
	_ =	sdelay $0x1  }
0x6cb: {  	v3 =	vadd.s32 $0xD2F0, v1;
	_ =	sdelay $0x3  }
0x6cc: {  	[tilespmem:s0+$0x66C0] =	vst v2  }
0x6cd: {  	v2 =	vld.idx.msk [tilespmem:v3+s21+$0x0], $0xffff;
	_ =	sdelay $0x1  }
0x6ce: {  	v3 =	vadd.s32 $0xDAC0, v1;
	_ =	sdelay $0x3  }
0x6cf: {  	[tilespmem:s0+$0x6740] =	vst v2  }
0x6d0: {  	v2 =	vld.idx.msk [tilespmem:v3+s21+$0x0], $0xffff;
	_ =	sdelay $0x1  }
0x6d1: {  	v3 =	vadd.s32 $0xE290, v1;
	_ =	sdelay $0x3  }
0x6d2: {  	[tilespmem:s0+$0x67C0] =	vst v2  }
0x6d3: {  	v2 =	vld.idx.msk [tilespmem:v3+s21+$0x0], $0xffff;
	_ =	sdelay $0x1  }
0x6d4: {  	v3 =	vadd.s32 $0xEA60, v1;
	_ =	sdelay $0x3  }
0x6d5: {  	[tilespmem:s0+$0x6840] =	vst v2  }
0x6d6: {  	v2 =	vld.idx.msk [tilespmem:v3+s21+$0x0], $0xffff  }
.Ltmp6:
0x6d7: {  	(pc) =	sbr.rel @p3 .LBB2_9-.Ltmp6, $2  }
0x6d8: {  	v3 =	vadd.s32 $0xF230, v1;
	_ =	sdelay $0x2  }
0x6d9: {  	s7 =	sshra.s32 s31, $0x2;
	s31 =	sadd.s32 $0x40, s31  }
0x6da: {  	_ =	sdelay $0x1  }
0x6db: {  	v1 =	vld [tilespmem:s7+$0x40]  }
0x6dc: {  	[tilespmem:s0+$0x68C0] =	vst v2  }
0x6dd: {  	v2 =	vld.idx.msk [tilespmem:v3+s21+$0x0], $0xffff;
	_ =	sdelay $0x4  }
0x6de: {  	[tilespmem:s0+$0x6940] =	vst v2  }
0x6df: {  	v2 =	vld.idx.msk [tilespmem:v1+s19+$0x0], $0xffff  }
0x6e0: {  	v3 =	vadd.s32 $0x14, v1;
	_ =	sdelay $0x3  }
0x6e1: {  	[tilespmem:s7+$0x41C0] =	vst v2  }
0x6e2: {  	v2 =	vld.idx.msk [tilespmem:v3+s19+$0x0], $0xffff  }
0x6e3: {  	v3 =	vadd.s32 $0x28, v1;
	_ =	sdelay $0x3  }
0x6e4: {  	[tilespmem:s7+$0x4240] =	vst v2  }
0x6e5: {  	v2 =	vld.idx.msk [tilespmem:v3+s19+$0x0], $0xffff  }
0x6e6: {  	v3 =	vadd.s32 $0x3C, v1;
	_ =	sdelay $0x3  }
0x6e7: {  	[tilespmem:s7+$0x42C0] =	vst v2  }
0x6e8: {  	v2 =	vld.idx.msk [tilespmem:v3+s19+$0x0], $0xffff  }
0x6e9: {  	v3 =	vadd.s32 $0x50, v1;
	_ =	sdelay $0x3  }
0x6ea: {  	[tilespmem:s7+$0x4340] =	vst v2  }
0x6eb: {  	v2 =	vld.idx.msk [tilespmem:v3+s19+$0x0], $0xffff  }
0x6ec: {  	v3 =	vadd.s32 $0x64, v1;
	_ =	sdelay $0x3  }
0x6ed: {  	[tilespmem:s7+$0x43C0] =	vst v2  }
0x6ee: {  	v2 =	vld.idx.msk [tilespmem:v3+s19+$0x0], $0xffff  }
0x6ef: {  	v3 =	vadd.s32 $0x78, v1;
	_ =	sdelay $0x3  }
0x6f0: {  	[tilespmem:s7+$0x4440] =	vst v2  }
0x6f1: {  	v2 =	vld.idx.msk [tilespmem:v3+s19+$0x0], $0xffff  }
0x6f2: {  	v3 =	vadd.s32 $0x8C, v1;
	_ =	sdelay $0x3  }
0x6f3: {  	[tilespmem:s7+$0x44C0] =	vst v2  }
0x6f4: {  	v2 =	vld.idx.msk [tilespmem:v3+s19+$0x0], $0xffff  }
0x6f5: {  	v3 =	vadd.s32 $0xA0, v1;
	_ =	sdelay $0x3  }
0x6f6: {  	[tilespmem:s7+$0x4540] =	vst v2  }
0x6f7: {  	v2 =	vld.idx.msk [tilespmem:v3+s19+$0x0], $0xffff  }
0x6f8: {  	v3 =	vadd.s32 $0xB4, v1;
	_ =	sdelay $0x3  }
0x6f9: {  	[tilespmem:s7+$0x45C0] =	vst v2  }
0x6fa: {  	v2 =	vld.idx.msk [tilespmem:v3+s19+$0x0], $0xffff  }
0x6fb: {  	v3 =	vadd.s32 $0xC8, v1;
	_ =	sdelay $0x3  }
0x6fc: {  	[tilespmem:s7+$0x4640] =	vst v2  }
0x6fd: {  	v2 =	vld.idx.msk [tilespmem:v3+s19+$0x0], $0xffff  }
0x6fe: {  	v3 =	vadd.s32 $0xDC, v1;
	_ =	sdelay $0x3  }
0x6ff: {  	[tilespmem:s7+$0x46C0] =	vst v2  }
0x700: {  	v2 =	vld.idx.msk [tilespmem:v3+s19+$0x0], $0xffff  }
0x701: {  	v3 =	vadd.s32 $0xF0, v1;
	_ =	sdelay $0x3  }
0x702: {  	[tilespmem:s7+$0x4740] =	vst v2  }
0x703: {  	v2 =	vld.idx.msk [tilespmem:v3+s19+$0x0], $0xffff  }
0x704: {  	v3 =	vadd.s32 $0x104, v1;
	_ =	sdelay $0x3  }
0x705: {  	[tilespmem:s7+$0x47C0] =	vst v2  }
0x706: {  	v2 =	vld.idx.msk [tilespmem:v3+s19+$0x0], $0xffff  }
0x707: {  	v3 =	vadd.s32 $0x118, v1;
	_ =	sdelay $0x3  }
0x708: {  	[tilespmem:s7+$0x4840] =	vst v2  }
0x709: {  	v2 =	vld.idx.msk [tilespmem:v3+s19+$0x0], $0xffff;
	_ =	sdelay $0x1  }
0x70a: {  	v1 =	vadd.s32 $0x12C, v1;
	_ =	sdelay $0x2  }
0x70b: {  	[tilespmem:s7+$0x48C0] =	vst v2;
	v2 =	vld [tilespmem:s7+$0xC0];
	_ =	sdelay $0x1  }
0x70c: {  	v1 =	vld.idx.msk [tilespmem:v1+s19+$0x0], $0xffff;
	_ =	sdelay $0x4  }
0x70d: {  	[tilespmem:s7+$0x4940] =	vst v1  }
0x70e: {  	v1 =	vld.idx.msk [tilespmem:v2+s20+$0x0], $0xffff  }
0x70f: {  	v3 =	vadd.s32 $0xC8, v2;
	_ =	sdelay $0x3  }
0x710: {  	[tilespmem:s7+$0x49C0] =	vst v1  }
0x711: {  	v1 =	vld.idx.msk [tilespmem:v3+s20+$0x0], $0xffff  }
0x712: {  	v3 =	vadd.s32 $0x190, v2;
	_ =	sdelay $0x3  }
0x713: {  	[tilespmem:s7+$0x4A40] =	vst v1  }
0x714: {  	v1 =	vld.idx.msk [tilespmem:v3+s20+$0x0], $0xffff  }
0x715: {  	v3 =	vadd.s32 $0x258, v2;
	_ =	sdelay $0x3  }
0x716: {  	[tilespmem:s7+$0x4AC0] =	vst v1  }
0x717: {  	v1 =	vld.idx.msk [tilespmem:v3+s20+$0x0], $0xffff  }
0x718: {  	v3 =	vadd.s32 $0x320, v2;
	_ =	sdelay $0x3  }
0x719: {  	[tilespmem:s7+$0x4B40] =	vst v1  }
0x71a: {  	v1 =	vld.idx.msk [tilespmem:v3+s20+$0x0], $0xffff  }
0x71b: {  	v3 =	vadd.s32 $0x3E8, v2;
	_ =	sdelay $0x3  }
0x71c: {  	[tilespmem:s7+$0x4BC0] =	vst v1  }
0x71d: {  	v1 =	vld.idx.msk [tilespmem:v3+s20+$0x0], $0xffff  }
0x71e: {  	v3 =	vadd.s32 $0x4B0, v2;
	_ =	sdelay $0x3  }
0x71f: {  	[tilespmem:s7+$0x4C40] =	vst v1  }
0x720: {  	v1 =	vld.idx.msk [tilespmem:v3+s20+$0x0], $0xffff  }
0x721: {  	v3 =	vadd.s32 $0x578, v2;
	_ =	sdelay $0x3  }
0x722: {  	[tilespmem:s7+$0x4CC0] =	vst v1  }
0x723: {  	v1 =	vld.idx.msk [tilespmem:v3+s20+$0x0], $0xffff  }
0x724: {  	v3 =	vadd.s32 $0x640, v2;
	_ =	sdelay $0x3  }
0x725: {  	[tilespmem:s7+$0x4D40] =	vst v1  }
0x726: {  	v1 =	vld.idx.msk [tilespmem:v3+s20+$0x0], $0xffff  }
0x727: {  	v3 =	vadd.s32 $0x708, v2;
	_ =	sdelay $0x3  }
0x728: {  	[tilespmem:s7+$0x4DC0] =	vst v1  }
0x729: {  	v1 =	vld.idx.msk [tilespmem:v3+s20+$0x0], $0xffff  }
0x72a: {  	v3 =	vadd.s32 $0x7D0, v2;
	_ =	sdelay $0x3  }
0x72b: {  	[tilespmem:s7+$0x4E40] =	vst v1  }
0x72c: {  	v1 =	vld.idx.msk [tilespmem:v3+s20+$0x0], $0xffff  }
0x72d: {  	v3 =	vadd.s32 $0x898, v2;
	_ =	sdelay $0x3  }
0x72e: {  	[tilespmem:s7+$0x4EC0] =	vst v1  }
0x72f: {  	v1 =	vld.idx.msk [tilespmem:v3+s20+$0x0], $0xffff  }
0x730: {  	v3 =	vadd.s32 $0x960, v2;
	_ =	sdelay $0x3  }
0x731: {  	[tilespmem:s7+$0x4F40] =	vst v1  }
0x732: {  	v1 =	vld.idx.msk [tilespmem:v3+s20+$0x0], $0xffff  }
0x733: {  	v3 =	vadd.s32 $0xA28, v2;
	_ =	sdelay $0x3  }
0x734: {  	[tilespmem:s7+$0x4FC0] =	vst v1  }
0x735: {  	v1 =	vld.idx.msk [tilespmem:v3+s20+$0x0], $0xffff  }
0x736: {  	v3 =	vadd.s32 $0xAF0, v2;
	_ =	sdelay $0x3  }
0x737: {  	[tilespmem:s7+$0x5040] =	vst v1  }
0x738: {  	v1 =	vld.idx.msk [tilespmem:v3+s20+$0x0], $0xffff  }
0x739: {  	v3 =	vadd.s32 $0xBB8, v2;
	_ =	sdelay $0x3  }
0x73a: {  	[tilespmem:s7+$0x50C0] =	vst v1  }
0x73b: {  	v1 =	vld.idx.msk [tilespmem:v3+s20+$0x0], $0xffff  }
0x73c: {  	v3 =	vadd.s32 $0xC80, v2;
	_ =	sdelay $0x3  }
0x73d: {  	[tilespmem:s7+$0x5140] =	vst v1  }
0x73e: {  	v1 =	vld.idx.msk [tilespmem:v3+s20+$0x0], $0xffff  }
0x73f: {  	v3 =	vadd.s32 $0xD48, v2;
	_ =	sdelay $0x3  }
0x740: {  	[tilespmem:s7+$0x51C0] =	vst v1  }
0x741: {  	v1 =	vld.idx.msk [tilespmem:v3+s20+$0x0], $0xffff  }
0x742: {  	v3 =	vadd.s32 $0xE10, v2;
	_ =	sdelay $0x3  }
0x743: {  	[tilespmem:s7+$0x5240] =	vst v1  }
0x744: {  	v1 =	vld.idx.msk [tilespmem:v3+s20+$0x0], $0xffff  }
0x745: {  	v3 =	vadd.s32 $0xED8, v2;
	_ =	sdelay $0x3  }
0x746: {  	[tilespmem:s7+$0x52C0] =	vst v1  }
0x747: {  	v1 =	vld.idx.msk [tilespmem:v3+s20+$0x0], $0xffff  }
0x748: {  	v3 =	vadd.s32 $0xFA0, v2;
	_ =	sdelay $0x3  }
0x749: {  	[tilespmem:s7+$0x5340] =	vst v1  }
0x74a: {  	v1 =	vld.idx.msk [tilespmem:v3+s20+$0x0], $0xffff  }
0x74b: {  	v3 =	vadd.s32 $0x1068, v2;
	_ =	sdelay $0x3  }
0x74c: {  	[tilespmem:s7+$0x53C0] =	vst v1  }
0x74d: {  	v1 =	vld.idx.msk [tilespmem:v3+s20+$0x0], $0xffff  }
0x74e: {  	v3 =	vadd.s32 $0x1130, v2;
	_ =	sdelay $0x3  }
0x74f: {  	[tilespmem:s7+$0x5440] =	vst v1  }
0x750: {  	v1 =	vld.idx.msk [tilespmem:v3+s20+$0x0], $0xffff  }
0x751: {  	v3 =	vadd.s32 $0x11F8, v2;
	_ =	sdelay $0x3  }
0x752: {  	[tilespmem:s7+$0x54C0] =	vst v1  }
0x753: {  	v1 =	vld.idx.msk [tilespmem:v3+s20+$0x0], $0xffff  }
0x754: {  	v3 =	vadd.s32 $0x12C0, v2;
	_ =	sdelay $0x3  }
0x755: {  	[tilespmem:s7+$0x5540] =	vst v1  }
0x756: {  	v1 =	vld.idx.msk [tilespmem:v3+s20+$0x0], $0xffff  }
0x757: {  	v3 =	vadd.s32 $0x1388, v2;
	_ =	sdelay $0x3  }
0x758: {  	[tilespmem:s7+$0x55C0] =	vst v1  }
0x759: {  	v1 =	vld.idx.msk [tilespmem:v3+s20+$0x0], $0xffff  }
0x75a: {  	v3 =	vadd.s32 $0x1450, v2;
	_ =	sdelay $0x3  }
0x75b: {  	[tilespmem:s7+$0x5640] =	vst v1  }
0x75c: {  	v1 =	vld.idx.msk [tilespmem:v3+s20+$0x0], $0xffff  }
0x75d: {  	v3 =	vadd.s32 $0x1518, v2;
	_ =	sdelay $0x3  }
0x75e: {  	[tilespmem:s7+$0x56C0] =	vst v1  }
0x75f: {  	v1 =	vld.idx.msk [tilespmem:v3+s20+$0x0], $0xffff  }
0x760: {  	v3 =	vadd.s32 $0x15E0, v2;
	_ =	sdelay $0x3  }
0x761: {  	[tilespmem:s7+$0x5740] =	vst v1  }
0x762: {  	v1 =	vld.idx.msk [tilespmem:v3+s20+$0x0], $0xffff  }
0x763: {  	v3 =	vadd.s32 $0x16A8, v2;
	_ =	sdelay $0x3  }
0x764: {  	[tilespmem:s7+$0x57C0] =	vst v1  }
0x765: {  	v1 =	vld.idx.msk [tilespmem:v3+s20+$0x0], $0xffff  }
0x766: {  	v3 =	vadd.s32 $0x1770, v2;
	_ =	sdelay $0x3  }
0x767: {  	[tilespmem:s7+$0x5840] =	vst v1  }
0x768: {  	v1 =	vld.idx.msk [tilespmem:v3+s20+$0x0], $0xffff;
	_ =	sdelay $0x1  }
0x769: {  	v2 =	vadd.s32 $0x1838, v2;
	_ =	sdelay $0x2  }
0x76a: {  	[tilespmem:s7+$0x58C0] =	vst v1;
	v1 =	vld [tilespmem:s7+$0x140];
	_ =	sdelay $0x1  }
0x76b: {  	v2 =	vld.idx.msk [tilespmem:v2+s20+$0x0], $0xffff;
	_ =	sdelay $0x4  }
0x76c: {  	[tilespmem:s7+$0x5940] =	vst v2  }
0x76d: {  	v2 =	vld.idx.msk [tilespmem:v1+s21+$0x0], $0xffff  }
0x76e: {  	v3 =	vadd.s32 $0x7D0, v1;
	_ =	sdelay $0x3  }
0x76f: {  	[tilespmem:s7+$0x59C0] =	vst v2  }
0x770: {  	v2 =	vld.idx.msk [tilespmem:v3+s21+$0x0], $0xffff  }
0x771: {  	v3 =	vadd.s32 $0xFA0, v1;
	_ =	sdelay $0x3  }
0x772: {  	[tilespmem:s7+$0x5A40] =	vst v2  }
0x773: {  	v2 =	vld.idx.msk [tilespmem:v3+s21+$0x0], $0xffff  }
0x774: {  	v3 =	vadd.s32 $0x1770, v1;
	_ =	sdelay $0x3  }
0x775: {  	[tilespmem:s7+$0x5AC0] =	vst v2  }
0x776: {  	v2 =	vld.idx.msk [tilespmem:v3+s21+$0x0], $0xffff  }
0x777: {  	v3 =	vadd.s32 $0x1F40, v1;
	_ =	sdelay $0x3  }
0x778: {  	[tilespmem:s7+$0x5B40] =	vst v2  }
0x779: {  	v2 =	vld.idx.msk [tilespmem:v3+s21+$0x0], $0xffff  }
0x77a: {  	v3 =	vadd.s32 $0x2710, v1;
	_ =	sdelay $0x3  }
0x77b: {  	[tilespmem:s7+$0x5BC0] =	vst v2  }
0x77c: {  	v2 =	vld.idx.msk [tilespmem:v3+s21+$0x0], $0xffff  }
0x77d: {  	v3 =	vadd.s32 $0x2EE0, v1;
	_ =	sdelay $0x3  }
0x77e: {  	[tilespmem:s7+$0x5C40] =	vst v2  }
0x77f: {  	v2 =	vld.idx.msk [tilespmem:v3+s21+$0x0], $0xffff  }
0x780: {  	v3 =	vadd.s32 $0x36B0, v1;
	_ =	sdelay $0x3  }
0x781: {  	[tilespmem:s7+$0x5CC0] =	vst v2  }
0x782: {  	v2 =	vld.idx.msk [tilespmem:v3+s21+$0x0], $0xffff  }
0x783: {  	v3 =	vadd.s32 $0x3E80, v1;
	_ =	sdelay $0x3  }
0x784: {  	[tilespmem:s7+$0x5D40] =	vst v2  }
0x785: {  	v2 =	vld.idx.msk [tilespmem:v3+s21+$0x0], $0xffff  }
0x786: {  	v3 =	vadd.s32 $0x4650, v1;
	_ =	sdelay $0x3  }
0x787: {  	[tilespmem:s7+$0x5DC0] =	vst v2  }
0x788: {  	v2 =	vld.idx.msk [tilespmem:v3+s21+$0x0], $0xffff  }
0x789: {  	v3 =	vadd.s32 $0x4E20, v1;
	_ =	sdelay $0x3  }
0x78a: {  	[tilespmem:s7+$0x5E40] =	vst v2  }
0x78b: {  	v2 =	vld.idx.msk [tilespmem:v3+s21+$0x0], $0xffff  }
0x78c: {  	v3 =	vadd.s32 $0x55F0, v1;
	_ =	sdelay $0x3  }
0x78d: {  	[tilespmem:s7+$0x5EC0] =	vst v2  }
0x78e: {  	v2 =	vld.idx.msk [tilespmem:v3+s21+$0x0], $0xffff  }
0x78f: {  	v3 =	vadd.s32 $0x5DC0, v1;
	_ =	sdelay $0x3  }
0x790: {  	[tilespmem:s7+$0x5F40] =	vst v2  }
0x791: {  	v2 =	vld.idx.msk [tilespmem:v3+s21+$0x0], $0xffff  }
0x792: {  	v3 =	vadd.s32 $0x6590, v1;
	_ =	sdelay $0x3  }
0x793: {  	[tilespmem:s7+$0x5FC0] =	vst v2  }
0x794: {  	v2 =	vld.idx.msk [tilespmem:v3+s21+$0x0], $0xffff  }
0x795: {  	v3 =	vadd.s32 $0x6D60, v1;
	_ =	sdelay $0x3  }
0x796: {  	[tilespmem:s7+$0x6040] =	vst v2  }
0x797: {  	v2 =	vld.idx.msk [tilespmem:v3+s21+$0x0], $0xffff  }
0x798: {  	v3 =	vadd.s32 $0x7530, v1;
	_ =	sdelay $0x3  }
0x799: {  	[tilespmem:s7+$0x60C0] =	vst v2  }
0x79a: {  	v2 =	vld.idx.msk [tilespmem:v3+s21+$0x0], $0xffff  }
0x79b: {  	v3 =	vadd.s32 $0x7D00, v1;
	_ =	sdelay $0x3  }
0x79c: {  	[tilespmem:s7+$0x6140] =	vst v2  }
0x79d: {  	v2 =	vld.idx.msk [tilespmem:v3+s21+$0x0], $0xffff  }
0x79e: {  	v3 =	vadd.s32 $0x84D0, v1;
	_ =	sdelay $0x3  }
0x79f: {  	[tilespmem:s7+$0x61C0] =	vst v2  }
0x7a0: {  	v2 =	vld.idx.msk [tilespmem:v3+s21+$0x0], $0xffff  }
0x7a1: {  	v3 =	vadd.s32 $0x8CA0, v1;
	_ =	sdelay $0x3  }
0x7a2: {  	[tilespmem:s7+$0x6240] =	vst v2  }
0x7a3: {  	v2 =	vld.idx.msk [tilespmem:v3+s21+$0x0], $0xffff  }
0x7a4: {  	v3 =	vadd.s32 $0x9470, v1;
	_ =	sdelay $0x3  }
0x7a5: {  	[tilespmem:s7+$0x62C0] =	vst v2  }
0x7a6: {  	v2 =	vld.idx.msk [tilespmem:v3+s21+$0x0], $0xffff  }
0x7a7: {  	v3 =	vadd.s32 $0x9C40, v1;
	_ =	sdelay $0x3  }
0x7a8: {  	[tilespmem:s7+$0x6340] =	vst v2  }
0x7a9: {  	v2 =	vld.idx.msk [tilespmem:v3+s21+$0x0], $0xffff  }
0x7aa: {  	v3 =	vadd.s32 $0xA410, v1;
	_ =	sdelay $0x3  }
0x7ab: {  	[tilespmem:s7+$0x63C0] =	vst v2  }
0x7ac: {  	v2 =	vld.idx.msk [tilespmem:v3+s21+$0x0], $0xffff  }
0x7ad: {  	v3 =	vadd.s32 $0xABE0, v1;
	_ =	sdelay $0x3  }
0x7ae: {  	[tilespmem:s7+$0x6440] =	vst v2  }
0x7af: {  	v2 =	vld.idx.msk [tilespmem:v3+s21+$0x0], $0xffff  }
0x7b0: {  	v3 =	vadd.s32 $0xB3B0, v1;
	_ =	sdelay $0x3  }
0x7b1: {  	[tilespmem:s7+$0x64C0] =	vst v2  }
0x7b2: {  	v2 =	vld.idx.msk [tilespmem:v3+s21+$0x0], $0xffff  }
0x7b3: {  	v3 =	vadd.s32 $0xBB80, v1;
	_ =	sdelay $0x3  }
0x7b4: {  	[tilespmem:s7+$0x6540] =	vst v2  }
0x7b5: {  	v2 =	vld.idx.msk [tilespmem:v3+s21+$0x0], $0xffff  }
0x7b6: {  	v3 =	vadd.s32 $0xC350, v1;
	_ =	sdelay $0x3  }
0x7b7: {  	[tilespmem:s7+$0x65C0] =	vst v2  }
0x7b8: {  	v2 =	vld.idx.msk [tilespmem:v3+s21+$0x0], $0xffff  }
0x7b9: {  	v3 =	vadd.s32 $0xCB20, v1;
	_ =	sdelay $0x3  }
0x7ba: {  	[tilespmem:s7+$0x6640] =	vst v2  }
0x7bb: {  	v2 =	vld.idx.msk [tilespmem:v3+s21+$0x0], $0xffff  }
0x7bc: {  	v3 =	vadd.s32 $0xD2F0, v1;
	_ =	sdelay $0x3  }
0x7bd: {  	[tilespmem:s7+$0x66C0] =	vst v2  }
0x7be: {  	v2 =	vld.idx.msk [tilespmem:v3+s21+$0x0], $0xffff  }
0x7bf: {  	v3 =	vadd.s32 $0xDAC0, v1;
	_ =	sdelay $0x3  }
0x7c0: {  	[tilespmem:s7+$0x6740] =	vst v2  }
0x7c1: {  	v2 =	vld.idx.msk [tilespmem:v3+s21+$0x0], $0xffff  }
0x7c2: {  	v3 =	vadd.s32 $0xE290, v1;
	_ =	sdelay $0x3  }
0x7c3: {  	[tilespmem:s7+$0x67C0] =	vst v2  }
0x7c4: {  	v2 =	vld.idx.msk [tilespmem:v3+s21+$0x0], $0xffff  }
0x7c5: {  	v3 =	vadd.s32 $0xEA60, v1;
	_ =	sdelay $0x3  }
0x7c6: {  	[tilespmem:s7+$0x6840] =	vst v2  }
0x7c7: {  	v2 =	vld.idx.msk [tilespmem:v3+s21+$0x0], $0xffff  }
0x7c8: {  	v1 =	vadd.s32 $0xF230, v1;
	_ =	sdelay $0x3  }
0x7c9: {  	[tilespmem:s7+$0x68C0] =	vst v2  }
0x7ca: {  	v1 =	vld.idx.msk [tilespmem:v1+s21+$0x0], $0xffff;
	_ =	sdelay $0x2  }
0x7cb: {  	s29 =	sadd.s32 $0x1, s29  }
0x7cc: {  	p3 =	sne.s32 s29, $0x24  }
.Ltmp7:
0x7cd: {  	s31 =	sadd.s32 s8, s30;
	[tilespmem:s7+$0x6940] =	vst v1;
	(pc) =	sbr.rel @p3 .LBB2_8-.Ltmp7, $4  }
0x7ce: {  	[hbm4b:s31+s25] =	stream.strided.scatter [tilespmem:s26], [sflag:$0x3], $0x2800, s17, s25, $0x38;
	[tilespmem:$0x17E00] =	vst v63  }
0x7cf: {  	_ =	swait.ge [sflag:s13], $0x2800  }
0x7d0: {  	[sflag:s13] =	ssyncset.done $0x0  }
0x7d1: {  	[sflag:s13] =	ssyncadd.s32 $0xFFFFD800  }
.LBB2_11:
.Ltmp8:
0x7d2: {  	(pc) =	sbr.rel @p2 .LBB2_16-.Ltmp8, $1  }
0x7d3: {  	_ =	sdelay $0x3  }
0x7d4: {  	s0 =	simm.s32 $0x0  }
0x7d5: {  	[tilespmem:s19], [sflag:$0x3] =	stream.linear.gather [hbm4b:s4+s0], $0x140, $0x38;
	[tilespmem:$0x17E00] =	vst v63  }
0x7d6: {  	_ =	swait.ge [sflag:s13], $0x140  }
0x7d7: {  	[sflag:s13] =	ssyncset.done $0x0  }
0x7d8: {  	[sflag:s13] =	ssyncadd.s32 $0xFFFFFEC0  }
0x7d9: {  	[tilespmem:s20], [sflag:$0x3] =	stream.linear.gather [hbm4b:s6+s0], $0x1900, $0x38;
	[tilespmem:$0x17E00] =	vst v63  }
0x7da: {  	_ =	swait.ge [sflag:s13], $0x1900  }
0x7db: {  	[sflag:s13] =	ssyncset.done $0x0  }
0x7dc: {  	[sflag:s13] =	ssyncadd.s32 $0xFFFFE700  }
0x7dd: {  	[tilespmem:s21], [sflag:$0x3] =	stream.linear.gather [hbm4b:s11+s0], $0xFA00, $0x38;
	[tilespmem:$0x17E00] =	vst v63  }
0x7de: {  	_ =	swait.ge [sflag:s13], $0xFA00  }
0x7df: {  	[sflag:s13] =	ssyncset.done $0x0  }
0x7e0: {  	s28 =	simm.s32 $0x0;
	[sflag:s13] =	ssyncadd.s32 $0xFFFF0600  }
.LBB2_13:
0x7e1: {  	s7 =	smul.u32 $0x5, s28;
	_ =	sdelay $0x1  }
0x7e2: {  	s7 =	sadd.s32 s7, s10  }
0x7e3: {  	p3 =	slt.s32 s7, $0x186  }
0x7e4: {  	s7 =	simm.s32 @!p3 $0x186  }
0x7e5: {  	s29 =	sshll.u32 s7, $0x7  }
0x7e6: {  	p3 =	slt.s32 s29, $0xC2D0  }
0x7e7: {  	s29 =	simm.s32 @!p3 $0xC2D0  }
0x7e8: {  	s7 =	sadd.s32 $0x186A0, s29  }
0x7e9: {  	s7 =	sshrl.u32 s7, $0x3  }
0x7ea: {  	s7 =	sadd.s32 s1, s7  }
0x7eb: {  	[tilespmem:s14], [sflag:$0x1] =	stream.linear.gather [hbm4b:s7+s0], $0x80, $0x38;
	[tilespmem:$0x17E00] =	vst v63  }
0x7ec: {  	_ =	swait.ge [sflag:s24], $0x80  }
0x7ed: {  	[sflag:s24] =	ssyncset.done $0x0  }
0x7ee: {  	[sflag:s24] =	ssyncadd.s32 $0xFFFFFF80  }
0x7ef: {  	v1 =	vld [tilespmem:$0x40]  }
0x7f0: {  	v2 =	vld [tilespmem:$0x50]  }
0x7f1: {  	v3 =	vld [tilespmem:$0x60]  }
0x7f2: {  	v4 =	vld [tilespmem:$0x70]  }
0x7f3: {  	v5 =	vld [tilespmem:$0x80]  }
0x7f4: {  	v6 =	vld [tilespmem:$0x90];
	v1 =	vadd.s32 $0xFFFFFFFF, v1  }
0x7f5: {  	[tilespmem:$0x40] =	vst v1;
	v1 =	vadd.s32 $0xFFFFFFFF, v2;
	v2 =	vld [tilespmem:$0xA0]  }
0x7f6: {  	[tilespmem:$0x50] =	vst v1;
	v1 =	vadd.s32 $0xFFFFFFFF, v3;
	v3 =	vld [tilespmem:$0xB0]  }
0x7f7: {  	[tilespmem:$0x60] =	vst v1;
	v1 =	vadd.s32 $0xFFFFFFFF, v4  }
0x7f8: {  	[tilespmem:$0x70] =	vst v1;
	v1 =	vadd.s32 $0xFFFFFFFF, v5  }
0x7f9: {  	[tilespmem:$0x80] =	vst v1;
	v1 =	vadd.s32 $0xFFFFFFFF, v6  }
0x7fa: {  	[tilespmem:$0x90] =	vst v1;
	v1 =	vadd.s32 $0xFFFFFFFF, v2  }
0x7fb: {  	[tilespmem:$0xA0] =	vst v1;
	v1 =	vadd.s32 $0xFFFFFFFF, v3  }
0x7fc: {  	s30 =	simm.s32 $0x0;
	[tilespmem:$0xB0] =	vst v1  }
0x7fd: {  	v1 =	vld [tilespmem:s30+$0x40];
	_ =	sdelay $0x7  }
0x7fe: {  	v2 =	vld.idx.msk [tilespmem:v1+s21+$0x0], $0xffff  }
0x7ff: {  	v3 =	vadd.s32 $0x7D0, v1;
	_ =	sdelay $0x3  }
0x800: {  	[tilespmem:s30+$0x41C0] =	vst v2  }
0x801: {  	v2 =	vld.idx.msk [tilespmem:v3+s21+$0x0], $0xffff  }
0x802: {  	v3 =	vadd.s32 $0xFA0, v1;
	_ =	sdelay $0x3  }
0x803: {  	[tilespmem:s30+$0x4240] =	vst v2  }
0x804: {  	v2 =	vld.idx.msk [tilespmem:v3+s21+$0x0], $0xffff  }
0x805: {  	v3 =	vadd.s32 $0x1770, v1;
	_ =	sdelay $0x3  }
0x806: {  	[tilespmem:s30+$0x42C0] =	vst v2  }
0x807: {  	v2 =	vld.idx.msk [tilespmem:v3+s21+$0x0], $0xffff  }
0x808: {  	v3 =	vadd.s32 $0x1F40, v1;
	_ =	sdelay $0x3  }
0x809: {  	[tilespmem:s30+$0x4340] =	vst v2  }
0x80a: {  	v2 =	vld.idx.msk [tilespmem:v3+s21+$0x0], $0xffff  }
0x80b: {  	v3 =	vadd.s32 $0x2710, v1;
	_ =	sdelay $0x3  }
0x80c: {  	[tilespmem:s30+$0x43C0] =	vst v2  }
0x80d: {  	v2 =	vld.idx.msk [tilespmem:v3+s21+$0x0], $0xffff  }
0x80e: {  	v3 =	vadd.s32 $0x2EE0, v1;
	_ =	sdelay $0x3  }
0x80f: {  	[tilespmem:s30+$0x4440] =	vst v2  }
0x810: {  	v2 =	vld.idx.msk [tilespmem:v3+s21+$0x0], $0xffff  }
0x811: {  	v3 =	vadd.s32 $0x36B0, v1;
	_ =	sdelay $0x3  }
0x812: {  	[tilespmem:s30+$0x44C0] =	vst v2  }
0x813: {  	v2 =	vld.idx.msk [tilespmem:v3+s21+$0x0], $0xffff  }
0x814: {  	v3 =	vadd.s32 $0x3E80, v1;
	_ =	sdelay $0x3  }
0x815: {  	[tilespmem:s30+$0x4540] =	vst v2  }
0x816: {  	v2 =	vld.idx.msk [tilespmem:v3+s21+$0x0], $0xffff  }
0x817: {  	v3 =	vadd.s32 $0x4650, v1;
	_ =	sdelay $0x3  }
0x818: {  	[tilespmem:s30+$0x45C0] =	vst v2  }
0x819: {  	v2 =	vld.idx.msk [tilespmem:v3+s21+$0x0], $0xffff  }
0x81a: {  	v3 =	vadd.s32 $0x4E20, v1;
	_ =	sdelay $0x3  }
0x81b: {  	[tilespmem:s30+$0x4640] =	vst v2  }
0x81c: {  	v2 =	vld.idx.msk [tilespmem:v3+s21+$0x0], $0xffff  }
0x81d: {  	v3 =	vadd.s32 $0x55F0, v1;
	_ =	sdelay $0x3  }
0x81e: {  	[tilespmem:s30+$0x46C0] =	vst v2  }
0x81f: {  	v2 =	vld.idx.msk [tilespmem:v3+s21+$0x0], $0xffff  }
0x820: {  	v3 =	vadd.s32 $0x5DC0, v1;
	_ =	sdelay $0x3  }
0x821: {  	[tilespmem:s30+$0x4740] =	vst v2  }
0x822: {  	v2 =	vld.idx.msk [tilespmem:v3+s21+$0x0], $0xffff  }
0x823: {  	v3 =	vadd.s32 $0x6590, v1;
	_ =	sdelay $0x3  }
0x824: {  	[tilespmem:s30+$0x47C0] =	vst v2  }
0x825: {  	v2 =	vld.idx.msk [tilespmem:v3+s21+$0x0], $0xffff  }
0x826: {  	v3 =	vadd.s32 $0x6D60, v1;
	_ =	sdelay $0x3  }
0x827: {  	[tilespmem:s30+$0x4840] =	vst v2  }
0x828: {  	v2 =	vld.idx.msk [tilespmem:v3+s21+$0x0], $0xffff  }
0x829: {  	v3 =	vadd.s32 $0x7530, v1;
	_ =	sdelay $0x3  }
0x82a: {  	[tilespmem:s30+$0x48C0] =	vst v2  }
0x82b: {  	v2 =	vld.idx.msk [tilespmem:v3+s21+$0x0], $0xffff  }
0x82c: {  	v3 =	vadd.s32 $0x7D00, v1;
	_ =	sdelay $0x3  }
0x82d: {  	[tilespmem:s30+$0x4940] =	vst v2  }
0x82e: {  	v2 =	vld.idx.msk [tilespmem:v3+s21+$0x0], $0xffff  }
0x82f: {  	v3 =	vadd.s32 $0x84D0, v1;
	_ =	sdelay $0x3  }
0x830: {  	[tilespmem:s30+$0x49C0] =	vst v2  }
0x831: {  	v2 =	vld.idx.msk [tilespmem:v3+s21+$0x0], $0xffff  }
0x832: {  	v3 =	vadd.s32 $0x8CA0, v1;
	_ =	sdelay $0x3  }
0x833: {  	[tilespmem:s30+$0x4A40] =	vst v2  }
0x834: {  	v2 =	vld.idx.msk [tilespmem:v3+s21+$0x0], $0xffff  }
0x835: {  	v3 =	vadd.s32 $0x9470, v1;
	_ =	sdelay $0x3  }
0x836: {  	[tilespmem:s30+$0x4AC0] =	vst v2  }
0x837: {  	v2 =	vld.idx.msk [tilespmem:v3+s21+$0x0], $0xffff  }
0x838: {  	v3 =	vadd.s32 $0x9C40, v1;
	_ =	sdelay $0x3  }
0x839: {  	[tilespmem:s30+$0x4B40] =	vst v2  }
0x83a: {  	v2 =	vld.idx.msk [tilespmem:v3+s21+$0x0], $0xffff  }
0x83b: {  	v3 =	vadd.s32 $0xA410, v1;
	_ =	sdelay $0x3  }
0x83c: {  	[tilespmem:s30+$0x4BC0] =	vst v2  }
0x83d: {  	v2 =	vld.idx.msk [tilespmem:v3+s21+$0x0], $0xffff  }
0x83e: {  	v3 =	vadd.s32 $0xABE0, v1;
	_ =	sdelay $0x3  }
0x83f: {  	[tilespmem:s30+$0x4C40] =	vst v2  }
0x840: {  	v2 =	vld.idx.msk [tilespmem:v3+s21+$0x0], $0xffff  }
0x841: {  	v3 =	vadd.s32 $0xB3B0, v1;
	_ =	sdelay $0x3  }
0x842: {  	[tilespmem:s30+$0x4CC0] =	vst v2  }
0x843: {  	v2 =	vld.idx.msk [tilespmem:v3+s21+$0x0], $0xffff  }
0x844: {  	v3 =	vadd.s32 $0xBB80, v1;
	_ =	sdelay $0x3  }
0x845: {  	[tilespmem:s30+$0x4D40] =	vst v2  }
0x846: {  	v2 =	vld.idx.msk [tilespmem:v3+s21+$0x0], $0xffff  }
0x847: {  	v3 =	vadd.s32 $0xC350, v1;
	_ =	sdelay $0x3  }
0x848: {  	[tilespmem:s30+$0x4DC0] =	vst v2  }
0x849: {  	v2 =	vld.idx.msk [tilespmem:v3+s21+$0x0], $0xffff  }
0x84a: {  	v3 =	vadd.s32 $0xCB20, v1;
	_ =	sdelay $0x3  }
0x84b: {  	[tilespmem:s30+$0x4E40] =	vst v2  }
0x84c: {  	v2 =	vld.idx.msk [tilespmem:v3+s21+$0x0], $0xffff  }
0x84d: {  	v3 =	vadd.s32 $0xD2F0, v1;
	_ =	sdelay $0x3  }
0x84e: {  	[tilespmem:s30+$0x4EC0] =	vst v2  }
0x84f: {  	v2 =	vld.idx.msk [tilespmem:v3+s21+$0x0], $0xffff  }
0x850: {  	v3 =	vadd.s32 $0xDAC0, v1;
	_ =	sdelay $0x3  }
0x851: {  	[tilespmem:s30+$0x4F40] =	vst v2  }
0x852: {  	v2 =	vld.idx.msk [tilespmem:v3+s21+$0x0], $0xffff  }
0x853: {  	v3 =	vadd.s32 $0xE290, v1;
	_ =	sdelay $0x3  }
0x854: {  	[tilespmem:s30+$0x4FC0] =	vst v2  }
0x855: {  	v2 =	vld.idx.msk [tilespmem:v3+s21+$0x0], $0xffff  }
0x856: {  	v3 =	vadd.s32 $0xEA60, v1;
	_ =	sdelay $0x3  }
0x857: {  	[tilespmem:s30+$0x5040] =	vst v2  }
0x858: {  	v2 =	vld.idx.msk [tilespmem:v3+s21+$0x0], $0xffff  }
0x859: {  	v3 =	vadd.s32 $0xF230, v1;
	_ =	sdelay $0x2  }
0x85a: {  	s31 =	simm.s32 $0x80;
	s7 =	simm.s32 $0x10  }
.LBB2_14:
0x85b: {  	p3 =	sne.s32 s31, $0x1C0;
	v1 =	vld [tilespmem:s7+$0x40];
	[tilespmem:s30+$0x50C0] =	vst v2  }
0x85c: {  	v2 =	vld.idx.msk [tilespmem:v3+s21+$0x0], $0xffff;
	_ =	sdelay $0x5  }
0x85d: {  	[tilespmem:s30+$0x5140] =	vst v2;
	s30 =	smov.u32 s7  }
0x85e: {  	v2 =	vld.idx.msk [tilespmem:v1+s21+$0x0], $0xffff;
	_ =	sdelay $0x1  }
0x85f: {  	v3 =	vadd.s32 $0x7D0, v1;
	_ =	sdelay $0x3  }
0x860: {  	[tilespmem:s30+$0x41C0] =	vst v2  }
0x861: {  	v2 =	vld.idx.msk [tilespmem:v3+s21+$0x0], $0xffff;
	_ =	sdelay $0x1  }
0x862: {  	v3 =	vadd.s32 $0xFA0, v1;
	_ =	sdelay $0x3  }
0x863: {  	[tilespmem:s30+$0x4240] =	vst v2  }
0x864: {  	v2 =	vld.idx.msk [tilespmem:v3+s21+$0x0], $0xffff;
	_ =	sdelay $0x1  }
0x865: {  	v3 =	vadd.s32 $0x1770, v1;
	_ =	sdelay $0x3  }
0x866: {  	[tilespmem:s30+$0x42C0] =	vst v2  }
0x867: {  	v2 =	vld.idx.msk [tilespmem:v3+s21+$0x0], $0xffff;
	_ =	sdelay $0x1  }
0x868: {  	v3 =	vadd.s32 $0x1F40, v1;
	_ =	sdelay $0x3  }
0x869: {  	[tilespmem:s30+$0x4340] =	vst v2  }
0x86a: {  	v2 =	vld.idx.msk [tilespmem:v3+s21+$0x0], $0xffff;
	_ =	sdelay $0x1  }
0x86b: {  	v3 =	vadd.s32 $0x2710, v1;
	_ =	sdelay $0x3  }
0x86c: {  	[tilespmem:s30+$0x43C0] =	vst v2  }
0x86d: {  	v2 =	vld.idx.msk [tilespmem:v3+s21+$0x0], $0xffff;
	_ =	sdelay $0x1  }
0x86e: {  	v3 =	vadd.s32 $0x2EE0, v1;
	_ =	sdelay $0x3  }
0x86f: {  	[tilespmem:s30+$0x4440] =	vst v2  }
0x870: {  	v2 =	vld.idx.msk [tilespmem:v3+s21+$0x0], $0xffff;
	_ =	sdelay $0x1  }
0x871: {  	v3 =	vadd.s32 $0x36B0, v1;
	_ =	sdelay $0x3  }
0x872: {  	[tilespmem:s30+$0x44C0] =	vst v2  }
0x873: {  	v2 =	vld.idx.msk [tilespmem:v3+s21+$0x0], $0xffff;
	_ =	sdelay $0x1  }
0x874: {  	v3 =	vadd.s32 $0x3E80, v1;
	_ =	sdelay $0x3  }
0x875: {  	[tilespmem:s30+$0x4540] =	vst v2  }
0x876: {  	v2 =	vld.idx.msk [tilespmem:v3+s21+$0x0], $0xffff;
	_ =	sdelay $0x1  }
0x877: {  	v3 =	vadd.s32 $0x4650, v1;
	_ =	sdelay $0x3  }
0x878: {  	[tilespmem:s30+$0x45C0] =	vst v2  }
0x879: {  	v2 =	vld.idx.msk [tilespmem:v3+s21+$0x0], $0xffff;
	_ =	sdelay $0x1  }
0x87a: {  	v3 =	vadd.s32 $0x4E20, v1;
	_ =	sdelay $0x3  }
0x87b: {  	[tilespmem:s30+$0x4640] =	vst v2  }
0x87c: {  	v2 =	vld.idx.msk [tilespmem:v3+s21+$0x0], $0xffff;
	_ =	sdelay $0x1  }
0x87d: {  	v3 =	vadd.s32 $0x55F0, v1;
	_ =	sdelay $0x3  }
0x87e: {  	[tilespmem:s30+$0x46C0] =	vst v2  }
0x87f: {  	v2 =	vld.idx.msk [tilespmem:v3+s21+$0x0], $0xffff;
	_ =	sdelay $0x1  }
0x880: {  	v3 =	vadd.s32 $0x5DC0, v1;
	_ =	sdelay $0x3  }
0x881: {  	[tilespmem:s30+$0x4740] =	vst v2  }
0x882: {  	v2 =	vld.idx.msk [tilespmem:v3+s21+$0x0], $0xffff;
	_ =	sdelay $0x1  }
0x883: {  	v3 =	vadd.s32 $0x6590, v1;
	_ =	sdelay $0x3  }
0x884: {  	[tilespmem:s30+$0x47C0] =	vst v2  }
0x885: {  	v2 =	vld.idx.msk [tilespmem:v3+s21+$0x0], $0xffff;
	_ =	sdelay $0x1  }
0x886: {  	v3 =	vadd.s32 $0x6D60, v1;
	_ =	sdelay $0x3  }
0x887: {  	[tilespmem:s30+$0x4840] =	vst v2  }
0x888: {  	v2 =	vld.idx.msk [tilespmem:v3+s21+$0x0], $0xffff;
	_ =	sdelay $0x1  }
0x889: {  	v3 =	vadd.s32 $0x7530, v1;
	_ =	sdelay $0x3  }
0x88a: {  	[tilespmem:s30+$0x48C0] =	vst v2  }
0x88b: {  	v2 =	vld.idx.msk [tilespmem:v3+s21+$0x0], $0xffff;
	_ =	sdelay $0x1  }
0x88c: {  	v3 =	vadd.s32 $0x7D00, v1;
	_ =	sdelay $0x3  }
0x88d: {  	[tilespmem:s30+$0x4940] =	vst v2  }
0x88e: {  	v2 =	vld.idx.msk [tilespmem:v3+s21+$0x0], $0xffff;
	_ =	sdelay $0x1  }
0x88f: {  	v3 =	vadd.s32 $0x84D0, v1;
	_ =	sdelay $0x3  }
0x890: {  	[tilespmem:s30+$0x49C0] =	vst v2  }
0x891: {  	v2 =	vld.idx.msk [tilespmem:v3+s21+$0x0], $0xffff;
	_ =	sdelay $0x1  }
0x892: {  	v3 =	vadd.s32 $0x8CA0, v1;
	_ =	sdelay $0x3  }
0x893: {  	[tilespmem:s30+$0x4A40] =	vst v2  }
0x894: {  	v2 =	vld.idx.msk [tilespmem:v3+s21+$0x0], $0xffff;
	_ =	sdelay $0x1  }
0x895: {  	v3 =	vadd.s32 $0x9470, v1;
	_ =	sdelay $0x3  }
0x896: {  	[tilespmem:s30+$0x4AC0] =	vst v2  }
0x897: {  	v2 =	vld.idx.msk [tilespmem:v3+s21+$0x0], $0xffff;
	_ =	sdelay $0x1  }
0x898: {  	v3 =	vadd.s32 $0x9C40, v1;
	_ =	sdelay $0x3  }
0x899: {  	[tilespmem:s30+$0x4B40] =	vst v2  }
0x89a: {  	v2 =	vld.idx.msk [tilespmem:v3+s21+$0x0], $0xffff;
	_ =	sdelay $0x1  }
0x89b: {  	v3 =	vadd.s32 $0xA410, v1;
	_ =	sdelay $0x3  }
0x89c: {  	[tilespmem:s30+$0x4BC0] =	vst v2  }
0x89d: {  	v2 =	vld.idx.msk [tilespmem:v3+s21+$0x0], $0xffff;
	_ =	sdelay $0x1  }
0x89e: {  	v3 =	vadd.s32 $0xABE0, v1;
	_ =	sdelay $0x3  }
0x89f: {  	[tilespmem:s30+$0x4C40] =	vst v2  }
0x8a0: {  	v2 =	vld.idx.msk [tilespmem:v3+s21+$0x0], $0xffff;
	_ =	sdelay $0x1  }
0x8a1: {  	v3 =	vadd.s32 $0xB3B0, v1;
	_ =	sdelay $0x3  }
0x8a2: {  	[tilespmem:s30+$0x4CC0] =	vst v2  }
0x8a3: {  	v2 =	vld.idx.msk [tilespmem:v3+s21+$0x0], $0xffff;
	_ =	sdelay $0x1  }
0x8a4: {  	v3 =	vadd.s32 $0xBB80, v1;
	_ =	sdelay $0x3  }
0x8a5: {  	[tilespmem:s30+$0x4D40] =	vst v2  }
0x8a6: {  	v2 =	vld.idx.msk [tilespmem:v3+s21+$0x0], $0xffff;
	_ =	sdelay $0x1  }
0x8a7: {  	v3 =	vadd.s32 $0xC350, v1;
	_ =	sdelay $0x3  }
0x8a8: {  	[tilespmem:s30+$0x4DC0] =	vst v2  }
0x8a9: {  	v2 =	vld.idx.msk [tilespmem:v3+s21+$0x0], $0xffff;
	_ =	sdelay $0x1  }
0x8aa: {  	v3 =	vadd.s32 $0xCB20, v1;
	_ =	sdelay $0x3  }
0x8ab: {  	[tilespmem:s30+$0x4E40] =	vst v2  }
0x8ac: {  	v2 =	vld.idx.msk [tilespmem:v3+s21+$0x0], $0xffff;
	_ =	sdelay $0x1  }
0x8ad: {  	v3 =	vadd.s32 $0xD2F0, v1;
	_ =	sdelay $0x3  }
0x8ae: {  	[tilespmem:s30+$0x4EC0] =	vst v2  }
0x8af: {  	v2 =	vld.idx.msk [tilespmem:v3+s21+$0x0], $0xffff;
	_ =	sdelay $0x1  }
0x8b0: {  	v3 =	vadd.s32 $0xDAC0, v1;
	_ =	sdelay $0x3  }
0x8b1: {  	[tilespmem:s30+$0x4F40] =	vst v2  }
0x8b2: {  	v2 =	vld.idx.msk [tilespmem:v3+s21+$0x0], $0xffff;
	_ =	sdelay $0x1  }
0x8b3: {  	v3 =	vadd.s32 $0xE290, v1;
	_ =	sdelay $0x3  }
0x8b4: {  	[tilespmem:s30+$0x4FC0] =	vst v2  }
0x8b5: {  	v2 =	vld.idx.msk [tilespmem:v3+s21+$0x0], $0xffff;
	_ =	sdelay $0x1  }
0x8b6: {  	v3 =	vadd.s32 $0xEA60, v1;
	_ =	sdelay $0x3  }
0x8b7: {  	[tilespmem:s30+$0x5040] =	vst v2  }
0x8b8: {  	v2 =	vld.idx.msk [tilespmem:v3+s21+$0x0], $0xffff  }
.Ltmp9:
0x8b9: {  	(pc) =	sbr.rel @p3 .LBB2_14-.Ltmp9, $2  }
0x8ba: {  	v3 =	vadd.s32 $0xF230, v1;
	_ =	sdelay $0x2  }
0x8bb: {  	s7 =	sshra.s32 s31, $0x2;
	s31 =	sadd.s32 $0x40, s31  }
0x8bc: {  	_ =	sdelay $0x1  }
0x8bd: {  	v1 =	vld [tilespmem:s7+$0x40]  }
0x8be: {  	[tilespmem:s30+$0x50C0] =	vst v2  }
0x8bf: {  	v2 =	vld.idx.msk [tilespmem:v3+s21+$0x0], $0xffff;
	_ =	sdelay $0x4  }
0x8c0: {  	[tilespmem:s30+$0x5140] =	vst v2  }
0x8c1: {  	v2 =	vld.idx.msk [tilespmem:v1+s21+$0x0], $0xffff  }
0x8c2: {  	v3 =	vadd.s32 $0x7D0, v1;
	_ =	sdelay $0x3  }
0x8c3: {  	[tilespmem:s7+$0x41C0] =	vst v2  }
0x8c4: {  	v2 =	vld.idx.msk [tilespmem:v3+s21+$0x0], $0xffff  }
0x8c5: {  	v3 =	vadd.s32 $0xFA0, v1;
	_ =	sdelay $0x3  }
0x8c6: {  	[tilespmem:s7+$0x4240] =	vst v2  }
0x8c7: {  	v2 =	vld.idx.msk [tilespmem:v3+s21+$0x0], $0xffff  }
0x8c8: {  	v3 =	vadd.s32 $0x1770, v1;
	_ =	sdelay $0x3  }
0x8c9: {  	[tilespmem:s7+$0x42C0] =	vst v2  }
0x8ca: {  	v2 =	vld.idx.msk [tilespmem:v3+s21+$0x0], $0xffff  }
0x8cb: {  	v3 =	vadd.s32 $0x1F40, v1;
	_ =	sdelay $0x3  }
0x8cc: {  	[tilespmem:s7+$0x4340] =	vst v2  }
0x8cd: {  	v2 =	vld.idx.msk [tilespmem:v3+s21+$0x0], $0xffff  }
0x8ce: {  	v3 =	vadd.s32 $0x2710, v1;
	_ =	sdelay $0x3  }
0x8cf: {  	[tilespmem:s7+$0x43C0] =	vst v2  }
0x8d0: {  	v2 =	vld.idx.msk [tilespmem:v3+s21+$0x0], $0xffff  }
0x8d1: {  	v3 =	vadd.s32 $0x2EE0, v1;
	_ =	sdelay $0x3  }
0x8d2: {  	[tilespmem:s7+$0x4440] =	vst v2  }
0x8d3: {  	v2 =	vld.idx.msk [tilespmem:v3+s21+$0x0], $0xffff  }
0x8d4: {  	v3 =	vadd.s32 $0x36B0, v1;
	_ =	sdelay $0x3  }
0x8d5: {  	[tilespmem:s7+$0x44C0] =	vst v2  }
0x8d6: {  	v2 =	vld.idx.msk [tilespmem:v3+s21+$0x0], $0xffff  }
0x8d7: {  	v3 =	vadd.s32 $0x3E80, v1;
	_ =	sdelay $0x3  }
0x8d8: {  	[tilespmem:s7+$0x4540] =	vst v2  }
0x8d9: {  	v2 =	vld.idx.msk [tilespmem:v3+s21+$0x0], $0xffff  }
0x8da: {  	v3 =	vadd.s32 $0x4650, v1;
	_ =	sdelay $0x3  }
0x8db: {  	[tilespmem:s7+$0x45C0] =	vst v2  }
0x8dc: {  	v2 =	vld.idx.msk [tilespmem:v3+s21+$0x0], $0xffff  }
0x8dd: {  	v3 =	vadd.s32 $0x4E20, v1;
	_ =	sdelay $0x3  }
0x8de: {  	[tilespmem:s7+$0x4640] =	vst v2  }
0x8df: {  	v2 =	vld.idx.msk [tilespmem:v3+s21+$0x0], $0xffff  }
0x8e0: {  	v3 =	vadd.s32 $0x55F0, v1;
	_ =	sdelay $0x3  }
0x8e1: {  	[tilespmem:s7+$0x46C0] =	vst v2  }
0x8e2: {  	v2 =	vld.idx.msk [tilespmem:v3+s21+$0x0], $0xffff  }
0x8e3: {  	v3 =	vadd.s32 $0x5DC0, v1;
	_ =	sdelay $0x3  }
0x8e4: {  	[tilespmem:s7+$0x4740] =	vst v2  }
0x8e5: {  	v2 =	vld.idx.msk [tilespmem:v3+s21+$0x0], $0xffff  }
0x8e6: {  	v3 =	vadd.s32 $0x6590, v1;
	_ =	sdelay $0x3  }
0x8e7: {  	[tilespmem:s7+$0x47C0] =	vst v2  }
0x8e8: {  	v2 =	vld.idx.msk [tilespmem:v3+s21+$0x0], $0xffff  }
0x8e9: {  	v3 =	vadd.s32 $0x6D60, v1;
	_ =	sdelay $0x3  }
0x8ea: {  	[tilespmem:s7+$0x4840] =	vst v2  }
0x8eb: {  	v2 =	vld.idx.msk [tilespmem:v3+s21+$0x0], $0xffff  }
0x8ec: {  	v3 =	vadd.s32 $0x7530, v1;
	_ =	sdelay $0x3  }
0x8ed: {  	[tilespmem:s7+$0x48C0] =	vst v2  }
0x8ee: {  	v2 =	vld.idx.msk [tilespmem:v3+s21+$0x0], $0xffff  }
0x8ef: {  	v3 =	vadd.s32 $0x7D00, v1;
	_ =	sdelay $0x3  }
0x8f0: {  	[tilespmem:s7+$0x4940] =	vst v2  }
0x8f1: {  	v2 =	vld.idx.msk [tilespmem:v3+s21+$0x0], $0xffff  }
0x8f2: {  	v3 =	vadd.s32 $0x84D0, v1;
	_ =	sdelay $0x3  }
0x8f3: {  	[tilespmem:s7+$0x49C0] =	vst v2  }
0x8f4: {  	v2 =	vld.idx.msk [tilespmem:v3+s21+$0x0], $0xffff  }
0x8f5: {  	v3 =	vadd.s32 $0x8CA0, v1;
	_ =	sdelay $0x3  }
0x8f6: {  	[tilespmem:s7+$0x4A40] =	vst v2  }
0x8f7: {  	v2 =	vld.idx.msk [tilespmem:v3+s21+$0x0], $0xffff  }
0x8f8: {  	v3 =	vadd.s32 $0x9470, v1;
	_ =	sdelay $0x3  }
0x8f9: {  	[tilespmem:s7+$0x4AC0] =	vst v2  }
0x8fa: {  	v2 =	vld.idx.msk [tilespmem:v3+s21+$0x0], $0xffff  }
0x8fb: {  	v3 =	vadd.s32 $0x9C40, v1;
	_ =	sdelay $0x3  }
0x8fc: {  	[tilespmem:s7+$0x4B40] =	vst v2  }
0x8fd: {  	v2 =	vld.idx.msk [tilespmem:v3+s21+$0x0], $0xffff  }
0x8fe: {  	v3 =	vadd.s32 $0xA410, v1;
	_ =	sdelay $0x3  }
0x8ff: {  	[tilespmem:s7+$0x4BC0] =	vst v2  }
0x900: {  	v2 =	vld.idx.msk [tilespmem:v3+s21+$0x0], $0xffff  }
0x901: {  	v3 =	vadd.s32 $0xABE0, v1;
	_ =	sdelay $0x3  }
0x902: {  	[tilespmem:s7+$0x4C40] =	vst v2  }
0x903: {  	v2 =	vld.idx.msk [tilespmem:v3+s21+$0x0], $0xffff  }
0x904: {  	v3 =	vadd.s32 $0xB3B0, v1;
	_ =	sdelay $0x3  }
0x905: {  	[tilespmem:s7+$0x4CC0] =	vst v2  }
0x906: {  	v2 =	vld.idx.msk [tilespmem:v3+s21+$0x0], $0xffff  }
0x907: {  	v3 =	vadd.s32 $0xBB80, v1;
	_ =	sdelay $0x3  }
0x908: {  	[tilespmem:s7+$0x4D40] =	vst v2  }
0x909: {  	v2 =	vld.idx.msk [tilespmem:v3+s21+$0x0], $0xffff  }
0x90a: {  	v3 =	vadd.s32 $0xC350, v1;
	_ =	sdelay $0x3  }
0x90b: {  	[tilespmem:s7+$0x4DC0] =	vst v2  }
0x90c: {  	v2 =	vld.idx.msk [tilespmem:v3+s21+$0x0], $0xffff  }
0x90d: {  	v3 =	vadd.s32 $0xCB20, v1;
	_ =	sdelay $0x3  }
0x90e: {  	[tilespmem:s7+$0x4E40] =	vst v2  }
0x90f: {  	v2 =	vld.idx.msk [tilespmem:v3+s21+$0x0], $0xffff  }
0x910: {  	v3 =	vadd.s32 $0xD2F0, v1;
	_ =	sdelay $0x3  }
0x911: {  	[tilespmem:s7+$0x4EC0] =	vst v2  }
0x912: {  	v2 =	vld.idx.msk [tilespmem:v3+s21+$0x0], $0xffff  }
0x913: {  	v3 =	vadd.s32 $0xDAC0, v1;
	_ =	sdelay $0x3  }
0x914: {  	[tilespmem:s7+$0x4F40] =	vst v2  }
0x915: {  	v2 =	vld.idx.msk [tilespmem:v3+s21+$0x0], $0xffff  }
0x916: {  	v3 =	vadd.s32 $0xE290, v1;
	_ =	sdelay $0x3  }
0x917: {  	[tilespmem:s7+$0x4FC0] =	vst v2  }
0x918: {  	v2 =	vld.idx.msk [tilespmem:v3+s21+$0x0], $0xffff  }
0x919: {  	v3 =	vadd.s32 $0xEA60, v1;
	_ =	sdelay $0x3  }
0x91a: {  	[tilespmem:s7+$0x5040] =	vst v2  }
0x91b: {  	v2 =	vld.idx.msk [tilespmem:v3+s21+$0x0], $0xffff  }
0x91c: {  	v1 =	vadd.s32 $0xF230, v1;
	_ =	sdelay $0x3  }
0x91d: {  	[tilespmem:s7+$0x50C0] =	vst v2  }
0x91e: {  	v1 =	vld.idx.msk [tilespmem:v1+s21+$0x0], $0xffff;
	_ =	sdelay $0x2  }
0x91f: {  	s29 =	sadd.s32 $0x3D0900, s29  }
0x920: {  	s28 =	sadd.s32 $0x1, s28;
	s29 =	sshrl.u32 s29, $0x3  }
0x921: {  	p3 =	sne.s32 s28, $0x50;
	s31 =	sadd.s32 s8, s29;
	[tilespmem:s7+$0x5140] =	vst v1  }
0x922: {  	[hbm4b:s31+s25] =	stream.strided.scatter [tilespmem:s26], [sflag:$0x3], $0x1000, s17, s25, $0x38;
	[tilespmem:$0x17E00] =	vst v63  }
.Ltmp10:
0x923: {  	_ = 	snop;
	(pc) =	sbr.rel @p3 .LBB2_13-.Ltmp10, $4  }
.Ltmp11:
0x924: {  	_ = 	snop;
	(pc) =	sbr.rel @!p3 .LBB2_16-.Ltmp11, $4  }
0x925: {  	_ =	swait.ge [sflag:s13], $0x1000  }
0x926: {  	[sflag:s13] =	ssyncset.done $0x0  }
0x927: {  	[sflag:s13] =	ssyncadd.s32 $0xFFFFF000  }
0x928: {  	_ = 	snop  }
.LBB2_17:
0x929: {  	_ =	sfence.sel $0x180000  }
0x92a: {  	[bflag:$0x0] =	sbarrier.arrive $0xFFFF  }
0x92b: {  	_ =	strace $0x90000047  }
0x92c: {  	[bflag:$0x2] =	sbarrier.arrive $0xFFFF  }
0x92d: {  	p0 =	sne.s32 s5, $0x0;
	s0 =	rddreg [dreg:$0x3]  }
0x92e: {  	s0 =	sadd.s32 @!p0 $0x100000, s0  }
0x92f: {  	[sflag:s0] =	ssyncadd.tile.s32 @!p0 $0x1;
	_ =	shalt  }
.Lfunc_end2:
_tile_overlayer_lowered:
.L_overlay_start_2:
0x930: {  	(tag) =	ssettag $0x2  }
0x931: {  	s0 =	rddreg [dreg:$0x0];
	s2 =	stileid.u32  }
0x932: {  	s1 =	rddreg [dreg:$0x1];
	p0 =	sne.s32 s2, $0x0  }
0x933: {  	s3 =	rddreg [dreg:$0x2];
	[bflag:$0x3] =	sbarrier.arrive $0xFFFF;
	s2 =	simm.s32 @!p0 $0x1C03  }
0x934: {  	[timem:s3], [sflag:s2] =	dma.local @!p0 [hbm:s0], s1  }
0x935: {  	s0 =	simm.s32 @!p0 $0x3  }
0x936: {  	_ =	swait.ge @!p0 [sflag:s0], s1  }
0x937: {  	s1 =	ssub.s32 @!p0 $0x0, s1;
	[sflag:s0] =	ssyncset.done @!p0 $0x0  }
0x938: {  	[sflag:s0] =	ssyncadd.s32 @!p0 s1  }
0x939: {  	[bflag:$0x3] =	sbarrier.arrive $0xFFFF  }
0x93a: {  	_ =	shalt  }

</sc_bundles>
